<compile_context>
chip_gen: v7x
topology: tpu7x:2x2x1
jax: 0.10.2.dev20260603
libtpu: 0.0.44.dev20260713+nightly
codegen_flags: <defaults>
</compile_context>

<pallas_src>
import jax
import jax.numpy as jnp
from jax import lax
from jax.experimental import pallas as pl
from jax.experimental.pallas import tpu as pltpu
from jax.experimental.pallas import tpu_sc as plsc

N_NODES = 10000
N_EDGES = 320000
D = 128
MEM = 256

NC = 1
NS = 16
NW = NC * NS
NP = 10240
RPT = NP // NS
EPT = N_EDGES // NW

CH = 40
NCHUNK = EPT // CH
R = 6
A = 5
W = R - A
F = 8
K2 = 12
NGRP = (NCHUNK + K2 - 1) // K2

DCH = 80
DNCHUNK = EPT // DCH
DR = 8

_HIGH = lax.Precision.HIGHEST


def _mesh():
    return plsc.VectorSubcoreMesh(
        core_axis_name="c", subcore_axis_name="s",
        num_cores=NC, num_subcores=NS)


def _deg_body(ei_hbm, out_hbm, dstf, ones_v, idxr, zb, deg_sh, *sems):
    isem = sems[0]
    ssems = sems[1:1 + DR]
    cid = lax.axis_index("c")
    sid = lax.axis_index("s")
    wid = cid * NS + sid
    base = wid * EPT

    def _fill(i, _):
        zb[pl.ds(i * 16, 16)] = jnp.zeros((16,), jnp.float32)
        return 0
    lax.fori_loop(0, RPT // 16, _fill, 0)
    for k in range(DCH // 16):
        ones_v[pl.ds(k * 16, 16)] = jnp.ones((16,), jnp.float32)

    pltpu.sync_copy(zb, deg_sh.at[pl.ds(sid * RPT, RPT)])
    plsc.subcore_barrier()

    pltpu.async_copy(ei_hbm.at[pl.ds(N_EDGES + base, EPT)], dstf, isem).wait()

    def _group(g, _):
        descs = []
        for b in range(DR):
            i = g * DR + b
            for k in range(DCH // 16):
                idxr[b, pl.ds(k * 16, 16)] = \
                    dstf[pl.ds(i * DCH + k * 16, 16)]
            descs.append(pltpu.async_copy(ones_v, deg_sh.at[idxr.at[b]],
                                          ssems[b], add=True))
        for dsc in descs:
            dsc.wait()
        return 0
    lax.fori_loop(0, DNCHUNK // DR, _group, 0)

    def _tail(i, _):
        for k in range(DCH // 16):
            idxr[0, pl.ds(k * 16, 16)] = dstf[pl.ds(i * DCH + k * 16, 16)]
        pltpu.sync_copy(ones_v, deg_sh.at[idxr.at[0]], add=True)
        return 0
    lax.fori_loop((DNCHUNK // DR) * DR, DNCHUNK, _tail, 0)

    plsc.subcore_barrier()
    pltpu.sync_copy(deg_sh.at[pl.ds(sid * RPT, RPT)],
                    out_hbm.at[cid, pl.ds(sid * RPT, RPT)])


def _deg_call(edge_index):
    f = pl.kernel(
        _deg_body,
        out_type=jax.ShapeDtypeStruct((NC, NP), jnp.float32),
        mesh=_mesh(),
        scratch_types=[
            pltpu.VMEM((EPT,), jnp.int32),
            pltpu.VMEM((DCH,), jnp.float32),
            pltpu.VMEM((DR, DCH), jnp.int32),
            pltpu.VMEM((RPT,), jnp.float32),
            pltpu.VMEM_SHARED((NP,), jnp.float32),
        ] + [pltpu.SemaphoreType.DMA] * (1 + DR),
    )
    return f(edge_index)


def _edge_body(ei_hbm, yw_hbm, out_hbm, sidx, didx, rows, *sems):
    isems = sems[:K2]
    gsems = sems[K2:K2 + R]
    ssems = sems[K2 + R:K2 + 2 * R]
    acc_sh = sems[K2 + 2 * R]
    cid = lax.axis_index("c")
    sid = lax.axis_index("s")
    wid = cid * NS + sid
    base = wid * EPT

    def _fire_idx(slot, i):
        pltpu.async_copy(ei_hbm.at[pl.ds(base + i * CH, CH)],
                         sidx.at[slot], isems[slot])
        pltpu.async_copy(ei_hbm.at[pl.ds(N_EDGES + base + i * CH, CH)],
                         didx.at[slot], isems[slot])

    def _wait_idx(slot, i):
        pltpu.make_async_copy(ei_hbm.at[pl.ds(base + i * CH, CH)],
                              sidx.at[slot], isems[slot]).wait()
        pltpu.make_async_copy(ei_hbm.at[pl.ds(N_EDGES + base + i * CH, CH)],
                              didx.at[slot], isems[slot]).wait()

    def _fire_gather(slot, rslot):
        pltpu.async_copy(yw_hbm.at[sidx.at[slot]], rows.at[rslot],
                         gsems[rslot])

    def _wait_gather(slot, rslot):
        pltpu.make_async_copy(yw_hbm.at[sidx.at[slot]], rows.at[rslot],
                              gsems[rslot]).wait()

    def _fire_scat(slot, rslot):
        pltpu.async_copy(rows.at[rslot], acc_sh.at[didx.at[slot]],
                         ssems[rslot], add=True)

    def _wait_scat(slot, rslot):
        pltpu.make_async_copy(rows.at[rslot], acc_sh.at[didx.at[slot]],
                              ssems[rslot]).wait()

    def _fill(i, _):
        r = i // (D // 16)
        c = i % (D // 16)
        rows[0, r, pl.ds(c * 16, 16)] = jnp.zeros((16,), jnp.float32)
        return 0
    lax.fori_loop(0, CH * (D // 16), _fill, 0)
    for k in range(RPT // CH):
        pltpu.sync_copy(rows.at[0], acc_sh.at[pl.ds(sid * RPT + k * CH, CH), :])
    plsc.subcore_barrier()

    for j in range(F):
        _fire_idx(j, j)
    for j in range(A):
        _wait_idx(j, j)
        _fire_gather(j, j)

    def _group(g, _):
        for b in range(K2):
            i = g * K2 + b

            @pl.when(i < NCHUNK)
            def _():
                _wait_gather(b, b % R)
                _fire_scat(b, b % R)

            @pl.when((i >= W) & (i < NCHUNK + W))
            def _():
                _wait_scat((b - W) % K2, (b - W) % R)

            @pl.when(i + A < NCHUNK)
            def _():
                _wait_idx((b + A) % K2, i + A)
                _fire_gather((b + A) % K2, (b + A) % R)

            @pl.when(i + F < NCHUNK)
            def _():
                _fire_idx((b + F) % K2, i + F)
        return 0
    lax.fori_loop(0, NGRP + 1, _group, 0)

    plsc.subcore_barrier()
    pltpu.sync_copy(acc_sh.at[pl.ds(sid * RPT, RPT), :],
                    out_hbm.at[cid, pl.ds(sid * RPT, RPT), :])


def _edge_call(edge_index, yw):
    f = pl.kernel(
        _edge_body,
        out_type=jax.ShapeDtypeStruct((NC, NP, D), jnp.float32),
        mesh=_mesh(),
        scratch_types=(
            [pltpu.VMEM((K2, CH), jnp.int32),
             pltpu.VMEM((K2, CH), jnp.int32),
             pltpu.VMEM((R, CH, D), jnp.float32)]
            + [pltpu.SemaphoreType.DMA] * (K2 + 2 * R)
            + [pltpu.VMEM_SHARED((NP, D), jnp.float32)]
        ),
    )
    return f(edge_index, yw)


def _wgen_body(mw_ref, wih_ref, bih_ref, bhh_ref, wwt_ref, bwt_ref, nw_ref):
    h = MEM
    dn = (((1,), (1,)), ((), ()))
    gi = lax.dot_general(mw_ref[...], wih_ref[...], dn,
                         precision=_HIGH) + bih_ref[...]
    gh = bhh_ref[...]
    r = jax.nn.sigmoid(gi[:, 0:h] + gh[:, 0:h])
    z = jax.nn.sigmoid(gi[:, h:2 * h] + gh[:, h:2 * h])
    n = jnp.tanh(gi[:, 2 * h:] + r * gh[:, 2 * h:])
    um = (1.0 - z) * n
    nw_ref[...] = lax.dot_general(um, wwt_ref[...], dn,
                                  precision=_HIGH) + bwt_ref[...]


def _wgen_call(memory_weights, w_ih, b_ih, b_hh, W_wt, b_wt):
    f = pl.pallas_call(
        _wgen_body,
        out_shape=jax.ShapeDtypeStruct((1, D * D), jnp.float32),
    )
    return f(memory_weights.reshape(1, MEM), w_ih,
             b_ih.reshape(1, 3 * MEM), b_hh.reshape(1, 3 * MEM),
             W_wt, b_wt.reshape(1, D * D))


_NB = 1000


def _deg_sum(deg_ref):
    d = deg_ref[0]
    for c in range(1, NC):
        d = d + deg_ref[c]
    return d


def _yw_body(x_ref, w_ref, deg_ref, yw_ref):
    dis = lax.rsqrt(_deg_sum(deg_ref) + 1.0)
    xw = lax.dot_general(x_ref[...], w_ref[...],
                         (((1,), (1,)), ((), ())), precision=_HIGH)
    yw_ref[...] = xw * dis


def _yw_call(x, W2, deg3):
    grid = N_NODES // _NB
    f = pl.pallas_call(
        _yw_body,
        grid=(grid,),
        in_specs=[
            pl.BlockSpec((_NB, D), lambda j: (j, 0)),
            pl.BlockSpec((D, D), lambda j: (0, 0)),
            pl.BlockSpec((NC, _NB, 1), lambda j: (0, j, 0)),
        ],
        out_specs=pl.BlockSpec((_NB, D), lambda j: (j, 0)),
        out_shape=jax.ShapeDtypeStruct((N_NODES, D), jnp.float32),
    )
    return f(x, W2, deg3)


def _comb_body(parts_ref, yw_ref, deg_ref, bias_ref, out_ref):
    dis = lax.rsqrt(_deg_sum(deg_ref) + 1.0)
    s = parts_ref[0] + yw_ref[...]
    for c in range(1, NC):
        s = s + parts_ref[c]
    out_ref[...] = dis * s + bias_ref[...]


def _comb_call(parts, yw, deg3, gcn_bias):
    grid = N_NODES // _NB
    f = pl.pallas_call(
        _comb_body,
        grid=(grid,),
        in_specs=[
            pl.BlockSpec((NC, _NB, D), lambda j: (0, j, 0)),
            pl.BlockSpec((_NB, D), lambda j: (j, 0)),
            pl.BlockSpec((NC, _NB, 1), lambda j: (0, j, 0)),
            pl.BlockSpec((1, D), lambda j: (0, 0)),
        ],
        out_specs=pl.BlockSpec((_NB, D), lambda j: (j, 0)),
        out_shape=jax.ShapeDtypeStruct((N_NODES, D), jnp.float32),
    )
    return f(parts, yw, deg3, gcn_bias.reshape(1, D))


def kernel(x, edge_index, memory_weights, w_ih, w_hh, b_ih, b_hh,
           W_wt, b_wt, gcn_bias):
    ei_flat = edge_index.reshape(2 * N_EDGES)
    deg = _deg_call(ei_flat)
    deg3 = deg.reshape(NC, NP, 1)
    nw = _wgen_call(memory_weights, w_ih, b_ih, b_hh, W_wt, b_wt)
    W2 = nw.reshape(D, D)
    yw = _yw_call(x, W2, deg3)
    parts = _edge_call(ei_flat, yw)
    return _comb_call(parts, yw, deg3, gcn_bias)

# --- scband reference (transcript-rebuilt; emitter-appended) ---
"""Pipeline reference for scband-evolve-gnn-o-53266184405474 (READ-ONLY COPY).

The authoritative reference and input builder live on the scoring server;
editing this copy changes nothing except your own understanding.
"""

import jax, jax.numpy as jnp
import numpy as np

N_NODES = 10000
N_EDGES = 320000
D_IN = 128
D_OUT = 128
MEM = 256


def setup_inputs(seed: int = 0) -> dict:
    key = jax.random.key(seed)
    ks = jax.random.split(key, 9)
    x = jax.random.normal(ks[0], (N_NODES, D_IN), dtype=jnp.float32)
    edge_index = jax.random.randint(ks[1], (2, N_EDGES), 0, N_NODES, dtype=jnp.int32)
    # registered buffer memory_weights initialized to zeros
    memory_weights = jnp.zeros((MEM,), dtype=jnp.float32)
    s = 1.0 / np.sqrt(MEM)
    # nn.GRU(MEM, MEM) parameters, PyTorch gate order (r, z, n)
    w_ih = jax.random.uniform(ks[2], (3 * MEM, MEM), minval=-s, maxval=s, dtype=jnp.float32)
    w_hh = jax.random.uniform(ks[3], (3 * MEM, MEM), minval=-s, maxval=s, dtype=jnp.float32)
    b_ih = jax.random.uniform(ks[4], (3 * MEM,), minval=-s, maxval=s, dtype=jnp.float32)
    b_hh = jax.random.uniform(ks[5], (3 * MEM,), minval=-s, maxval=s, dtype=jnp.float32)
    # nn.Linear(MEM, D_IN * D_OUT)
    W_wt = jax.random.uniform(ks[6], (D_IN * D_OUT, MEM), minval=-s, maxval=s, dtype=jnp.float32)
    b_wt = jax.random.uniform(ks[7], (D_IN * D_OUT,), minval=-s, maxval=s, dtype=jnp.float32)
    # GCNConv bias
    gcn_bias = jnp.zeros((D_OUT,), dtype=jnp.float32)
    return {"x": x, "edge_index": edge_index, "memory_weights": memory_weights,
            "w_ih": w_ih, "w_hh": w_hh, "b_ih": b_ih, "b_hh": b_hh,
            "W_wt": W_wt, "b_wt": b_wt, "gcn_bias": gcn_bias}


def _gru_step(xg, h, w_ih, w_hh, b_ih, b_hh):
    # single-step single-layer GRU, PyTorch gate layout [r | z | n]
    H = h.shape[0]
    gi = w_ih @ xg + b_ih
    gh = w_hh @ h + b_hh
    r = jax.nn.sigmoid(gi[:H] + gh[:H])
    z = jax.nn.sigmoid(gi[H:2 * H] + gh[H:2 * H])
    n = jnp.tanh(gi[2 * H:] + r * gh[2 * H:])
    return (1.0 - z) * n + z * h


def reference(x, edge_index, memory_weights, w_ih, w_hh, b_ih, b_hh, W_wt, b_wt, gcn_bias):
    # 1) evolve the GNN weight via GRU over the memory buffer (seq_len=1, h0=0)
    h0 = jnp.zeros_like(memory_weights)
    update_memory = _gru_step(memory_weights, h0, w_ih, w_hh, b_ih, b_hh)
    # 2) generate new GCN linear weight [out_channels, in_channels]
    new_weights = W_wt @ update_memory + b_wt
    W = new_weights.reshape(D_OUT, D_IN)
    # 3) GCNConv with self-loops and symmetric normalization
    xw = x @ W.T
    n = x.shape[0]
    loop = jnp.arange(n, dtype=edge_index.dtype)
    src = jnp.concatenate([edge_index[0], loop])
    dst = jnp.concatenate([edge_index[1], loop])
    ew = jnp.ones(src.shape[0], dtype=x.dtype)
    deg = jax.ops.segment_sum(ew, dst, num_segments=n)
    dis = jnp.where(deg > 0, 1.0 / jnp.sqrt(deg), 0.0)
    norm = dis[src] * dis[dst]
    out = jax.ops.segment_sum(xw[src] * norm[:, None], dst, num_segments=n)
    return out + gcn_bias

if __name__ == "__main__":
    import jax
    _d = setup_inputs()
    print(jax.jit(kernel)(*tuple(_d.values())))

</pallas_src>

<mosaic_0001>
#map = affine_map<(d0, d1) -> (0)>
#map1 = affine_map<(d0, d1) -> (0, 0)>
#map2 = affine_map<(d0, d1) -> (0, 0, 0)>
module attributes {stable_mosaic.version = 14 : i64} {
  func.func @_edge_body(%arg0: i32, %arg1: i32, %arg2: memref<640000xi32, #tpu.memory_space<hbm>>, %arg3: memref<10000x128xf32, #tpu.memory_space<hbm>>, %arg4: memref<1x10240x128xf32, #tpu.memory_space<hbm>>, %arg5: memref<12x40xi32, #tpu.memory_space<vmem>>, %arg6: memref<12x40xi32, #tpu.memory_space<vmem>>, %arg7: memref<6x40x128xf32, #tpu.memory_space<vmem>>, %arg8: memref<!tpu.dma_semaphore, #tpu.memory_space<semaphore_mem>>, %arg9: memref<!tpu.dma_semaphore, #tpu.memory_space<semaphore_mem>>, %arg10: memref<!tpu.dma_semaphore, #tpu.memory_space<semaphore_mem>>, %arg11: memref<!tpu.dma_semaphore, #tpu.memory_space<semaphore_mem>>, %arg12: memref<!tpu.dma_semaphore, #tpu.memory_space<semaphore_mem>>, %arg13: memref<!tpu.dma_semaphore, #tpu.memory_space<semaphore_mem>>, %arg14: memref<!tpu.dma_semaphore, #tpu.memory_space<semaphore_mem>>, %arg15: memref<!tpu.dma_semaphore, #tpu.memory_space<semaphore_mem>>, %arg16: memref<!tpu.dma_semaphore, #tpu.memory_space<semaphore_mem>>, %arg17: memref<!tpu.dma_semaphore, #tpu.memory_space<semaphore_mem>>, %arg18: memref<!tpu.dma_semaphore, #tpu.memory_space<semaphore_mem>>, %arg19: memref<!tpu.dma_semaphore, #tpu.memory_space<semaphore_mem>>, %arg20: memref<!tpu.dma_semaphore, #tpu.memory_space<semaphore_mem>>, %arg21: memref<!tpu.dma_semaphore, #tpu.memory_space<semaphore_mem>>, %arg22: memref<!tpu.dma_semaphore, #tpu.memory_space<semaphore_mem>>, %arg23: memref<!tpu.dma_semaphore, #tpu.memory_space<semaphore_mem>>, %arg24: memref<!tpu.dma_semaphore, #tpu.memory_space<semaphore_mem>>, %arg25: memref<!tpu.dma_semaphore, #tpu.memory_space<semaphore_mem>>, %arg26: memref<!tpu.dma_semaphore, #tpu.memory_space<semaphore_mem>>, %arg27: memref<!tpu.dma_semaphore, #tpu.memory_space<semaphore_mem>>, %arg28: memref<!tpu.dma_semaphore, #tpu.memory_space<semaphore_mem>>, %arg29: memref<!tpu.dma_semaphore, #tpu.memory_space<semaphore_mem>>, %arg30: memref<!tpu.dma_semaphore, #tpu.memory_space<semaphore_mem>>, %arg31: memref<!tpu.dma_semaphore, #tpu.memory_space<semaphore_mem>>, %arg32: memref<10240x128xf32, #tpu.memory_space<vmem_shared>>) attributes {dimension_semantics = [#tpu.dimension_semantics<core_parallel>, #tpu.dimension_semantics<subcore_parallel>], iteration_bounds = array<i64: 1, 16>, scalar_prefetch = 0 : i64, scratch_operands = 28 : i64, tpu.core_type = #tpu.core_type<sc_vector_subcore>, window_params = [{transform_indices = #map}, {transform_indices = #map1}, {transform_indices = #map2}]} {
    %mul3A = arith.constant 16 : i32
    %mul3A_0 = arith.muli %arg0, %mul3A : i32
    %add3A = arith.addi %mul3A_0, %arg1 : i32
    %mul3A_1 = arith.constant 20000 : i32
    %mul3A_2 = arith.muli %add3A, %mul3A_1 : i32
    %scan3A = arith.constant 0 : i32
    %scan3A_3 = arith.constant 0 : i32
    %scan3A_4 = arith.constant 320 : i32
    %scan3A_5 = arith.addi %scan3A_3, %scan3A_4 : i32
    %scan3A_6 = arith.constant 1 : i32
    %scan3A_7 = scf.for %scan3A_470 = %scan3A_3 to %scan3A_5 step %scan3A_6 iter_args(%scan3A_471 = %scan3A) -> (i32)  : i32 {
      %jit3A = arith.constant 8 : i32
      %div3A = arith.divsi %scan3A_470, %jit3A : i32
      %sign3A = arith.constant 0 : i32
      %sign3A_472 = arith.cmpi sgt, %scan3A_470, %sign3A : i32
      %sign3A_473 = arith.extui %sign3A_472 : i1 to i32
      %sign3A_474 = arith.constant 0 : i32
      %sign3A_475 = arith.cmpi slt, %scan3A_470, %sign3A_474 : i32
      %sign3A_476 = arith.extui %sign3A_475 : i1 to i32
      %sign3A_477 = arith.subi %sign3A_473, %sign3A_476 : i32
      %sign3A_478 = arith.constant 0 : i32
      %sign3A_479 = arith.cmpi sgt, %jit3A, %sign3A_478 : i32
      %sign3A_480 = arith.extui %sign3A_479 : i1 to i32
      %sign3A_481 = arith.constant 0 : i32
      %sign3A_482 = arith.cmpi slt, %jit3A, %sign3A_481 : i32
      %sign3A_483 = arith.extui %sign3A_482 : i1 to i32
      %sign3A_484 = arith.subi %sign3A_480, %sign3A_483 : i32
      %ne3A = arith.cmpi ne, %sign3A_477, %sign3A_484 : i32
      %rem3A = arith.remsi %scan3A_470, %jit3A : i32
      %ne3A_485 = arith.constant 0 : i32
      %ne3A_486 = arith.cmpi ne, %rem3A, %ne3A_485 : i32
      %and3A = arith.andi %ne3A, %ne3A_486 : i1
      %sub3A = arith.constant 1 : i32
      %sub3A_487 = arith.subi %div3A, %sub3A : i32
      %select_n3A = arith.select %and3A, %sub3A_487, %div3A : i32
      %jit3A_488 = arith.constant 8 : i32
      %eq3A = arith.constant 0 : i32
      %eq3A_489 = arith.cmpi eq, %jit3A_488, %eq3A : i32
      %jit3A_490 = arith.constant 1 : i32
      %select_n3A_491 = arith.select %eq3A_489, %jit3A_490, %jit3A_488 : i32
      %rem3A_492 = arith.remsi %scan3A_470, %select_n3A_491 : i32
      %ne3A_493 = arith.constant 0 : i32
      %ne3A_494 = arith.cmpi ne, %rem3A_492, %ne3A_493 : i32
      %lt3A = arith.constant 0 : i32
      %lt3A_495 = arith.cmpi slt, %rem3A_492, %lt3A : i32
      %lt3A_496 = arith.constant 0 : i32
      %lt3A_497 = arith.cmpi slt, %select_n3A_491, %lt3A_496 : i32
      %ne3A_498 = arith.xori %lt3A_495, %lt3A_497 : i1
      %and3A_499 = arith.andi %ne3A_498, %ne3A_494 : i1
      %add3A_500 = arith.addi %rem3A_492, %select_n3A_491 : i32
      %select_n3A_501 = arith.select %and3A_499, %add3A_500, %rem3A_492 : i32
      %broadcast_in_dim3A = arith.constant 0.000000e+00 : f32
      %broadcast_in_dim3A_502 = vector.broadcast %broadcast_in_dim3A : f32 to vector<16xf32>
      %mul3A_503 = arith.constant 16 : i32
      %mul3A_504 = arith.muli %select_n3A_501, %mul3A_503 : i32
      %swap3A = arith.constant 0 : i32
      %swap3A_505 = arith.index_cast %swap3A : i32 to index
      %swap3A_506 = arith.index_cast %select_n3A : i32 to index
      %swap3A_507 = arith.index_cast %mul3A_504 : i32 to index
      %swap3A_508 = tpu.vector_load %arg7[%swap3A_505, %swap3A_506, %swap3A_507] {strides = array<i32>} : memref<6x40x128xf32, #tpu.memory_space<vmem>>, vector<1x1x16xf32>,
      %swap3A_509 = vector.shape_cast %swap3A_508 : vector<1x1x16xf32> to vector<16xf32>
      %swap3A_510 = vector.shape_cast %broadcast_in_dim3A_502 : vector<16xf32> to vector<1x1x16xf32>
      tpu.vector_store %arg7[%swap3A_505, %swap3A_506, %swap3A_507], %swap3A_510 {strides = array<i32>} : memref<6x40x128xf32, #tpu.memory_space<vmem>>, vector<1x1x16xf32>,
      %scan3A_511 = arith.constant 0 : i32
      scf.yield %scan3A_511 : i32
    }
    %scan3A_8 = arith.constant 320 : i32
    %mul3A_9 = arith.constant 640 : i32
    %mul3A_10 = arith.muli %arg1, %mul3A_9 : i32
    %add3A_11 = arith.constant 0 : i32
    %add3A_12 = arith.addi %mul3A_10, %add3A_11 : i32
    %run_scoped3A = arith.constant 0 : i32
    "tpu.region"() ({
      %run_scoped3A_470 = tpu.sem_alloc : memref<!tpu.dma_semaphore, #tpu.memory_space<semaphore_mem>>
      %dma_start3A_471 = arith.constant 0 : i32
      %dma_start3A_472 = arith.constant 0 : i32
      %dma_start3A_473 = tpu.memref_slice %arg7[%run_scoped3A, %dma_start3A_471, %dma_start3A_472] : memref<6x40x128xf32, #tpu.memory_space<vmem>> -> memref<1x40x128xf32, #tpu.memory_space<vmem>>
      %dma_start3A_474 = tpu.memref_squeeze %dma_start3A_473 : memref<1x40x128xf32, #tpu.memory_space<vmem>> -> memref<40x128xf32, #tpu.memory_space<vmem>>
      %dma_start3A_475 = arith.constant 0 : i32
      %dma_start3A_476 = tpu.memref_slice %arg32[%add3A_12, %dma_start3A_475] : memref<10240x128xf32, #tpu.memory_space<vmem_shared>> -> memref<40x128xf32, #tpu.memory_space<vmem_shared>>
      %dma_start3A_477 = arith.constant 0 : i32
      %dma_start3A_478 = tpu.memref_slice %arg32[%add3A_12, %dma_start3A_477] : memref<10240x128xf32, #tpu.memory_space<vmem_shared>> -> memref<40x128xf32, #tpu.memory_space<vmem_shared>>
      %dma_start3A_479 = arith.constant 0 : i32
      %dma_start3A_480 = arith.constant 0 : i32
      %dma_start3A_481 = tpu.memref_slice %arg7[%run_scoped3A, %dma_start3A_479, %dma_start3A_480] : memref<6x40x128xf32, #tpu.memory_space<vmem>> -> memref<1x40x128xf32, #tpu.memory_space<vmem>>
      %dma_start3A_482 = tpu.memref_squeeze %dma_start3A_481 : memref<1x40x128xf32, #tpu.memory_space<vmem>> -> memref<40x128xf32, #tpu.memory_space<vmem>>
      tpu.enqueue_dma source(%dma_start3A_482 : memref<40x128xf32, #tpu.memory_space<vmem>>) target(%dma_start3A_478 : memref<40x128xf32, #tpu.memory_space<vmem_shared>>) target_semaphore(%run_scoped3A_470 : memref<!tpu.dma_semaphore, #tpu.memory_space<semaphore_mem>>)
      %dma_wait3A_483 = arith.constant 0 : i32
      %dma_wait3A_484 = arith.constant 0 : i32
      %dma_wait3A_485 = tpu.memref_slice %arg7[%run_scoped3A, %dma_wait3A_483, %dma_wait3A_484] : memref<6x40x128xf32, #tpu.memory_space<vmem>> -> memref<1x40x128xf32, #tpu.memory_space<vmem>>
      %dma_wait3A_486 = tpu.memref_squeeze %dma_wait3A_485 : memref<1x40x128xf32, #tpu.memory_space<vmem>> -> memref<40x128xf32, #tpu.memory_space<vmem>>
      %dma_wait3A_487 = arith.constant 0 : i32
      %dma_wait3A_488 = tpu.memref_slice %arg32[%add3A_12, %dma_wait3A_487] : memref<10240x128xf32, #tpu.memory_space<vmem_shared>> -> memref<40x128xf32, #tpu.memory_space<vmem_shared>>
      %dma_wait3A_489 = arith.constant 0 : i32
      %dma_wait3A_490 = tpu.memref_slice %arg32[%add3A_12, %dma_wait3A_489] : memref<10240x128xf32, #tpu.memory_space<vmem_shared>> -> memref<40x128xf32, #tpu.memory_space<vmem_shared>>
      %dma_wait3A_491 = arith.constant 0 : i32
      %dma_wait3A_492 = arith.constant 0 : i32
      %dma_wait3A_493 = tpu.memref_slice %arg7[%run_scoped3A, %dma_wait3A_491, %dma_wait3A_492] : memref<6x40x128xf32, #tpu.memory_space<vmem>> -> memref<1x40x128xf32, #tpu.memory_space<vmem>>
      %dma_wait3A_494 = tpu.memref_squeeze %dma_wait3A_493 : memref<1x40x128xf32, #tpu.memory_space<vmem>> -> memref<40x128xf32, #tpu.memory_space<vmem>>
      tpu.wait_dma2 semaphore(%run_scoped3A_470 : memref<!tpu.dma_semaphore, #tpu.memory_space<semaphore_mem>>) src(%dma_wait3A_494 : memref<40x128xf32, #tpu.memory_space<vmem>>) dst(%dma_wait3A_490 : memref<40x128xf32, #tpu.memory_space<vmem_shared>>)
      tpu.yield
    }) : () -> ()
    %mul3A_13 = arith.constant 640 : i32
    %mul3A_14 = arith.muli %arg1, %mul3A_13 : i32
    %add3A_15 = arith.constant 40 : i32
    %add3A_16 = arith.addi %mul3A_14, %add3A_15 : i32
    %run_scoped3A_17 = arith.constant 0 : i32
    "tpu.region"() ({
      %run_scoped3A_470 = tpu.sem_alloc : memref<!tpu.dma_semaphore, #tpu.memory_space<semaphore_mem>>
      %dma_start3A_471 = arith.constant 0 : i32
      %dma_start3A_472 = arith.constant 0 : i32
      %dma_start3A_473 = tpu.memref_slice %arg7[%run_scoped3A_17, %dma_start3A_471, %dma_start3A_472] : memref<6x40x128xf32, #tpu.memory_space<vmem>> -> memref<1x40x128xf32, #tpu.memory_space<vmem>>
      %dma_start3A_474 = tpu.memref_squeeze %dma_start3A_473 : memref<1x40x128xf32, #tpu.memory_space<vmem>> -> memref<40x128xf32, #tpu.memory_space<vmem>>
      %dma_start3A_475 = arith.constant 0 : i32
      %dma_start3A_476 = tpu.memref_slice %arg32[%add3A_16, %dma_start3A_475] : memref<10240x128xf32, #tpu.memory_space<vmem_shared>> -> memref<40x128xf32, #tpu.memory_space<vmem_shared>>
      %dma_start3A_477 = arith.constant 0 : i32
      %dma_start3A_478 = tpu.memref_slice %arg32[%add3A_16, %dma_start3A_477] : memref<10240x128xf32, #tpu.memory_space<vmem_shared>> -> memref<40x128xf32, #tpu.memory_space<vmem_shared>>
      %dma_start3A_479 = arith.constant 0 : i32
      %dma_start3A_480 = arith.constant 0 : i32
      %dma_start3A_481 = tpu.memref_slice %arg7[%run_scoped3A_17, %dma_start3A_479, %dma_start3A_480] : memref<6x40x128xf32, #tpu.memory_space<vmem>> -> memref<1x40x128xf32, #tpu.memory_space<vmem>>
      %dma_start3A_482 = tpu.memref_squeeze %dma_start3A_481 : memref<1x40x128xf32, #tpu.memory_space<vmem>> -> memref<40x128xf32, #tpu.memory_space<vmem>>
      tpu.enqueue_dma source(%dma_start3A_482 : memref<40x128xf32, #tpu.memory_space<vmem>>) target(%dma_start3A_478 : memref<40x128xf32, #tpu.memory_space<vmem_shared>>) target_semaphore(%run_scoped3A_470 : memref<!tpu.dma_semaphore, #tpu.memory_space<semaphore_mem>>)
      %dma_wait3A_483 = arith.constant 0 : i32
      %dma_wait3A_484 = arith.constant 0 : i32
      %dma_wait3A_485 = tpu.memref_slice %arg7[%run_scoped3A_17, %dma_wait3A_483, %dma_wait3A_484] : memref<6x40x128xf32, #tpu.memory_space<vmem>> -> memref<1x40x128xf32, #tpu.memory_space<vmem>>
      %dma_wait3A_486 = tpu.memref_squeeze %dma_wait3A_485 : memref<1x40x128xf32, #tpu.memory_space<vmem>> -> memref<40x128xf32, #tpu.memory_space<vmem>>
      %dma_wait3A_487 = arith.constant 0 : i32
      %dma_wait3A_488 = tpu.memref_slice %arg32[%add3A_16, %dma_wait3A_487] : memref<10240x128xf32, #tpu.memory_space<vmem_shared>> -> memref<40x128xf32, #tpu.memory_space<vmem_shared>>
      %dma_wait3A_489 = arith.constant 0 : i32
      %dma_wait3A_490 = tpu.memref_slice %arg32[%add3A_16, %dma_wait3A_489] : memref<10240x128xf32, #tpu.memory_space<vmem_shared>> -> memref<40x128xf32, #tpu.memory_space<vmem_shared>>
      %dma_wait3A_491 = arith.constant 0 : i32
      %dma_wait3A_492 = arith.constant 0 : i32
      %dma_wait3A_493 = tpu.memref_slice %arg7[%run_scoped3A_17, %dma_wait3A_491, %dma_wait3A_492] : memref<6x40x128xf32, #tpu.memory_space<vmem>> -> memref<1x40x128xf32, #tpu.memory_space<vmem>>
      %dma_wait3A_494 = tpu.memref_squeeze %dma_wait3A_493 : memref<1x40x128xf32, #tpu.memory_space<vmem>> -> memref<40x128xf32, #tpu.memory_space<vmem>>
      tpu.wait_dma2 semaphore(%run_scoped3A_470 : memref<!tpu.dma_semaphore, #tpu.memory_space<semaphore_mem>>) src(%dma_wait3A_494 : memref<40x128xf32, #tpu.memory_space<vmem>>) dst(%dma_wait3A_490 : memref<40x128xf32, #tpu.memory_space<vmem_shared>>)
      tpu.yield
    }) : () -> ()
    %mul3A_18 = arith.constant 640 : i32
    %mul3A_19 = arith.muli %arg1, %mul3A_18 : i32
    %add3A_20 = arith.constant 80 : i32
    %add3A_21 = arith.addi %mul3A_19, %add3A_20 : i32
    %run_scoped3A_22 = arith.constant 0 : i32
    "tpu.region"() ({
      %run_scoped3A_470 = tpu.sem_alloc : memref<!tpu.dma_semaphore, #tpu.memory_space<semaphore_mem>>
      %dma_start3A_471 = arith.constant 0 : i32
      %dma_start3A_472 = arith.constant 0 : i32
      %dma_start3A_473 = tpu.memref_slice %arg7[%run_scoped3A_22, %dma_start3A_471, %dma_start3A_472] : memref<6x40x128xf32, #tpu.memory_space<vmem>> -> memref<1x40x128xf32, #tpu.memory_space<vmem>>
      %dma_start3A_474 = tpu.memref_squeeze %dma_start3A_473 : memref<1x40x128xf32, #tpu.memory_space<vmem>> -> memref<40x128xf32, #tpu.memory_space<vmem>>
      %dma_start3A_475 = arith.constant 0 : i32
      %dma_start3A_476 = tpu.memref_slice %arg32[%add3A_21, %dma_start3A_475] : memref<10240x128xf32, #tpu.memory_space<vmem_shared>> -> memref<40x128xf32, #tpu.memory_space<vmem_shared>>
      %dma_start3A_477 = arith.constant 0 : i32
      %dma_start3A_478 = tpu.memref_slice %arg32[%add3A_21, %dma_start3A_477] : memref<10240x128xf32, #tpu.memory_space<vmem_shared>> -> memref<40x128xf32, #tpu.memory_space<vmem_shared>>
      %dma_start3A_479 = arith.constant 0 : i32
      %dma_start3A_480 = arith.constant 0 : i32
      %dma_start3A_481 = tpu.memref_slice %arg7[%run_scoped3A_22, %dma_start3A_479, %dma_start3A_480] : memref<6x40x128xf32, #tpu.memory_space<vmem>> -> memref<1x40x128xf32, #tpu.memory_space<vmem>>
      %dma_start3A_482 = tpu.memref_squeeze %dma_start3A_481 : memref<1x40x128xf32, #tpu.memory_space<vmem>> -> memref<40x128xf32, #tpu.memory_space<vmem>>
      tpu.enqueue_dma source(%dma_start3A_482 : memref<40x128xf32, #tpu.memory_space<vmem>>) target(%dma_start3A_478 : memref<40x128xf32, #tpu.memory_space<vmem_shared>>) target_semaphore(%run_scoped3A_470 : memref<!tpu.dma_semaphore, #tpu.memory_space<semaphore_mem>>)
      %dma_wait3A_483 = arith.constant 0 : i32
      %dma_wait3A_484 = arith.constant 0 : i32
      %dma_wait3A_485 = tpu.memref_slice %arg7[%run_scoped3A_22, %dma_wait3A_483, %dma_wait3A_484] : memref<6x40x128xf32, #tpu.memory_space<vmem>> -> memref<1x40x128xf32, #tpu.memory_space<vmem>>
      %dma_wait3A_486 = tpu.memref_squeeze %dma_wait3A_485 : memref<1x40x128xf32, #tpu.memory_space<vmem>> -> memref<40x128xf32, #tpu.memory_space<vmem>>
      %dma_wait3A_487 = arith.constant 0 : i32
      %dma_wait3A_488 = tpu.memref_slice %arg32[%add3A_21, %dma_wait3A_487] : memref<10240x128xf32, #tpu.memory_space<vmem_shared>> -> memref<40x128xf32, #tpu.memory_space<vmem_shared>>
      %dma_wait3A_489 = arith.constant 0 : i32
      %dma_wait3A_490 = tpu.memref_slice %arg32[%add3A_21, %dma_wait3A_489] : memref<10240x128xf32, #tpu.memory_space<vmem_shared>> -> memref<40x128xf32, #tpu.memory_space<vmem_shared>>
      %dma_wait3A_491 = arith.constant 0 : i32
      %dma_wait3A_492 = arith.constant 0 : i32
      %dma_wait3A_493 = tpu.memref_slice %arg7[%run_scoped3A_22, %dma_wait3A_491, %dma_wait3A_492] : memref<6x40x128xf32, #tpu.memory_space<vmem>> -> memref<1x40x128xf32, #tpu.memory_space<vmem>>
      %dma_wait3A_494 = tpu.memref_squeeze %dma_wait3A_493 : memref<1x40x128xf32, #tpu.memory_space<vmem>> -> memref<40x128xf32, #tpu.memory_space<vmem>>
      tpu.wait_dma2 semaphore(%run_scoped3A_470 : memref<!tpu.dma_semaphore, #tpu.memory_space<semaphore_mem>>) src(%dma_wait3A_494 : memref<40x128xf32, #tpu.memory_space<vmem>>) dst(%dma_wait3A_490 : memref<40x128xf32, #tpu.memory_space<vmem_shared>>)
      tpu.yield
    }) : () -> ()
    %mul3A_23 = arith.constant 640 : i32
    %mul3A_24 = arith.muli %arg1, %mul3A_23 : i32
    %add3A_25 = arith.constant 120 : i32
    %add3A_26 = arith.addi %mul3A_24, %add3A_25 : i32
    %run_scoped3A_27 = arith.constant 0 : i32
    "tpu.region"() ({
      %run_scoped3A_470 = tpu.sem_alloc : memref<!tpu.dma_semaphore, #tpu.memory_space<semaphore_mem>>
      %dma_start3A_471 = arith.constant 0 : i32
      %dma_start3A_472 = arith.constant 0 : i32
      %dma_start3A_473 = tpu.memref_slice %arg7[%run_scoped3A_27, %dma_start3A_471, %dma_start3A_472] : memref<6x40x128xf32, #tpu.memory_space<vmem>> -> memref<1x40x128xf32, #tpu.memory_space<vmem>>
      %dma_start3A_474 = tpu.memref_squeeze %dma_start3A_473 : memref<1x40x128xf32, #tpu.memory_space<vmem>> -> memref<40x128xf32, #tpu.memory_space<vmem>>
      %dma_start3A_475 = arith.constant 0 : i32
      %dma_start3A_476 = tpu.memref_slice %arg32[%add3A_26, %dma_start3A_475] : memref<10240x128xf32, #tpu.memory_space<vmem_shared>> -> memref<40x128xf32, #tpu.memory_space<vmem_shared>>
      %dma_start3A_477 = arith.constant 0 : i32
      %dma_start3A_478 = tpu.memref_slice %arg32[%add3A_26, %dma_start3A_477] : memref<10240x128xf32, #tpu.memory_space<vmem_shared>> -> memref<40x128xf32, #tpu.memory_space<vmem_shared>>
      %dma_start3A_479 = arith.constant 0 : i32
      %dma_start3A_480 = arith.constant 0 : i32
      %dma_start3A_481 = tpu.memref_slice %arg7[%run_scoped3A_27, %dma_start3A_479, %dma_start3A_480] : memref<6x40x128xf32, #tpu.memory_space<vmem>> -> memref<1x40x128xf32, #tpu.memory_space<vmem>>
      %dma_start3A_482 = tpu.memref_squeeze %dma_start3A_481 : memref<1x40x128xf32, #tpu.memory_space<vmem>> -> memref<40x128xf32, #tpu.memory_space<vmem>>
      tpu.enqueue_dma source(%dma_start3A_482 : memref<40x128xf32, #tpu.memory_space<vmem>>) target(%dma_start3A_478 : memref<40x128xf32, #tpu.memory_space<vmem_shared>>) target_semaphore(%run_scoped3A_470 : memref<!tpu.dma_semaphore, #tpu.memory_space<semaphore_mem>>)
      %dma_wait3A_483 = arith.constant 0 : i32
      %dma_wait3A_484 = arith.constant 0 : i32
      %dma_wait3A_485 = tpu.memref_slice %arg7[%run_scoped3A_27, %dma_wait3A_483, %dma_wait3A_484] : memref<6x40x128xf32, #tpu.memory_space<vmem>> -> memref<1x40x128xf32, #tpu.memory_space<vmem>>
      %dma_wait3A_486 = tpu.memref_squeeze %dma_wait3A_485 : memref<1x40x128xf32, #tpu.memory_space<vmem>> -> memref<40x128xf32, #tpu.memory_space<vmem>>
      %dma_wait3A_487 = arith.constant 0 : i32
      %dma_wait3A_488 = tpu.memref_slice %arg32[%add3A_26, %dma_wait3A_487] : memref<10240x128xf32, #tpu.memory_space<vmem_shared>> -> memref<40x128xf32, #tpu.memory_space<vmem_shared>>
      %dma_wait3A_489 = arith.constant 0 : i32
      %dma_wait3A_490 = tpu.memref_slice %arg32[%add3A_26, %dma_wait3A_489] : memref<10240x128xf32, #tpu.memory_space<vmem_shared>> -> memref<40x128xf32, #tpu.memory_space<vmem_shared>>
      %dma_wait3A_491 = arith.constant 0 : i32
      %dma_wait3A_492 = arith.constant 0 : i32
      %dma_wait3A_493 = tpu.memref_slice %arg7[%run_scoped3A_27, %dma_wait3A_491, %dma_wait3A_492] : memref<6x40x128xf32, #tpu.memory_space<vmem>> -> memref<1x40x128xf32, #tpu.memory_space<vmem>>
      %dma_wait3A_494 = tpu.memref_squeeze %dma_wait3A_493 : memref<1x40x128xf32, #tpu.memory_space<vmem>> -> memref<40x128xf32, #tpu.memory_space<vmem>>
      tpu.wait_dma2 semaphore(%run_scoped3A_470 : memref<!tpu.dma_semaphore, #tpu.memory_space<semaphore_mem>>) src(%dma_wait3A_494 : memref<40x128xf32, #tpu.memory_space<vmem>>) dst(%dma_wait3A_490 : memref<40x128xf32, #tpu.memory_space<vmem_shared>>)
      tpu.yield
    }) : () -> ()
    %mul3A_28 = arith.constant 640 : i32
    %mul3A_29 = arith.muli %arg1, %mul3A_28 : i32
    %add3A_30 = arith.constant 160 : i32
    %add3A_31 = arith.addi %mul3A_29, %add3A_30 : i32
    %run_scoped3A_32 = arith.constant 0 : i32
    "tpu.region"() ({
      %run_scoped3A_470 = tpu.sem_alloc : memref<!tpu.dma_semaphore, #tpu.memory_space<semaphore_mem>>
      %dma_start3A_471 = arith.constant 0 : i32
      %dma_start3A_472 = arith.constant 0 : i32
      %dma_start3A_473 = tpu.memref_slice %arg7[%run_scoped3A_32, %dma_start3A_471, %dma_start3A_472] : memref<6x40x128xf32, #tpu.memory_space<vmem>> -> memref<1x40x128xf32, #tpu.memory_space<vmem>>
      %dma_start3A_474 = tpu.memref_squeeze %dma_start3A_473 : memref<1x40x128xf32, #tpu.memory_space<vmem>> -> memref<40x128xf32, #tpu.memory_space<vmem>>
      %dma_start3A_475 = arith.constant 0 : i32
      %dma_start3A_476 = tpu.memref_slice %arg32[%add3A_31, %dma_start3A_475] : memref<10240x128xf32, #tpu.memory_space<vmem_shared>> -> memref<40x128xf32, #tpu.memory_space<vmem_shared>>
      %dma_start3A_477 = arith.constant 0 : i32
      %dma_start3A_478 = tpu.memref_slice %arg32[%add3A_31, %dma_start3A_477] : memref<10240x128xf32, #tpu.memory_space<vmem_shared>> -> memref<40x128xf32, #tpu.memory_space<vmem_shared>>
      %dma_start3A_479 = arith.constant 0 : i32
      %dma_start3A_480 = arith.constant 0 : i32
      %dma_start3A_481 = tpu.memref_slice %arg7[%run_scoped3A_32, %dma_start3A_479, %dma_start3A_480] : memref<6x40x128xf32, #tpu.memory_space<vmem>> -> memref<1x40x128xf32, #tpu.memory_space<vmem>>
      %dma_start3A_482 = tpu.memref_squeeze %dma_start3A_481 : memref<1x40x128xf32, #tpu.memory_space<vmem>> -> memref<40x128xf32, #tpu.memory_space<vmem>>
      tpu.enqueue_dma source(%dma_start3A_482 : memref<40x128xf32, #tpu.memory_space<vmem>>) target(%dma_start3A_478 : memref<40x128xf32, #tpu.memory_space<vmem_shared>>) target_semaphore(%run_scoped3A_470 : memref<!tpu.dma_semaphore, #tpu.memory_space<semaphore_mem>>)
      %dma_wait3A_483 = arith.constant 0 : i32
      %dma_wait3A_484 = arith.constant 0 : i32
      %dma_wait3A_485 = tpu.memref_slice %arg7[%run_scoped3A_32, %dma_wait3A_483, %dma_wait3A_484] : memref<6x40x128xf32, #tpu.memory_space<vmem>> -> memref<1x40x128xf32, #tpu.memory_space<vmem>>
      %dma_wait3A_486 = tpu.memref_squeeze %dma_wait3A_485 : memref<1x40x128xf32, #tpu.memory_space<vmem>> -> memref<40x128xf32, #tpu.memory_space<vmem>>
      %dma_wait3A_487 = arith.constant 0 : i32
      %dma_wait3A_488 = tpu.memref_slice %arg32[%add3A_31, %dma_wait3A_487] : memref<10240x128xf32, #tpu.memory_space<vmem_shared>> -> memref<40x128xf32, #tpu.memory_space<vmem_shared>>
      %dma_wait3A_489 = arith.constant 0 : i32
      %dma_wait3A_490 = tpu.memref_slice %arg32[%add3A_31, %dma_wait3A_489] : memref<10240x128xf32, #tpu.memory_space<vmem_shared>> -> memref<40x128xf32, #tpu.memory_space<vmem_shared>>
      %dma_wait3A_491 = arith.constant 0 : i32
      %dma_wait3A_492 = arith.constant 0 : i32
      %dma_wait3A_493 = tpu.memref_slice %arg7[%run_scoped3A_32, %dma_wait3A_491, %dma_wait3A_492] : memref<6x40x128xf32, #tpu.memory_space<vmem>> -> memref<1x40x128xf32, #tpu.memory_space<vmem>>
      %dma_wait3A_494 = tpu.memref_squeeze %dma_wait3A_493 : memref<1x40x128xf32, #tpu.memory_space<vmem>> -> memref<40x128xf32, #tpu.memory_space<vmem>>
      tpu.wait_dma2 semaphore(%run_scoped3A_470 : memref<!tpu.dma_semaphore, #tpu.memory_space<semaphore_mem>>) src(%dma_wait3A_494 : memref<40x128xf32, #tpu.memory_space<vmem>>) dst(%dma_wait3A_490 : memref<40x128xf32, #tpu.memory_space<vmem_shared>>)
      tpu.yield
    }) : () -> ()
    %mul3A_33 = arith.constant 640 : i32
    %mul3A_34 = arith.muli %arg1, %mul3A_33 : i32
    %add3A_35 = arith.constant 200 : i32
    %add3A_36 = arith.addi %mul3A_34, %add3A_35 : i32
    %run_scoped3A_37 = arith.constant 0 : i32
    "tpu.region"() ({
      %run_scoped3A_470 = tpu.sem_alloc : memref<!tpu.dma_semaphore, #tpu.memory_space<semaphore_mem>>
      %dma_start3A_471 = arith.constant 0 : i32
      %dma_start3A_472 = arith.constant 0 : i32
      %dma_start3A_473 = tpu.memref_slice %arg7[%run_scoped3A_37, %dma_start3A_471, %dma_start3A_472] : memref<6x40x128xf32, #tpu.memory_space<vmem>> -> memref<1x40x128xf32, #tpu.memory_space<vmem>>
      %dma_start3A_474 = tpu.memref_squeeze %dma_start3A_473 : memref<1x40x128xf32, #tpu.memory_space<vmem>> -> memref<40x128xf32, #tpu.memory_space<vmem>>
      %dma_start3A_475 = arith.constant 0 : i32
      %dma_start3A_476 = tpu.memref_slice %arg32[%add3A_36, %dma_start3A_475] : memref<10240x128xf32, #tpu.memory_space<vmem_shared>> -> memref<40x128xf32, #tpu.memory_space<vmem_shared>>
      %dma_start3A_477 = arith.constant 0 : i32
      %dma_start3A_478 = tpu.memref_slice %arg32[%add3A_36, %dma_start3A_477] : memref<10240x128xf32, #tpu.memory_space<vmem_shared>> -> memref<40x128xf32, #tpu.memory_space<vmem_shared>>
      %dma_start3A_479 = arith.constant 0 : i32
      %dma_start3A_480 = arith.constant 0 : i32
      %dma_start3A_481 = tpu.memref_slice %arg7[%run_scoped3A_37, %dma_start3A_479, %dma_start3A_480] : memref<6x40x128xf32, #tpu.memory_space<vmem>> -> memref<1x40x128xf32, #tpu.memory_space<vmem>>
      %dma_start3A_482 = tpu.memref_squeeze %dma_start3A_481 : memref<1x40x128xf32, #tpu.memory_space<vmem>> -> memref<40x128xf32, #tpu.memory_space<vmem>>
      tpu.enqueue_dma source(%dma_start3A_482 : memref<40x128xf32, #tpu.memory_space<vmem>>) target(%dma_start3A_478 : memref<40x128xf32, #tpu.memory_space<vmem_shared>>) target_semaphore(%run_scoped3A_470 : memref<!tpu.dma_semaphore, #tpu.memory_space<semaphore_mem>>)
      %dma_wait3A_483 = arith.constant 0 : i32
      %dma_wait3A_484 = arith.constant 0 : i32
      %dma_wait3A_485 = tpu.memref_slice %arg7[%run_scoped3A_37, %dma_wait3A_483, %dma_wait3A_484] : memref<6x40x128xf32, #tpu.memory_space<vmem>> -> memref<1x40x128xf32, #tpu.memory_space<vmem>>
      %dma_wait3A_486 = tpu.memref_squeeze %dma_wait3A_485 : memref<1x40x128xf32, #tpu.memory_space<vmem>> -> memref<40x128xf32, #tpu.memory_space<vmem>>
      %dma_wait3A_487 = arith.constant 0 : i32
      %dma_wait3A_488 = tpu.memref_slice %arg32[%add3A_36, %dma_wait3A_487] : memref<10240x128xf32, #tpu.memory_space<vmem_shared>> -> memref<40x128xf32, #tpu.memory_space<vmem_shared>>
      %dma_wait3A_489 = arith.constant 0 : i32
      %dma_wait3A_490 = tpu.memref_slice %arg32[%add3A_36, %dma_wait3A_489] : memref<10240x128xf32, #tpu.memory_space<vmem_shared>> -> memref<40x128xf32, #tpu.memory_space<vmem_shared>>
      %dma_wait3A_491 = arith.constant 0 : i32
      %dma_wait3A_492 = arith.constant 0 : i32
      %dma_wait3A_493 = tpu.memref_slice %arg7[%run_scoped3A_37, %dma_wait3A_491, %dma_wait3A_492] : memref<6x40x128xf32, #tpu.memory_space<vmem>> -> memref<1x40x128xf32, #tpu.memory_space<vmem>>
      %dma_wait3A_494 = tpu.memref_squeeze %dma_wait3A_493 : memref<1x40x128xf32, #tpu.memory_space<vmem>> -> memref<40x128xf32, #tpu.memory_space<vmem>>
      tpu.wait_dma2 semaphore(%run_scoped3A_470 : memref<!tpu.dma_semaphore, #tpu.memory_space<semaphore_mem>>) src(%dma_wait3A_494 : memref<40x128xf32, #tpu.memory_space<vmem>>) dst(%dma_wait3A_490 : memref<40x128xf32, #tpu.memory_space<vmem_shared>>)
      tpu.yield
    }) : () -> ()
    %mul3A_38 = arith.constant 640 : i32
    %mul3A_39 = arith.muli %arg1, %mul3A_38 : i32
    %add3A_40 = arith.constant 240 : i32
    %add3A_41 = arith.addi %mul3A_39, %add3A_40 : i32
    %run_scoped3A_42 = arith.constant 0 : i32
    "tpu.region"() ({
      %run_scoped3A_470 = tpu.sem_alloc : memref<!tpu.dma_semaphore, #tpu.memory_space<semaphore_mem>>
      %dma_start3A_471 = arith.constant 0 : i32
      %dma_start3A_472 = arith.constant 0 : i32
      %dma_start3A_473 = tpu.memref_slice %arg7[%run_scoped3A_42, %dma_start3A_471, %dma_start3A_472] : memref<6x40x128xf32, #tpu.memory_space<vmem>> -> memref<1x40x128xf32, #tpu.memory_space<vmem>>
      %dma_start3A_474 = tpu.memref_squeeze %dma_start3A_473 : memref<1x40x128xf32, #tpu.memory_space<vmem>> -> memref<40x128xf32, #tpu.memory_space<vmem>>
      %dma_start3A_475 = arith.constant 0 : i32
      %dma_start3A_476 = tpu.memref_slice %arg32[%add3A_41, %dma_start3A_475] : memref<10240x128xf32, #tpu.memory_space<vmem_shared>> -> memref<40x128xf32, #tpu.memory_space<vmem_shared>>
      %dma_start3A_477 = arith.constant 0 : i32
      %dma_start3A_478 = tpu.memref_slice %arg32[%add3A_41, %dma_start3A_477] : memref<10240x128xf32, #tpu.memory_space<vmem_shared>> -> memref<40x128xf32, #tpu.memory_space<vmem_shared>>
      %dma_start3A_479 = arith.constant 0 : i32
      %dma_start3A_480 = arith.constant 0 : i32
      %dma_start3A_481 = tpu.memref_slice %arg7[%run_scoped3A_42, %dma_start3A_479, %dma_start3A_480] : memref<6x40x128xf32, #tpu.memory_space<vmem>> -> memref<1x40x128xf32, #tpu.memory_space<vmem>>
      %dma_start3A_482 = tpu.memref_squeeze %dma_start3A_481 : memref<1x40x128xf32, #tpu.memory_space<vmem>> -> memref<40x128xf32, #tpu.memory_space<vmem>>
      tpu.enqueue_dma source(%dma_start3A_482 : memref<40x128xf32, #tpu.memory_space<vmem>>) target(%dma_start3A_478 : memref<40x128xf32, #tpu.memory_space<vmem_shared>>) target_semaphore(%run_scoped3A_470 : memref<!tpu.dma_semaphore, #tpu.memory_space<semaphore_mem>>)
      %dma_wait3A_483 = arith.constant 0 : i32
      %dma_wait3A_484 = arith.constant 0 : i32
      %dma_wait3A_485 = tpu.memref_slice %arg7[%run_scoped3A_42, %dma_wait3A_483, %dma_wait3A_484] : memref<6x40x128xf32, #tpu.memory_space<vmem>> -> memref<1x40x128xf32, #tpu.memory_space<vmem>>
      %dma_wait3A_486 = tpu.memref_squeeze %dma_wait3A_485 : memref<1x40x128xf32, #tpu.memory_space<vmem>> -> memref<40x128xf32, #tpu.memory_space<vmem>>
      %dma_wait3A_487 = arith.constant 0 : i32
      %dma_wait3A_488 = tpu.memref_slice %arg32[%add3A_41, %dma_wait3A_487] : memref<10240x128xf32, #tpu.memory_space<vmem_shared>> -> memref<40x128xf32, #tpu.memory_space<vmem_shared>>
      %dma_wait3A_489 = arith.constant 0 : i32
      %dma_wait3A_490 = tpu.memref_slice %arg32[%add3A_41, %dma_wait3A_489] : memref<10240x128xf32, #tpu.memory_space<vmem_shared>> -> memref<40x128xf32, #tpu.memory_space<vmem_shared>>
      %dma_wait3A_491 = arith.constant 0 : i32
      %dma_wait3A_492 = arith.constant 0 : i32
      %dma_wait3A_493 = tpu.memref_slice %arg7[%run_scoped3A_42, %dma_wait3A_491, %dma_wait3A_492] : memref<6x40x128xf32, #tpu.memory_space<vmem>> -> memref<1x40x128xf32, #tpu.memory_space<vmem>>
      %dma_wait3A_494 = tpu.memref_squeeze %dma_wait3A_493 : memref<1x40x128xf32, #tpu.memory_space<vmem>> -> memref<40x128xf32, #tpu.memory_space<vmem>>
      tpu.wait_dma2 semaphore(%run_scoped3A_470 : memref<!tpu.dma_semaphore, #tpu.memory_space<semaphore_mem>>) src(%dma_wait3A_494 : memref<40x128xf32, #tpu.memory_space<vmem>>) dst(%dma_wait3A_490 : memref<40x128xf32, #tpu.memory_space<vmem_shared>>)
      tpu.yield
    }) : () -> ()
    %mul3A_43 = arith.constant 640 : i32
    %mul3A_44 = arith.muli %arg1, %mul3A_43 : i32
    %add3A_45 = arith.constant 280 : i32
    %add3A_46 = arith.addi %mul3A_44, %add3A_45 : i32
    %run_scoped3A_47 = arith.constant 0 : i32
    "tpu.region"() ({
      %run_scoped3A_470 = tpu.sem_alloc : memref<!tpu.dma_semaphore, #tpu.memory_space<semaphore_mem>>
      %dma_start3A_471 = arith.constant 0 : i32
      %dma_start3A_472 = arith.constant 0 : i32
      %dma_start3A_473 = tpu.memref_slice %arg7[%run_scoped3A_47, %dma_start3A_471, %dma_start3A_472] : memref<6x40x128xf32, #tpu.memory_space<vmem>> -> memref<1x40x128xf32, #tpu.memory_space<vmem>>
      %dma_start3A_474 = tpu.memref_squeeze %dma_start3A_473 : memref<1x40x128xf32, #tpu.memory_space<vmem>> -> memref<40x128xf32, #tpu.memory_space<vmem>>
      %dma_start3A_475 = arith.constant 0 : i32
      %dma_start3A_476 = tpu.memref_slice %arg32[%add3A_46, %dma_start3A_475] : memref<10240x128xf32, #tpu.memory_space<vmem_shared>> -> memref<40x128xf32, #tpu.memory_space<vmem_shared>>
      %dma_start3A_477 = arith.constant 0 : i32
      %dma_start3A_478 = tpu.memref_slice %arg32[%add3A_46, %dma_start3A_477] : memref<10240x128xf32, #tpu.memory_space<vmem_shared>> -> memref<40x128xf32, #tpu.memory_space<vmem_shared>>
      %dma_start3A_479 = arith.constant 0 : i32
      %dma_start3A_480 = arith.constant 0 : i32
      %dma_start3A_481 = tpu.memref_slice %arg7[%run_scoped3A_47, %dma_start3A_479, %dma_start3A_480] : memref<6x40x128xf32, #tpu.memory_space<vmem>> -> memref<1x40x128xf32, #tpu.memory_space<vmem>>
      %dma_start3A_482 = tpu.memref_squeeze %dma_start3A_481 : memref<1x40x128xf32, #tpu.memory_space<vmem>> -> memref<40x128xf32, #tpu.memory_space<vmem>>
      tpu.enqueue_dma source(%dma_start3A_482 : memref<40x128xf32, #tpu.memory_space<vmem>>) target(%dma_start3A_478 : memref<40x128xf32, #tpu.memory_space<vmem_shared>>) target_semaphore(%run_scoped3A_470 : memref<!tpu.dma_semaphore, #tpu.memory_space<semaphore_mem>>)
      %dma_wait3A_483 = arith.constant 0 : i32
      %dma_wait3A_484 = arith.constant 0 : i32
      %dma_wait3A_485 = tpu.memref_slice %arg7[%run_scoped3A_47, %dma_wait3A_483, %dma_wait3A_484] : memref<6x40x128xf32, #tpu.memory_space<vmem>> -> memref<1x40x128xf32, #tpu.memory_space<vmem>>
      %dma_wait3A_486 = tpu.memref_squeeze %dma_wait3A_485 : memref<1x40x128xf32, #tpu.memory_space<vmem>> -> memref<40x128xf32, #tpu.memory_space<vmem>>
      %dma_wait3A_487 = arith.constant 0 : i32
      %dma_wait3A_488 = tpu.memref_slice %arg32[%add3A_46, %dma_wait3A_487] : memref<10240x128xf32, #tpu.memory_space<vmem_shared>> -> memref<40x128xf32, #tpu.memory_space<vmem_shared>>
      %dma_wait3A_489 = arith.constant 0 : i32
      %dma_wait3A_490 = tpu.memref_slice %arg32[%add3A_46, %dma_wait3A_489] : memref<10240x128xf32, #tpu.memory_space<vmem_shared>> -> memref<40x128xf32, #tpu.memory_space<vmem_shared>>
      %dma_wait3A_491 = arith.constant 0 : i32
      %dma_wait3A_492 = arith.constant 0 : i32
      %dma_wait3A_493 = tpu.memref_slice %arg7[%run_scoped3A_47, %dma_wait3A_491, %dma_wait3A_492] : memref<6x40x128xf32, #tpu.memory_space<vmem>> -> memref<1x40x128xf32, #tpu.memory_space<vmem>>
      %dma_wait3A_494 = tpu.memref_squeeze %dma_wait3A_493 : memref<1x40x128xf32, #tpu.memory_space<vmem>> -> memref<40x128xf32, #tpu.memory_space<vmem>>
      tpu.wait_dma2 semaphore(%run_scoped3A_470 : memref<!tpu.dma_semaphore, #tpu.memory_space<semaphore_mem>>) src(%dma_wait3A_494 : memref<40x128xf32, #tpu.memory_space<vmem>>) dst(%dma_wait3A_490 : memref<40x128xf32, #tpu.memory_space<vmem_shared>>)
      tpu.yield
    }) : () -> ()
    %mul3A_48 = arith.constant 640 : i32
    %mul3A_49 = arith.muli %arg1, %mul3A_48 : i32
    %add3A_50 = arith.constant 320 : i32
    %add3A_51 = arith.addi %mul3A_49, %add3A_50 : i32
    %run_scoped3A_52 = arith.constant 0 : i32
    "tpu.region"() ({
      %run_scoped3A_470 = tpu.sem_alloc : memref<!tpu.dma_semaphore, #tpu.memory_space<semaphore_mem>>
      %dma_start3A_471 = arith.constant 0 : i32
      %dma_start3A_472 = arith.constant 0 : i32
      %dma_start3A_473 = tpu.memref_slice %arg7[%run_scoped3A_52, %dma_start3A_471, %dma_start3A_472] : memref<6x40x128xf32, #tpu.memory_space<vmem>> -> memref<1x40x128xf32, #tpu.memory_space<vmem>>
      %dma_start3A_474 = tpu.memref_squeeze %dma_start3A_473 : memref<1x40x128xf32, #tpu.memory_space<vmem>> -> memref<40x128xf32, #tpu.memory_space<vmem>>
      %dma_start3A_475 = arith.constant 0 : i32
      %dma_start3A_476 = tpu.memref_slice %arg32[%add3A_51, %dma_start3A_475] : memref<10240x128xf32, #tpu.memory_space<vmem_shared>> -> memref<40x128xf32, #tpu.memory_space<vmem_shared>>
      %dma_start3A_477 = arith.constant 0 : i32
      %dma_start3A_478 = tpu.memref_slice %arg32[%add3A_51, %dma_start3A_477] : memref<10240x128xf32, #tpu.memory_space<vmem_shared>> -> memref<40x128xf32, #tpu.memory_space<vmem_shared>>
      %dma_start3A_479 = arith.constant 0 : i32
      %dma_start3A_480 = arith.constant 0 : i32
      %dma_start3A_481 = tpu.memref_slice %arg7[%run_scoped3A_52, %dma_start3A_479, %dma_start3A_480] : memref<6x40x128xf32, #tpu.memory_space<vmem>> -> memref<1x40x128xf32, #tpu.memory_space<vmem>>
      %dma_start3A_482 = tpu.memref_squeeze %dma_start3A_481 : memref<1x40x128xf32, #tpu.memory_space<vmem>> -> memref<40x128xf32, #tpu.memory_space<vmem>>
      tpu.enqueue_dma source(%dma_start3A_482 : memref<40x128xf32, #tpu.memory_space<vmem>>) target(%dma_start3A_478 : memref<40x128xf32, #tpu.memory_space<vmem_shared>>) target_semaphore(%run_scoped3A_470 : memref<!tpu.dma_semaphore, #tpu.memory_space<semaphore_mem>>)
      %dma_wait3A_483 = arith.constant 0 : i32
      %dma_wait3A_484 = arith.constant 0 : i32
      %dma_wait3A_485 = tpu.memref_slice %arg7[%run_scoped3A_52, %dma_wait3A_483, %dma_wait3A_484] : memref<6x40x128xf32, #tpu.memory_space<vmem>> -> memref<1x40x128xf32, #tpu.memory_space<vmem>>
      %dma_wait3A_486 = tpu.memref_squeeze %dma_wait3A_485 : memref<1x40x128xf32, #tpu.memory_space<vmem>> -> memref<40x128xf32, #tpu.memory_space<vmem>>
      %dma_wait3A_487 = arith.constant 0 : i32
      %dma_wait3A_488 = tpu.memref_slice %arg32[%add3A_51, %dma_wait3A_487] : memref<10240x128xf32, #tpu.memory_space<vmem_shared>> -> memref<40x128xf32, #tpu.memory_space<vmem_shared>>
      %dma_wait3A_489 = arith.constant 0 : i32
      %dma_wait3A_490 = tpu.memref_slice %arg32[%add3A_51, %dma_wait3A_489] : memref<10240x128xf32, #tpu.memory_space<vmem_shared>> -> memref<40x128xf32, #tpu.memory_space<vmem_shared>>
      %dma_wait3A_491 = arith.constant 0 : i32
      %dma_wait3A_492 = arith.constant 0 : i32
      %dma_wait3A_493 = tpu.memref_slice %arg7[%run_scoped3A_52, %dma_wait3A_491, %dma_wait3A_492] : memref<6x40x128xf32, #tpu.memory_space<vmem>> -> memref<1x40x128xf32, #tpu.memory_space<vmem>>
      %dma_wait3A_494 = tpu.memref_squeeze %dma_wait3A_493 : memref<1x40x128xf32, #tpu.memory_space<vmem>> -> memref<40x128xf32, #tpu.memory_space<vmem>>
      tpu.wait_dma2 semaphore(%run_scoped3A_470 : memref<!tpu.dma_semaphore, #tpu.memory_space<semaphore_mem>>) src(%dma_wait3A_494 : memref<40x128xf32, #tpu.memory_space<vmem>>) dst(%dma_wait3A_490 : memref<40x128xf32, #tpu.memory_space<vmem_shared>>)
      tpu.yield
    }) : () -> ()
    %mul3A_53 = arith.constant 640 : i32
    %mul3A_54 = arith.muli %arg1, %mul3A_53 : i32
    %add3A_55 = arith.constant 360 : i32
    %add3A_56 = arith.addi %mul3A_54, %add3A_55 : i32
    %run_scoped3A_57 = arith.constant 0 : i32
    "tpu.region"() ({
      %run_scoped3A_470 = tpu.sem_alloc : memref<!tpu.dma_semaphore, #tpu.memory_space<semaphore_mem>>
      %dma_start3A_471 = arith.constant 0 : i32
      %dma_start3A_472 = arith.constant 0 : i32
      %dma_start3A_473 = tpu.memref_slice %arg7[%run_scoped3A_57, %dma_start3A_471, %dma_start3A_472] : memref<6x40x128xf32, #tpu.memory_space<vmem>> -> memref<1x40x128xf32, #tpu.memory_space<vmem>>
      %dma_start3A_474 = tpu.memref_squeeze %dma_start3A_473 : memref<1x40x128xf32, #tpu.memory_space<vmem>> -> memref<40x128xf32, #tpu.memory_space<vmem>>
      %dma_start3A_475 = arith.constant 0 : i32
      %dma_start3A_476 = tpu.memref_slice %arg32[%add3A_56, %dma_start3A_475] : memref<10240x128xf32, #tpu.memory_space<vmem_shared>> -> memref<40x128xf32, #tpu.memory_space<vmem_shared>>
      %dma_start3A_477 = arith.constant 0 : i32
      %dma_start3A_478 = tpu.memref_slice %arg32[%add3A_56, %dma_start3A_477] : memref<10240x128xf32, #tpu.memory_space<vmem_shared>> -> memref<40x128xf32, #tpu.memory_space<vmem_shared>>
      %dma_start3A_479 = arith.constant 0 : i32
      %dma_start3A_480 = arith.constant 0 : i32
      %dma_start3A_481 = tpu.memref_slice %arg7[%run_scoped3A_57, %dma_start3A_479, %dma_start3A_480] : memref<6x40x128xf32, #tpu.memory_space<vmem>> -> memref<1x40x128xf32, #tpu.memory_space<vmem>>
      %dma_start3A_482 = tpu.memref_squeeze %dma_start3A_481 : memref<1x40x128xf32, #tpu.memory_space<vmem>> -> memref<40x128xf32, #tpu.memory_space<vmem>>
      tpu.enqueue_dma source(%dma_start3A_482 : memref<40x128xf32, #tpu.memory_space<vmem>>) target(%dma_start3A_478 : memref<40x128xf32, #tpu.memory_space<vmem_shared>>) target_semaphore(%run_scoped3A_470 : memref<!tpu.dma_semaphore, #tpu.memory_space<semaphore_mem>>)
      %dma_wait3A_483 = arith.constant 0 : i32
      %dma_wait3A_484 = arith.constant 0 : i32
      %dma_wait3A_485 = tpu.memref_slice %arg7[%run_scoped3A_57, %dma_wait3A_483, %dma_wait3A_484] : memref<6x40x128xf32, #tpu.memory_space<vmem>> -> memref<1x40x128xf32, #tpu.memory_space<vmem>>
      %dma_wait3A_486 = tpu.memref_squeeze %dma_wait3A_485 : memref<1x40x128xf32, #tpu.memory_space<vmem>> -> memref<40x128xf32, #tpu.memory_space<vmem>>
      %dma_wait3A_487 = arith.constant 0 : i32
      %dma_wait3A_488 = tpu.memref_slice %arg32[%add3A_56, %dma_wait3A_487] : memref<10240x128xf32, #tpu.memory_space<vmem_shared>> -> memref<40x128xf32, #tpu.memory_space<vmem_shared>>
      %dma_wait3A_489 = arith.constant 0 : i32
      %dma_wait3A_490 = tpu.memref_slice %arg32[%add3A_56, %dma_wait3A_489] : memref<10240x128xf32, #tpu.memory_space<vmem_shared>> -> memref<40x128xf32, #tpu.memory_space<vmem_shared>>
      %dma_wait3A_491 = arith.constant 0 : i32
      %dma_wait3A_492 = arith.constant 0 : i32
      %dma_wait3A_493 = tpu.memref_slice %arg7[%run_scoped3A_57, %dma_wait3A_491, %dma_wait3A_492] : memref<6x40x128xf32, #tpu.memory_space<vmem>> -> memref<1x40x128xf32, #tpu.memory_space<vmem>>
      %dma_wait3A_494 = tpu.memref_squeeze %dma_wait3A_493 : memref<1x40x128xf32, #tpu.memory_space<vmem>> -> memref<40x128xf32, #tpu.memory_space<vmem>>
      tpu.wait_dma2 semaphore(%run_scoped3A_470 : memref<!tpu.dma_semaphore, #tpu.memory_space<semaphore_mem>>) src(%dma_wait3A_494 : memref<40x128xf32, #tpu.memory_space<vmem>>) dst(%dma_wait3A_490 : memref<40x128xf32, #tpu.memory_space<vmem_shared>>)
      tpu.yield
    }) : () -> ()
    %mul3A_58 = arith.constant 640 : i32
    %mul3A_59 = arith.muli %arg1, %mul3A_58 : i32
    %add3A_60 = arith.constant 400 : i32
    %add3A_61 = arith.addi %mul3A_59, %add3A_60 : i32
    %run_scoped3A_62 = arith.constant 0 : i32
    "tpu.region"() ({
      %run_scoped3A_470 = tpu.sem_alloc : memref<!tpu.dma_semaphore, #tpu.memory_space<semaphore_mem>>
      %dma_start3A_471 = arith.constant 0 : i32
      %dma_start3A_472 = arith.constant 0 : i32
      %dma_start3A_473 = tpu.memref_slice %arg7[%run_scoped3A_62, %dma_start3A_471, %dma_start3A_472] : memref<6x40x128xf32, #tpu.memory_space<vmem>> -> memref<1x40x128xf32, #tpu.memory_space<vmem>>
      %dma_start3A_474 = tpu.memref_squeeze %dma_start3A_473 : memref<1x40x128xf32, #tpu.memory_space<vmem>> -> memref<40x128xf32, #tpu.memory_space<vmem>>
      %dma_start3A_475 = arith.constant 0 : i32
      %dma_start3A_476 = tpu.memref_slice %arg32[%add3A_61, %dma_start3A_475] : memref<10240x128xf32, #tpu.memory_space<vmem_shared>> -> memref<40x128xf32, #tpu.memory_space<vmem_shared>>
      %dma_start3A_477 = arith.constant 0 : i32
      %dma_start3A_478 = tpu.memref_slice %arg32[%add3A_61, %dma_start3A_477] : memref<10240x128xf32, #tpu.memory_space<vmem_shared>> -> memref<40x128xf32, #tpu.memory_space<vmem_shared>>
      %dma_start3A_479 = arith.constant 0 : i32
      %dma_start3A_480 = arith.constant 0 : i32
      %dma_start3A_481 = tpu.memref_slice %arg7[%run_scoped3A_62, %dma_start3A_479, %dma_start3A_480] : memref<6x40x128xf32, #tpu.memory_space<vmem>> -> memref<1x40x128xf32, #tpu.memory_space<vmem>>
      %dma_start3A_482 = tpu.memref_squeeze %dma_start3A_481 : memref<1x40x128xf32, #tpu.memory_space<vmem>> -> memref<40x128xf32, #tpu.memory_space<vmem>>
      tpu.enqueue_dma source(%dma_start3A_482 : memref<40x128xf32, #tpu.memory_space<vmem>>) target(%dma_start3A_478 : memref<40x128xf32, #tpu.memory_space<vmem_shared>>) target_semaphore(%run_scoped3A_470 : memref<!tpu.dma_semaphore, #tpu.memory_space<semaphore_mem>>)
      %dma_wait3A_483 = arith.constant 0 : i32
      %dma_wait3A_484 = arith.constant 0 : i32
      %dma_wait3A_485 = tpu.memref_slice %arg7[%run_scoped3A_62, %dma_wait3A_483, %dma_wait3A_484] : memref<6x40x128xf32, #tpu.memory_space<vmem>> -> memref<1x40x128xf32, #tpu.memory_space<vmem>>
      %dma_wait3A_486 = tpu.memref_squeeze %dma_wait3A_485 : memref<1x40x128xf32, #tpu.memory_space<vmem>> -> memref<40x128xf32, #tpu.memory_space<vmem>>
      %dma_wait3A_487 = arith.constant 0 : i32
      %dma_wait3A_488 = tpu.memref_slice %arg32[%add3A_61, %dma_wait3A_487] : memref<10240x128xf32, #tpu.memory_space<vmem_shared>> -> memref<40x128xf32, #tpu.memory_space<vmem_shared>>
      %dma_wait3A_489 = arith.constant 0 : i32
      %dma_wait3A_490 = tpu.memref_slice %arg32[%add3A_61, %dma_wait3A_489] : memref<10240x128xf32, #tpu.memory_space<vmem_shared>> -> memref<40x128xf32, #tpu.memory_space<vmem_shared>>
      %dma_wait3A_491 = arith.constant 0 : i32
      %dma_wait3A_492 = arith.constant 0 : i32
      %dma_wait3A_493 = tpu.memref_slice %arg7[%run_scoped3A_62, %dma_wait3A_491, %dma_wait3A_492] : memref<6x40x128xf32, #tpu.memory_space<vmem>> -> memref<1x40x128xf32, #tpu.memory_space<vmem>>
      %dma_wait3A_494 = tpu.memref_squeeze %dma_wait3A_493 : memref<1x40x128xf32, #tpu.memory_space<vmem>> -> memref<40x128xf32, #tpu.memory_space<vmem>>
      tpu.wait_dma2 semaphore(%run_scoped3A_470 : memref<!tpu.dma_semaphore, #tpu.memory_space<semaphore_mem>>) src(%dma_wait3A_494 : memref<40x128xf32, #tpu.memory_space<vmem>>) dst(%dma_wait3A_490 : memref<40x128xf32, #tpu.memory_space<vmem_shared>>)
      tpu.yield
    }) : () -> ()
    %mul3A_63 = arith.constant 640 : i32
    %mul3A_64 = arith.muli %arg1, %mul3A_63 : i32
    %add3A_65 = arith.constant 440 : i32
    %add3A_66 = arith.addi %mul3A_64, %add3A_65 : i32
    %run_scoped3A_67 = arith.constant 0 : i32
    "tpu.region"() ({
      %run_scoped3A_470 = tpu.sem_alloc : memref<!tpu.dma_semaphore, #tpu.memory_space<semaphore_mem>>
      %dma_start3A_471 = arith.constant 0 : i32
      %dma_start3A_472 = arith.constant 0 : i32
      %dma_start3A_473 = tpu.memref_slice %arg7[%run_scoped3A_67, %dma_start3A_471, %dma_start3A_472] : memref<6x40x128xf32, #tpu.memory_space<vmem>> -> memref<1x40x128xf32, #tpu.memory_space<vmem>>
      %dma_start3A_474 = tpu.memref_squeeze %dma_start3A_473 : memref<1x40x128xf32, #tpu.memory_space<vmem>> -> memref<40x128xf32, #tpu.memory_space<vmem>>
      %dma_start3A_475 = arith.constant 0 : i32
      %dma_start3A_476 = tpu.memref_slice %arg32[%add3A_66, %dma_start3A_475] : memref<10240x128xf32, #tpu.memory_space<vmem_shared>> -> memref<40x128xf32, #tpu.memory_space<vmem_shared>>
      %dma_start3A_477 = arith.constant 0 : i32
      %dma_start3A_478 = tpu.memref_slice %arg32[%add3A_66, %dma_start3A_477] : memref<10240x128xf32, #tpu.memory_space<vmem_shared>> -> memref<40x128xf32, #tpu.memory_space<vmem_shared>>
      %dma_start3A_479 = arith.constant 0 : i32
      %dma_start3A_480 = arith.constant 0 : i32
      %dma_start3A_481 = tpu.memref_slice %arg7[%run_scoped3A_67, %dma_start3A_479, %dma_start3A_480] : memref<6x40x128xf32, #tpu.memory_space<vmem>> -> memref<1x40x128xf32, #tpu.memory_space<vmem>>
      %dma_start3A_482 = tpu.memref_squeeze %dma_start3A_481 : memref<1x40x128xf32, #tpu.memory_space<vmem>> -> memref<40x128xf32, #tpu.memory_space<vmem>>
      tpu.enqueue_dma source(%dma_start3A_482 : memref<40x128xf32, #tpu.memory_space<vmem>>) target(%dma_start3A_478 : memref<40x128xf32, #tpu.memory_space<vmem_shared>>) target_semaphore(%run_scoped3A_470 : memref<!tpu.dma_semaphore, #tpu.memory_space<semaphore_mem>>)
      %dma_wait3A_483 = arith.constant 0 : i32
      %dma_wait3A_484 = arith.constant 0 : i32
      %dma_wait3A_485 = tpu.memref_slice %arg7[%run_scoped3A_67, %dma_wait3A_483, %dma_wait3A_484] : memref<6x40x128xf32, #tpu.memory_space<vmem>> -> memref<1x40x128xf32, #tpu.memory_space<vmem>>
      %dma_wait3A_486 = tpu.memref_squeeze %dma_wait3A_485 : memref<1x40x128xf32, #tpu.memory_space<vmem>> -> memref<40x128xf32, #tpu.memory_space<vmem>>
      %dma_wait3A_487 = arith.constant 0 : i32
      %dma_wait3A_488 = tpu.memref_slice %arg32[%add3A_66, %dma_wait3A_487] : memref<10240x128xf32, #tpu.memory_space<vmem_shared>> -> memref<40x128xf32, #tpu.memory_space<vmem_shared>>
      %dma_wait3A_489 = arith.constant 0 : i32
      %dma_wait3A_490 = tpu.memref_slice %arg32[%add3A_66, %dma_wait3A_489] : memref<10240x128xf32, #tpu.memory_space<vmem_shared>> -> memref<40x128xf32, #tpu.memory_space<vmem_shared>>
      %dma_wait3A_491 = arith.constant 0 : i32
      %dma_wait3A_492 = arith.constant 0 : i32
      %dma_wait3A_493 = tpu.memref_slice %arg7[%run_scoped3A_67, %dma_wait3A_491, %dma_wait3A_492] : memref<6x40x128xf32, #tpu.memory_space<vmem>> -> memref<1x40x128xf32, #tpu.memory_space<vmem>>
      %dma_wait3A_494 = tpu.memref_squeeze %dma_wait3A_493 : memref<1x40x128xf32, #tpu.memory_space<vmem>> -> memref<40x128xf32, #tpu.memory_space<vmem>>
      tpu.wait_dma2 semaphore(%run_scoped3A_470 : memref<!tpu.dma_semaphore, #tpu.memory_space<semaphore_mem>>) src(%dma_wait3A_494 : memref<40x128xf32, #tpu.memory_space<vmem>>) dst(%dma_wait3A_490 : memref<40x128xf32, #tpu.memory_space<vmem_shared>>)
      tpu.yield
    }) : () -> ()
    %mul3A_68 = arith.constant 640 : i32
    %mul3A_69 = arith.muli %arg1, %mul3A_68 : i32
    %add3A_70 = arith.constant 480 : i32
    %add3A_71 = arith.addi %mul3A_69, %add3A_70 : i32
    %run_scoped3A_72 = arith.constant 0 : i32
    "tpu.region"() ({
      %run_scoped3A_470 = tpu.sem_alloc : memref<!tpu.dma_semaphore, #tpu.memory_space<semaphore_mem>>
      %dma_start3A_471 = arith.constant 0 : i32
      %dma_start3A_472 = arith.constant 0 : i32
      %dma_start3A_473 = tpu.memref_slice %arg7[%run_scoped3A_72, %dma_start3A_471, %dma_start3A_472] : memref<6x40x128xf32, #tpu.memory_space<vmem>> -> memref<1x40x128xf32, #tpu.memory_space<vmem>>
      %dma_start3A_474 = tpu.memref_squeeze %dma_start3A_473 : memref<1x40x128xf32, #tpu.memory_space<vmem>> -> memref<40x128xf32, #tpu.memory_space<vmem>>
      %dma_start3A_475 = arith.constant 0 : i32
      %dma_start3A_476 = tpu.memref_slice %arg32[%add3A_71, %dma_start3A_475] : memref<10240x128xf32, #tpu.memory_space<vmem_shared>> -> memref<40x128xf32, #tpu.memory_space<vmem_shared>>
      %dma_start3A_477 = arith.constant 0 : i32
      %dma_start3A_478 = tpu.memref_slice %arg32[%add3A_71, %dma_start3A_477] : memref<10240x128xf32, #tpu.memory_space<vmem_shared>> -> memref<40x128xf32, #tpu.memory_space<vmem_shared>>
      %dma_start3A_479 = arith.constant 0 : i32
      %dma_start3A_480 = arith.constant 0 : i32
      %dma_start3A_481 = tpu.memref_slice %arg7[%run_scoped3A_72, %dma_start3A_479, %dma_start3A_480] : memref<6x40x128xf32, #tpu.memory_space<vmem>> -> memref<1x40x128xf32, #tpu.memory_space<vmem>>
      %dma_start3A_482 = tpu.memref_squeeze %dma_start3A_481 : memref<1x40x128xf32, #tpu.memory_space<vmem>> -> memref<40x128xf32, #tpu.memory_space<vmem>>
      tpu.enqueue_dma source(%dma_start3A_482 : memref<40x128xf32, #tpu.memory_space<vmem>>) target(%dma_start3A_478 : memref<40x128xf32, #tpu.memory_space<vmem_shared>>) target_semaphore(%run_scoped3A_470 : memref<!tpu.dma_semaphore, #tpu.memory_space<semaphore_mem>>)
      %dma_wait3A_483 = arith.constant 0 : i32
      %dma_wait3A_484 = arith.constant 0 : i32
      %dma_wait3A_485 = tpu.memref_slice %arg7[%run_scoped3A_72, %dma_wait3A_483, %dma_wait3A_484] : memref<6x40x128xf32, #tpu.memory_space<vmem>> -> memref<1x40x128xf32, #tpu.memory_space<vmem>>
      %dma_wait3A_486 = tpu.memref_squeeze %dma_wait3A_485 : memref<1x40x128xf32, #tpu.memory_space<vmem>> -> memref<40x128xf32, #tpu.memory_space<vmem>>
      %dma_wait3A_487 = arith.constant 0 : i32
      %dma_wait3A_488 = tpu.memref_slice %arg32[%add3A_71, %dma_wait3A_487] : memref<10240x128xf32, #tpu.memory_space<vmem_shared>> -> memref<40x128xf32, #tpu.memory_space<vmem_shared>>
      %dma_wait3A_489 = arith.constant 0 : i32
      %dma_wait3A_490 = tpu.memref_slice %arg32[%add3A_71, %dma_wait3A_489] : memref<10240x128xf32, #tpu.memory_space<vmem_shared>> -> memref<40x128xf32, #tpu.memory_space<vmem_shared>>
      %dma_wait3A_491 = arith.constant 0 : i32
      %dma_wait3A_492 = arith.constant 0 : i32
      %dma_wait3A_493 = tpu.memref_slice %arg7[%run_scoped3A_72, %dma_wait3A_491, %dma_wait3A_492] : memref<6x40x128xf32, #tpu.memory_space<vmem>> -> memref<1x40x128xf32, #tpu.memory_space<vmem>>
      %dma_wait3A_494 = tpu.memref_squeeze %dma_wait3A_493 : memref<1x40x128xf32, #tpu.memory_space<vmem>> -> memref<40x128xf32, #tpu.memory_space<vmem>>
      tpu.wait_dma2 semaphore(%run_scoped3A_470 : memref<!tpu.dma_semaphore, #tpu.memory_space<semaphore_mem>>) src(%dma_wait3A_494 : memref<40x128xf32, #tpu.memory_space<vmem>>) dst(%dma_wait3A_490 : memref<40x128xf32, #tpu.memory_space<vmem_shared>>)
      tpu.yield
    }) : () -> ()
    %mul3A_73 = arith.constant 640 : i32
    %mul3A_74 = arith.muli %arg1, %mul3A_73 : i32
    %add3A_75 = arith.constant 520 : i32
    %add3A_76 = arith.addi %mul3A_74, %add3A_75 : i32
    %run_scoped3A_77 = arith.constant 0 : i32
    "tpu.region"() ({
      %run_scoped3A_470 = tpu.sem_alloc : memref<!tpu.dma_semaphore, #tpu.memory_space<semaphore_mem>>
      %dma_start3A_471 = arith.constant 0 : i32
      %dma_start3A_472 = arith.constant 0 : i32
      %dma_start3A_473 = tpu.memref_slice %arg7[%run_scoped3A_77, %dma_start3A_471, %dma_start3A_472] : memref<6x40x128xf32, #tpu.memory_space<vmem>> -> memref<1x40x128xf32, #tpu.memory_space<vmem>>
      %dma_start3A_474 = tpu.memref_squeeze %dma_start3A_473 : memref<1x40x128xf32, #tpu.memory_space<vmem>> -> memref<40x128xf32, #tpu.memory_space<vmem>>
      %dma_start3A_475 = arith.constant 0 : i32
      %dma_start3A_476 = tpu.memref_slice %arg32[%add3A_76, %dma_start3A_475] : memref<10240x128xf32, #tpu.memory_space<vmem_shared>> -> memref<40x128xf32, #tpu.memory_space<vmem_shared>>
      %dma_start3A_477 = arith.constant 0 : i32
      %dma_start3A_478 = tpu.memref_slice %arg32[%add3A_76, %dma_start3A_477] : memref<10240x128xf32, #tpu.memory_space<vmem_shared>> -> memref<40x128xf32, #tpu.memory_space<vmem_shared>>
      %dma_start3A_479 = arith.constant 0 : i32
      %dma_start3A_480 = arith.constant 0 : i32
      %dma_start3A_481 = tpu.memref_slice %arg7[%run_scoped3A_77, %dma_start3A_479, %dma_start3A_480] : memref<6x40x128xf32, #tpu.memory_space<vmem>> -> memref<1x40x128xf32, #tpu.memory_space<vmem>>
      %dma_start3A_482 = tpu.memref_squeeze %dma_start3A_481 : memref<1x40x128xf32, #tpu.memory_space<vmem>> -> memref<40x128xf32, #tpu.memory_space<vmem>>
      tpu.enqueue_dma source(%dma_start3A_482 : memref<40x128xf32, #tpu.memory_space<vmem>>) target(%dma_start3A_478 : memref<40x128xf32, #tpu.memory_space<vmem_shared>>) target_semaphore(%run_scoped3A_470 : memref<!tpu.dma_semaphore, #tpu.memory_space<semaphore_mem>>)
      %dma_wait3A_483 = arith.constant 0 : i32
      %dma_wait3A_484 = arith.constant 0 : i32
      %dma_wait3A_485 = tpu.memref_slice %arg7[%run_scoped3A_77, %dma_wait3A_483, %dma_wait3A_484] : memref<6x40x128xf32, #tpu.memory_space<vmem>> -> memref<1x40x128xf32, #tpu.memory_space<vmem>>
      %dma_wait3A_486 = tpu.memref_squeeze %dma_wait3A_485 : memref<1x40x128xf32, #tpu.memory_space<vmem>> -> memref<40x128xf32, #tpu.memory_space<vmem>>
      %dma_wait3A_487 = arith.constant 0 : i32
      %dma_wait3A_488 = tpu.memref_slice %arg32[%add3A_76, %dma_wait3A_487] : memref<10240x128xf32, #tpu.memory_space<vmem_shared>> -> memref<40x128xf32, #tpu.memory_space<vmem_shared>>
      %dma_wait3A_489 = arith.constant 0 : i32
      %dma_wait3A_490 = tpu.memref_slice %arg32[%add3A_76, %dma_wait3A_489] : memref<10240x128xf32, #tpu.memory_space<vmem_shared>> -> memref<40x128xf32, #tpu.memory_space<vmem_shared>>
      %dma_wait3A_491 = arith.constant 0 : i32
      %dma_wait3A_492 = arith.constant 0 : i32
      %dma_wait3A_493 = tpu.memref_slice %arg7[%run_scoped3A_77, %dma_wait3A_491, %dma_wait3A_492] : memref<6x40x128xf32, #tpu.memory_space<vmem>> -> memref<1x40x128xf32, #tpu.memory_space<vmem>>
      %dma_wait3A_494 = tpu.memref_squeeze %dma_wait3A_493 : memref<1x40x128xf32, #tpu.memory_space<vmem>> -> memref<40x128xf32, #tpu.memory_space<vmem>>
      tpu.wait_dma2 semaphore(%run_scoped3A_470 : memref<!tpu.dma_semaphore, #tpu.memory_space<semaphore_mem>>) src(%dma_wait3A_494 : memref<40x128xf32, #tpu.memory_space<vmem>>) dst(%dma_wait3A_490 : memref<40x128xf32, #tpu.memory_space<vmem_shared>>)
      tpu.yield
    }) : () -> ()
    %mul3A_78 = arith.constant 640 : i32
    %mul3A_79 = arith.muli %arg1, %mul3A_78 : i32
    %add3A_80 = arith.constant 560 : i32
    %add3A_81 = arith.addi %mul3A_79, %add3A_80 : i32
    %run_scoped3A_82 = arith.constant 0 : i32
    "tpu.region"() ({
      %run_scoped3A_470 = tpu.sem_alloc : memref<!tpu.dma_semaphore, #tpu.memory_space<semaphore_mem>>
      %dma_start3A_471 = arith.constant 0 : i32
      %dma_start3A_472 = arith.constant 0 : i32
      %dma_start3A_473 = tpu.memref_slice %arg7[%run_scoped3A_82, %dma_start3A_471, %dma_start3A_472] : memref<6x40x128xf32, #tpu.memory_space<vmem>> -> memref<1x40x128xf32, #tpu.memory_space<vmem>>
      %dma_start3A_474 = tpu.memref_squeeze %dma_start3A_473 : memref<1x40x128xf32, #tpu.memory_space<vmem>> -> memref<40x128xf32, #tpu.memory_space<vmem>>
      %dma_start3A_475 = arith.constant 0 : i32
      %dma_start3A_476 = tpu.memref_slice %arg32[%add3A_81, %dma_start3A_475] : memref<10240x128xf32, #tpu.memory_space<vmem_shared>> -> memref<40x128xf32, #tpu.memory_space<vmem_shared>>
      %dma_start3A_477 = arith.constant 0 : i32
      %dma_start3A_478 = tpu.memref_slice %arg32[%add3A_81, %dma_start3A_477] : memref<10240x128xf32, #tpu.memory_space<vmem_shared>> -> memref<40x128xf32, #tpu.memory_space<vmem_shared>>
      %dma_start3A_479 = arith.constant 0 : i32
      %dma_start3A_480 = arith.constant 0 : i32
      %dma_start3A_481 = tpu.memref_slice %arg7[%run_scoped3A_82, %dma_start3A_479, %dma_start3A_480] : memref<6x40x128xf32, #tpu.memory_space<vmem>> -> memref<1x40x128xf32, #tpu.memory_space<vmem>>
      %dma_start3A_482 = tpu.memref_squeeze %dma_start3A_481 : memref<1x40x128xf32, #tpu.memory_space<vmem>> -> memref<40x128xf32, #tpu.memory_space<vmem>>
      tpu.enqueue_dma source(%dma_start3A_482 : memref<40x128xf32, #tpu.memory_space<vmem>>) target(%dma_start3A_478 : memref<40x128xf32, #tpu.memory_space<vmem_shared>>) target_semaphore(%run_scoped3A_470 : memref<!tpu.dma_semaphore, #tpu.memory_space<semaphore_mem>>)
      %dma_wait3A_483 = arith.constant 0 : i32
      %dma_wait3A_484 = arith.constant 0 : i32
      %dma_wait3A_485 = tpu.memref_slice %arg7[%run_scoped3A_82, %dma_wait3A_483, %dma_wait3A_484] : memref<6x40x128xf32, #tpu.memory_space<vmem>> -> memref<1x40x128xf32, #tpu.memory_space<vmem>>
      %dma_wait3A_486 = tpu.memref_squeeze %dma_wait3A_485 : memref<1x40x128xf32, #tpu.memory_space<vmem>> -> memref<40x128xf32, #tpu.memory_space<vmem>>
      %dma_wait3A_487 = arith.constant 0 : i32
      %dma_wait3A_488 = tpu.memref_slice %arg32[%add3A_81, %dma_wait3A_487] : memref<10240x128xf32, #tpu.memory_space<vmem_shared>> -> memref<40x128xf32, #tpu.memory_space<vmem_shared>>
      %dma_wait3A_489 = arith.constant 0 : i32
      %dma_wait3A_490 = tpu.memref_slice %arg32[%add3A_81, %dma_wait3A_489] : memref<10240x128xf32, #tpu.memory_space<vmem_shared>> -> memref<40x128xf32, #tpu.memory_space<vmem_shared>>
      %dma_wait3A_491 = arith.constant 0 : i32
      %dma_wait3A_492 = arith.constant 0 : i32
      %dma_wait3A_493 = tpu.memref_slice %arg7[%run_scoped3A_82, %dma_wait3A_491, %dma_wait3A_492] : memref<6x40x128xf32, #tpu.memory_space<vmem>> -> memref<1x40x128xf32, #tpu.memory_space<vmem>>
      %dma_wait3A_494 = tpu.memref_squeeze %dma_wait3A_493 : memref<1x40x128xf32, #tpu.memory_space<vmem>> -> memref<40x128xf32, #tpu.memory_space<vmem>>
      tpu.wait_dma2 semaphore(%run_scoped3A_470 : memref<!tpu.dma_semaphore, #tpu.memory_space<semaphore_mem>>) src(%dma_wait3A_494 : memref<40x128xf32, #tpu.memory_space<vmem>>) dst(%dma_wait3A_490 : memref<40x128xf32, #tpu.memory_space<vmem_shared>>)
      tpu.yield
    }) : () -> ()
    %mul3A_83 = arith.constant 640 : i32
    %mul3A_84 = arith.muli %arg1, %mul3A_83 : i32
    %add3A_85 = arith.constant 600 : i32
    %add3A_86 = arith.addi %mul3A_84, %add3A_85 : i32
    %run_scoped3A_87 = arith.constant 0 : i32
    "tpu.region"() ({
      %run_scoped3A_470 = tpu.sem_alloc : memref<!tpu.dma_semaphore, #tpu.memory_space<semaphore_mem>>
      %dma_start3A_471 = arith.constant 0 : i32
      %dma_start3A_472 = arith.constant 0 : i32
      %dma_start3A_473 = tpu.memref_slice %arg7[%run_scoped3A_87, %dma_start3A_471, %dma_start3A_472] : memref<6x40x128xf32, #tpu.memory_space<vmem>> -> memref<1x40x128xf32, #tpu.memory_space<vmem>>
      %dma_start3A_474 = tpu.memref_squeeze %dma_start3A_473 : memref<1x40x128xf32, #tpu.memory_space<vmem>> -> memref<40x128xf32, #tpu.memory_space<vmem>>
      %dma_start3A_475 = arith.constant 0 : i32
      %dma_start3A_476 = tpu.memref_slice %arg32[%add3A_86, %dma_start3A_475] : memref<10240x128xf32, #tpu.memory_space<vmem_shared>> -> memref<40x128xf32, #tpu.memory_space<vmem_shared>>
      %dma_start3A_477 = arith.constant 0 : i32
      %dma_start3A_478 = tpu.memref_slice %arg32[%add3A_86, %dma_start3A_477] : memref<10240x128xf32, #tpu.memory_space<vmem_shared>> -> memref<40x128xf32, #tpu.memory_space<vmem_shared>>
      %dma_start3A_479 = arith.constant 0 : i32
      %dma_start3A_480 = arith.constant 0 : i32
      %dma_start3A_481 = tpu.memref_slice %arg7[%run_scoped3A_87, %dma_start3A_479, %dma_start3A_480] : memref<6x40x128xf32, #tpu.memory_space<vmem>> -> memref<1x40x128xf32, #tpu.memory_space<vmem>>
      %dma_start3A_482 = tpu.memref_squeeze %dma_start3A_481 : memref<1x40x128xf32, #tpu.memory_space<vmem>> -> memref<40x128xf32, #tpu.memory_space<vmem>>
      tpu.enqueue_dma source(%dma_start3A_482 : memref<40x128xf32, #tpu.memory_space<vmem>>) target(%dma_start3A_478 : memref<40x128xf32, #tpu.memory_space<vmem_shared>>) target_semaphore(%run_scoped3A_470 : memref<!tpu.dma_semaphore, #tpu.memory_space<semaphore_mem>>)
      %dma_wait3A_483 = arith.constant 0 : i32
      %dma_wait3A_484 = arith.constant 0 : i32
      %dma_wait3A_485 = tpu.memref_slice %arg7[%run_scoped3A_87, %dma_wait3A_483, %dma_wait3A_484] : memref<6x40x128xf32, #tpu.memory_space<vmem>> -> memref<1x40x128xf32, #tpu.memory_space<vmem>>
      %dma_wait3A_486 = tpu.memref_squeeze %dma_wait3A_485 : memref<1x40x128xf32, #tpu.memory_space<vmem>> -> memref<40x128xf32, #tpu.memory_space<vmem>>
      %dma_wait3A_487 = arith.constant 0 : i32
      %dma_wait3A_488 = tpu.memref_slice %arg32[%add3A_86, %dma_wait3A_487] : memref<10240x128xf32, #tpu.memory_space<vmem_shared>> -> memref<40x128xf32, #tpu.memory_space<vmem_shared>>
      %dma_wait3A_489 = arith.constant 0 : i32
      %dma_wait3A_490 = tpu.memref_slice %arg32[%add3A_86, %dma_wait3A_489] : memref<10240x128xf32, #tpu.memory_space<vmem_shared>> -> memref<40x128xf32, #tpu.memory_space<vmem_shared>>
      %dma_wait3A_491 = arith.constant 0 : i32
      %dma_wait3A_492 = arith.constant 0 : i32
      %dma_wait3A_493 = tpu.memref_slice %arg7[%run_scoped3A_87, %dma_wait3A_491, %dma_wait3A_492] : memref<6x40x128xf32, #tpu.memory_space<vmem>> -> memref<1x40x128xf32, #tpu.memory_space<vmem>>
      %dma_wait3A_494 = tpu.memref_squeeze %dma_wait3A_493 : memref<1x40x128xf32, #tpu.memory_space<vmem>> -> memref<40x128xf32, #tpu.memory_space<vmem>>
      tpu.wait_dma2 semaphore(%run_scoped3A_470 : memref<!tpu.dma_semaphore, #tpu.memory_space<semaphore_mem>>) src(%dma_wait3A_494 : memref<40x128xf32, #tpu.memory_space<vmem>>) dst(%dma_wait3A_490 : memref<40x128xf32, #tpu.memory_space<vmem_shared>>)
      tpu.yield
    }) : () -> ()
    %barrier3A = arith.constant 0 : index
    tpu.barrier barrier_id(%barrier3A)
    %add3A_88 = arith.constant 0 : i32
    %add3A_89 = arith.addi %mul3A_2, %add3A_88 : i32
    %dma_start3A = arith.constant 0 : i32
    %dma_start3A_90 = arith.constant 0 : i32
    %dma_start3A_91 = tpu.memref_slice %arg5[%dma_start3A, %dma_start3A_90] : memref<12x40xi32, #tpu.memory_space<vmem>> -> memref<1x40xi32, #tpu.memory_space<vmem>>
    %dma_start3A_92 = tpu.memref_squeeze %dma_start3A_91 : memref<1x40xi32, #tpu.memory_space<vmem>> -> memref<40xi32, #tpu.memory_space<vmem>>
    %dma_start3A_93 = tpu.memref_slice %arg2[%add3A_89] : memref<640000xi32, #tpu.memory_space<hbm>> -> memref<40xi32, #tpu.memory_space<hbm>>
    %dma_start3A_94 = arith.constant 0 : i32
    %dma_start3A_95 = tpu.memref_slice %arg5[%dma_start3A, %dma_start3A_94] : memref<12x40xi32, #tpu.memory_space<vmem>> -> memref<1x40xi32, #tpu.memory_space<vmem>>
    %dma_start3A_96 = tpu.memref_squeeze %dma_start3A_95 : memref<1x40xi32, #tpu.memory_space<vmem>> -> memref<40xi32, #tpu.memory_space<vmem>>
    %dma_start3A_97 = tpu.memref_slice %arg2[%add3A_89] : memref<640000xi32, #tpu.memory_space<hbm>> -> memref<40xi32, #tpu.memory_space<hbm>>
    tpu.enqueue_dma source(%dma_start3A_97 : memref<40xi32, #tpu.memory_space<hbm>>) target(%dma_start3A_96 : memref<40xi32, #tpu.memory_space<vmem>>) target_semaphore(%arg8 : memref<!tpu.dma_semaphore, #tpu.memory_space<semaphore_mem>>)
    %add3A_98 = arith.constant 320000 : i32
    %add3A_99 = arith.addi %add3A_98, %mul3A_2 : i32
    %add3A_100 = arith.constant 0 : i32
    %add3A_101 = arith.addi %add3A_99, %add3A_100 : i32
    %dma_start3A_102 = arith.constant 0 : i32
    %dma_start3A_103 = arith.constant 0 : i32
    %dma_start3A_104 = tpu.memref_slice %arg6[%dma_start3A_102, %dma_start3A_103] : memref<12x40xi32, #tpu.memory_space<vmem>> -> memref<1x40xi32, #tpu.memory_space<vmem>>
    %dma_start3A_105 = tpu.memref_squeeze %dma_start3A_104 : memref<1x40xi32, #tpu.memory_space<vmem>> -> memref<40xi32, #tpu.memory_space<vmem>>
    %dma_start3A_106 = tpu.memref_slice %arg2[%add3A_101] : memref<640000xi32, #tpu.memory_space<hbm>> -> memref<40xi32, #tpu.memory_space<hbm>>
    %dma_start3A_107 = arith.constant 0 : i32
    %dma_start3A_108 = tpu.memref_slice %arg6[%dma_start3A_102, %dma_start3A_107] : memref<12x40xi32, #tpu.memory_space<vmem>> -> memref<1x40xi32, #tpu.memory_space<vmem>>
    %dma_start3A_109 = tpu.memref_squeeze %dma_start3A_108 : memref<1x40xi32, #tpu.memory_space<vmem>> -> memref<40xi32, #tpu.memory_space<vmem>>
    %dma_start3A_110 = tpu.memref_slice %arg2[%add3A_101] : memref<640000xi32, #tpu.memory_space<hbm>> -> memref<40xi32, #tpu.memory_space<hbm>>
    tpu.enqueue_dma source(%dma_start3A_110 : memref<40xi32, #tpu.memory_space<hbm>>) target(%dma_start3A_109 : memref<40xi32, #tpu.memory_space<vmem>>) target_semaphore(%arg8 : memref<!tpu.dma_semaphore, #tpu.memory_space<semaphore_mem>>)
    %add3A_111 = arith.constant 40 : i32
    %add3A_112 = arith.addi %mul3A_2, %add3A_111 : i32
    %dma_start3A_113 = arith.constant 1 : i32
    %dma_start3A_114 = arith.constant 0 : i32
    %dma_start3A_115 = tpu.memref_slice %arg5[%dma_start3A_113, %dma_start3A_114] : memref<12x40xi32, #tpu.memory_space<vmem>> -> memref<1x40xi32, #tpu.memory_space<vmem>>
    %dma_start3A_116 = tpu.memref_squeeze %dma_start3A_115 : memref<1x40xi32, #tpu.memory_space<vmem>> -> memref<40xi32, #tpu.memory_space<vmem>>
    %dma_start3A_117 = tpu.memref_slice %arg2[%add3A_112] : memref<640000xi32, #tpu.memory_space<hbm>> -> memref<40xi32, #tpu.memory_space<hbm>>
    %dma_start3A_118 = arith.constant 0 : i32
    %dma_start3A_119 = tpu.memref_slice %arg5[%dma_start3A_113, %dma_start3A_118] : memref<12x40xi32, #tpu.memory_space<vmem>> -> memref<1x40xi32, #tpu.memory_space<vmem>>
    %dma_start3A_120 = tpu.memref_squeeze %dma_start3A_119 : memref<1x40xi32, #tpu.memory_space<vmem>> -> memref<40xi32, #tpu.memory_space<vmem>>
    %dma_start3A_121 = tpu.memref_slice %arg2[%add3A_112] : memref<640000xi32, #tpu.memory_space<hbm>> -> memref<40xi32, #tpu.memory_space<hbm>>
    tpu.enqueue_dma source(%dma_start3A_121 : memref<40xi32, #tpu.memory_space<hbm>>) target(%dma_start3A_120 : memref<40xi32, #tpu.memory_space<vmem>>) target_semaphore(%arg9 : memref<!tpu.dma_semaphore, #tpu.memory_space<semaphore_mem>>)
    %add3A_122 = arith.constant 320000 : i32
    %add3A_123 = arith.addi %add3A_122, %mul3A_2 : i32
    %add3A_124 = arith.constant 40 : i32
    %add3A_125 = arith.addi %add3A_123, %add3A_124 : i32
    %dma_start3A_126 = arith.constant 1 : i32
    %dma_start3A_127 = arith.constant 0 : i32
    %dma_start3A_128 = tpu.memref_slice %arg6[%dma_start3A_126, %dma_start3A_127] : memref<12x40xi32, #tpu.memory_space<vmem>> -> memref<1x40xi32, #tpu.memory_space<vmem>>
    %dma_start3A_129 = tpu.memref_squeeze %dma_start3A_128 : memref<1x40xi32, #tpu.memory_space<vmem>> -> memref<40xi32, #tpu.memory_space<vmem>>
    %dma_start3A_130 = tpu.memref_slice %arg2[%add3A_125] : memref<640000xi32, #tpu.memory_space<hbm>> -> memref<40xi32, #tpu.memory_space<hbm>>
    %dma_start3A_131 = arith.constant 0 : i32
    %dma_start3A_132 = tpu.memref_slice %arg6[%dma_start3A_126, %dma_start3A_131] : memref<12x40xi32, #tpu.memory_space<vmem>> -> memref<1x40xi32, #tpu.memory_space<vmem>>
    %dma_start3A_133 = tpu.memref_squeeze %dma_start3A_132 : memref<1x40xi32, #tpu.memory_space<vmem>> -> memref<40xi32, #tpu.memory_space<vmem>>
    %dma_start3A_134 = tpu.memref_slice %arg2[%add3A_125] : memref<640000xi32, #tpu.memory_space<hbm>> -> memref<40xi32, #tpu.memory_space<hbm>>
    tpu.enqueue_dma source(%dma_start3A_134 : memref<40xi32, #tpu.memory_space<hbm>>) target(%dma_start3A_133 : memref<40xi32, #tpu.memory_space<vmem>>) target_semaphore(%arg9 : memref<!tpu.dma_semaphore, #tpu.memory_space<semaphore_mem>>)
    %add3A_135 = arith.constant 80 : i32
    %add3A_136 = arith.addi %mul3A_2, %add3A_135 : i32
    %dma_start3A_137 = arith.constant 2 : i32
    %dma_start3A_138 = arith.constant 0 : i32
    %dma_start3A_139 = tpu.memref_slice %arg5[%dma_start3A_137, %dma_start3A_138] : memref<12x40xi32, #tpu.memory_space<vmem>> -> memref<1x40xi32, #tpu.memory_space<vmem>>
    %dma_start3A_140 = tpu.memref_squeeze %dma_start3A_139 : memref<1x40xi32, #tpu.memory_space<vmem>> -> memref<40xi32, #tpu.memory_space<vmem>>
    %dma_start3A_141 = tpu.memref_slice %arg2[%add3A_136] : memref<640000xi32, #tpu.memory_space<hbm>> -> memref<40xi32, #tpu.memory_space<hbm>>
    %dma_start3A_142 = arith.constant 0 : i32
    %dma_start3A_143 = tpu.memref_slice %arg5[%dma_start3A_137, %dma_start3A_142] : memref<12x40xi32, #tpu.memory_space<vmem>> -> memref<1x40xi32, #tpu.memory_space<vmem>>
    %dma_start3A_144 = tpu.memref_squeeze %dma_start3A_143 : memref<1x40xi32, #tpu.memory_space<vmem>> -> memref<40xi32, #tpu.memory_space<vmem>>
    %dma_start3A_145 = tpu.memref_slice %arg2[%add3A_136] : memref<640000xi32, #tpu.memory_space<hbm>> -> memref<40xi32, #tpu.memory_space<hbm>>
    tpu.enqueue_dma source(%dma_start3A_145 : memref<40xi32, #tpu.memory_space<hbm>>) target(%dma_start3A_144 : memref<40xi32, #tpu.memory_space<vmem>>) target_semaphore(%arg10 : memref<!tpu.dma_semaphore, #tpu.memory_space<semaphore_mem>>)
    %add3A_146 = arith.constant 320000 : i32
    %add3A_147 = arith.addi %add3A_146, %mul3A_2 : i32
    %add3A_148 = arith.constant 80 : i32
    %add3A_149 = arith.addi %add3A_147, %add3A_148 : i32
    %dma_start3A_150 = arith.constant 2 : i32
    %dma_start3A_151 = arith.constant 0 : i32
    %dma_start3A_152 = tpu.memref_slice %arg6[%dma_start3A_150, %dma_start3A_151] : memref<12x40xi32, #tpu.memory_space<vmem>> -> memref<1x40xi32, #tpu.memory_space<vmem>>
    %dma_start3A_153 = tpu.memref_squeeze %dma_start3A_152 : memref<1x40xi32, #tpu.memory_space<vmem>> -> memref<40xi32, #tpu.memory_space<vmem>>
    %dma_start3A_154 = tpu.memref_slice %arg2[%add3A_149] : memref<640000xi32, #tpu.memory_space<hbm>> -> memref<40xi32, #tpu.memory_space<hbm>>
    %dma_start3A_155 = arith.constant 0 : i32
    %dma_start3A_156 = tpu.memref_slice %arg6[%dma_start3A_150, %dma_start3A_155] : memref<12x40xi32, #tpu.memory_space<vmem>> -> memref<1x40xi32, #tpu.memory_space<vmem>>
    %dma_start3A_157 = tpu.memref_squeeze %dma_start3A_156 : memref<1x40xi32, #tpu.memory_space<vmem>> -> memref<40xi32, #tpu.memory_space<vmem>>
    %dma_start3A_158 = tpu.memref_slice %arg2[%add3A_149] : memref<640000xi32, #tpu.memory_space<hbm>> -> memref<40xi32, #tpu.memory_space<hbm>>
    tpu.enqueue_dma source(%dma_start3A_158 : memref<40xi32, #tpu.memory_space<hbm>>) target(%dma_start3A_157 : memref<40xi32, #tpu.memory_space<vmem>>) target_semaphore(%arg10 : memref<!tpu.dma_semaphore, #tpu.memory_space<semaphore_mem>>)
    %add3A_159 = arith.constant 120 : i32
    %add3A_160 = arith.addi %mul3A_2, %add3A_159 : i32
    %dma_start3A_161 = arith.constant 3 : i32
    %dma_start3A_162 = arith.constant 0 : i32
    %dma_start3A_163 = tpu.memref_slice %arg5[%dma_start3A_161, %dma_start3A_162] : memref<12x40xi32, #tpu.memory_space<vmem>> -> memref<1x40xi32, #tpu.memory_space<vmem>>
    %dma_start3A_164 = tpu.memref_squeeze %dma_start3A_163 : memref<1x40xi32, #tpu.memory_space<vmem>> -> memref<40xi32, #tpu.memory_space<vmem>>
    %dma_start3A_165 = tpu.memref_slice %arg2[%add3A_160] : memref<640000xi32, #tpu.memory_space<hbm>> -> memref<40xi32, #tpu.memory_space<hbm>>
    %dma_start3A_166 = arith.constant 0 : i32
    %dma_start3A_167 = tpu.memref_slice %arg5[%dma_start3A_161, %dma_start3A_166] : memref<12x40xi32, #tpu.memory_space<vmem>> -> memref<1x40xi32, #tpu.memory_space<vmem>>
    %dma_start3A_168 = tpu.memref_squeeze %dma_start3A_167 : memref<1x40xi32, #tpu.memory_space<vmem>> -> memref<40xi32, #tpu.memory_space<vmem>>
    %dma_start3A_169 = tpu.memref_slice %arg2[%add3A_160] : memref<640000xi32, #tpu.memory_space<hbm>> -> memref<40xi32, #tpu.memory_space<hbm>>
    tpu.enqueue_dma source(%dma_start3A_169 : memref<40xi32, #tpu.memory_space<hbm>>) target(%dma_start3A_168 : memref<40xi32, #tpu.memory_space<vmem>>) target_semaphore(%arg11 : memref<!tpu.dma_semaphore, #tpu.memory_space<semaphore_mem>>)
    %add3A_170 = arith.constant 320000 : i32
    %add3A_171 = arith.addi %add3A_170, %mul3A_2 : i32
    %add3A_172 = arith.constant 120 : i32
    %add3A_173 = arith.addi %add3A_171, %add3A_172 : i32
    %dma_start3A_174 = arith.constant 3 : i32
    %dma_start3A_175 = arith.constant 0 : i32
    %dma_start3A_176 = tpu.memref_slice %arg6[%dma_start3A_174, %dma_start3A_175] : memref<12x40xi32, #tpu.memory_space<vmem>> -> memref<1x40xi32, #tpu.memory_space<vmem>>
    %dma_start3A_177 = tpu.memref_squeeze %dma_start3A_176 : memref<1x40xi32, #tpu.memory_space<vmem>> -> memref<40xi32, #tpu.memory_space<vmem>>
    %dma_start3A_178 = tpu.memref_slice %arg2[%add3A_173] : memref<640000xi32, #tpu.memory_space<hbm>> -> memref<40xi32, #tpu.memory_space<hbm>>
    %dma_start3A_179 = arith.constant 0 : i32
    %dma_start3A_180 = tpu.memref_slice %arg6[%dma_start3A_174, %dma_start3A_179] : memref<12x40xi32, #tpu.memory_space<vmem>> -> memref<1x40xi32, #tpu.memory_space<vmem>>
    %dma_start3A_181 = tpu.memref_squeeze %dma_start3A_180 : memref<1x40xi32, #tpu.memory_space<vmem>> -> memref<40xi32, #tpu.memory_space<vmem>>
    %dma_start3A_182 = tpu.memref_slice %arg2[%add3A_173] : memref<640000xi32, #tpu.memory_space<hbm>> -> memref<40xi32, #tpu.memory_space<hbm>>
    tpu.enqueue_dma source(%dma_start3A_182 : memref<40xi32, #tpu.memory_space<hbm>>) target(%dma_start3A_181 : memref<40xi32, #tpu.memory_space<vmem>>) target_semaphore(%arg11 : memref<!tpu.dma_semaphore, #tpu.memory_space<semaphore_mem>>)
    %add3A_183 = arith.constant 160 : i32
    %add3A_184 = arith.addi %mul3A_2, %add3A_183 : i32
    %dma_start3A_185 = arith.constant 4 : i32
    %dma_start3A_186 = arith.constant 0 : i32
    %dma_start3A_187 = tpu.memref_slice %arg5[%dma_start3A_185, %dma_start3A_186] : memref<12x40xi32, #tpu.memory_space<vmem>> -> memref<1x40xi32, #tpu.memory_space<vmem>>
    %dma_start3A_188 = tpu.memref_squeeze %dma_start3A_187 : memref<1x40xi32, #tpu.memory_space<vmem>> -> memref<40xi32, #tpu.memory_space<vmem>>
    %dma_start3A_189 = tpu.memref_slice %arg2[%add3A_184] : memref<640000xi32, #tpu.memory_space<hbm>> -> memref<40xi32, #tpu.memory_space<hbm>>
    %dma_start3A_190 = arith.constant 0 : i32
    %dma_start3A_191 = tpu.memref_slice %arg5[%dma_start3A_185, %dma_start3A_190] : memref<12x40xi32, #tpu.memory_space<vmem>> -> memref<1x40xi32, #tpu.memory_space<vmem>>
    %dma_start3A_192 = tpu.memref_squeeze %dma_start3A_191 : memref<1x40xi32, #tpu.memory_space<vmem>> -> memref<40xi32, #tpu.memory_space<vmem>>
    %dma_start3A_193 = tpu.memref_slice %arg2[%add3A_184] : memref<640000xi32, #tpu.memory_space<hbm>> -> memref<40xi32, #tpu.memory_space<hbm>>
    tpu.enqueue_dma source(%dma_start3A_193 : memref<40xi32, #tpu.memory_space<hbm>>) target(%dma_start3A_192 : memref<40xi32, #tpu.memory_space<vmem>>) target_semaphore(%arg12 : memref<!tpu.dma_semaphore, #tpu.memory_space<semaphore_mem>>)
    %add3A_194 = arith.constant 320000 : i32
    %add3A_195 = arith.addi %add3A_194, %mul3A_2 : i32
    %add3A_196 = arith.constant 160 : i32
    %add3A_197 = arith.addi %add3A_195, %add3A_196 : i32
    %dma_start3A_198 = arith.constant 4 : i32
    %dma_start3A_199 = arith.constant 0 : i32
    %dma_start3A_200 = tpu.memref_slice %arg6[%dma_start3A_198, %dma_start3A_199] : memref<12x40xi32, #tpu.memory_space<vmem>> -> memref<1x40xi32, #tpu.memory_space<vmem>>
    %dma_start3A_201 = tpu.memref_squeeze %dma_start3A_200 : memref<1x40xi32, #tpu.memory_space<vmem>> -> memref<40xi32, #tpu.memory_space<vmem>>
    %dma_start3A_202 = tpu.memref_slice %arg2[%add3A_197] : memref<640000xi32, #tpu.memory_space<hbm>> -> memref<40xi32, #tpu.memory_space<hbm>>
    %dma_start3A_203 = arith.constant 0 : i32
    %dma_start3A_204 = tpu.memref_slice %arg6[%dma_start3A_198, %dma_start3A_203] : memref<12x40xi32, #tpu.memory_space<vmem>> -> memref<1x40xi32, #tpu.memory_space<vmem>>
    %dma_start3A_205 = tpu.memref_squeeze %dma_start3A_204 : memref<1x40xi32, #tpu.memory_space<vmem>> -> memref<40xi32, #tpu.memory_space<vmem>>
    %dma_start3A_206 = tpu.memref_slice %arg2[%add3A_197] : memref<640000xi32, #tpu.memory_space<hbm>> -> memref<40xi32, #tpu.memory_space<hbm>>
    tpu.enqueue_dma source(%dma_start3A_206 : memref<40xi32, #tpu.memory_space<hbm>>) target(%dma_start3A_205 : memref<40xi32, #tpu.memory_space<vmem>>) target_semaphore(%arg12 : memref<!tpu.dma_semaphore, #tpu.memory_space<semaphore_mem>>)
    %add3A_207 = arith.constant 200 : i32
    %add3A_208 = arith.addi %mul3A_2, %add3A_207 : i32
    %dma_start3A_209 = arith.constant 5 : i32
    %dma_start3A_210 = arith.constant 0 : i32
    %dma_start3A_211 = tpu.memref_slice %arg5[%dma_start3A_209, %dma_start3A_210] : memref<12x40xi32, #tpu.memory_space<vmem>> -> memref<1x40xi32, #tpu.memory_space<vmem>>
    %dma_start3A_212 = tpu.memref_squeeze %dma_start3A_211 : memref<1x40xi32, #tpu.memory_space<vmem>> -> memref<40xi32, #tpu.memory_space<vmem>>
    %dma_start3A_213 = tpu.memref_slice %arg2[%add3A_208] : memref<640000xi32, #tpu.memory_space<hbm>> -> memref<40xi32, #tpu.memory_space<hbm>>
    %dma_start3A_214 = arith.constant 0 : i32
    %dma_start3A_215 = tpu.memref_slice %arg5[%dma_start3A_209, %dma_start3A_214] : memref<12x40xi32, #tpu.memory_space<vmem>> -> memref<1x40xi32, #tpu.memory_space<vmem>>
    %dma_start3A_216 = tpu.memref_squeeze %dma_start3A_215 : memref<1x40xi32, #tpu.memory_space<vmem>> -> memref<40xi32, #tpu.memory_space<vmem>>
    %dma_start3A_217 = tpu.memref_slice %arg2[%add3A_208] : memref<640000xi32, #tpu.memory_space<hbm>> -> memref<40xi32, #tpu.memory_space<hbm>>
    tpu.enqueue_dma source(%dma_start3A_217 : memref<40xi32, #tpu.memory_space<hbm>>) target(%dma_start3A_216 : memref<40xi32, #tpu.memory_space<vmem>>) target_semaphore(%arg13 : memref<!tpu.dma_semaphore, #tpu.memory_space<semaphore_mem>>)
    %add3A_218 = arith.constant 320000 : i32
    %add3A_219 = arith.addi %add3A_218, %mul3A_2 : i32
    %add3A_220 = arith.constant 200 : i32
    %add3A_221 = arith.addi %add3A_219, %add3A_220 : i32
    %dma_start3A_222 = arith.constant 5 : i32
    %dma_start3A_223 = arith.constant 0 : i32
    %dma_start3A_224 = tpu.memref_slice %arg6[%dma_start3A_222, %dma_start3A_223] : memref<12x40xi32, #tpu.memory_space<vmem>> -> memref<1x40xi32, #tpu.memory_space<vmem>>
    %dma_start3A_225 = tpu.memref_squeeze %dma_start3A_224 : memref<1x40xi32, #tpu.memory_space<vmem>> -> memref<40xi32, #tpu.memory_space<vmem>>
    %dma_start3A_226 = tpu.memref_slice %arg2[%add3A_221] : memref<640000xi32, #tpu.memory_space<hbm>> -> memref<40xi32, #tpu.memory_space<hbm>>
    %dma_start3A_227 = arith.constant 0 : i32
    %dma_start3A_228 = tpu.memref_slice %arg6[%dma_start3A_222, %dma_start3A_227] : memref<12x40xi32, #tpu.memory_space<vmem>> -> memref<1x40xi32, #tpu.memory_space<vmem>>
    %dma_start3A_229 = tpu.memref_squeeze %dma_start3A_228 : memref<1x40xi32, #tpu.memory_space<vmem>> -> memref<40xi32, #tpu.memory_space<vmem>>
    %dma_start3A_230 = tpu.memref_slice %arg2[%add3A_221] : memref<640000xi32, #tpu.memory_space<hbm>> -> memref<40xi32, #tpu.memory_space<hbm>>
    tpu.enqueue_dma source(%dma_start3A_230 : memref<40xi32, #tpu.memory_space<hbm>>) target(%dma_start3A_229 : memref<40xi32, #tpu.memory_space<vmem>>) target_semaphore(%arg13 : memref<!tpu.dma_semaphore, #tpu.memory_space<semaphore_mem>>)
    %add3A_231 = arith.constant 240 : i32
    %add3A_232 = arith.addi %mul3A_2, %add3A_231 : i32
    %dma_start3A_233 = arith.constant 6 : i32
    %dma_start3A_234 = arith.constant 0 : i32
    %dma_start3A_235 = tpu.memref_slice %arg5[%dma_start3A_233, %dma_start3A_234] : memref<12x40xi32, #tpu.memory_space<vmem>> -> memref<1x40xi32, #tpu.memory_space<vmem>>
    %dma_start3A_236 = tpu.memref_squeeze %dma_start3A_235 : memref<1x40xi32, #tpu.memory_space<vmem>> -> memref<40xi32, #tpu.memory_space<vmem>>
    %dma_start3A_237 = tpu.memref_slice %arg2[%add3A_232] : memref<640000xi32, #tpu.memory_space<hbm>> -> memref<40xi32, #tpu.memory_space<hbm>>
    %dma_start3A_238 = arith.constant 0 : i32
    %dma_start3A_239 = tpu.memref_slice %arg5[%dma_start3A_233, %dma_start3A_238] : memref<12x40xi32, #tpu.memory_space<vmem>> -> memref<1x40xi32, #tpu.memory_space<vmem>>
    %dma_start3A_240 = tpu.memref_squeeze %dma_start3A_239 : memref<1x40xi32, #tpu.memory_space<vmem>> -> memref<40xi32, #tpu.memory_space<vmem>>
    %dma_start3A_241 = tpu.memref_slice %arg2[%add3A_232] : memref<640000xi32, #tpu.memory_space<hbm>> -> memref<40xi32, #tpu.memory_space<hbm>>
    tpu.enqueue_dma source(%dma_start3A_241 : memref<40xi32, #tpu.memory_space<hbm>>) target(%dma_start3A_240 : memref<40xi32, #tpu.memory_space<vmem>>) target_semaphore(%arg14 : memref<!tpu.dma_semaphore, #tpu.memory_space<semaphore_mem>>)
    %add3A_242 = arith.constant 320000 : i32
    %add3A_243 = arith.addi %add3A_242, %mul3A_2 : i32
    %add3A_244 = arith.constant 240 : i32
    %add3A_245 = arith.addi %add3A_243, %add3A_244 : i32
    %dma_start3A_246 = arith.constant 6 : i32
    %dma_start3A_247 = arith.constant 0 : i32
    %dma_start3A_248 = tpu.memref_slice %arg6[%dma_start3A_246, %dma_start3A_247] : memref<12x40xi32, #tpu.memory_space<vmem>> -> memref<1x40xi32, #tpu.memory_space<vmem>>
    %dma_start3A_249 = tpu.memref_squeeze %dma_start3A_248 : memref<1x40xi32, #tpu.memory_space<vmem>> -> memref<40xi32, #tpu.memory_space<vmem>>
    %dma_start3A_250 = tpu.memref_slice %arg2[%add3A_245] : memref<640000xi32, #tpu.memory_space<hbm>> -> memref<40xi32, #tpu.memory_space<hbm>>
    %dma_start3A_251 = arith.constant 0 : i32
    %dma_start3A_252 = tpu.memref_slice %arg6[%dma_start3A_246, %dma_start3A_251] : memref<12x40xi32, #tpu.memory_space<vmem>> -> memref<1x40xi32, #tpu.memory_space<vmem>>
    %dma_start3A_253 = tpu.memref_squeeze %dma_start3A_252 : memref<1x40xi32, #tpu.memory_space<vmem>> -> memref<40xi32, #tpu.memory_space<vmem>>
    %dma_start3A_254 = tpu.memref_slice %arg2[%add3A_245] : memref<640000xi32, #tpu.memory_space<hbm>> -> memref<40xi32, #tpu.memory_space<hbm>>
    tpu.enqueue_dma source(%dma_start3A_254 : memref<40xi32, #tpu.memory_space<hbm>>) target(%dma_start3A_253 : memref<40xi32, #tpu.memory_space<vmem>>) target_semaphore(%arg14 : memref<!tpu.dma_semaphore, #tpu.memory_space<semaphore_mem>>)
    %add3A_255 = arith.constant 280 : i32
    %add3A_256 = arith.addi %mul3A_2, %add3A_255 : i32
    %dma_start3A_257 = arith.constant 7 : i32
    %dma_start3A_258 = arith.constant 0 : i32
    %dma_start3A_259 = tpu.memref_slice %arg5[%dma_start3A_257, %dma_start3A_258] : memref<12x40xi32, #tpu.memory_space<vmem>> -> memref<1x40xi32, #tpu.memory_space<vmem>>
    %dma_start3A_260 = tpu.memref_squeeze %dma_start3A_259 : memref<1x40xi32, #tpu.memory_space<vmem>> -> memref<40xi32, #tpu.memory_space<vmem>>
    %dma_start3A_261 = tpu.memref_slice %arg2[%add3A_256] : memref<640000xi32, #tpu.memory_space<hbm>> -> memref<40xi32, #tpu.memory_space<hbm>>
    %dma_start3A_262 = arith.constant 0 : i32
    %dma_start3A_263 = tpu.memref_slice %arg5[%dma_start3A_257, %dma_start3A_262] : memref<12x40xi32, #tpu.memory_space<vmem>> -> memref<1x40xi32, #tpu.memory_space<vmem>>
    %dma_start3A_264 = tpu.memref_squeeze %dma_start3A_263 : memref<1x40xi32, #tpu.memory_space<vmem>> -> memref<40xi32, #tpu.memory_space<vmem>>
    %dma_start3A_265 = tpu.memref_slice %arg2[%add3A_256] : memref<640000xi32, #tpu.memory_space<hbm>> -> memref<40xi32, #tpu.memory_space<hbm>>
    tpu.enqueue_dma source(%dma_start3A_265 : memref<40xi32, #tpu.memory_space<hbm>>) target(%dma_start3A_264 : memref<40xi32, #tpu.memory_space<vmem>>) target_semaphore(%arg15 : memref<!tpu.dma_semaphore, #tpu.memory_space<semaphore_mem>>)
    %add3A_266 = arith.constant 320000 : i32
    %add3A_267 = arith.addi %add3A_266, %mul3A_2 : i32
    %add3A_268 = arith.constant 280 : i32
    %add3A_269 = arith.addi %add3A_267, %add3A_268 : i32
    %dma_start3A_270 = arith.constant 7 : i32
    %dma_start3A_271 = arith.constant 0 : i32
    %dma_start3A_272 = tpu.memref_slice %arg6[%dma_start3A_270, %dma_start3A_271] : memref<12x40xi32, #tpu.memory_space<vmem>> -> memref<1x40xi32, #tpu.memory_space<vmem>>
    %dma_start3A_273 = tpu.memref_squeeze %dma_start3A_272 : memref<1x40xi32, #tpu.memory_space<vmem>> -> memref<40xi32, #tpu.memory_space<vmem>>
    %dma_start3A_274 = tpu.memref_slice %arg2[%add3A_269] : memref<640000xi32, #tpu.memory_space<hbm>> -> memref<40xi32, #tpu.memory_space<hbm>>
    %dma_start3A_275 = arith.constant 0 : i32
    %dma_start3A_276 = tpu.memref_slice %arg6[%dma_start3A_270, %dma_start3A_275] : memref<12x40xi32, #tpu.memory_space<vmem>> -> memref<1x40xi32, #tpu.memory_space<vmem>>
    %dma_start3A_277 = tpu.memref_squeeze %dma_start3A_276 : memref<1x40xi32, #tpu.memory_space<vmem>> -> memref<40xi32, #tpu.memory_space<vmem>>
    %dma_start3A_278 = tpu.memref_slice %arg2[%add3A_269] : memref<640000xi32, #tpu.memory_space<hbm>> -> memref<40xi32, #tpu.memory_space<hbm>>
    tpu.enqueue_dma source(%dma_start3A_278 : memref<40xi32, #tpu.memory_space<hbm>>) target(%dma_start3A_277 : memref<40xi32, #tpu.memory_space<vmem>>) target_semaphore(%arg15 : memref<!tpu.dma_semaphore, #tpu.memory_space<semaphore_mem>>)
    %add3A_279 = arith.constant 0 : i32
    %add3A_280 = arith.addi %mul3A_2, %add3A_279 : i32
    %dma_wait3A = arith.constant 0 : i32
    %dma_wait3A_281 = arith.constant 0 : i32
    %dma_wait3A_282 = tpu.memref_slice %arg5[%dma_wait3A, %dma_wait3A_281] : memref<12x40xi32, #tpu.memory_space<vmem>> -> memref<1x40xi32, #tpu.memory_space<vmem>>
    %dma_wait3A_283 = tpu.memref_squeeze %dma_wait3A_282 : memref<1x40xi32, #tpu.memory_space<vmem>> -> memref<40xi32, #tpu.memory_space<vmem>>
    %dma_wait3A_284 = tpu.memref_slice %arg2[%add3A_280] : memref<640000xi32, #tpu.memory_space<hbm>> -> memref<40xi32, #tpu.memory_space<hbm>>
    %dma_wait3A_285 = arith.constant 0 : i32
    %dma_wait3A_286 = tpu.memref_slice %arg5[%dma_wait3A, %dma_wait3A_285] : memref<12x40xi32, #tpu.memory_space<vmem>> -> memref<1x40xi32, #tpu.memory_space<vmem>>
    %dma_wait3A_287 = tpu.memref_squeeze %dma_wait3A_286 : memref<1x40xi32, #tpu.memory_space<vmem>> -> memref<40xi32, #tpu.memory_space<vmem>>
    %dma_wait3A_288 = tpu.memref_slice %arg2[%add3A_280] : memref<640000xi32, #tpu.memory_space<hbm>> -> memref<40xi32, #tpu.memory_space<hbm>>
    tpu.wait_dma2 semaphore(%arg8 : memref<!tpu.dma_semaphore, #tpu.memory_space<semaphore_mem>>) src(%dma_wait3A_288 : memref<40xi32, #tpu.memory_space<hbm>>) dst(%dma_wait3A_287 : memref<40xi32, #tpu.memory_space<vmem>>)
    %add3A_289 = arith.constant 320000 : i32
    %add3A_290 = arith.addi %add3A_289, %mul3A_2 : i32
    %add3A_291 = arith.constant 0 : i32
    %add3A_292 = arith.addi %add3A_290, %add3A_291 : i32
    %dma_wait3A_293 = arith.constant 0 : i32
    %dma_wait3A_294 = arith.constant 0 : i32
    %dma_wait3A_295 = tpu.memref_slice %arg6[%dma_wait3A_293, %dma_wait3A_294] : memref<12x40xi32, #tpu.memory_space<vmem>> -> memref<1x40xi32, #tpu.memory_space<vmem>>
    %dma_wait3A_296 = tpu.memref_squeeze %dma_wait3A_295 : memref<1x40xi32, #tpu.memory_space<vmem>> -> memref<40xi32, #tpu.memory_space<vmem>>
    %dma_wait3A_297 = tpu.memref_slice %arg2[%add3A_292] : memref<640000xi32, #tpu.memory_space<hbm>> -> memref<40xi32, #tpu.memory_space<hbm>>
    %dma_wait3A_298 = arith.constant 0 : i32
    %dma_wait3A_299 = tpu.memref_slice %arg6[%dma_wait3A_293, %dma_wait3A_298] : memref<12x40xi32, #tpu.memory_space<vmem>> -> memref<1x40xi32, #tpu.memory_space<vmem>>
    %dma_wait3A_300 = tpu.memref_squeeze %dma_wait3A_299 : memref<1x40xi32, #tpu.memory_space<vmem>> -> memref<40xi32, #tpu.memory_space<vmem>>
    %dma_wait3A_301 = tpu.memref_slice %arg2[%add3A_292] : memref<640000xi32, #tpu.memory_space<hbm>> -> memref<40xi32, #tpu.memory_space<hbm>>
    tpu.wait_dma2 semaphore(%arg8 : memref<!tpu.dma_semaphore, #tpu.memory_space<semaphore_mem>>) src(%dma_wait3A_301 : memref<40xi32, #tpu.memory_space<hbm>>) dst(%dma_wait3A_300 : memref<40xi32, #tpu.memory_space<vmem>>)
    %dma_start3A_302 = arith.constant 0 : i32
    %dma_start3A_303 = arith.constant 0 : i32
    %dma_start3A_304 = arith.constant 0 : i32
    %dma_start3A_305 = arith.constant 0 : i32
    %dma_start3A_306 = tpu.memref_slice %arg7[%dma_start3A_303, %dma_start3A_304, %dma_start3A_305] : memref<6x40x128xf32, #tpu.memory_space<vmem>> -> memref<1x40x128xf32, #tpu.memory_space<vmem>>
    %dma_start3A_307 = tpu.memref_squeeze %dma_start3A_306 : memref<1x40x128xf32, #tpu.memory_space<vmem>> -> memref<40x128xf32, #tpu.memory_space<vmem>>
    %dma_start3A_308 = arith.constant 0 : i32
    %dma_start3A_309 = tpu.memref_slice %arg5[%dma_start3A_302, %dma_start3A_308] : memref<12x40xi32, #tpu.memory_space<vmem>> -> memref<1x40xi32, #tpu.memory_space<vmem>>
    %dma_start3A_310 = tpu.memref_squeeze %dma_start3A_309 : memref<1x40xi32, #tpu.memory_space<vmem>> -> memref<40xi32, #tpu.memory_space<vmem>>
    %dma_start3A_311 = arith.constant 0 : i32
    %dma_start3A_312 = arith.constant 0 : i32
    %dma_start3A_313 = tpu.memref_slice %arg3[%dma_start3A_311, %dma_start3A_312] : memref<10000x128xf32, #tpu.memory_space<hbm>> -> memref<10000x128xf32, #tpu.memory_space<hbm>>
    tpu.enqueue_indirect_dma source(%dma_start3A_313 : memref<10000x128xf32, #tpu.memory_space<hbm>>) target(%dma_start3A_307 : memref<40x128xf32, #tpu.memory_space<vmem>>) offsets(%dma_start3A_310 : memref<40xi32, #tpu.memory_space<vmem>>) semaphore(%arg20 : memref<!tpu.dma_semaphore, #tpu.memory_space<semaphore_mem>>)
    %add3A_314 = arith.constant 40 : i32
    %add3A_315 = arith.addi %mul3A_2, %add3A_314 : i32
    %dma_wait3A_316 = arith.constant 1 : i32
    %dma_wait3A_317 = arith.constant 0 : i32
    %dma_wait3A_318 = tpu.memref_slice %arg5[%dma_wait3A_316, %dma_wait3A_317] : memref<12x40xi32, #tpu.memory_space<vmem>> -> memref<1x40xi32, #tpu.memory_space<vmem>>
    %dma_wait3A_319 = tpu.memref_squeeze %dma_wait3A_318 : memref<1x40xi32, #tpu.memory_space<vmem>> -> memref<40xi32, #tpu.memory_space<vmem>>
    %dma_wait3A_320 = tpu.memref_slice %arg2[%add3A_315] : memref<640000xi32, #tpu.memory_space<hbm>> -> memref<40xi32, #tpu.memory_space<hbm>>
    %dma_wait3A_321 = arith.constant 0 : i32
    %dma_wait3A_322 = tpu.memref_slice %arg5[%dma_wait3A_316, %dma_wait3A_321] : memref<12x40xi32, #tpu.memory_space<vmem>> -> memref<1x40xi32, #tpu.memory_space<vmem>>
    %dma_wait3A_323 = tpu.memref_squeeze %dma_wait3A_322 : memref<1x40xi32, #tpu.memory_space<vmem>> -> memref<40xi32, #tpu.memory_space<vmem>>
    %dma_wait3A_324 = tpu.memref_slice %arg2[%add3A_315] : memref<640000xi32, #tpu.memory_space<hbm>> -> memref<40xi32, #tpu.memory_space<hbm>>
    tpu.wait_dma2 semaphore(%arg9 : memref<!tpu.dma_semaphore, #tpu.memory_space<semaphore_mem>>) src(%dma_wait3A_324 : memref<40xi32, #tpu.memory_space<hbm>>) dst(%dma_wait3A_323 : memref<40xi32, #tpu.memory_space<vmem>>)
    %add3A_325 = arith.constant 320000 : i32
    %add3A_326 = arith.addi %add3A_325, %mul3A_2 : i32
    %add3A_327 = arith.constant 40 : i32
    %add3A_328 = arith.addi %add3A_326, %add3A_327 : i32
    %dma_wait3A_329 = arith.constant 1 : i32
    %dma_wait3A_330 = arith.constant 0 : i32
    %dma_wait3A_331 = tpu.memref_slice %arg6[%dma_wait3A_329, %dma_wait3A_330] : memref<12x40xi32, #tpu.memory_space<vmem>> -> memref<1x40xi32, #tpu.memory_space<vmem>>
    %dma_wait3A_332 = tpu.memref_squeeze %dma_wait3A_331 : memref<1x40xi32, #tpu.memory_space<vmem>> -> memref<40xi32, #tpu.memory_space<vmem>>
    %dma_wait3A_333 = tpu.memref_slice %arg2[%add3A_328] : memref<640000xi32, #tpu.memory_space<hbm>> -> memref<40xi32, #tpu.memory_space<hbm>>
    %dma_wait3A_334 = arith.constant 0 : i32
    %dma_wait3A_335 = tpu.memref_slice %arg6[%dma_wait3A_329, %dma_wait3A_334] : memref<12x40xi32, #tpu.memory_space<vmem>> -> memref<1x40xi32, #tpu.memory_space<vmem>>
    %dma_wait3A_336 = tpu.memref_squeeze %dma_wait3A_335 : memref<1x40xi32, #tpu.memory_space<vmem>> -> memref<40xi32, #tpu.memory_space<vmem>>
    %dma_wait3A_337 = tpu.memref_slice %arg2[%add3A_328] : memref<640000xi32, #tpu.memory_space<hbm>> -> memref<40xi32, #tpu.memory_space<hbm>>
    tpu.wait_dma2 semaphore(%arg9 : memref<!tpu.dma_semaphore, #tpu.memory_space<semaphore_mem>>) src(%dma_wait3A_337 : memref<40xi32, #tpu.memory_space<hbm>>) dst(%dma_wait3A_336 : memref<40xi32, #tpu.memory_space<vmem>>)
    %dma_start3A_338 = arith.constant 1 : i32
    %dma_start3A_339 = arith.constant 1 : i32
    %dma_start3A_340 = arith.constant 0 : i32
    %dma_start3A_341 = arith.constant 0 : i32
    %dma_start3A_342 = tpu.memref_slice %arg7[%dma_start3A_339, %dma_start3A_340, %dma_start3A_341] : memref<6x40x128xf32, #tpu.memory_space<vmem>> -> memref<1x40x128xf32, #tpu.memory_space<vmem>>
    %dma_start3A_343 = tpu.memref_squeeze %dma_start3A_342 : memref<1x40x128xf32, #tpu.memory_space<vmem>> -> memref<40x128xf32, #tpu.memory_space<vmem>>
    %dma_start3A_344 = arith.constant 0 : i32
    %dma_start3A_345 = tpu.memref_slice %arg5[%dma_start3A_338, %dma_start3A_344] : memref<12x40xi32, #tpu.memory_space<vmem>> -> memref<1x40xi32, #tpu.memory_space<vmem>>
    %dma_start3A_346 = tpu.memref_squeeze %dma_start3A_345 : memref<1x40xi32, #tpu.memory_space<vmem>> -> memref<40xi32, #tpu.memory_space<vmem>>
    %dma_start3A_347 = arith.constant 0 : i32
    %dma_start3A_348 = arith.constant 0 : i32
    %dma_start3A_349 = tpu.memref_slice %arg3[%dma_start3A_347, %dma_start3A_348] : memref<10000x128xf32, #tpu.memory_space<hbm>> -> memref<10000x128xf32, #tpu.memory_space<hbm>>
    tpu.enqueue_indirect_dma source(%dma_start3A_349 : memref<10000x128xf32, #tpu.memory_space<hbm>>) target(%dma_start3A_343 : memref<40x128xf32, #tpu.memory_space<vmem>>) offsets(%dma_start3A_346 : memref<40xi32, #tpu.memory_space<vmem>>) semaphore(%arg21 : memref<!tpu.dma_semaphore, #tpu.memory_space<semaphore_mem>>)
    %add3A_350 = arith.constant 80 : i32
    %add3A_351 = arith.addi %mul3A_2, %add3A_350 : i32
    %dma_wait3A_352 = arith.constant 2 : i32
    %dma_wait3A_353 = arith.constant 0 : i32
    %dma_wait3A_354 = tpu.memref_slice %arg5[%dma_wait3A_352, %dma_wait3A_353] : memref<12x40xi32, #tpu.memory_space<vmem>> -> memref<1x40xi32, #tpu.memory_space<vmem>>
    %dma_wait3A_355 = tpu.memref_squeeze %dma_wait3A_354 : memref<1x40xi32, #tpu.memory_space<vmem>> -> memref<40xi32, #tpu.memory_space<vmem>>
    %dma_wait3A_356 = tpu.memref_slice %arg2[%add3A_351] : memref<640000xi32, #tpu.memory_space<hbm>> -> memref<40xi32, #tpu.memory_space<hbm>>
    %dma_wait3A_357 = arith.constant 0 : i32
    %dma_wait3A_358 = tpu.memref_slice %arg5[%dma_wait3A_352, %dma_wait3A_357] : memref<12x40xi32, #tpu.memory_space<vmem>> -> memref<1x40xi32, #tpu.memory_space<vmem>>
    %dma_wait3A_359 = tpu.memref_squeeze %dma_wait3A_358 : memref<1x40xi32, #tpu.memory_space<vmem>> -> memref<40xi32, #tpu.memory_space<vmem>>
    %dma_wait3A_360 = tpu.memref_slice %arg2[%add3A_351] : memref<640000xi32, #tpu.memory_space<hbm>> -> memref<40xi32, #tpu.memory_space<hbm>>
    tpu.wait_dma2 semaphore(%arg10 : memref<!tpu.dma_semaphore, #tpu.memory_space<semaphore_mem>>) src(%dma_wait3A_360 : memref<40xi32, #tpu.memory_space<hbm>>) dst(%dma_wait3A_359 : memref<40xi32, #tpu.memory_space<vmem>>)
    %add3A_361 = arith.constant 320000 : i32
    %add3A_362 = arith.addi %add3A_361, %mul3A_2 : i32
    %add3A_363 = arith.constant 80 : i32
    %add3A_364 = arith.addi %add3A_362, %add3A_363 : i32
    %dma_wait3A_365 = arith.constant 2 : i32
    %dma_wait3A_366 = arith.constant 0 : i32
    %dma_wait3A_367 = tpu.memref_slice %arg6[%dma_wait3A_365, %dma_wait3A_366] : memref<12x40xi32, #tpu.memory_space<vmem>> -> memref<1x40xi32, #tpu.memory_space<vmem>>
    %dma_wait3A_368 = tpu.memref_squeeze %dma_wait3A_367 : memref<1x40xi32, #tpu.memory_space<vmem>> -> memref<40xi32, #tpu.memory_space<vmem>>
    %dma_wait3A_369 = tpu.memref_slice %arg2[%add3A_364] : memref<640000xi32, #tpu.memory_space<hbm>> -> memref<40xi32, #tpu.memory_space<hbm>>
    %dma_wait3A_370 = arith.constant 0 : i32
    %dma_wait3A_371 = tpu.memref_slice %arg6[%dma_wait3A_365, %dma_wait3A_370] : memref<12x40xi32, #tpu.memory_space<vmem>> -> memref<1x40xi32, #tpu.memory_space<vmem>>
    %dma_wait3A_372 = tpu.memref_squeeze %dma_wait3A_371 : memref<1x40xi32, #tpu.memory_space<vmem>> -> memref<40xi32, #tpu.memory_space<vmem>>
    %dma_wait3A_373 = tpu.memref_slice %arg2[%add3A_364] : memref<640000xi32, #tpu.memory_space<hbm>> -> memref<40xi32, #tpu.memory_space<hbm>>
    tpu.wait_dma2 semaphore(%arg10 : memref<!tpu.dma_semaphore, #tpu.memory_space<semaphore_mem>>) src(%dma_wait3A_373 : memref<40xi32, #tpu.memory_space<hbm>>) dst(%dma_wait3A_372 : memref<40xi32, #tpu.memory_space<vmem>>)
    %dma_start3A_374 = arith.constant 2 : i32
    %dma_start3A_375 = arith.constant 2 : i32
    %dma_start3A_376 = arith.constant 0 : i32
    %dma_start3A_377 = arith.constant 0 : i32
    %dma_start3A_378 = tpu.memref_slice %arg7[%dma_start3A_375, %dma_start3A_376, %dma_start3A_377] : memref<6x40x128xf32, #tpu.memory_space<vmem>> -> memref<1x40x128xf32, #tpu.memory_space<vmem>>
    %dma_start3A_379 = tpu.memref_squeeze %dma_start3A_378 : memref<1x40x128xf32, #tpu.memory_space<vmem>> -> memref<40x128xf32, #tpu.memory_space<vmem>>
    %dma_start3A_380 = arith.constant 0 : i32
    %dma_start3A_381 = tpu.memref_slice %arg5[%dma_start3A_374, %dma_start3A_380] : memref<12x40xi32, #tpu.memory_space<vmem>> -> memref<1x40xi32, #tpu.memory_space<vmem>>
    %dma_start3A_382 = tpu.memref_squeeze %dma_start3A_381 : memref<1x40xi32, #tpu.memory_space<vmem>> -> memref<40xi32, #tpu.memory_space<vmem>>
    %dma_start3A_383 = arith.constant 0 : i32
    %dma_start3A_384 = arith.constant 0 : i32
    %dma_start3A_385 = tpu.memref_slice %arg3[%dma_start3A_383, %dma_start3A_384] : memref<10000x128xf32, #tpu.memory_space<hbm>> -> memref<10000x128xf32, #tpu.memory_space<hbm>>
    tpu.enqueue_indirect_dma source(%dma_start3A_385 : memref<10000x128xf32, #tpu.memory_space<hbm>>) target(%dma_start3A_379 : memref<40x128xf32, #tpu.memory_space<vmem>>) offsets(%dma_start3A_382 : memref<40xi32, #tpu.memory_space<vmem>>) semaphore(%arg22 : memref<!tpu.dma_semaphore, #tpu.memory_space<semaphore_mem>>)
    %add3A_386 = arith.constant 120 : i32
    %add3A_387 = arith.addi %mul3A_2, %add3A_386 : i32
    %dma_wait3A_388 = arith.constant 3 : i32
    %dma_wait3A_389 = arith.constant 0 : i32
    %dma_wait3A_390 = tpu.memref_slice %arg5[%dma_wait3A_388, %dma_wait3A_389] : memref<12x40xi32, #tpu.memory_space<vmem>> -> memref<1x40xi32, #tpu.memory_space<vmem>>
    %dma_wait3A_391 = tpu.memref_squeeze %dma_wait3A_390 : memref<1x40xi32, #tpu.memory_space<vmem>> -> memref<40xi32, #tpu.memory_space<vmem>>
    %dma_wait3A_392 = tpu.memref_slice %arg2[%add3A_387] : memref<640000xi32, #tpu.memory_space<hbm>> -> memref<40xi32, #tpu.memory_space<hbm>>
    %dma_wait3A_393 = arith.constant 0 : i32
    %dma_wait3A_394 = tpu.memref_slice %arg5[%dma_wait3A_388, %dma_wait3A_393] : memref<12x40xi32, #tpu.memory_space<vmem>> -> memref<1x40xi32, #tpu.memory_space<vmem>>
    %dma_wait3A_395 = tpu.memref_squeeze %dma_wait3A_394 : memref<1x40xi32, #tpu.memory_space<vmem>> -> memref<40xi32, #tpu.memory_space<vmem>>
    %dma_wait3A_396 = tpu.memref_slice %arg2[%add3A_387] : memref<640000xi32, #tpu.memory_space<hbm>> -> memref<40xi32, #tpu.memory_space<hbm>>
    tpu.wait_dma2 semaphore(%arg11 : memref<!tpu.dma_semaphore, #tpu.memory_space<semaphore_mem>>) src(%dma_wait3A_396 : memref<40xi32, #tpu.memory_space<hbm>>) dst(%dma_wait3A_395 : memref<40xi32, #tpu.memory_space<vmem>>)
    %add3A_397 = arith.constant 320000 : i32
    %add3A_398 = arith.addi %add3A_397, %mul3A_2 : i32
    %add3A_399 = arith.constant 120 : i32
    %add3A_400 = arith.addi %add3A_398, %add3A_399 : i32
    %dma_wait3A_401 = arith.constant 3 : i32
    %dma_wait3A_402 = arith.constant 0 : i32
    %dma_wait3A_403 = tpu.memref_slice %arg6[%dma_wait3A_401, %dma_wait3A_402] : memref<12x40xi32, #tpu.memory_space<vmem>> -> memref<1x40xi32, #tpu.memory_space<vmem>>
    %dma_wait3A_404 = tpu.memref_squeeze %dma_wait3A_403 : memref<1x40xi32, #tpu.memory_space<vmem>> -> memref<40xi32, #tpu.memory_space<vmem>>
    %dma_wait3A_405 = tpu.memref_slice %arg2[%add3A_400] : memref<640000xi32, #tpu.memory_space<hbm>> -> memref<40xi32, #tpu.memory_space<hbm>>
    %dma_wait3A_406 = arith.constant 0 : i32
    %dma_wait3A_407 = tpu.memref_slice %arg6[%dma_wait3A_401, %dma_wait3A_406] : memref<12x40xi32, #tpu.memory_space<vmem>> -> memref<1x40xi32, #tpu.memory_space<vmem>>
    %dma_wait3A_408 = tpu.memref_squeeze %dma_wait3A_407 : memref<1x40xi32, #tpu.memory_space<vmem>> -> memref<40xi32, #tpu.memory_space<vmem>>
    %dma_wait3A_409 = tpu.memref_slice %arg2[%add3A_400] : memref<640000xi32, #tpu.memory_space<hbm>> -> memref<40xi32, #tpu.memory_space<hbm>>
    tpu.wait_dma2 semaphore(%arg11 : memref<!tpu.dma_semaphore, #tpu.memory_space<semaphore_mem>>) src(%dma_wait3A_409 : memref<40xi32, #tpu.memory_space<hbm>>) dst(%dma_wait3A_408 : memref<40xi32, #tpu.memory_space<vmem>>)
    %dma_start3A_410 = arith.constant 3 : i32
    %dma_start3A_411 = arith.constant 3 : i32
    %dma_start3A_412 = arith.constant 0 : i32
    %dma_start3A_413 = arith.constant 0 : i32
    %dma_start3A_414 = tpu.memref_slice %arg7[%dma_start3A_411, %dma_start3A_412, %dma_start3A_413] : memref<6x40x128xf32, #tpu.memory_space<vmem>> -> memref<1x40x128xf32, #tpu.memory_space<vmem>>
    %dma_start3A_415 = tpu.memref_squeeze %dma_start3A_414 : memref<1x40x128xf32, #tpu.memory_space<vmem>> -> memref<40x128xf32, #tpu.memory_space<vmem>>
    %dma_start3A_416 = arith.constant 0 : i32
    %dma_start3A_417 = tpu.memref_slice %arg5[%dma_start3A_410, %dma_start3A_416] : memref<12x40xi32, #tpu.memory_space<vmem>> -> memref<1x40xi32, #tpu.memory_space<vmem>>
    %dma_start3A_418 = tpu.memref_squeeze %dma_start3A_417 : memref<1x40xi32, #tpu.memory_space<vmem>> -> memref<40xi32, #tpu.memory_space<vmem>>
    %dma_start3A_419 = arith.constant 0 : i32
    %dma_start3A_420 = arith.constant 0 : i32
    %dma_start3A_421 = tpu.memref_slice %arg3[%dma_start3A_419, %dma_start3A_420] : memref<10000x128xf32, #tpu.memory_space<hbm>> -> memref<10000x128xf32, #tpu.memory_space<hbm>>
    tpu.enqueue_indirect_dma source(%dma_start3A_421 : memref<10000x128xf32, #tpu.memory_space<hbm>>) target(%dma_start3A_415 : memref<40x128xf32, #tpu.memory_space<vmem>>) offsets(%dma_start3A_418 : memref<40xi32, #tpu.memory_space<vmem>>) semaphore(%arg23 : memref<!tpu.dma_semaphore, #tpu.memory_space<semaphore_mem>>)
    %add3A_422 = arith.constant 160 : i32
    %add3A_423 = arith.addi %mul3A_2, %add3A_422 : i32
    %dma_wait3A_424 = arith.constant 4 : i32
    %dma_wait3A_425 = arith.constant 0 : i32
    %dma_wait3A_426 = tpu.memref_slice %arg5[%dma_wait3A_424, %dma_wait3A_425] : memref<12x40xi32, #tpu.memory_space<vmem>> -> memref<1x40xi32, #tpu.memory_space<vmem>>
    %dma_wait3A_427 = tpu.memref_squeeze %dma_wait3A_426 : memref<1x40xi32, #tpu.memory_space<vmem>> -> memref<40xi32, #tpu.memory_space<vmem>>
    %dma_wait3A_428 = tpu.memref_slice %arg2[%add3A_423] : memref<640000xi32, #tpu.memory_space<hbm>> -> memref<40xi32, #tpu.memory_space<hbm>>
    %dma_wait3A_429 = arith.constant 0 : i32
    %dma_wait3A_430 = tpu.memref_slice %arg5[%dma_wait3A_424, %dma_wait3A_429] : memref<12x40xi32, #tpu.memory_space<vmem>> -> memref<1x40xi32, #tpu.memory_space<vmem>>
    %dma_wait3A_431 = tpu.memref_squeeze %dma_wait3A_430 : memref<1x40xi32, #tpu.memory_space<vmem>> -> memref<40xi32, #tpu.memory_space<vmem>>
    %dma_wait3A_432 = tpu.memref_slice %arg2[%add3A_423] : memref<640000xi32, #tpu.memory_space<hbm>> -> memref<40xi32, #tpu.memory_space<hbm>>
    tpu.wait_dma2 semaphore(%arg12 : memref<!tpu.dma_semaphore, #tpu.memory_space<semaphore_mem>>) src(%dma_wait3A_432 : memref<40xi32, #tpu.memory_space<hbm>>) dst(%dma_wait3A_431 : memref<40xi32, #tpu.memory_space<vmem>>)
    %add3A_433 = arith.constant 320000 : i32
    %add3A_434 = arith.addi %add3A_433, %mul3A_2 : i32
    %add3A_435 = arith.constant 160 : i32
    %add3A_436 = arith.addi %add3A_434, %add3A_435 : i32
    %dma_wait3A_437 = arith.constant 4 : i32
    %dma_wait3A_438 = arith.constant 0 : i32
    %dma_wait3A_439 = tpu.memref_slice %arg6[%dma_wait3A_437, %dma_wait3A_438] : memref<12x40xi32, #tpu.memory_space<vmem>> -> memref<1x40xi32, #tpu.memory_space<vmem>>
    %dma_wait3A_440 = tpu.memref_squeeze %dma_wait3A_439 : memref<1x40xi32, #tpu.memory_space<vmem>> -> memref<40xi32, #tpu.memory_space<vmem>>
    %dma_wait3A_441 = tpu.memref_slice %arg2[%add3A_436] : memref<640000xi32, #tpu.memory_space<hbm>> -> memref<40xi32, #tpu.memory_space<hbm>>
    %dma_wait3A_442 = arith.constant 0 : i32
    %dma_wait3A_443 = tpu.memref_slice %arg6[%dma_wait3A_437, %dma_wait3A_442] : memref<12x40xi32, #tpu.memory_space<vmem>> -> memref<1x40xi32, #tpu.memory_space<vmem>>
    %dma_wait3A_444 = tpu.memref_squeeze %dma_wait3A_443 : memref<1x40xi32, #tpu.memory_space<vmem>> -> memref<40xi32, #tpu.memory_space<vmem>>
    %dma_wait3A_445 = tpu.memref_slice %arg2[%add3A_436] : memref<640000xi32, #tpu.memory_space<hbm>> -> memref<40xi32, #tpu.memory_space<hbm>>
    tpu.wait_dma2 semaphore(%arg12 : memref<!tpu.dma_semaphore, #tpu.memory_space<semaphore_mem>>) src(%dma_wait3A_445 : memref<40xi32, #tpu.memory_space<hbm>>) dst(%dma_wait3A_444 : memref<40xi32, #tpu.memory_space<vmem>>)
    %dma_start3A_446 = arith.constant 4 : i32
    %dma_start3A_447 = arith.constant 4 : i32
    %dma_start3A_448 = arith.constant 0 : i32
    %dma_start3A_449 = arith.constant 0 : i32
    %dma_start3A_450 = tpu.memref_slice %arg7[%dma_start3A_447, %dma_start3A_448, %dma_start3A_449] : memref<6x40x128xf32, #tpu.memory_space<vmem>> -> memref<1x40x128xf32, #tpu.memory_space<vmem>>
    %dma_start3A_451 = tpu.memref_squeeze %dma_start3A_450 : memref<1x40x128xf32, #tpu.memory_space<vmem>> -> memref<40x128xf32, #tpu.memory_space<vmem>>
    %dma_start3A_452 = arith.constant 0 : i32
    %dma_start3A_453 = tpu.memref_slice %arg5[%dma_start3A_446, %dma_start3A_452] : memref<12x40xi32, #tpu.memory_space<vmem>> -> memref<1x40xi32, #tpu.memory_space<vmem>>
    %dma_start3A_454 = tpu.memref_squeeze %dma_start3A_453 : memref<1x40xi32, #tpu.memory_space<vmem>> -> memref<40xi32, #tpu.memory_space<vmem>>
    %dma_start3A_455 = arith.constant 0 : i32
    %dma_start3A_456 = arith.constant 0 : i32
    %dma_start3A_457 = tpu.memref_slice %arg3[%dma_start3A_455, %dma_start3A_456] : memref<10000x128xf32, #tpu.memory_space<hbm>> -> memref<10000x128xf32, #tpu.memory_space<hbm>>
    tpu.enqueue_indirect_dma source(%dma_start3A_457 : memref<10000x128xf32, #tpu.memory_space<hbm>>) target(%dma_start3A_451 : memref<40x128xf32, #tpu.memory_space<vmem>>) offsets(%dma_start3A_454 : memref<40xi32, #tpu.memory_space<vmem>>) semaphore(%arg24 : memref<!tpu.dma_semaphore, #tpu.memory_space<semaphore_mem>>)
    %scan3A_458 = arith.constant 0 : i32
    %scan3A_459 = arith.constant 0 : i32
    %scan3A_460 = arith.constant 43 : i32
    %scan3A_461 = arith.addi %scan3A_459, %scan3A_460 : i32
    %scan3A_462 = arith.constant 1 : i32
    %scan3A_463 = scf.for %scan3A_470 = %scan3A_459 to %scan3A_461 step %scan3A_462 iter_args(%scan3A_471 = %scan3A_458) -> (i32)  : i32 {
      %mul3A_472 = arith.constant 12 : i32
      %mul3A_473 = arith.muli %scan3A_470, %mul3A_472 : i32
      %add3A_474 = arith.constant 0 : i32
      %add3A_475 = arith.addi %mul3A_473, %add3A_474 : i32
      %lt3A = arith.constant 500 : i32
      %lt3A_476 = arith.cmpi slt, %add3A_475, %lt3A : i32
      %convert_element_type3A = arith.extui %lt3A_476 : i1 to i32
      %cond3A = arith.constant 0 : i32
      %cond3A_477 = arith.cmpi ne, %convert_element_type3A, %cond3A : i32
      scf.if %cond3A_477 {
        %dma_wait3A_840 = arith.constant 0 : i32
        %dma_wait3A_841 = arith.constant 0 : i32
        %dma_wait3A_842 = arith.constant 0 : i32
        %dma_wait3A_843 = arith.constant 0 : i32
        %dma_wait3A_844 = tpu.memref_slice %arg7[%dma_wait3A_841, %dma_wait3A_842, %dma_wait3A_843] : memref<6x40x128xf32, #tpu.memory_space<vmem>> -> memref<1x40x128xf32, #tpu.memory_space<vmem>>
        %dma_wait3A_845 = tpu.memref_squeeze %dma_wait3A_844 : memref<1x40x128xf32, #tpu.memory_space<vmem>> -> memref<40x128xf32, #tpu.memory_space<vmem>>
        %dma_wait3A_846 = arith.constant 0 : i32
        %dma_wait3A_847 = tpu.memref_slice %arg5[%dma_wait3A_840, %dma_wait3A_846] : memref<12x40xi32, #tpu.memory_space<vmem>> -> memref<1x40xi32, #tpu.memory_space<vmem>>
        %dma_wait3A_848 = tpu.memref_squeeze %dma_wait3A_847 : memref<1x40xi32, #tpu.memory_space<vmem>> -> memref<40xi32, #tpu.memory_space<vmem>>
        %dma_wait3A_849 = arith.constant 0 : i32
        %dma_wait3A_850 = arith.constant 0 : i32
        %dma_wait3A_851 = tpu.memref_slice %arg3[%dma_wait3A_849, %dma_wait3A_850] : memref<10000x128xf32, #tpu.memory_space<hbm>> -> memref<10000x128xf32, #tpu.memory_space<hbm>>
        tpu.wait_indirect_dma semaphore(%arg20 : memref<!tpu.dma_semaphore, #tpu.memory_space<semaphore_mem>>) src(%dma_wait3A_851 : memref<10000x128xf32, #tpu.memory_space<hbm>>) dst(%dma_wait3A_845 : memref<40x128xf32, #tpu.memory_space<vmem>>)
        %dma_start3A_852 = arith.constant 0 : i32
        %dma_start3A_853 = arith.constant 0 : i32
        %dma_start3A_854 = arith.constant 0 : i32
        %dma_start3A_855 = arith.constant 0 : i32
        %dma_start3A_856 = tpu.memref_slice %arg7[%dma_start3A_852, %dma_start3A_854, %dma_start3A_855] : memref<6x40x128xf32, #tpu.memory_space<vmem>> -> memref<1x40x128xf32, #tpu.memory_space<vmem>>
        %dma_start3A_857 = tpu.memref_squeeze %dma_start3A_856 : memref<1x40x128xf32, #tpu.memory_space<vmem>> -> memref<40x128xf32, #tpu.memory_space<vmem>>
        %dma_start3A_858 = arith.constant 0 : i32
        %dma_start3A_859 = tpu.memref_slice %arg6[%dma_start3A_853, %dma_start3A_858] : memref<12x40xi32, #tpu.memory_space<vmem>> -> memref<1x40xi32, #tpu.memory_space<vmem>>
        %dma_start3A_860 = tpu.memref_squeeze %dma_start3A_859 : memref<1x40xi32, #tpu.memory_space<vmem>> -> memref<40xi32, #tpu.memory_space<vmem>>
        %dma_start3A_861 = arith.constant 0 : i32
        %dma_start3A_862 = arith.constant 0 : i32
        %dma_start3A_863 = tpu.memref_slice %arg32[%dma_start3A_861, %dma_start3A_862] : memref<10240x128xf32, #tpu.memory_space<vmem_shared>> -> memref<10240x128xf32, #tpu.memory_space<vmem_shared>>
        tpu.enqueue_indirect_dma source(%dma_start3A_857 : memref<40x128xf32, #tpu.memory_space<vmem>>) target(%dma_start3A_863 : memref<10240x128xf32, #tpu.memory_space<vmem_shared>>) offsets(%dma_start3A_860 : memref<40xi32, #tpu.memory_space<vmem>>) semaphore(%arg26 : memref<!tpu.dma_semaphore, #tpu.memory_space<semaphore_mem>>) {add = true}
      } else {
      }
      %ge3A = arith.constant 1 : i32
      %ge3A_478 = arith.cmpi sge, %add3A_475, %ge3A : i32
      %lt3A_479 = arith.constant 501 : i32
      %lt3A_480 = arith.cmpi slt, %add3A_475, %lt3A_479 : i32
      %and3A = arith.andi %ge3A_478, %lt3A_480 : i1
      %convert_element_type3A_481 = arith.extui %and3A : i1 to i32
      %cond3A_482 = arith.constant 0 : i32
      %cond3A_483 = arith.cmpi ne, %convert_element_type3A_481, %cond3A_482 : i32
      scf.if %cond3A_483 {
        %dma_wait3A_840 = arith.constant 5 : i32
        %dma_wait3A_841 = arith.constant 11 : i32
        %dma_wait3A_842 = arith.constant 0 : i32
        %dma_wait3A_843 = arith.constant 0 : i32
        %dma_wait3A_844 = tpu.memref_slice %arg7[%dma_wait3A_840, %dma_wait3A_842, %dma_wait3A_843] : memref<6x40x128xf32, #tpu.memory_space<vmem>> -> memref<1x40x128xf32, #tpu.memory_space<vmem>>
        %dma_wait3A_845 = tpu.memref_squeeze %dma_wait3A_844 : memref<1x40x128xf32, #tpu.memory_space<vmem>> -> memref<40x128xf32, #tpu.memory_space<vmem>>
        %dma_wait3A_846 = arith.constant 0 : i32
        %dma_wait3A_847 = tpu.memref_slice %arg6[%dma_wait3A_841, %dma_wait3A_846] : memref<12x40xi32, #tpu.memory_space<vmem>> -> memref<1x40xi32, #tpu.memory_space<vmem>>
        %dma_wait3A_848 = tpu.memref_squeeze %dma_wait3A_847 : memref<1x40xi32, #tpu.memory_space<vmem>> -> memref<40xi32, #tpu.memory_space<vmem>>
        %dma_wait3A_849 = arith.constant 0 : i32
        %dma_wait3A_850 = arith.constant 0 : i32
        %dma_wait3A_851 = tpu.memref_slice %arg32[%dma_wait3A_849, %dma_wait3A_850] : memref<10240x128xf32, #tpu.memory_space<vmem_shared>> -> memref<10240x128xf32, #tpu.memory_space<vmem_shared>>
        tpu.wait_indirect_dma semaphore(%arg31 : memref<!tpu.dma_semaphore, #tpu.memory_space<semaphore_mem>>) src(%dma_wait3A_845 : memref<40x128xf32, #tpu.memory_space<vmem>>) dst(%dma_wait3A_851 : memref<10240x128xf32, #tpu.memory_space<vmem_shared>>)
      } else {
      }
      %add3A_484 = arith.constant 5 : i32
      %add3A_485 = arith.addi %add3A_475, %add3A_484 : i32
      %lt3A_486 = arith.constant 500 : i32
      %lt3A_487 = arith.cmpi slt, %add3A_485, %lt3A_486 : i32
      %convert_element_type3A_488 = arith.extui %lt3A_487 : i1 to i32
      %cond3A_489 = arith.constant 0 : i32
      %cond3A_490 = arith.cmpi ne, %convert_element_type3A_488, %cond3A_489 : i32
      scf.if %cond3A_490 {
        %add3A_840 = arith.constant 5 : i32
        %add3A_841 = arith.addi %add3A_475, %add3A_840 : i32
        %mul3A_842 = arith.constant 40 : i32
        %mul3A_843 = arith.muli %add3A_841, %mul3A_842 : i32
        %add3A_844 = arith.addi %mul3A_2, %mul3A_843 : i32
        %dma_wait3A_845 = arith.constant 5 : i32
        %dma_wait3A_846 = arith.constant 0 : i32
        %dma_wait3A_847 = tpu.memref_slice %arg5[%dma_wait3A_845, %dma_wait3A_846] : memref<12x40xi32, #tpu.memory_space<vmem>> -> memref<1x40xi32, #tpu.memory_space<vmem>>
        %dma_wait3A_848 = tpu.memref_squeeze %dma_wait3A_847 : memref<1x40xi32, #tpu.memory_space<vmem>> -> memref<40xi32, #tpu.memory_space<vmem>>
        %dma_wait3A_849 = tpu.memref_slice %arg2[%add3A_844] : memref<640000xi32, #tpu.memory_space<hbm>> -> memref<40xi32, #tpu.memory_space<hbm>>
        %dma_wait3A_850 = arith.constant 0 : i32
        %dma_wait3A_851 = tpu.memref_slice %arg5[%dma_wait3A_845, %dma_wait3A_850] : memref<12x40xi32, #tpu.memory_space<vmem>> -> memref<1x40xi32, #tpu.memory_space<vmem>>
        %dma_wait3A_852 = tpu.memref_squeeze %dma_wait3A_851 : memref<1x40xi32, #tpu.memory_space<vmem>> -> memref<40xi32, #tpu.memory_space<vmem>>
        %dma_wait3A_853 = tpu.memref_slice %arg2[%add3A_844] : memref<640000xi32, #tpu.memory_space<hbm>> -> memref<40xi32, #tpu.memory_space<hbm>>
        tpu.wait_dma2 semaphore(%arg13 : memref<!tpu.dma_semaphore, #tpu.memory_space<semaphore_mem>>) src(%dma_wait3A_853 : memref<40xi32, #tpu.memory_space<hbm>>) dst(%dma_wait3A_852 : memref<40xi32, #tpu.memory_space<vmem>>)
        %add3A_854 = arith.constant 320000 : i32
        %add3A_855 = arith.addi %add3A_854, %mul3A_2 : i32
        %mul3A_856 = arith.constant 40 : i32
        %mul3A_857 = arith.muli %add3A_841, %mul3A_856 : i32
        %add3A_858 = arith.addi %add3A_855, %mul3A_857 : i32
        %dma_wait3A_859 = arith.constant 5 : i32
        %dma_wait3A_860 = arith.constant 0 : i32
        %dma_wait3A_861 = tpu.memref_slice %arg6[%dma_wait3A_859, %dma_wait3A_860] : memref<12x40xi32, #tpu.memory_space<vmem>> -> memref<1x40xi32, #tpu.memory_space<vmem>>
        %dma_wait3A_862 = tpu.memref_squeeze %dma_wait3A_861 : memref<1x40xi32, #tpu.memory_space<vmem>> -> memref<40xi32, #tpu.memory_space<vmem>>
        %dma_wait3A_863 = tpu.memref_slice %arg2[%add3A_858] : memref<640000xi32, #tpu.memory_space<hbm>> -> memref<40xi32, #tpu.memory_space<hbm>>
        %dma_wait3A_864 = arith.constant 0 : i32
        %dma_wait3A_865 = tpu.memref_slice %arg6[%dma_wait3A_859, %dma_wait3A_864] : memref<12x40xi32, #tpu.memory_space<vmem>> -> memref<1x40xi32, #tpu.memory_space<vmem>>
        %dma_wait3A_866 = tpu.memref_squeeze %dma_wait3A_865 : memref<1x40xi32, #tpu.memory_space<vmem>> -> memref<40xi32, #tpu.memory_space<vmem>>
        %dma_wait3A_867 = tpu.memref_slice %arg2[%add3A_858] : memref<640000xi32, #tpu.memory_space<hbm>> -> memref<40xi32, #tpu.memory_space<hbm>>
        tpu.wait_dma2 semaphore(%arg13 : memref<!tpu.dma_semaphore, #tpu.memory_space<semaphore_mem>>) src(%dma_wait3A_867 : memref<40xi32, #tpu.memory_space<hbm>>) dst(%dma_wait3A_866 : memref<40xi32, #tpu.memory_space<vmem>>)
        %dma_start3A_868 = arith.constant 5 : i32
        %dma_start3A_869 = arith.constant 5 : i32
        %dma_start3A_870 = arith.constant 0 : i32
        %dma_start3A_871 = arith.constant 0 : i32
        %dma_start3A_872 = tpu.memref_slice %arg7[%dma_start3A_869, %dma_start3A_870, %dma_start3A_871] : memref<6x40x128xf32, #tpu.memory_space<vmem>> -> memref<1x40x128xf32, #tpu.memory_space<vmem>>
        %dma_start3A_873 = tpu.memref_squeeze %dma_start3A_872 : memref<1x40x128xf32, #tpu.memory_space<vmem>> -> memref<40x128xf32, #tpu.memory_space<vmem>>
        %dma_start3A_874 = arith.constant 0 : i32
        %dma_start3A_875 = tpu.memref_slice %arg5[%dma_start3A_868, %dma_start3A_874] : memref<12x40xi32, #tpu.memory_space<vmem>> -> memref<1x40xi32, #tpu.memory_space<vmem>>
        %dma_start3A_876 = tpu.memref_squeeze %dma_start3A_875 : memref<1x40xi32, #tpu.memory_space<vmem>> -> memref<40xi32, #tpu.memory_space<vmem>>
        %dma_start3A_877 = arith.constant 0 : i32
        %dma_start3A_878 = arith.constant 0 : i32
        %dma_start3A_879 = tpu.memref_slice %arg3[%dma_start3A_877, %dma_start3A_878] : memref<10000x128xf32, #tpu.memory_space<hbm>> -> memref<10000x128xf32, #tpu.memory_space<hbm>>
        tpu.enqueue_indirect_dma source(%dma_start3A_879 : memref<10000x128xf32, #tpu.memory_space<hbm>>) target(%dma_start3A_873 : memref<40x128xf32, #tpu.memory_space<vmem>>) offsets(%dma_start3A_876 : memref<40xi32, #tpu.memory_space<vmem>>) semaphore(%arg25 : memref<!tpu.dma_semaphore, #tpu.memory_space<semaphore_mem>>)
      } else {
      }
      %add3A_491 = arith.constant 8 : i32
      %add3A_492 = arith.addi %add3A_475, %add3A_491 : i32
      %lt3A_493 = arith.constant 500 : i32
      %lt3A_494 = arith.cmpi slt, %add3A_492, %lt3A_493 : i32
      %convert_element_type3A_495 = arith.extui %lt3A_494 : i1 to i32
      %cond3A_496 = arith.constant 0 : i32
      %cond3A_497 = arith.cmpi ne, %convert_element_type3A_495, %cond3A_496 : i32
      scf.if %cond3A_497 {
        %add3A_840 = arith.constant 8 : i32
        %add3A_841 = arith.addi %add3A_475, %add3A_840 : i32
        %mul3A_842 = arith.constant 40 : i32
        %mul3A_843 = arith.muli %add3A_841, %mul3A_842 : i32
        %add3A_844 = arith.addi %mul3A_2, %mul3A_843 : i32
        %dma_start3A_845 = arith.constant 8 : i32
        %dma_start3A_846 = arith.constant 0 : i32
        %dma_start3A_847 = tpu.memref_slice %arg5[%dma_start3A_845, %dma_start3A_846] : memref<12x40xi32, #tpu.memory_space<vmem>> -> memref<1x40xi32, #tpu.memory_space<vmem>>
        %dma_start3A_848 = tpu.memref_squeeze %dma_start3A_847 : memref<1x40xi32, #tpu.memory_space<vmem>> -> memref<40xi32, #tpu.memory_space<vmem>>
        %dma_start3A_849 = tpu.memref_slice %arg2[%add3A_844] : memref<640000xi32, #tpu.memory_space<hbm>> -> memref<40xi32, #tpu.memory_space<hbm>>
        %dma_start3A_850 = arith.constant 0 : i32
        %dma_start3A_851 = tpu.memref_slice %arg5[%dma_start3A_845, %dma_start3A_850] : memref<12x40xi32, #tpu.memory_space<vmem>> -> memref<1x40xi32, #tpu.memory_space<vmem>>
        %dma_start3A_852 = tpu.memref_squeeze %dma_start3A_851 : memref<1x40xi32, #tpu.memory_space<vmem>> -> memref<40xi32, #tpu.memory_space<vmem>>
        %dma_start3A_853 = tpu.memref_slice %arg2[%add3A_844] : memref<640000xi32, #tpu.memory_space<hbm>> -> memref<40xi32, #tpu.memory_space<hbm>>
        tpu.enqueue_dma source(%dma_start3A_853 : memref<40xi32, #tpu.memory_space<hbm>>) target(%dma_start3A_852 : memref<40xi32, #tpu.memory_space<vmem>>) target_semaphore(%arg16 : memref<!tpu.dma_semaphore, #tpu.memory_space<semaphore_mem>>)
        %add3A_854 = arith.constant 320000 : i32
        %add3A_855 = arith.addi %add3A_854, %mul3A_2 : i32
        %mul3A_856 = arith.constant 40 : i32
        %mul3A_857 = arith.muli %add3A_841, %mul3A_856 : i32
        %add3A_858 = arith.addi %add3A_855, %mul3A_857 : i32
        %dma_start3A_859 = arith.constant 8 : i32
        %dma_start3A_860 = arith.constant 0 : i32
        %dma_start3A_861 = tpu.memref_slice %arg6[%dma_start3A_859, %dma_start3A_860] : memref<12x40xi32, #tpu.memory_space<vmem>> -> memref<1x40xi32, #tpu.memory_space<vmem>>
        %dma_start3A_862 = tpu.memref_squeeze %dma_start3A_861 : memref<1x40xi32, #tpu.memory_space<vmem>> -> memref<40xi32, #tpu.memory_space<vmem>>
        %dma_start3A_863 = tpu.memref_slice %arg2[%add3A_858] : memref<640000xi32, #tpu.memory_space<hbm>> -> memref<40xi32, #tpu.memory_space<hbm>>
        %dma_start3A_864 = arith.constant 0 : i32
        %dma_start3A_865 = tpu.memref_slice %arg6[%dma_start3A_859, %dma_start3A_864] : memref<12x40xi32, #tpu.memory_space<vmem>> -> memref<1x40xi32, #tpu.memory_space<vmem>>
        %dma_start3A_866 = tpu.memref_squeeze %dma_start3A_865 : memref<1x40xi32, #tpu.memory_space<vmem>> -> memref<40xi32, #tpu.memory_space<vmem>>
        %dma_start3A_867 = tpu.memref_slice %arg2[%add3A_858] : memref<640000xi32, #tpu.memory_space<hbm>> -> memref<40xi32, #tpu.memory_space<hbm>>
        tpu.enqueue_dma source(%dma_start3A_867 : memref<40xi32, #tpu.memory_space<hbm>>) target(%dma_start3A_866 : memref<40xi32, #tpu.memory_space<vmem>>) target_semaphore(%arg16 : memref<!tpu.dma_semaphore, #tpu.memory_space<semaphore_mem>>)
      } else {
      }
      %mul3A_498 = arith.constant 12 : i32
      %mul3A_499 = arith.muli %scan3A_470, %mul3A_498 : i32
      %add3A_500 = arith.constant 1 : i32
      %add3A_501 = arith.addi %mul3A_499, %add3A_500 : i32
      %lt3A_502 = arith.constant 500 : i32
      %lt3A_503 = arith.cmpi slt, %add3A_501, %lt3A_502 : i32
      %convert_element_type3A_504 = arith.extui %lt3A_503 : i1 to i32
      %cond3A_505 = arith.constant 0 : i32
      %cond3A_506 = arith.cmpi ne, %convert_element_type3A_504, %cond3A_505 : i32
      scf.if %cond3A_506 {
        %dma_wait3A_840 = arith.constant 1 : i32
        %dma_wait3A_841 = arith.constant 1 : i32
        %dma_wait3A_842 = arith.constant 0 : i32
        %dma_wait3A_843 = arith.constant 0 : i32
        %dma_wait3A_844 = tpu.memref_slice %arg7[%dma_wait3A_841, %dma_wait3A_842, %dma_wait3A_843] : memref<6x40x128xf32, #tpu.memory_space<vmem>> -> memref<1x40x128xf32, #tpu.memory_space<vmem>>
        %dma_wait3A_845 = tpu.memref_squeeze %dma_wait3A_844 : memref<1x40x128xf32, #tpu.memory_space<vmem>> -> memref<40x128xf32, #tpu.memory_space<vmem>>
        %dma_wait3A_846 = arith.constant 0 : i32
        %dma_wait3A_847 = tpu.memref_slice %arg5[%dma_wait3A_840, %dma_wait3A_846] : memref<12x40xi32, #tpu.memory_space<vmem>> -> memref<1x40xi32, #tpu.memory_space<vmem>>
        %dma_wait3A_848 = tpu.memref_squeeze %dma_wait3A_847 : memref<1x40xi32, #tpu.memory_space<vmem>> -> memref<40xi32, #tpu.memory_space<vmem>>
        %dma_wait3A_849 = arith.constant 0 : i32
        %dma_wait3A_850 = arith.constant 0 : i32
        %dma_wait3A_851 = tpu.memref_slice %arg3[%dma_wait3A_849, %dma_wait3A_850] : memref<10000x128xf32, #tpu.memory_space<hbm>> -> memref<10000x128xf32, #tpu.memory_space<hbm>>
        tpu.wait_indirect_dma semaphore(%arg21 : memref<!tpu.dma_semaphore, #tpu.memory_space<semaphore_mem>>) src(%dma_wait3A_851 : memref<10000x128xf32, #tpu.memory_space<hbm>>) dst(%dma_wait3A_845 : memref<40x128xf32, #tpu.memory_space<vmem>>)
        %dma_start3A_852 = arith.constant 1 : i32
        %dma_start3A_853 = arith.constant 1 : i32
        %dma_start3A_854 = arith.constant 0 : i32
        %dma_start3A_855 = arith.constant 0 : i32
        %dma_start3A_856 = tpu.memref_slice %arg7[%dma_start3A_852, %dma_start3A_854, %dma_start3A_855] : memref<6x40x128xf32, #tpu.memory_space<vmem>> -> memref<1x40x128xf32, #tpu.memory_space<vmem>>
        %dma_start3A_857 = tpu.memref_squeeze %dma_start3A_856 : memref<1x40x128xf32, #tpu.memory_space<vmem>> -> memref<40x128xf32, #tpu.memory_space<vmem>>
        %dma_start3A_858 = arith.constant 0 : i32
        %dma_start3A_859 = tpu.memref_slice %arg6[%dma_start3A_853, %dma_start3A_858] : memref<12x40xi32, #tpu.memory_space<vmem>> -> memref<1x40xi32, #tpu.memory_space<vmem>>
        %dma_start3A_860 = tpu.memref_squeeze %dma_start3A_859 : memref<1x40xi32, #tpu.memory_space<vmem>> -> memref<40xi32, #tpu.memory_space<vmem>>
        %dma_start3A_861 = arith.constant 0 : i32
        %dma_start3A_862 = arith.constant 0 : i32
        %dma_start3A_863 = tpu.memref_slice %arg32[%dma_start3A_861, %dma_start3A_862] : memref<10240x128xf32, #tpu.memory_space<vmem_shared>> -> memref<10240x128xf32, #tpu.memory_space<vmem_shared>>
        tpu.enqueue_indirect_dma source(%dma_start3A_857 : memref<40x128xf32, #tpu.memory_space<vmem>>) target(%dma_start3A_863 : memref<10240x128xf32, #tpu.memory_space<vmem_shared>>) offsets(%dma_start3A_860 : memref<40xi32, #tpu.memory_space<vmem>>) semaphore(%arg27 : memref<!tpu.dma_semaphore, #tpu.memory_space<semaphore_mem>>) {add = true}
      } else {
      }
      %ge3A_507 = arith.constant 1 : i32
      %ge3A_508 = arith.cmpi sge, %add3A_501, %ge3A_507 : i32
      %lt3A_509 = arith.constant 501 : i32
      %lt3A_510 = arith.cmpi slt, %add3A_501, %lt3A_509 : i32
      %and3A_511 = arith.andi %ge3A_508, %lt3A_510 : i1
      %convert_element_type3A_512 = arith.extui %and3A_511 : i1 to i32
      %cond3A_513 = arith.constant 0 : i32
      %cond3A_514 = arith.cmpi ne, %convert_element_type3A_512, %cond3A_513 : i32
      scf.if %cond3A_514 {
        %dma_wait3A_840 = arith.constant 0 : i32
        %dma_wait3A_841 = arith.constant 0 : i32
        %dma_wait3A_842 = arith.constant 0 : i32
        %dma_wait3A_843 = arith.constant 0 : i32
        %dma_wait3A_844 = tpu.memref_slice %arg7[%dma_wait3A_840, %dma_wait3A_842, %dma_wait3A_843] : memref<6x40x128xf32, #tpu.memory_space<vmem>> -> memref<1x40x128xf32, #tpu.memory_space<vmem>>
        %dma_wait3A_845 = tpu.memref_squeeze %dma_wait3A_844 : memref<1x40x128xf32, #tpu.memory_space<vmem>> -> memref<40x128xf32, #tpu.memory_space<vmem>>
        %dma_wait3A_846 = arith.constant 0 : i32
        %dma_wait3A_847 = tpu.memref_slice %arg6[%dma_wait3A_841, %dma_wait3A_846] : memref<12x40xi32, #tpu.memory_space<vmem>> -> memref<1x40xi32, #tpu.memory_space<vmem>>
        %dma_wait3A_848 = tpu.memref_squeeze %dma_wait3A_847 : memref<1x40xi32, #tpu.memory_space<vmem>> -> memref<40xi32, #tpu.memory_space<vmem>>
        %dma_wait3A_849 = arith.constant 0 : i32
        %dma_wait3A_850 = arith.constant 0 : i32
        %dma_wait3A_851 = tpu.memref_slice %arg32[%dma_wait3A_849, %dma_wait3A_850] : memref<10240x128xf32, #tpu.memory_space<vmem_shared>> -> memref<10240x128xf32, #tpu.memory_space<vmem_shared>>
        tpu.wait_indirect_dma semaphore(%arg26 : memref<!tpu.dma_semaphore, #tpu.memory_space<semaphore_mem>>) src(%dma_wait3A_845 : memref<40x128xf32, #tpu.memory_space<vmem>>) dst(%dma_wait3A_851 : memref<10240x128xf32, #tpu.memory_space<vmem_shared>>)
      } else {
      }
      %add3A_515 = arith.constant 5 : i32
      %add3A_516 = arith.addi %add3A_501, %add3A_515 : i32
      %lt3A_517 = arith.constant 500 : i32
      %lt3A_518 = arith.cmpi slt, %add3A_516, %lt3A_517 : i32
      %convert_element_type3A_519 = arith.extui %lt3A_518 : i1 to i32
      %cond3A_520 = arith.constant 0 : i32
      %cond3A_521 = arith.cmpi ne, %convert_element_type3A_519, %cond3A_520 : i32
      scf.if %cond3A_521 {
        %add3A_840 = arith.constant 5 : i32
        %add3A_841 = arith.addi %add3A_501, %add3A_840 : i32
        %mul3A_842 = arith.constant 40 : i32
        %mul3A_843 = arith.muli %add3A_841, %mul3A_842 : i32
        %add3A_844 = arith.addi %mul3A_2, %mul3A_843 : i32
        %dma_wait3A_845 = arith.constant 6 : i32
        %dma_wait3A_846 = arith.constant 0 : i32
        %dma_wait3A_847 = tpu.memref_slice %arg5[%dma_wait3A_845, %dma_wait3A_846] : memref<12x40xi32, #tpu.memory_space<vmem>> -> memref<1x40xi32, #tpu.memory_space<vmem>>
        %dma_wait3A_848 = tpu.memref_squeeze %dma_wait3A_847 : memref<1x40xi32, #tpu.memory_space<vmem>> -> memref<40xi32, #tpu.memory_space<vmem>>
        %dma_wait3A_849 = tpu.memref_slice %arg2[%add3A_844] : memref<640000xi32, #tpu.memory_space<hbm>> -> memref<40xi32, #tpu.memory_space<hbm>>
        %dma_wait3A_850 = arith.constant 0 : i32
        %dma_wait3A_851 = tpu.memref_slice %arg5[%dma_wait3A_845, %dma_wait3A_850] : memref<12x40xi32, #tpu.memory_space<vmem>> -> memref<1x40xi32, #tpu.memory_space<vmem>>
        %dma_wait3A_852 = tpu.memref_squeeze %dma_wait3A_851 : memref<1x40xi32, #tpu.memory_space<vmem>> -> memref<40xi32, #tpu.memory_space<vmem>>
        %dma_wait3A_853 = tpu.memref_slice %arg2[%add3A_844] : memref<640000xi32, #tpu.memory_space<hbm>> -> memref<40xi32, #tpu.memory_space<hbm>>
        tpu.wait_dma2 semaphore(%arg14 : memref<!tpu.dma_semaphore, #tpu.memory_space<semaphore_mem>>) src(%dma_wait3A_853 : memref<40xi32, #tpu.memory_space<hbm>>) dst(%dma_wait3A_852 : memref<40xi32, #tpu.memory_space<vmem>>)
        %add3A_854 = arith.constant 320000 : i32
        %add3A_855 = arith.addi %add3A_854, %mul3A_2 : i32
        %mul3A_856 = arith.constant 40 : i32
        %mul3A_857 = arith.muli %add3A_841, %mul3A_856 : i32
        %add3A_858 = arith.addi %add3A_855, %mul3A_857 : i32
        %dma_wait3A_859 = arith.constant 6 : i32
        %dma_wait3A_860 = arith.constant 0 : i32
        %dma_wait3A_861 = tpu.memref_slice %arg6[%dma_wait3A_859, %dma_wait3A_860] : memref<12x40xi32, #tpu.memory_space<vmem>> -> memref<1x40xi32, #tpu.memory_space<vmem>>
        %dma_wait3A_862 = tpu.memref_squeeze %dma_wait3A_861 : memref<1x40xi32, #tpu.memory_space<vmem>> -> memref<40xi32, #tpu.memory_space<vmem>>
        %dma_wait3A_863 = tpu.memref_slice %arg2[%add3A_858] : memref<640000xi32, #tpu.memory_space<hbm>> -> memref<40xi32, #tpu.memory_space<hbm>>
        %dma_wait3A_864 = arith.constant 0 : i32
        %dma_wait3A_865 = tpu.memref_slice %arg6[%dma_wait3A_859, %dma_wait3A_864] : memref<12x40xi32, #tpu.memory_space<vmem>> -> memref<1x40xi32, #tpu.memory_space<vmem>>
        %dma_wait3A_866 = tpu.memref_squeeze %dma_wait3A_865 : memref<1x40xi32, #tpu.memory_space<vmem>> -> memref<40xi32, #tpu.memory_space<vmem>>
        %dma_wait3A_867 = tpu.memref_slice %arg2[%add3A_858] : memref<640000xi32, #tpu.memory_space<hbm>> -> memref<40xi32, #tpu.memory_space<hbm>>
        tpu.wait_dma2 semaphore(%arg14 : memref<!tpu.dma_semaphore, #tpu.memory_space<semaphore_mem>>) src(%dma_wait3A_867 : memref<40xi32, #tpu.memory_space<hbm>>) dst(%dma_wait3A_866 : memref<40xi32, #tpu.memory_space<vmem>>)
        %dma_start3A_868 = arith.constant 6 : i32
        %dma_start3A_869 = arith.constant 0 : i32
        %dma_start3A_870 = arith.constant 0 : i32
        %dma_start3A_871 = arith.constant 0 : i32
        %dma_start3A_872 = tpu.memref_slice %arg7[%dma_start3A_869, %dma_start3A_870, %dma_start3A_871] : memref<6x40x128xf32, #tpu.memory_space<vmem>> -> memref<1x40x128xf32, #tpu.memory_space<vmem>>
        %dma_start3A_873 = tpu.memref_squeeze %dma_start3A_872 : memref<1x40x128xf32, #tpu.memory_space<vmem>> -> memref<40x128xf32, #tpu.memory_space<vmem>>
        %dma_start3A_874 = arith.constant 0 : i32
        %dma_start3A_875 = tpu.memref_slice %arg5[%dma_start3A_868, %dma_start3A_874] : memref<12x40xi32, #tpu.memory_space<vmem>> -> memref<1x40xi32, #tpu.memory_space<vmem>>
        %dma_start3A_876 = tpu.memref_squeeze %dma_start3A_875 : memref<1x40xi32, #tpu.memory_space<vmem>> -> memref<40xi32, #tpu.memory_space<vmem>>
        %dma_start3A_877 = arith.constant 0 : i32
        %dma_start3A_878 = arith.constant 0 : i32
        %dma_start3A_879 = tpu.memref_slice %arg3[%dma_start3A_877, %dma_start3A_878] : memref<10000x128xf32, #tpu.memory_space<hbm>> -> memref<10000x128xf32, #tpu.memory_space<hbm>>
        tpu.enqueue_indirect_dma source(%dma_start3A_879 : memref<10000x128xf32, #tpu.memory_space<hbm>>) target(%dma_start3A_873 : memref<40x128xf32, #tpu.memory_space<vmem>>) offsets(%dma_start3A_876 : memref<40xi32, #tpu.memory_space<vmem>>) semaphore(%arg20 : memref<!tpu.dma_semaphore, #tpu.memory_space<semaphore_mem>>)
      } else {
      }
      %add3A_522 = arith.constant 8 : i32
      %add3A_523 = arith.addi %add3A_501, %add3A_522 : i32
      %lt3A_524 = arith.constant 500 : i32
      %lt3A_525 = arith.cmpi slt, %add3A_523, %lt3A_524 : i32
      %convert_element_type3A_526 = arith.extui %lt3A_525 : i1 to i32
      %cond3A_527 = arith.constant 0 : i32
      %cond3A_528 = arith.cmpi ne, %convert_element_type3A_526, %cond3A_527 : i32
      scf.if %cond3A_528 {
        %add3A_840 = arith.constant 8 : i32
        %add3A_841 = arith.addi %add3A_501, %add3A_840 : i32
        %mul3A_842 = arith.constant 40 : i32
        %mul3A_843 = arith.muli %add3A_841, %mul3A_842 : i32
        %add3A_844 = arith.addi %mul3A_2, %mul3A_843 : i32
        %dma_start3A_845 = arith.constant 9 : i32
        %dma_start3A_846 = arith.constant 0 : i32
        %dma_start3A_847 = tpu.memref_slice %arg5[%dma_start3A_845, %dma_start3A_846] : memref<12x40xi32, #tpu.memory_space<vmem>> -> memref<1x40xi32, #tpu.memory_space<vmem>>
        %dma_start3A_848 = tpu.memref_squeeze %dma_start3A_847 : memref<1x40xi32, #tpu.memory_space<vmem>> -> memref<40xi32, #tpu.memory_space<vmem>>
        %dma_start3A_849 = tpu.memref_slice %arg2[%add3A_844] : memref<640000xi32, #tpu.memory_space<hbm>> -> memref<40xi32, #tpu.memory_space<hbm>>
        %dma_start3A_850 = arith.constant 0 : i32
        %dma_start3A_851 = tpu.memref_slice %arg5[%dma_start3A_845, %dma_start3A_850] : memref<12x40xi32, #tpu.memory_space<vmem>> -> memref<1x40xi32, #tpu.memory_space<vmem>>
        %dma_start3A_852 = tpu.memref_squeeze %dma_start3A_851 : memref<1x40xi32, #tpu.memory_space<vmem>> -> memref<40xi32, #tpu.memory_space<vmem>>
        %dma_start3A_853 = tpu.memref_slice %arg2[%add3A_844] : memref<640000xi32, #tpu.memory_space<hbm>> -> memref<40xi32, #tpu.memory_space<hbm>>
        tpu.enqueue_dma source(%dma_start3A_853 : memref<40xi32, #tpu.memory_space<hbm>>) target(%dma_start3A_852 : memref<40xi32, #tpu.memory_space<vmem>>) target_semaphore(%arg17 : memref<!tpu.dma_semaphore, #tpu.memory_space<semaphore_mem>>)
        %add3A_854 = arith.constant 320000 : i32
        %add3A_855 = arith.addi %add3A_854, %mul3A_2 : i32
        %mul3A_856 = arith.constant 40 : i32
        %mul3A_857 = arith.muli %add3A_841, %mul3A_856 : i32
        %add3A_858 = arith.addi %add3A_855, %mul3A_857 : i32
        %dma_start3A_859 = arith.constant 9 : i32
        %dma_start3A_860 = arith.constant 0 : i32
        %dma_start3A_861 = tpu.memref_slice %arg6[%dma_start3A_859, %dma_start3A_860] : memref<12x40xi32, #tpu.memory_space<vmem>> -> memref<1x40xi32, #tpu.memory_space<vmem>>
        %dma_start3A_862 = tpu.memref_squeeze %dma_start3A_861 : memref<1x40xi32, #tpu.memory_space<vmem>> -> memref<40xi32, #tpu.memory_space<vmem>>
        %dma_start3A_863 = tpu.memref_slice %arg2[%add3A_858] : memref<640000xi32, #tpu.memory_space<hbm>> -> memref<40xi32, #tpu.memory_space<hbm>>
        %dma_start3A_864 = arith.constant 0 : i32
        %dma_start3A_865 = tpu.memref_slice %arg6[%dma_start3A_859, %dma_start3A_864] : memref<12x40xi32, #tpu.memory_space<vmem>> -> memref<1x40xi32, #tpu.memory_space<vmem>>
        %dma_start3A_866 = tpu.memref_squeeze %dma_start3A_865 : memref<1x40xi32, #tpu.memory_space<vmem>> -> memref<40xi32, #tpu.memory_space<vmem>>
        %dma_start3A_867 = tpu.memref_slice %arg2[%add3A_858] : memref<640000xi32, #tpu.memory_space<hbm>> -> memref<40xi32, #tpu.memory_space<hbm>>
        tpu.enqueue_dma source(%dma_start3A_867 : memref<40xi32, #tpu.memory_space<hbm>>) target(%dma_start3A_866 : memref<40xi32, #tpu.memory_space<vmem>>) target_semaphore(%arg17 : memref<!tpu.dma_semaphore, #tpu.memory_space<semaphore_mem>>)
      } else {
      }
      %mul3A_529 = arith.constant 12 : i32
      %mul3A_530 = arith.muli %scan3A_470, %mul3A_529 : i32
      %add3A_531 = arith.constant 2 : i32
      %add3A_532 = arith.addi %mul3A_530, %add3A_531 : i32
      %lt3A_533 = arith.constant 500 : i32
      %lt3A_534 = arith.cmpi slt, %add3A_532, %lt3A_533 : i32
      %convert_element_type3A_535 = arith.extui %lt3A_534 : i1 to i32
      %cond3A_536 = arith.constant 0 : i32
      %cond3A_537 = arith.cmpi ne, %convert_element_type3A_535, %cond3A_536 : i32
      scf.if %cond3A_537 {
        %dma_wait3A_840 = arith.constant 2 : i32
        %dma_wait3A_841 = arith.constant 2 : i32
        %dma_wait3A_842 = arith.constant 0 : i32
        %dma_wait3A_843 = arith.constant 0 : i32
        %dma_wait3A_844 = tpu.memref_slice %arg7[%dma_wait3A_841, %dma_wait3A_842, %dma_wait3A_843] : memref<6x40x128xf32, #tpu.memory_space<vmem>> -> memref<1x40x128xf32, #tpu.memory_space<vmem>>
        %dma_wait3A_845 = tpu.memref_squeeze %dma_wait3A_844 : memref<1x40x128xf32, #tpu.memory_space<vmem>> -> memref<40x128xf32, #tpu.memory_space<vmem>>
        %dma_wait3A_846 = arith.constant 0 : i32
        %dma_wait3A_847 = tpu.memref_slice %arg5[%dma_wait3A_840, %dma_wait3A_846] : memref<12x40xi32, #tpu.memory_space<vmem>> -> memref<1x40xi32, #tpu.memory_space<vmem>>
        %dma_wait3A_848 = tpu.memref_squeeze %dma_wait3A_847 : memref<1x40xi32, #tpu.memory_space<vmem>> -> memref<40xi32, #tpu.memory_space<vmem>>
        %dma_wait3A_849 = arith.constant 0 : i32
        %dma_wait3A_850 = arith.constant 0 : i32
        %dma_wait3A_851 = tpu.memref_slice %arg3[%dma_wait3A_849, %dma_wait3A_850] : memref<10000x128xf32, #tpu.memory_space<hbm>> -> memref<10000x128xf32, #tpu.memory_space<hbm>>
        tpu.wait_indirect_dma semaphore(%arg22 : memref<!tpu.dma_semaphore, #tpu.memory_space<semaphore_mem>>) src(%dma_wait3A_851 : memref<10000x128xf32, #tpu.memory_space<hbm>>) dst(%dma_wait3A_845 : memref<40x128xf32, #tpu.memory_space<vmem>>)
        %dma_start3A_852 = arith.constant 2 : i32
        %dma_start3A_853 = arith.constant 2 : i32
        %dma_start3A_854 = arith.constant 0 : i32
        %dma_start3A_855 = arith.constant 0 : i32
        %dma_start3A_856 = tpu.memref_slice %arg7[%dma_start3A_852, %dma_start3A_854, %dma_start3A_855] : memref<6x40x128xf32, #tpu.memory_space<vmem>> -> memref<1x40x128xf32, #tpu.memory_space<vmem>>
        %dma_start3A_857 = tpu.memref_squeeze %dma_start3A_856 : memref<1x40x128xf32, #tpu.memory_space<vmem>> -> memref<40x128xf32, #tpu.memory_space<vmem>>
        %dma_start3A_858 = arith.constant 0 : i32
        %dma_start3A_859 = tpu.memref_slice %arg6[%dma_start3A_853, %dma_start3A_858] : memref<12x40xi32, #tpu.memory_space<vmem>> -> memref<1x40xi32, #tpu.memory_space<vmem>>
        %dma_start3A_860 = tpu.memref_squeeze %dma_start3A_859 : memref<1x40xi32, #tpu.memory_space<vmem>> -> memref<40xi32, #tpu.memory_space<vmem>>
        %dma_start3A_861 = arith.constant 0 : i32
        %dma_start3A_862 = arith.constant 0 : i32
        %dma_start3A_863 = tpu.memref_slice %arg32[%dma_start3A_861, %dma_start3A_862] : memref<10240x128xf32, #tpu.memory_space<vmem_shared>> -> memref<10240x128xf32, #tpu.memory_space<vmem_shared>>
        tpu.enqueue_indirect_dma source(%dma_start3A_857 : memref<40x128xf32, #tpu.memory_space<vmem>>) target(%dma_start3A_863 : memref<10240x128xf32, #tpu.memory_space<vmem_shared>>) offsets(%dma_start3A_860 : memref<40xi32, #tpu.memory_space<vmem>>) semaphore(%arg28 : memref<!tpu.dma_semaphore, #tpu.memory_space<semaphore_mem>>) {add = true}
      } else {
      }
      %ge3A_538 = arith.constant 1 : i32
      %ge3A_539 = arith.cmpi sge, %add3A_532, %ge3A_538 : i32
      %lt3A_540 = arith.constant 501 : i32
      %lt3A_541 = arith.cmpi slt, %add3A_532, %lt3A_540 : i32
      %and3A_542 = arith.andi %ge3A_539, %lt3A_541 : i1
      %convert_element_type3A_543 = arith.extui %and3A_542 : i1 to i32
      %cond3A_544 = arith.constant 0 : i32
      %cond3A_545 = arith.cmpi ne, %convert_element_type3A_543, %cond3A_544 : i32
      scf.if %cond3A_545 {
        %dma_wait3A_840 = arith.constant 1 : i32
        %dma_wait3A_841 = arith.constant 1 : i32
        %dma_wait3A_842 = arith.constant 0 : i32
        %dma_wait3A_843 = arith.constant 0 : i32
        %dma_wait3A_844 = tpu.memref_slice %arg7[%dma_wait3A_840, %dma_wait3A_842, %dma_wait3A_843] : memref<6x40x128xf32, #tpu.memory_space<vmem>> -> memref<1x40x128xf32, #tpu.memory_space<vmem>>
        %dma_wait3A_845 = tpu.memref_squeeze %dma_wait3A_844 : memref<1x40x128xf32, #tpu.memory_space<vmem>> -> memref<40x128xf32, #tpu.memory_space<vmem>>
        %dma_wait3A_846 = arith.constant 0 : i32
        %dma_wait3A_847 = tpu.memref_slice %arg6[%dma_wait3A_841, %dma_wait3A_846] : memref<12x40xi32, #tpu.memory_space<vmem>> -> memref<1x40xi32, #tpu.memory_space<vmem>>
        %dma_wait3A_848 = tpu.memref_squeeze %dma_wait3A_847 : memref<1x40xi32, #tpu.memory_space<vmem>> -> memref<40xi32, #tpu.memory_space<vmem>>
        %dma_wait3A_849 = arith.constant 0 : i32
        %dma_wait3A_850 = arith.constant 0 : i32
        %dma_wait3A_851 = tpu.memref_slice %arg32[%dma_wait3A_849, %dma_wait3A_850] : memref<10240x128xf32, #tpu.memory_space<vmem_shared>> -> memref<10240x128xf32, #tpu.memory_space<vmem_shared>>
        tpu.wait_indirect_dma semaphore(%arg27 : memref<!tpu.dma_semaphore, #tpu.memory_space<semaphore_mem>>) src(%dma_wait3A_845 : memref<40x128xf32, #tpu.memory_space<vmem>>) dst(%dma_wait3A_851 : memref<10240x128xf32, #tpu.memory_space<vmem_shared>>)
      } else {
      }
      %add3A_546 = arith.constant 5 : i32
      %add3A_547 = arith.addi %add3A_532, %add3A_546 : i32
      %lt3A_548 = arith.constant 500 : i32
      %lt3A_549 = arith.cmpi slt, %add3A_547, %lt3A_548 : i32
      %convert_element_type3A_550 = arith.extui %lt3A_549 : i1 to i32
      %cond3A_551 = arith.constant 0 : i32
      %cond3A_552 = arith.cmpi ne, %convert_element_type3A_550, %cond3A_551 : i32
      scf.if %cond3A_552 {
        %add3A_840 = arith.constant 5 : i32
        %add3A_841 = arith.addi %add3A_532, %add3A_840 : i32
        %mul3A_842 = arith.constant 40 : i32
        %mul3A_843 = arith.muli %add3A_841, %mul3A_842 : i32
        %add3A_844 = arith.addi %mul3A_2, %mul3A_843 : i32
        %dma_wait3A_845 = arith.constant 7 : i32
        %dma_wait3A_846 = arith.constant 0 : i32
        %dma_wait3A_847 = tpu.memref_slice %arg5[%dma_wait3A_845, %dma_wait3A_846] : memref<12x40xi32, #tpu.memory_space<vmem>> -> memref<1x40xi32, #tpu.memory_space<vmem>>
        %dma_wait3A_848 = tpu.memref_squeeze %dma_wait3A_847 : memref<1x40xi32, #tpu.memory_space<vmem>> -> memref<40xi32, #tpu.memory_space<vmem>>
        %dma_wait3A_849 = tpu.memref_slice %arg2[%add3A_844] : memref<640000xi32, #tpu.memory_space<hbm>> -> memref<40xi32, #tpu.memory_space<hbm>>
        %dma_wait3A_850 = arith.constant 0 : i32
        %dma_wait3A_851 = tpu.memref_slice %arg5[%dma_wait3A_845, %dma_wait3A_850] : memref<12x40xi32, #tpu.memory_space<vmem>> -> memref<1x40xi32, #tpu.memory_space<vmem>>
        %dma_wait3A_852 = tpu.memref_squeeze %dma_wait3A_851 : memref<1x40xi32, #tpu.memory_space<vmem>> -> memref<40xi32, #tpu.memory_space<vmem>>
        %dma_wait3A_853 = tpu.memref_slice %arg2[%add3A_844] : memref<640000xi32, #tpu.memory_space<hbm>> -> memref<40xi32, #tpu.memory_space<hbm>>
        tpu.wait_dma2 semaphore(%arg15 : memref<!tpu.dma_semaphore, #tpu.memory_space<semaphore_mem>>) src(%dma_wait3A_853 : memref<40xi32, #tpu.memory_space<hbm>>) dst(%dma_wait3A_852 : memref<40xi32, #tpu.memory_space<vmem>>)
        %add3A_854 = arith.constant 320000 : i32
        %add3A_855 = arith.addi %add3A_854, %mul3A_2 : i32
        %mul3A_856 = arith.constant 40 : i32
        %mul3A_857 = arith.muli %add3A_841, %mul3A_856 : i32
        %add3A_858 = arith.addi %add3A_855, %mul3A_857 : i32
        %dma_wait3A_859 = arith.constant 7 : i32
        %dma_wait3A_860 = arith.constant 0 : i32
        %dma_wait3A_861 = tpu.memref_slice %arg6[%dma_wait3A_859, %dma_wait3A_860] : memref<12x40xi32, #tpu.memory_space<vmem>> -> memref<1x40xi32, #tpu.memory_space<vmem>>
        %dma_wait3A_862 = tpu.memref_squeeze %dma_wait3A_861 : memref<1x40xi32, #tpu.memory_space<vmem>> -> memref<40xi32, #tpu.memory_space<vmem>>
        %dma_wait3A_863 = tpu.memref_slice %arg2[%add3A_858] : memref<640000xi32, #tpu.memory_space<hbm>> -> memref<40xi32, #tpu.memory_space<hbm>>
        %dma_wait3A_864 = arith.constant 0 : i32
        %dma_wait3A_865 = tpu.memref_slice %arg6[%dma_wait3A_859, %dma_wait3A_864] : memref<12x40xi32, #tpu.memory_space<vmem>> -> memref<1x40xi32, #tpu.memory_space<vmem>>
        %dma_wait3A_866 = tpu.memref_squeeze %dma_wait3A_865 : memref<1x40xi32, #tpu.memory_space<vmem>> -> memref<40xi32, #tpu.memory_space<vmem>>
        %dma_wait3A_867 = tpu.memref_slice %arg2[%add3A_858] : memref<640000xi32, #tpu.memory_space<hbm>> -> memref<40xi32, #tpu.memory_space<hbm>>
        tpu.wait_dma2 semaphore(%arg15 : memref<!tpu.dma_semaphore, #tpu.memory_space<semaphore_mem>>) src(%dma_wait3A_867 : memref<40xi32, #tpu.memory_space<hbm>>) dst(%dma_wait3A_866 : memref<40xi32, #tpu.memory_space<vmem>>)
        %dma_start3A_868 = arith.constant 7 : i32
        %dma_start3A_869 = arith.constant 1 : i32
        %dma_start3A_870 = arith.constant 0 : i32
        %dma_start3A_871 = arith.constant 0 : i32
        %dma_start3A_872 = tpu.memref_slice %arg7[%dma_start3A_869, %dma_start3A_870, %dma_start3A_871] : memref<6x40x128xf32, #tpu.memory_space<vmem>> -> memref<1x40x128xf32, #tpu.memory_space<vmem>>
        %dma_start3A_873 = tpu.memref_squeeze %dma_start3A_872 : memref<1x40x128xf32, #tpu.memory_space<vmem>> -> memref<40x128xf32, #tpu.memory_space<vmem>>
        %dma_start3A_874 = arith.constant 0 : i32
        %dma_start3A_875 = tpu.memref_slice %arg5[%dma_start3A_868, %dma_start3A_874] : memref<12x40xi32, #tpu.memory_space<vmem>> -> memref<1x40xi32, #tpu.memory_space<vmem>>
        %dma_start3A_876 = tpu.memref_squeeze %dma_start3A_875 : memref<1x40xi32, #tpu.memory_space<vmem>> -> memref<40xi32, #tpu.memory_space<vmem>>
        %dma_start3A_877 = arith.constant 0 : i32
        %dma_start3A_878 = arith.constant 0 : i32
        %dma_start3A_879 = tpu.memref_slice %arg3[%dma_start3A_877, %dma_start3A_878] : memref<10000x128xf32, #tpu.memory_space<hbm>> -> memref<10000x128xf32, #tpu.memory_space<hbm>>
        tpu.enqueue_indirect_dma source(%dma_start3A_879 : memref<10000x128xf32, #tpu.memory_space<hbm>>) target(%dma_start3A_873 : memref<40x128xf32, #tpu.memory_space<vmem>>) offsets(%dma_start3A_876 : memref<40xi32, #tpu.memory_space<vmem>>) semaphore(%arg21 : memref<!tpu.dma_semaphore, #tpu.memory_space<semaphore_mem>>)
      } else {
      }
      %add3A_553 = arith.constant 8 : i32
      %add3A_554 = arith.addi %add3A_532, %add3A_553 : i32
      %lt3A_555 = arith.constant 500 : i32
      %lt3A_556 = arith.cmpi slt, %add3A_554, %lt3A_555 : i32
      %convert_element_type3A_557 = arith.extui %lt3A_556 : i1 to i32
      %cond3A_558 = arith.constant 0 : i32
      %cond3A_559 = arith.cmpi ne, %convert_element_type3A_557, %cond3A_558 : i32
      scf.if %cond3A_559 {
        %add3A_840 = arith.constant 8 : i32
        %add3A_841 = arith.addi %add3A_532, %add3A_840 : i32
        %mul3A_842 = arith.constant 40 : i32
        %mul3A_843 = arith.muli %add3A_841, %mul3A_842 : i32
        %add3A_844 = arith.addi %mul3A_2, %mul3A_843 : i32
        %dma_start3A_845 = arith.constant 10 : i32
        %dma_start3A_846 = arith.constant 0 : i32
        %dma_start3A_847 = tpu.memref_slice %arg5[%dma_start3A_845, %dma_start3A_846] : memref<12x40xi32, #tpu.memory_space<vmem>> -> memref<1x40xi32, #tpu.memory_space<vmem>>
        %dma_start3A_848 = tpu.memref_squeeze %dma_start3A_847 : memref<1x40xi32, #tpu.memory_space<vmem>> -> memref<40xi32, #tpu.memory_space<vmem>>
        %dma_start3A_849 = tpu.memref_slice %arg2[%add3A_844] : memref<640000xi32, #tpu.memory_space<hbm>> -> memref<40xi32, #tpu.memory_space<hbm>>
        %dma_start3A_850 = arith.constant 0 : i32
        %dma_start3A_851 = tpu.memref_slice %arg5[%dma_start3A_845, %dma_start3A_850] : memref<12x40xi32, #tpu.memory_space<vmem>> -> memref<1x40xi32, #tpu.memory_space<vmem>>
        %dma_start3A_852 = tpu.memref_squeeze %dma_start3A_851 : memref<1x40xi32, #tpu.memory_space<vmem>> -> memref<40xi32, #tpu.memory_space<vmem>>
        %dma_start3A_853 = tpu.memref_slice %arg2[%add3A_844] : memref<640000xi32, #tpu.memory_space<hbm>> -> memref<40xi32, #tpu.memory_space<hbm>>
        tpu.enqueue_dma source(%dma_start3A_853 : memref<40xi32, #tpu.memory_space<hbm>>) target(%dma_start3A_852 : memref<40xi32, #tpu.memory_space<vmem>>) target_semaphore(%arg18 : memref<!tpu.dma_semaphore, #tpu.memory_space<semaphore_mem>>)
        %add3A_854 = arith.constant 320000 : i32
        %add3A_855 = arith.addi %add3A_854, %mul3A_2 : i32
        %mul3A_856 = arith.constant 40 : i32
        %mul3A_857 = arith.muli %add3A_841, %mul3A_856 : i32
        %add3A_858 = arith.addi %add3A_855, %mul3A_857 : i32
        %dma_start3A_859 = arith.constant 10 : i32
        %dma_start3A_860 = arith.constant 0 : i32
        %dma_start3A_861 = tpu.memref_slice %arg6[%dma_start3A_859, %dma_start3A_860] : memref<12x40xi32, #tpu.memory_space<vmem>> -> memref<1x40xi32, #tpu.memory_space<vmem>>
        %dma_start3A_862 = tpu.memref_squeeze %dma_start3A_861 : memref<1x40xi32, #tpu.memory_space<vmem>> -> memref<40xi32, #tpu.memory_space<vmem>>
        %dma_start3A_863 = tpu.memref_slice %arg2[%add3A_858] : memref<640000xi32, #tpu.memory_space<hbm>> -> memref<40xi32, #tpu.memory_space<hbm>>
        %dma_start3A_864 = arith.constant 0 : i32
        %dma_start3A_865 = tpu.memref_slice %arg6[%dma_start3A_859, %dma_start3A_864] : memref<12x40xi32, #tpu.memory_space<vmem>> -> memref<1x40xi32, #tpu.memory_space<vmem>>
        %dma_start3A_866 = tpu.memref_squeeze %dma_start3A_865 : memref<1x40xi32, #tpu.memory_space<vmem>> -> memref<40xi32, #tpu.memory_space<vmem>>
        %dma_start3A_867 = tpu.memref_slice %arg2[%add3A_858] : memref<640000xi32, #tpu.memory_space<hbm>> -> memref<40xi32, #tpu.memory_space<hbm>>
        tpu.enqueue_dma source(%dma_start3A_867 : memref<40xi32, #tpu.memory_space<hbm>>) target(%dma_start3A_866 : memref<40xi32, #tpu.memory_space<vmem>>) target_semaphore(%arg18 : memref<!tpu.dma_semaphore, #tpu.memory_space<semaphore_mem>>)
      } else {
      }
      %mul3A_560 = arith.constant 12 : i32
      %mul3A_561 = arith.muli %scan3A_470, %mul3A_560 : i32
      %add3A_562 = arith.constant 3 : i32
      %add3A_563 = arith.addi %mul3A_561, %add3A_562 : i32
      %lt3A_564 = arith.constant 500 : i32
      %lt3A_565 = arith.cmpi slt, %add3A_563, %lt3A_564 : i32
      %convert_element_type3A_566 = arith.extui %lt3A_565 : i1 to i32
      %cond3A_567 = arith.constant 0 : i32
      %cond3A_568 = arith.cmpi ne, %convert_element_type3A_566, %cond3A_567 : i32
      scf.if %cond3A_568 {
        %dma_wait3A_840 = arith.constant 3 : i32
        %dma_wait3A_841 = arith.constant 3 : i32
        %dma_wait3A_842 = arith.constant 0 : i32
        %dma_wait3A_843 = arith.constant 0 : i32
        %dma_wait3A_844 = tpu.memref_slice %arg7[%dma_wait3A_841, %dma_wait3A_842, %dma_wait3A_843] : memref<6x40x128xf32, #tpu.memory_space<vmem>> -> memref<1x40x128xf32, #tpu.memory_space<vmem>>
        %dma_wait3A_845 = tpu.memref_squeeze %dma_wait3A_844 : memref<1x40x128xf32, #tpu.memory_space<vmem>> -> memref<40x128xf32, #tpu.memory_space<vmem>>
        %dma_wait3A_846 = arith.constant 0 : i32
        %dma_wait3A_847 = tpu.memref_slice %arg5[%dma_wait3A_840, %dma_wait3A_846] : memref<12x40xi32, #tpu.memory_space<vmem>> -> memref<1x40xi32, #tpu.memory_space<vmem>>
        %dma_wait3A_848 = tpu.memref_squeeze %dma_wait3A_847 : memref<1x40xi32, #tpu.memory_space<vmem>> -> memref<40xi32, #tpu.memory_space<vmem>>
        %dma_wait3A_849 = arith.constant 0 : i32
        %dma_wait3A_850 = arith.constant 0 : i32
        %dma_wait3A_851 = tpu.memref_slice %arg3[%dma_wait3A_849, %dma_wait3A_850] : memref<10000x128xf32, #tpu.memory_space<hbm>> -> memref<10000x128xf32, #tpu.memory_space<hbm>>
        tpu.wait_indirect_dma semaphore(%arg23 : memref<!tpu.dma_semaphore, #tpu.memory_space<semaphore_mem>>) src(%dma_wait3A_851 : memref<10000x128xf32, #tpu.memory_space<hbm>>) dst(%dma_wait3A_845 : memref<40x128xf32, #tpu.memory_space<vmem>>)
        %dma_start3A_852 = arith.constant 3 : i32
        %dma_start3A_853 = arith.constant 3 : i32
        %dma_start3A_854 = arith.constant 0 : i32
        %dma_start3A_855 = arith.constant 0 : i32
        %dma_start3A_856 = tpu.memref_slice %arg7[%dma_start3A_852, %dma_start3A_854, %dma_start3A_855] : memref<6x40x128xf32, #tpu.memory_space<vmem>> -> memref<1x40x128xf32, #tpu.memory_space<vmem>>
        %dma_start3A_857 = tpu.memref_squeeze %dma_start3A_856 : memref<1x40x128xf32, #tpu.memory_space<vmem>> -> memref<40x128xf32, #tpu.memory_space<vmem>>
        %dma_start3A_858 = arith.constant 0 : i32
        %dma_start3A_859 = tpu.memref_slice %arg6[%dma_start3A_853, %dma_start3A_858] : memref<12x40xi32, #tpu.memory_space<vmem>> -> memref<1x40xi32, #tpu.memory_space<vmem>>
        %dma_start3A_860 = tpu.memref_squeeze %dma_start3A_859 : memref<1x40xi32, #tpu.memory_space<vmem>> -> memref<40xi32, #tpu.memory_space<vmem>>
        %dma_start3A_861 = arith.constant 0 : i32
        %dma_start3A_862 = arith.constant 0 : i32
        %dma_start3A_863 = tpu.memref_slice %arg32[%dma_start3A_861, %dma_start3A_862] : memref<10240x128xf32, #tpu.memory_space<vmem_shared>> -> memref<10240x128xf32, #tpu.memory_space<vmem_shared>>
        tpu.enqueue_indirect_dma source(%dma_start3A_857 : memref<40x128xf32, #tpu.memory_space<vmem>>) target(%dma_start3A_863 : memref<10240x128xf32, #tpu.memory_space<vmem_shared>>) offsets(%dma_start3A_860 : memref<40xi32, #tpu.memory_space<vmem>>) semaphore(%arg29 : memref<!tpu.dma_semaphore, #tpu.memory_space<semaphore_mem>>) {add = true}
      } else {
      }
      %ge3A_569 = arith.constant 1 : i32
      %ge3A_570 = arith.cmpi sge, %add3A_563, %ge3A_569 : i32
      %lt3A_571 = arith.constant 501 : i32
      %lt3A_572 = arith.cmpi slt, %add3A_563, %lt3A_571 : i32
      %and3A_573 = arith.andi %ge3A_570, %lt3A_572 : i1
      %convert_element_type3A_574 = arith.extui %and3A_573 : i1 to i32
      %cond3A_575 = arith.constant 0 : i32
      %cond3A_576 = arith.cmpi ne, %convert_element_type3A_574, %cond3A_575 : i32
      scf.if %cond3A_576 {
        %dma_wait3A_840 = arith.constant 2 : i32
        %dma_wait3A_841 = arith.constant 2 : i32
        %dma_wait3A_842 = arith.constant 0 : i32
        %dma_wait3A_843 = arith.constant 0 : i32
        %dma_wait3A_844 = tpu.memref_slice %arg7[%dma_wait3A_840, %dma_wait3A_842, %dma_wait3A_843] : memref<6x40x128xf32, #tpu.memory_space<vmem>> -> memref<1x40x128xf32, #tpu.memory_space<vmem>>
        %dma_wait3A_845 = tpu.memref_squeeze %dma_wait3A_844 : memref<1x40x128xf32, #tpu.memory_space<vmem>> -> memref<40x128xf32, #tpu.memory_space<vmem>>
        %dma_wait3A_846 = arith.constant 0 : i32
        %dma_wait3A_847 = tpu.memref_slice %arg6[%dma_wait3A_841, %dma_wait3A_846] : memref<12x40xi32, #tpu.memory_space<vmem>> -> memref<1x40xi32, #tpu.memory_space<vmem>>
        %dma_wait3A_848 = tpu.memref_squeeze %dma_wait3A_847 : memref<1x40xi32, #tpu.memory_space<vmem>> -> memref<40xi32, #tpu.memory_space<vmem>>
        %dma_wait3A_849 = arith.constant 0 : i32
        %dma_wait3A_850 = arith.constant 0 : i32
        %dma_wait3A_851 = tpu.memref_slice %arg32[%dma_wait3A_849, %dma_wait3A_850] : memref<10240x128xf32, #tpu.memory_space<vmem_shared>> -> memref<10240x128xf32, #tpu.memory_space<vmem_shared>>
        tpu.wait_indirect_dma semaphore(%arg28 : memref<!tpu.dma_semaphore, #tpu.memory_space<semaphore_mem>>) src(%dma_wait3A_845 : memref<40x128xf32, #tpu.memory_space<vmem>>) dst(%dma_wait3A_851 : memref<10240x128xf32, #tpu.memory_space<vmem_shared>>)
      } else {
      }
      %add3A_577 = arith.constant 5 : i32
      %add3A_578 = arith.addi %add3A_563, %add3A_577 : i32
      %lt3A_579 = arith.constant 500 : i32
      %lt3A_580 = arith.cmpi slt, %add3A_578, %lt3A_579 : i32
      %convert_element_type3A_581 = arith.extui %lt3A_580 : i1 to i32
      %cond3A_582 = arith.constant 0 : i32
      %cond3A_583 = arith.cmpi ne, %convert_element_type3A_581, %cond3A_582 : i32
      scf.if %cond3A_583 {
        %add3A_840 = arith.constant 5 : i32
        %add3A_841 = arith.addi %add3A_563, %add3A_840 : i32
        %mul3A_842 = arith.constant 40 : i32
        %mul3A_843 = arith.muli %add3A_841, %mul3A_842 : i32
        %add3A_844 = arith.addi %mul3A_2, %mul3A_843 : i32
        %dma_wait3A_845 = arith.constant 8 : i32
        %dma_wait3A_846 = arith.constant 0 : i32
        %dma_wait3A_847 = tpu.memref_slice %arg5[%dma_wait3A_845, %dma_wait3A_846] : memref<12x40xi32, #tpu.memory_space<vmem>> -> memref<1x40xi32, #tpu.memory_space<vmem>>
        %dma_wait3A_848 = tpu.memref_squeeze %dma_wait3A_847 : memref<1x40xi32, #tpu.memory_space<vmem>> -> memref<40xi32, #tpu.memory_space<vmem>>
        %dma_wait3A_849 = tpu.memref_slice %arg2[%add3A_844] : memref<640000xi32, #tpu.memory_space<hbm>> -> memref<40xi32, #tpu.memory_space<hbm>>
        %dma_wait3A_850 = arith.constant 0 : i32
        %dma_wait3A_851 = tpu.memref_slice %arg5[%dma_wait3A_845, %dma_wait3A_850] : memref<12x40xi32, #tpu.memory_space<vmem>> -> memref<1x40xi32, #tpu.memory_space<vmem>>
        %dma_wait3A_852 = tpu.memref_squeeze %dma_wait3A_851 : memref<1x40xi32, #tpu.memory_space<vmem>> -> memref<40xi32, #tpu.memory_space<vmem>>
        %dma_wait3A_853 = tpu.memref_slice %arg2[%add3A_844] : memref<640000xi32, #tpu.memory_space<hbm>> -> memref<40xi32, #tpu.memory_space<hbm>>
        tpu.wait_dma2 semaphore(%arg16 : memref<!tpu.dma_semaphore, #tpu.memory_space<semaphore_mem>>) src(%dma_wait3A_853 : memref<40xi32, #tpu.memory_space<hbm>>) dst(%dma_wait3A_852 : memref<40xi32, #tpu.memory_space<vmem>>)
        %add3A_854 = arith.constant 320000 : i32
        %add3A_855 = arith.addi %add3A_854, %mul3A_2 : i32
        %mul3A_856 = arith.constant 40 : i32
        %mul3A_857 = arith.muli %add3A_841, %mul3A_856 : i32
        %add3A_858 = arith.addi %add3A_855, %mul3A_857 : i32
        %dma_wait3A_859 = arith.constant 8 : i32
        %dma_wait3A_860 = arith.constant 0 : i32
        %dma_wait3A_861 = tpu.memref_slice %arg6[%dma_wait3A_859, %dma_wait3A_860] : memref<12x40xi32, #tpu.memory_space<vmem>> -> memref<1x40xi32, #tpu.memory_space<vmem>>
        %dma_wait3A_862 = tpu.memref_squeeze %dma_wait3A_861 : memref<1x40xi32, #tpu.memory_space<vmem>> -> memref<40xi32, #tpu.memory_space<vmem>>
        %dma_wait3A_863 = tpu.memref_slice %arg2[%add3A_858] : memref<640000xi32, #tpu.memory_space<hbm>> -> memref<40xi32, #tpu.memory_space<hbm>>
        %dma_wait3A_864 = arith.constant 0 : i32
        %dma_wait3A_865 = tpu.memref_slice %arg6[%dma_wait3A_859, %dma_wait3A_864] : memref<12x40xi32, #tpu.memory_space<vmem>> -> memref<1x40xi32, #tpu.memory_space<vmem>>
        %dma_wait3A_866 = tpu.memref_squeeze %dma_wait3A_865 : memref<1x40xi32, #tpu.memory_space<vmem>> -> memref<40xi32, #tpu.memory_space<vmem>>
        %dma_wait3A_867 = tpu.memref_slice %arg2[%add3A_858] : memref<640000xi32, #tpu.memory_space<hbm>> -> memref<40xi32, #tpu.memory_space<hbm>>
        tpu.wait_dma2 semaphore(%arg16 : memref<!tpu.dma_semaphore, #tpu.memory_space<semaphore_mem>>) src(%dma_wait3A_867 : memref<40xi32, #tpu.memory_space<hbm>>) dst(%dma_wait3A_866 : memref<40xi32, #tpu.memory_space<vmem>>)
        %dma_start3A_868 = arith.constant 8 : i32
        %dma_start3A_869 = arith.constant 2 : i32
        %dma_start3A_870 = arith.constant 0 : i32
        %dma_start3A_871 = arith.constant 0 : i32
        %dma_start3A_872 = tpu.memref_slice %arg7[%dma_start3A_869, %dma_start3A_870, %dma_start3A_871] : memref<6x40x128xf32, #tpu.memory_space<vmem>> -> memref<1x40x128xf32, #tpu.memory_space<vmem>>
        %dma_start3A_873 = tpu.memref_squeeze %dma_start3A_872 : memref<1x40x128xf32, #tpu.memory_space<vmem>> -> memref<40x128xf32, #tpu.memory_space<vmem>>
        %dma_start3A_874 = arith.constant 0 : i32
        %dma_start3A_875 = tpu.memref_slice %arg5[%dma_start3A_868, %dma_start3A_874] : memref<12x40xi32, #tpu.memory_space<vmem>> -> memref<1x40xi32, #tpu.memory_space<vmem>>
        %dma_start3A_876 = tpu.memref_squeeze %dma_start3A_875 : memref<1x40xi32, #tpu.memory_space<vmem>> -> memref<40xi32, #tpu.memory_space<vmem>>
        %dma_start3A_877 = arith.constant 0 : i32
        %dma_start3A_878 = arith.constant 0 : i32
        %dma_start3A_879 = tpu.memref_slice %arg3[%dma_start3A_877, %dma_start3A_878] : memref<10000x128xf32, #tpu.memory_space<hbm>> -> memref<10000x128xf32, #tpu.memory_space<hbm>>
        tpu.enqueue_indirect_dma source(%dma_start3A_879 : memref<10000x128xf32, #tpu.memory_space<hbm>>) target(%dma_start3A_873 : memref<40x128xf32, #tpu.memory_space<vmem>>) offsets(%dma_start3A_876 : memref<40xi32, #tpu.memory_space<vmem>>) semaphore(%arg22 : memref<!tpu.dma_semaphore, #tpu.memory_space<semaphore_mem>>)
      } else {
      }
      %add3A_584 = arith.constant 8 : i32
      %add3A_585 = arith.addi %add3A_563, %add3A_584 : i32
      %lt3A_586 = arith.constant 500 : i32
      %lt3A_587 = arith.cmpi slt, %add3A_585, %lt3A_586 : i32
      %convert_element_type3A_588 = arith.extui %lt3A_587 : i1 to i32
      %cond3A_589 = arith.constant 0 : i32
      %cond3A_590 = arith.cmpi ne, %convert_element_type3A_588, %cond3A_589 : i32
      scf.if %cond3A_590 {
        %add3A_840 = arith.constant 8 : i32
        %add3A_841 = arith.addi %add3A_563, %add3A_840 : i32
        %mul3A_842 = arith.constant 40 : i32
        %mul3A_843 = arith.muli %add3A_841, %mul3A_842 : i32
        %add3A_844 = arith.addi %mul3A_2, %mul3A_843 : i32
        %dma_start3A_845 = arith.constant 11 : i32
        %dma_start3A_846 = arith.constant 0 : i32
        %dma_start3A_847 = tpu.memref_slice %arg5[%dma_start3A_845, %dma_start3A_846] : memref<12x40xi32, #tpu.memory_space<vmem>> -> memref<1x40xi32, #tpu.memory_space<vmem>>
        %dma_start3A_848 = tpu.memref_squeeze %dma_start3A_847 : memref<1x40xi32, #tpu.memory_space<vmem>> -> memref<40xi32, #tpu.memory_space<vmem>>
        %dma_start3A_849 = tpu.memref_slice %arg2[%add3A_844] : memref<640000xi32, #tpu.memory_space<hbm>> -> memref<40xi32, #tpu.memory_space<hbm>>
        %dma_start3A_850 = arith.constant 0 : i32
        %dma_start3A_851 = tpu.memref_slice %arg5[%dma_start3A_845, %dma_start3A_850] : memref<12x40xi32, #tpu.memory_space<vmem>> -> memref<1x40xi32, #tpu.memory_space<vmem>>
        %dma_start3A_852 = tpu.memref_squeeze %dma_start3A_851 : memref<1x40xi32, #tpu.memory_space<vmem>> -> memref<40xi32, #tpu.memory_space<vmem>>
        %dma_start3A_853 = tpu.memref_slice %arg2[%add3A_844] : memref<640000xi32, #tpu.memory_space<hbm>> -> memref<40xi32, #tpu.memory_space<hbm>>
        tpu.enqueue_dma source(%dma_start3A_853 : memref<40xi32, #tpu.memory_space<hbm>>) target(%dma_start3A_852 : memref<40xi32, #tpu.memory_space<vmem>>) target_semaphore(%arg19 : memref<!tpu.dma_semaphore, #tpu.memory_space<semaphore_mem>>)
        %add3A_854 = arith.constant 320000 : i32
        %add3A_855 = arith.addi %add3A_854, %mul3A_2 : i32
        %mul3A_856 = arith.constant 40 : i32
        %mul3A_857 = arith.muli %add3A_841, %mul3A_856 : i32
        %add3A_858 = arith.addi %add3A_855, %mul3A_857 : i32
        %dma_start3A_859 = arith.constant 11 : i32
        %dma_start3A_860 = arith.constant 0 : i32
        %dma_start3A_861 = tpu.memref_slice %arg6[%dma_start3A_859, %dma_start3A_860] : memref<12x40xi32, #tpu.memory_space<vmem>> -> memref<1x40xi32, #tpu.memory_space<vmem>>
        %dma_start3A_862 = tpu.memref_squeeze %dma_start3A_861 : memref<1x40xi32, #tpu.memory_space<vmem>> -> memref<40xi32, #tpu.memory_space<vmem>>
        %dma_start3A_863 = tpu.memref_slice %arg2[%add3A_858] : memref<640000xi32, #tpu.memory_space<hbm>> -> memref<40xi32, #tpu.memory_space<hbm>>
        %dma_start3A_864 = arith.constant 0 : i32
        %dma_start3A_865 = tpu.memref_slice %arg6[%dma_start3A_859, %dma_start3A_864] : memref<12x40xi32, #tpu.memory_space<vmem>> -> memref<1x40xi32, #tpu.memory_space<vmem>>
        %dma_start3A_866 = tpu.memref_squeeze %dma_start3A_865 : memref<1x40xi32, #tpu.memory_space<vmem>> -> memref<40xi32, #tpu.memory_space<vmem>>
        %dma_start3A_867 = tpu.memref_slice %arg2[%add3A_858] : memref<640000xi32, #tpu.memory_space<hbm>> -> memref<40xi32, #tpu.memory_space<hbm>>
        tpu.enqueue_dma source(%dma_start3A_867 : memref<40xi32, #tpu.memory_space<hbm>>) target(%dma_start3A_866 : memref<40xi32, #tpu.memory_space<vmem>>) target_semaphore(%arg19 : memref<!tpu.dma_semaphore, #tpu.memory_space<semaphore_mem>>)
      } else {
      }
      %mul3A_591 = arith.constant 12 : i32
      %mul3A_592 = arith.muli %scan3A_470, %mul3A_591 : i32
      %add3A_593 = arith.constant 4 : i32
      %add3A_594 = arith.addi %mul3A_592, %add3A_593 : i32
      %lt3A_595 = arith.constant 500 : i32
      %lt3A_596 = arith.cmpi slt, %add3A_594, %lt3A_595 : i32
      %convert_element_type3A_597 = arith.extui %lt3A_596 : i1 to i32
      %cond3A_598 = arith.constant 0 : i32
      %cond3A_599 = arith.cmpi ne, %convert_element_type3A_597, %cond3A_598 : i32
      scf.if %cond3A_599 {
        %dma_wait3A_840 = arith.constant 4 : i32
        %dma_wait3A_841 = arith.constant 4 : i32
        %dma_wait3A_842 = arith.constant 0 : i32
        %dma_wait3A_843 = arith.constant 0 : i32
        %dma_wait3A_844 = tpu.memref_slice %arg7[%dma_wait3A_841, %dma_wait3A_842, %dma_wait3A_843] : memref<6x40x128xf32, #tpu.memory_space<vmem>> -> memref<1x40x128xf32, #tpu.memory_space<vmem>>
        %dma_wait3A_845 = tpu.memref_squeeze %dma_wait3A_844 : memref<1x40x128xf32, #tpu.memory_space<vmem>> -> memref<40x128xf32, #tpu.memory_space<vmem>>
        %dma_wait3A_846 = arith.constant 0 : i32
        %dma_wait3A_847 = tpu.memref_slice %arg5[%dma_wait3A_840, %dma_wait3A_846] : memref<12x40xi32, #tpu.memory_space<vmem>> -> memref<1x40xi32, #tpu.memory_space<vmem>>
        %dma_wait3A_848 = tpu.memref_squeeze %dma_wait3A_847 : memref<1x40xi32, #tpu.memory_space<vmem>> -> memref<40xi32, #tpu.memory_space<vmem>>
        %dma_wait3A_849 = arith.constant 0 : i32
        %dma_wait3A_850 = arith.constant 0 : i32
        %dma_wait3A_851 = tpu.memref_slice %arg3[%dma_wait3A_849, %dma_wait3A_850] : memref<10000x128xf32, #tpu.memory_space<hbm>> -> memref<10000x128xf32, #tpu.memory_space<hbm>>
        tpu.wait_indirect_dma semaphore(%arg24 : memref<!tpu.dma_semaphore, #tpu.memory_space<semaphore_mem>>) src(%dma_wait3A_851 : memref<10000x128xf32, #tpu.memory_space<hbm>>) dst(%dma_wait3A_845 : memref<40x128xf32, #tpu.memory_space<vmem>>)
        %dma_start3A_852 = arith.constant 4 : i32
        %dma_start3A_853 = arith.constant 4 : i32
        %dma_start3A_854 = arith.constant 0 : i32
        %dma_start3A_855 = arith.constant 0 : i32
        %dma_start3A_856 = tpu.memref_slice %arg7[%dma_start3A_852, %dma_start3A_854, %dma_start3A_855] : memref<6x40x128xf32, #tpu.memory_space<vmem>> -> memref<1x40x128xf32, #tpu.memory_space<vmem>>
        %dma_start3A_857 = tpu.memref_squeeze %dma_start3A_856 : memref<1x40x128xf32, #tpu.memory_space<vmem>> -> memref<40x128xf32, #tpu.memory_space<vmem>>
        %dma_start3A_858 = arith.constant 0 : i32
        %dma_start3A_859 = tpu.memref_slice %arg6[%dma_start3A_853, %dma_start3A_858] : memref<12x40xi32, #tpu.memory_space<vmem>> -> memref<1x40xi32, #tpu.memory_space<vmem>>
        %dma_start3A_860 = tpu.memref_squeeze %dma_start3A_859 : memref<1x40xi32, #tpu.memory_space<vmem>> -> memref<40xi32, #tpu.memory_space<vmem>>
        %dma_start3A_861 = arith.constant 0 : i32
        %dma_start3A_862 = arith.constant 0 : i32
        %dma_start3A_863 = tpu.memref_slice %arg32[%dma_start3A_861, %dma_start3A_862] : memref<10240x128xf32, #tpu.memory_space<vmem_shared>> -> memref<10240x128xf32, #tpu.memory_space<vmem_shared>>
        tpu.enqueue_indirect_dma source(%dma_start3A_857 : memref<40x128xf32, #tpu.memory_space<vmem>>) target(%dma_start3A_863 : memref<10240x128xf32, #tpu.memory_space<vmem_shared>>) offsets(%dma_start3A_860 : memref<40xi32, #tpu.memory_space<vmem>>) semaphore(%arg30 : memref<!tpu.dma_semaphore, #tpu.memory_space<semaphore_mem>>) {add = true}
      } else {
      }
      %ge3A_600 = arith.constant 1 : i32
      %ge3A_601 = arith.cmpi sge, %add3A_594, %ge3A_600 : i32
      %lt3A_602 = arith.constant 501 : i32
      %lt3A_603 = arith.cmpi slt, %add3A_594, %lt3A_602 : i32
      %and3A_604 = arith.andi %ge3A_601, %lt3A_603 : i1
      %convert_element_type3A_605 = arith.extui %and3A_604 : i1 to i32
      %cond3A_606 = arith.constant 0 : i32
      %cond3A_607 = arith.cmpi ne, %convert_element_type3A_605, %cond3A_606 : i32
      scf.if %cond3A_607 {
        %dma_wait3A_840 = arith.constant 3 : i32
        %dma_wait3A_841 = arith.constant 3 : i32
        %dma_wait3A_842 = arith.constant 0 : i32
        %dma_wait3A_843 = arith.constant 0 : i32
        %dma_wait3A_844 = tpu.memref_slice %arg7[%dma_wait3A_840, %dma_wait3A_842, %dma_wait3A_843] : memref<6x40x128xf32, #tpu.memory_space<vmem>> -> memref<1x40x128xf32, #tpu.memory_space<vmem>>
        %dma_wait3A_845 = tpu.memref_squeeze %dma_wait3A_844 : memref<1x40x128xf32, #tpu.memory_space<vmem>> -> memref<40x128xf32, #tpu.memory_space<vmem>>
        %dma_wait3A_846 = arith.constant 0 : i32
        %dma_wait3A_847 = tpu.memref_slice %arg6[%dma_wait3A_841, %dma_wait3A_846] : memref<12x40xi32, #tpu.memory_space<vmem>> -> memref<1x40xi32, #tpu.memory_space<vmem>>
        %dma_wait3A_848 = tpu.memref_squeeze %dma_wait3A_847 : memref<1x40xi32, #tpu.memory_space<vmem>> -> memref<40xi32, #tpu.memory_space<vmem>>
        %dma_wait3A_849 = arith.constant 0 : i32
        %dma_wait3A_850 = arith.constant 0 : i32
        %dma_wait3A_851 = tpu.memref_slice %arg32[%dma_wait3A_849, %dma_wait3A_850] : memref<10240x128xf32, #tpu.memory_space<vmem_shared>> -> memref<10240x128xf32, #tpu.memory_space<vmem_shared>>
        tpu.wait_indirect_dma semaphore(%arg29 : memref<!tpu.dma_semaphore, #tpu.memory_space<semaphore_mem>>) src(%dma_wait3A_845 : memref<40x128xf32, #tpu.memory_space<vmem>>) dst(%dma_wait3A_851 : memref<10240x128xf32, #tpu.memory_space<vmem_shared>>)
      } else {
      }
      %add3A_608 = arith.constant 5 : i32
      %add3A_609 = arith.addi %add3A_594, %add3A_608 : i32
      %lt3A_610 = arith.constant 500 : i32
      %lt3A_611 = arith.cmpi slt, %add3A_609, %lt3A_610 : i32
      %convert_element_type3A_612 = arith.extui %lt3A_611 : i1 to i32
      %cond3A_613 = arith.constant 0 : i32
      %cond3A_614 = arith.cmpi ne, %convert_element_type3A_612, %cond3A_613 : i32
      scf.if %cond3A_614 {
        %add3A_840 = arith.constant 5 : i32
        %add3A_841 = arith.addi %add3A_594, %add3A_840 : i32
        %mul3A_842 = arith.constant 40 : i32
        %mul3A_843 = arith.muli %add3A_841, %mul3A_842 : i32
        %add3A_844 = arith.addi %mul3A_2, %mul3A_843 : i32
        %dma_wait3A_845 = arith.constant 9 : i32
        %dma_wait3A_846 = arith.constant 0 : i32
        %dma_wait3A_847 = tpu.memref_slice %arg5[%dma_wait3A_845, %dma_wait3A_846] : memref<12x40xi32, #tpu.memory_space<vmem>> -> memref<1x40xi32, #tpu.memory_space<vmem>>
        %dma_wait3A_848 = tpu.memref_squeeze %dma_wait3A_847 : memref<1x40xi32, #tpu.memory_space<vmem>> -> memref<40xi32, #tpu.memory_space<vmem>>
        %dma_wait3A_849 = tpu.memref_slice %arg2[%add3A_844] : memref<640000xi32, #tpu.memory_space<hbm>> -> memref<40xi32, #tpu.memory_space<hbm>>
        %dma_wait3A_850 = arith.constant 0 : i32
        %dma_wait3A_851 = tpu.memref_slice %arg5[%dma_wait3A_845, %dma_wait3A_850] : memref<12x40xi32, #tpu.memory_space<vmem>> -> memref<1x40xi32, #tpu.memory_space<vmem>>
        %dma_wait3A_852 = tpu.memref_squeeze %dma_wait3A_851 : memref<1x40xi32, #tpu.memory_space<vmem>> -> memref<40xi32, #tpu.memory_space<vmem>>
        %dma_wait3A_853 = tpu.memref_slice %arg2[%add3A_844] : memref<640000xi32, #tpu.memory_space<hbm>> -> memref<40xi32, #tpu.memory_space<hbm>>
        tpu.wait_dma2 semaphore(%arg17 : memref<!tpu.dma_semaphore, #tpu.memory_space<semaphore_mem>>) src(%dma_wait3A_853 : memref<40xi32, #tpu.memory_space<hbm>>) dst(%dma_wait3A_852 : memref<40xi32, #tpu.memory_space<vmem>>)
        %add3A_854 = arith.constant 320000 : i32
        %add3A_855 = arith.addi %add3A_854, %mul3A_2 : i32
        %mul3A_856 = arith.constant 40 : i32
        %mul3A_857 = arith.muli %add3A_841, %mul3A_856 : i32
        %add3A_858 = arith.addi %add3A_855, %mul3A_857 : i32
        %dma_wait3A_859 = arith.constant 9 : i32
        %dma_wait3A_860 = arith.constant 0 : i32
        %dma_wait3A_861 = tpu.memref_slice %arg6[%dma_wait3A_859, %dma_wait3A_860] : memref<12x40xi32, #tpu.memory_space<vmem>> -> memref<1x40xi32, #tpu.memory_space<vmem>>
        %dma_wait3A_862 = tpu.memref_squeeze %dma_wait3A_861 : memref<1x40xi32, #tpu.memory_space<vmem>> -> memref<40xi32, #tpu.memory_space<vmem>>
        %dma_wait3A_863 = tpu.memref_slice %arg2[%add3A_858] : memref<640000xi32, #tpu.memory_space<hbm>> -> memref<40xi32, #tpu.memory_space<hbm>>
        %dma_wait3A_864 = arith.constant 0 : i32
        %dma_wait3A_865 = tpu.memref_slice %arg6[%dma_wait3A_859, %dma_wait3A_864] : memref<12x40xi32, #tpu.memory_space<vmem>> -> memref<1x40xi32, #tpu.memory_space<vmem>>
        %dma_wait3A_866 = tpu.memref_squeeze %dma_wait3A_865 : memref<1x40xi32, #tpu.memory_space<vmem>> -> memref<40xi32, #tpu.memory_space<vmem>>
        %dma_wait3A_867 = tpu.memref_slice %arg2[%add3A_858] : memref<640000xi32, #tpu.memory_space<hbm>> -> memref<40xi32, #tpu.memory_space<hbm>>
        tpu.wait_dma2 semaphore(%arg17 : memref<!tpu.dma_semaphore, #tpu.memory_space<semaphore_mem>>) src(%dma_wait3A_867 : memref<40xi32, #tpu.memory_space<hbm>>) dst(%dma_wait3A_866 : memref<40xi32, #tpu.memory_space<vmem>>)
        %dma_start3A_868 = arith.constant 9 : i32
        %dma_start3A_869 = arith.constant 3 : i32
        %dma_start3A_870 = arith.constant 0 : i32
        %dma_start3A_871 = arith.constant 0 : i32
        %dma_start3A_872 = tpu.memref_slice %arg7[%dma_start3A_869, %dma_start3A_870, %dma_start3A_871] : memref<6x40x128xf32, #tpu.memory_space<vmem>> -> memref<1x40x128xf32, #tpu.memory_space<vmem>>
        %dma_start3A_873 = tpu.memref_squeeze %dma_start3A_872 : memref<1x40x128xf32, #tpu.memory_space<vmem>> -> memref<40x128xf32, #tpu.memory_space<vmem>>
        %dma_start3A_874 = arith.constant 0 : i32
        %dma_start3A_875 = tpu.memref_slice %arg5[%dma_start3A_868, %dma_start3A_874] : memref<12x40xi32, #tpu.memory_space<vmem>> -> memref<1x40xi32, #tpu.memory_space<vmem>>
        %dma_start3A_876 = tpu.memref_squeeze %dma_start3A_875 : memref<1x40xi32, #tpu.memory_space<vmem>> -> memref<40xi32, #tpu.memory_space<vmem>>
        %dma_start3A_877 = arith.constant 0 : i32
        %dma_start3A_878 = arith.constant 0 : i32
        %dma_start3A_879 = tpu.memref_slice %arg3[%dma_start3A_877, %dma_start3A_878] : memref<10000x128xf32, #tpu.memory_space<hbm>> -> memref<10000x128xf32, #tpu.memory_space<hbm>>
        tpu.enqueue_indirect_dma source(%dma_start3A_879 : memref<10000x128xf32, #tpu.memory_space<hbm>>) target(%dma_start3A_873 : memref<40x128xf32, #tpu.memory_space<vmem>>) offsets(%dma_start3A_876 : memref<40xi32, #tpu.memory_space<vmem>>) semaphore(%arg23 : memref<!tpu.dma_semaphore, #tpu.memory_space<semaphore_mem>>)
      } else {
      }
      %add3A_615 = arith.constant 8 : i32
      %add3A_616 = arith.addi %add3A_594, %add3A_615 : i32
      %lt3A_617 = arith.constant 500 : i32
      %lt3A_618 = arith.cmpi slt, %add3A_616, %lt3A_617 : i32
      %convert_element_type3A_619 = arith.extui %lt3A_618 : i1 to i32
      %cond3A_620 = arith.constant 0 : i32
      %cond3A_621 = arith.cmpi ne, %convert_element_type3A_619, %cond3A_620 : i32
      scf.if %cond3A_621 {
        %add3A_840 = arith.constant 8 : i32
        %add3A_841 = arith.addi %add3A_594, %add3A_840 : i32
        %mul3A_842 = arith.constant 40 : i32
        %mul3A_843 = arith.muli %add3A_841, %mul3A_842 : i32
        %add3A_844 = arith.addi %mul3A_2, %mul3A_843 : i32
        %dma_start3A_845 = arith.constant 0 : i32
        %dma_start3A_846 = arith.constant 0 : i32
        %dma_start3A_847 = tpu.memref_slice %arg5[%dma_start3A_845, %dma_start3A_846] : memref<12x40xi32, #tpu.memory_space<vmem>> -> memref<1x40xi32, #tpu.memory_space<vmem>>
        %dma_start3A_848 = tpu.memref_squeeze %dma_start3A_847 : memref<1x40xi32, #tpu.memory_space<vmem>> -> memref<40xi32, #tpu.memory_space<vmem>>
        %dma_start3A_849 = tpu.memref_slice %arg2[%add3A_844] : memref<640000xi32, #tpu.memory_space<hbm>> -> memref<40xi32, #tpu.memory_space<hbm>>
        %dma_start3A_850 = arith.constant 0 : i32
        %dma_start3A_851 = tpu.memref_slice %arg5[%dma_start3A_845, %dma_start3A_850] : memref<12x40xi32, #tpu.memory_space<vmem>> -> memref<1x40xi32, #tpu.memory_space<vmem>>
        %dma_start3A_852 = tpu.memref_squeeze %dma_start3A_851 : memref<1x40xi32, #tpu.memory_space<vmem>> -> memref<40xi32, #tpu.memory_space<vmem>>
        %dma_start3A_853 = tpu.memref_slice %arg2[%add3A_844] : memref<640000xi32, #tpu.memory_space<hbm>> -> memref<40xi32, #tpu.memory_space<hbm>>
        tpu.enqueue_dma source(%dma_start3A_853 : memref<40xi32, #tpu.memory_space<hbm>>) target(%dma_start3A_852 : memref<40xi32, #tpu.memory_space<vmem>>) target_semaphore(%arg8 : memref<!tpu.dma_semaphore, #tpu.memory_space<semaphore_mem>>)
        %add3A_854 = arith.constant 320000 : i32
        %add3A_855 = arith.addi %add3A_854, %mul3A_2 : i32
        %mul3A_856 = arith.constant 40 : i32
        %mul3A_857 = arith.muli %add3A_841, %mul3A_856 : i32
        %add3A_858 = arith.addi %add3A_855, %mul3A_857 : i32
        %dma_start3A_859 = arith.constant 0 : i32
        %dma_start3A_860 = arith.constant 0 : i32
        %dma_start3A_861 = tpu.memref_slice %arg6[%dma_start3A_859, %dma_start3A_860] : memref<12x40xi32, #tpu.memory_space<vmem>> -> memref<1x40xi32, #tpu.memory_space<vmem>>
        %dma_start3A_862 = tpu.memref_squeeze %dma_start3A_861 : memref<1x40xi32, #tpu.memory_space<vmem>> -> memref<40xi32, #tpu.memory_space<vmem>>
        %dma_start3A_863 = tpu.memref_slice %arg2[%add3A_858] : memref<640000xi32, #tpu.memory_space<hbm>> -> memref<40xi32, #tpu.memory_space<hbm>>
        %dma_start3A_864 = arith.constant 0 : i32
        %dma_start3A_865 = tpu.memref_slice %arg6[%dma_start3A_859, %dma_start3A_864] : memref<12x40xi32, #tpu.memory_space<vmem>> -> memref<1x40xi32, #tpu.memory_space<vmem>>
        %dma_start3A_866 = tpu.memref_squeeze %dma_start3A_865 : memref<1x40xi32, #tpu.memory_space<vmem>> -> memref<40xi32, #tpu.memory_space<vmem>>
        %dma_start3A_867 = tpu.memref_slice %arg2[%add3A_858] : memref<640000xi32, #tpu.memory_space<hbm>> -> memref<40xi32, #tpu.memory_space<hbm>>
        tpu.enqueue_dma source(%dma_start3A_867 : memref<40xi32, #tpu.memory_space<hbm>>) target(%dma_start3A_866 : memref<40xi32, #tpu.memory_space<vmem>>) target_semaphore(%arg8 : memref<!tpu.dma_semaphore, #tpu.memory_space<semaphore_mem>>)
      } else {
      }
      %mul3A_622 = arith.constant 12 : i32
      %mul3A_623 = arith.muli %scan3A_470, %mul3A_622 : i32
      %add3A_624 = arith.constant 5 : i32
      %add3A_625 = arith.addi %mul3A_623, %add3A_624 : i32
      %lt3A_626 = arith.constant 500 : i32
      %lt3A_627 = arith.cmpi slt, %add3A_625, %lt3A_626 : i32
      %convert_element_type3A_628 = arith.extui %lt3A_627 : i1 to i32
      %cond3A_629 = arith.constant 0 : i32
      %cond3A_630 = arith.cmpi ne, %convert_element_type3A_628, %cond3A_629 : i32
      scf.if %cond3A_630 {
        %dma_wait3A_840 = arith.constant 5 : i32
        %dma_wait3A_841 = arith.constant 5 : i32
        %dma_wait3A_842 = arith.constant 0 : i32
        %dma_wait3A_843 = arith.constant 0 : i32
        %dma_wait3A_844 = tpu.memref_slice %arg7[%dma_wait3A_841, %dma_wait3A_842, %dma_wait3A_843] : memref<6x40x128xf32, #tpu.memory_space<vmem>> -> memref<1x40x128xf32, #tpu.memory_space<vmem>>
        %dma_wait3A_845 = tpu.memref_squeeze %dma_wait3A_844 : memref<1x40x128xf32, #tpu.memory_space<vmem>> -> memref<40x128xf32, #tpu.memory_space<vmem>>
        %dma_wait3A_846 = arith.constant 0 : i32
        %dma_wait3A_847 = tpu.memref_slice %arg5[%dma_wait3A_840, %dma_wait3A_846] : memref<12x40xi32, #tpu.memory_space<vmem>> -> memref<1x40xi32, #tpu.memory_space<vmem>>
        %dma_wait3A_848 = tpu.memref_squeeze %dma_wait3A_847 : memref<1x40xi32, #tpu.memory_space<vmem>> -> memref<40xi32, #tpu.memory_space<vmem>>
        %dma_wait3A_849 = arith.constant 0 : i32
        %dma_wait3A_850 = arith.constant 0 : i32
        %dma_wait3A_851 = tpu.memref_slice %arg3[%dma_wait3A_849, %dma_wait3A_850] : memref<10000x128xf32, #tpu.memory_space<hbm>> -> memref<10000x128xf32, #tpu.memory_space<hbm>>
        tpu.wait_indirect_dma semaphore(%arg25 : memref<!tpu.dma_semaphore, #tpu.memory_space<semaphore_mem>>) src(%dma_wait3A_851 : memref<10000x128xf32, #tpu.memory_space<hbm>>) dst(%dma_wait3A_845 : memref<40x128xf32, #tpu.memory_space<vmem>>)
        %dma_start3A_852 = arith.constant 5 : i32
        %dma_start3A_853 = arith.constant 5 : i32
        %dma_start3A_854 = arith.constant 0 : i32
        %dma_start3A_855 = arith.constant 0 : i32
        %dma_start3A_856 = tpu.memref_slice %arg7[%dma_start3A_852, %dma_start3A_854, %dma_start3A_855] : memref<6x40x128xf32, #tpu.memory_space<vmem>> -> memref<1x40x128xf32, #tpu.memory_space<vmem>>
        %dma_start3A_857 = tpu.memref_squeeze %dma_start3A_856 : memref<1x40x128xf32, #tpu.memory_space<vmem>> -> memref<40x128xf32, #tpu.memory_space<vmem>>
        %dma_start3A_858 = arith.constant 0 : i32
        %dma_start3A_859 = tpu.memref_slice %arg6[%dma_start3A_853, %dma_start3A_858] : memref<12x40xi32, #tpu.memory_space<vmem>> -> memref<1x40xi32, #tpu.memory_space<vmem>>
        %dma_start3A_860 = tpu.memref_squeeze %dma_start3A_859 : memref<1x40xi32, #tpu.memory_space<vmem>> -> memref<40xi32, #tpu.memory_space<vmem>>
        %dma_start3A_861 = arith.constant 0 : i32
        %dma_start3A_862 = arith.constant 0 : i32
        %dma_start3A_863 = tpu.memref_slice %arg32[%dma_start3A_861, %dma_start3A_862] : memref<10240x128xf32, #tpu.memory_space<vmem_shared>> -> memref<10240x128xf32, #tpu.memory_space<vmem_shared>>
        tpu.enqueue_indirect_dma source(%dma_start3A_857 : memref<40x128xf32, #tpu.memory_space<vmem>>) target(%dma_start3A_863 : memref<10240x128xf32, #tpu.memory_space<vmem_shared>>) offsets(%dma_start3A_860 : memref<40xi32, #tpu.memory_space<vmem>>) semaphore(%arg31 : memref<!tpu.dma_semaphore, #tpu.memory_space<semaphore_mem>>) {add = true}
      } else {
      }
      %ge3A_631 = arith.constant 1 : i32
      %ge3A_632 = arith.cmpi sge, %add3A_625, %ge3A_631 : i32
      %lt3A_633 = arith.constant 501 : i32
      %lt3A_634 = arith.cmpi slt, %add3A_625, %lt3A_633 : i32
      %and3A_635 = arith.andi %ge3A_632, %lt3A_634 : i1
      %convert_element_type3A_636 = arith.extui %and3A_635 : i1 to i32
      %cond3A_637 = arith.constant 0 : i32
      %cond3A_638 = arith.cmpi ne, %convert_element_type3A_636, %cond3A_637 : i32
      scf.if %cond3A_638 {
        %dma_wait3A_840 = arith.constant 4 : i32
        %dma_wait3A_841 = arith.constant 4 : i32
        %dma_wait3A_842 = arith.constant 0 : i32
        %dma_wait3A_843 = arith.constant 0 : i32
        %dma_wait3A_844 = tpu.memref_slice %arg7[%dma_wait3A_840, %dma_wait3A_842, %dma_wait3A_843] : memref<6x40x128xf32, #tpu.memory_space<vmem>> -> memref<1x40x128xf32, #tpu.memory_space<vmem>>
        %dma_wait3A_845 = tpu.memref_squeeze %dma_wait3A_844 : memref<1x40x128xf32, #tpu.memory_space<vmem>> -> memref<40x128xf32, #tpu.memory_space<vmem>>
        %dma_wait3A_846 = arith.constant 0 : i32
        %dma_wait3A_847 = tpu.memref_slice %arg6[%dma_wait3A_841, %dma_wait3A_846] : memref<12x40xi32, #tpu.memory_space<vmem>> -> memref<1x40xi32, #tpu.memory_space<vmem>>
        %dma_wait3A_848 = tpu.memref_squeeze %dma_wait3A_847 : memref<1x40xi32, #tpu.memory_space<vmem>> -> memref<40xi32, #tpu.memory_space<vmem>>
        %dma_wait3A_849 = arith.constant 0 : i32
        %dma_wait3A_850 = arith.constant 0 : i32
        %dma_wait3A_851 = tpu.memref_slice %arg32[%dma_wait3A_849, %dma_wait3A_850] : memref<10240x128xf32, #tpu.memory_space<vmem_shared>> -> memref<10240x128xf32, #tpu.memory_space<vmem_shared>>
        tpu.wait_indirect_dma semaphore(%arg30 : memref<!tpu.dma_semaphore, #tpu.memory_space<semaphore_mem>>) src(%dma_wait3A_845 : memref<40x128xf32, #tpu.memory_space<vmem>>) dst(%dma_wait3A_851 : memref<10240x128xf32, #tpu.memory_space<vmem_shared>>)
      } else {
      }
      %add3A_639 = arith.constant 5 : i32
      %add3A_640 = arith.addi %add3A_625, %add3A_639 : i32
      %lt3A_641 = arith.constant 500 : i32
      %lt3A_642 = arith.cmpi slt, %add3A_640, %lt3A_641 : i32
      %convert_element_type3A_643 = arith.extui %lt3A_642 : i1 to i32
      %cond3A_644 = arith.constant 0 : i32
      %cond3A_645 = arith.cmpi ne, %convert_element_type3A_643, %cond3A_644 : i32
      scf.if %cond3A_645 {
        %add3A_840 = arith.constant 5 : i32
        %add3A_841 = arith.addi %add3A_625, %add3A_840 : i32
        %mul3A_842 = arith.constant 40 : i32
        %mul3A_843 = arith.muli %add3A_841, %mul3A_842 : i32
        %add3A_844 = arith.addi %mul3A_2, %mul3A_843 : i32
        %dma_wait3A_845 = arith.constant 10 : i32
        %dma_wait3A_846 = arith.constant 0 : i32
        %dma_wait3A_847 = tpu.memref_slice %arg5[%dma_wait3A_845, %dma_wait3A_846] : memref<12x40xi32, #tpu.memory_space<vmem>> -> memref<1x40xi32, #tpu.memory_space<vmem>>
        %dma_wait3A_848 = tpu.memref_squeeze %dma_wait3A_847 : memref<1x40xi32, #tpu.memory_space<vmem>> -> memref<40xi32, #tpu.memory_space<vmem>>
        %dma_wait3A_849 = tpu.memref_slice %arg2[%add3A_844] : memref<640000xi32, #tpu.memory_space<hbm>> -> memref<40xi32, #tpu.memory_space<hbm>>
        %dma_wait3A_850 = arith.constant 0 : i32
        %dma_wait3A_851 = tpu.memref_slice %arg5[%dma_wait3A_845, %dma_wait3A_850] : memref<12x40xi32, #tpu.memory_space<vmem>> -> memref<1x40xi32, #tpu.memory_space<vmem>>
        %dma_wait3A_852 = tpu.memref_squeeze %dma_wait3A_851 : memref<1x40xi32, #tpu.memory_space<vmem>> -> memref<40xi32, #tpu.memory_space<vmem>>
        %dma_wait3A_853 = tpu.memref_slice %arg2[%add3A_844] : memref<640000xi32, #tpu.memory_space<hbm>> -> memref<40xi32, #tpu.memory_space<hbm>>
        tpu.wait_dma2 semaphore(%arg18 : memref<!tpu.dma_semaphore, #tpu.memory_space<semaphore_mem>>) src(%dma_wait3A_853 : memref<40xi32, #tpu.memory_space<hbm>>) dst(%dma_wait3A_852 : memref<40xi32, #tpu.memory_space<vmem>>)
        %add3A_854 = arith.constant 320000 : i32
        %add3A_855 = arith.addi %add3A_854, %mul3A_2 : i32
        %mul3A_856 = arith.constant 40 : i32
        %mul3A_857 = arith.muli %add3A_841, %mul3A_856 : i32
        %add3A_858 = arith.addi %add3A_855, %mul3A_857 : i32
        %dma_wait3A_859 = arith.constant 10 : i32
        %dma_wait3A_860 = arith.constant 0 : i32
        %dma_wait3A_861 = tpu.memref_slice %arg6[%dma_wait3A_859, %dma_wait3A_860] : memref<12x40xi32, #tpu.memory_space<vmem>> -> memref<1x40xi32, #tpu.memory_space<vmem>>
        %dma_wait3A_862 = tpu.memref_squeeze %dma_wait3A_861 : memref<1x40xi32, #tpu.memory_space<vmem>> -> memref<40xi32, #tpu.memory_space<vmem>>
        %dma_wait3A_863 = tpu.memref_slice %arg2[%add3A_858] : memref<640000xi32, #tpu.memory_space<hbm>> -> memref<40xi32, #tpu.memory_space<hbm>>
        %dma_wait3A_864 = arith.constant 0 : i32
        %dma_wait3A_865 = tpu.memref_slice %arg6[%dma_wait3A_859, %dma_wait3A_864] : memref<12x40xi32, #tpu.memory_space<vmem>> -> memref<1x40xi32, #tpu.memory_space<vmem>>
        %dma_wait3A_866 = tpu.memref_squeeze %dma_wait3A_865 : memref<1x40xi32, #tpu.memory_space<vmem>> -> memref<40xi32, #tpu.memory_space<vmem>>
        %dma_wait3A_867 = tpu.memref_slice %arg2[%add3A_858] : memref<640000xi32, #tpu.memory_space<hbm>> -> memref<40xi32, #tpu.memory_space<hbm>>
        tpu.wait_dma2 semaphore(%arg18 : memref<!tpu.dma_semaphore, #tpu.memory_space<semaphore_mem>>) src(%dma_wait3A_867 : memref<40xi32, #tpu.memory_space<hbm>>) dst(%dma_wait3A_866 : memref<40xi32, #tpu.memory_space<vmem>>)
        %dma_start3A_868 = arith.constant 10 : i32
        %dma_start3A_869 = arith.constant 4 : i32
        %dma_start3A_870 = arith.constant 0 : i32
        %dma_start3A_871 = arith.constant 0 : i32
        %dma_start3A_872 = tpu.memref_slice %arg7[%dma_start3A_869, %dma_start3A_870, %dma_start3A_871] : memref<6x40x128xf32, #tpu.memory_space<vmem>> -> memref<1x40x128xf32, #tpu.memory_space<vmem>>
        %dma_start3A_873 = tpu.memref_squeeze %dma_start3A_872 : memref<1x40x128xf32, #tpu.memory_space<vmem>> -> memref<40x128xf32, #tpu.memory_space<vmem>>
        %dma_start3A_874 = arith.constant 0 : i32
        %dma_start3A_875 = tpu.memref_slice %arg5[%dma_start3A_868, %dma_start3A_874] : memref<12x40xi32, #tpu.memory_space<vmem>> -> memref<1x40xi32, #tpu.memory_space<vmem>>
        %dma_start3A_876 = tpu.memref_squeeze %dma_start3A_875 : memref<1x40xi32, #tpu.memory_space<vmem>> -> memref<40xi32, #tpu.memory_space<vmem>>
        %dma_start3A_877 = arith.constant 0 : i32
        %dma_start3A_878 = arith.constant 0 : i32
        %dma_start3A_879 = tpu.memref_slice %arg3[%dma_start3A_877, %dma_start3A_878] : memref<10000x128xf32, #tpu.memory_space<hbm>> -> memref<10000x128xf32, #tpu.memory_space<hbm>>
        tpu.enqueue_indirect_dma source(%dma_start3A_879 : memref<10000x128xf32, #tpu.memory_space<hbm>>) target(%dma_start3A_873 : memref<40x128xf32, #tpu.memory_space<vmem>>) offsets(%dma_start3A_876 : memref<40xi32, #tpu.memory_space<vmem>>) semaphore(%arg24 : memref<!tpu.dma_semaphore, #tpu.memory_space<semaphore_mem>>)
      } else {
      }
      %add3A_646 = arith.constant 8 : i32
      %add3A_647 = arith.addi %add3A_625, %add3A_646 : i32
      %lt3A_648 = arith.constant 500 : i32
      %lt3A_649 = arith.cmpi slt, %add3A_647, %lt3A_648 : i32
      %convert_element_type3A_650 = arith.extui %lt3A_649 : i1 to i32
      %cond3A_651 = arith.constant 0 : i32
      %cond3A_652 = arith.cmpi ne, %convert_element_type3A_650, %cond3A_651 : i32
      scf.if %cond3A_652 {
        %add3A_840 = arith.constant 8 : i32
        %add3A_841 = arith.addi %add3A_625, %add3A_840 : i32
        %mul3A_842 = arith.constant 40 : i32
        %mul3A_843 = arith.muli %add3A_841, %mul3A_842 : i32
        %add3A_844 = arith.addi %mul3A_2, %mul3A_843 : i32
        %dma_start3A_845 = arith.constant 1 : i32
        %dma_start3A_846 = arith.constant 0 : i32
        %dma_start3A_847 = tpu.memref_slice %arg5[%dma_start3A_845, %dma_start3A_846] : memref<12x40xi32, #tpu.memory_space<vmem>> -> memref<1x40xi32, #tpu.memory_space<vmem>>
        %dma_start3A_848 = tpu.memref_squeeze %dma_start3A_847 : memref<1x40xi32, #tpu.memory_space<vmem>> -> memref<40xi32, #tpu.memory_space<vmem>>
        %dma_start3A_849 = tpu.memref_slice %arg2[%add3A_844] : memref<640000xi32, #tpu.memory_space<hbm>> -> memref<40xi32, #tpu.memory_space<hbm>>
        %dma_start3A_850 = arith.constant 0 : i32
        %dma_start3A_851 = tpu.memref_slice %arg5[%dma_start3A_845, %dma_start3A_850] : memref<12x40xi32, #tpu.memory_space<vmem>> -> memref<1x40xi32, #tpu.memory_space<vmem>>
        %dma_start3A_852 = tpu.memref_squeeze %dma_start3A_851 : memref<1x40xi32, #tpu.memory_space<vmem>> -> memref<40xi32, #tpu.memory_space<vmem>>
        %dma_start3A_853 = tpu.memref_slice %arg2[%add3A_844] : memref<640000xi32, #tpu.memory_space<hbm>> -> memref<40xi32, #tpu.memory_space<hbm>>
        tpu.enqueue_dma source(%dma_start3A_853 : memref<40xi32, #tpu.memory_space<hbm>>) target(%dma_start3A_852 : memref<40xi32, #tpu.memory_space<vmem>>) target_semaphore(%arg9 : memref<!tpu.dma_semaphore, #tpu.memory_space<semaphore_mem>>)
        %add3A_854 = arith.constant 320000 : i32
        %add3A_855 = arith.addi %add3A_854, %mul3A_2 : i32
        %mul3A_856 = arith.constant 40 : i32
        %mul3A_857 = arith.muli %add3A_841, %mul3A_856 : i32
        %add3A_858 = arith.addi %add3A_855, %mul3A_857 : i32
        %dma_start3A_859 = arith.constant 1 : i32
        %dma_start3A_860 = arith.constant 0 : i32
        %dma_start3A_861 = tpu.memref_slice %arg6[%dma_start3A_859, %dma_start3A_860] : memref<12x40xi32, #tpu.memory_space<vmem>> -> memref<1x40xi32, #tpu.memory_space<vmem>>
        %dma_start3A_862 = tpu.memref_squeeze %dma_start3A_861 : memref<1x40xi32, #tpu.memory_space<vmem>> -> memref<40xi32, #tpu.memory_space<vmem>>
        %dma_start3A_863 = tpu.memref_slice %arg2[%add3A_858] : memref<640000xi32, #tpu.memory_space<hbm>> -> memref<40xi32, #tpu.memory_space<hbm>>
        %dma_start3A_864 = arith.constant 0 : i32
        %dma_start3A_865 = tpu.memref_slice %arg6[%dma_start3A_859, %dma_start3A_864] : memref<12x40xi32, #tpu.memory_space<vmem>> -> memref<1x40xi32, #tpu.memory_space<vmem>>
        %dma_start3A_866 = tpu.memref_squeeze %dma_start3A_865 : memref<1x40xi32, #tpu.memory_space<vmem>> -> memref<40xi32, #tpu.memory_space<vmem>>
        %dma_start3A_867 = tpu.memref_slice %arg2[%add3A_858] : memref<640000xi32, #tpu.memory_space<hbm>> -> memref<40xi32, #tpu.memory_space<hbm>>
        tpu.enqueue_dma source(%dma_start3A_867 : memref<40xi32, #tpu.memory_space<hbm>>) target(%dma_start3A_866 : memref<40xi32, #tpu.memory_space<vmem>>) target_semaphore(%arg9 : memref<!tpu.dma_semaphore, #tpu.memory_space<semaphore_mem>>)
      } else {
      }
      %mul3A_653 = arith.constant 12 : i32
      %mul3A_654 = arith.muli %scan3A_470, %mul3A_653 : i32
      %add3A_655 = arith.constant 6 : i32
      %add3A_656 = arith.addi %mul3A_654, %add3A_655 : i32
      %lt3A_657 = arith.constant 500 : i32
      %lt3A_658 = arith.cmpi slt, %add3A_656, %lt3A_657 : i32
      %convert_element_type3A_659 = arith.extui %lt3A_658 : i1 to i32
      %cond3A_660 = arith.constant 0 : i32
      %cond3A_661 = arith.cmpi ne, %convert_element_type3A_659, %cond3A_660 : i32
      scf.if %cond3A_661 {
        %dma_wait3A_840 = arith.constant 6 : i32
        %dma_wait3A_841 = arith.constant 0 : i32
        %dma_wait3A_842 = arith.constant 0 : i32
        %dma_wait3A_843 = arith.constant 0 : i32
        %dma_wait3A_844 = tpu.memref_slice %arg7[%dma_wait3A_841, %dma_wait3A_842, %dma_wait3A_843] : memref<6x40x128xf32, #tpu.memory_space<vmem>> -> memref<1x40x128xf32, #tpu.memory_space<vmem>>
        %dma_wait3A_845 = tpu.memref_squeeze %dma_wait3A_844 : memref<1x40x128xf32, #tpu.memory_space<vmem>> -> memref<40x128xf32, #tpu.memory_space<vmem>>
        %dma_wait3A_846 = arith.constant 0 : i32
        %dma_wait3A_847 = tpu.memref_slice %arg5[%dma_wait3A_840, %dma_wait3A_846] : memref<12x40xi32, #tpu.memory_space<vmem>> -> memref<1x40xi32, #tpu.memory_space<vmem>>
        %dma_wait3A_848 = tpu.memref_squeeze %dma_wait3A_847 : memref<1x40xi32, #tpu.memory_space<vmem>> -> memref<40xi32, #tpu.memory_space<vmem>>
        %dma_wait3A_849 = arith.constant 0 : i32
        %dma_wait3A_850 = arith.constant 0 : i32
        %dma_wait3A_851 = tpu.memref_slice %arg3[%dma_wait3A_849, %dma_wait3A_850] : memref<10000x128xf32, #tpu.memory_space<hbm>> -> memref<10000x128xf32, #tpu.memory_space<hbm>>
        tpu.wait_indirect_dma semaphore(%arg20 : memref<!tpu.dma_semaphore, #tpu.memory_space<semaphore_mem>>) src(%dma_wait3A_851 : memref<10000x128xf32, #tpu.memory_space<hbm>>) dst(%dma_wait3A_845 : memref<40x128xf32, #tpu.memory_space<vmem>>)
        %dma_start3A_852 = arith.constant 0 : i32
        %dma_start3A_853 = arith.constant 6 : i32
        %dma_start3A_854 = arith.constant 0 : i32
        %dma_start3A_855 = arith.constant 0 : i32
        %dma_start3A_856 = tpu.memref_slice %arg7[%dma_start3A_852, %dma_start3A_854, %dma_start3A_855] : memref<6x40x128xf32, #tpu.memory_space<vmem>> -> memref<1x40x128xf32, #tpu.memory_space<vmem>>
        %dma_start3A_857 = tpu.memref_squeeze %dma_start3A_856 : memref<1x40x128xf32, #tpu.memory_space<vmem>> -> memref<40x128xf32, #tpu.memory_space<vmem>>
        %dma_start3A_858 = arith.constant 0 : i32
        %dma_start3A_859 = tpu.memref_slice %arg6[%dma_start3A_853, %dma_start3A_858] : memref<12x40xi32, #tpu.memory_space<vmem>> -> memref<1x40xi32, #tpu.memory_space<vmem>>
        %dma_start3A_860 = tpu.memref_squeeze %dma_start3A_859 : memref<1x40xi32, #tpu.memory_space<vmem>> -> memref<40xi32, #tpu.memory_space<vmem>>
        %dma_start3A_861 = arith.constant 0 : i32
        %dma_start3A_862 = arith.constant 0 : i32
        %dma_start3A_863 = tpu.memref_slice %arg32[%dma_start3A_861, %dma_start3A_862] : memref<10240x128xf32, #tpu.memory_space<vmem_shared>> -> memref<10240x128xf32, #tpu.memory_space<vmem_shared>>
        tpu.enqueue_indirect_dma source(%dma_start3A_857 : memref<40x128xf32, #tpu.memory_space<vmem>>) target(%dma_start3A_863 : memref<10240x128xf32, #tpu.memory_space<vmem_shared>>) offsets(%dma_start3A_860 : memref<40xi32, #tpu.memory_space<vmem>>) semaphore(%arg26 : memref<!tpu.dma_semaphore, #tpu.memory_space<semaphore_mem>>) {add = true}
      } else {
      }
      %ge3A_662 = arith.constant 1 : i32
      %ge3A_663 = arith.cmpi sge, %add3A_656, %ge3A_662 : i32
      %lt3A_664 = arith.constant 501 : i32
      %lt3A_665 = arith.cmpi slt, %add3A_656, %lt3A_664 : i32
      %and3A_666 = arith.andi %ge3A_663, %lt3A_665 : i1
      %convert_element_type3A_667 = arith.extui %and3A_666 : i1 to i32
      %cond3A_668 = arith.constant 0 : i32
      %cond3A_669 = arith.cmpi ne, %convert_element_type3A_667, %cond3A_668 : i32
      scf.if %cond3A_669 {
        %dma_wait3A_840 = arith.constant 5 : i32
        %dma_wait3A_841 = arith.constant 5 : i32
        %dma_wait3A_842 = arith.constant 0 : i32
        %dma_wait3A_843 = arith.constant 0 : i32
        %dma_wait3A_844 = tpu.memref_slice %arg7[%dma_wait3A_840, %dma_wait3A_842, %dma_wait3A_843] : memref<6x40x128xf32, #tpu.memory_space<vmem>> -> memref<1x40x128xf32, #tpu.memory_space<vmem>>
        %dma_wait3A_845 = tpu.memref_squeeze %dma_wait3A_844 : memref<1x40x128xf32, #tpu.memory_space<vmem>> -> memref<40x128xf32, #tpu.memory_space<vmem>>
        %dma_wait3A_846 = arith.constant 0 : i32
        %dma_wait3A_847 = tpu.memref_slice %arg6[%dma_wait3A_841, %dma_wait3A_846] : memref<12x40xi32, #tpu.memory_space<vmem>> -> memref<1x40xi32, #tpu.memory_space<vmem>>
        %dma_wait3A_848 = tpu.memref_squeeze %dma_wait3A_847 : memref<1x40xi32, #tpu.memory_space<vmem>> -> memref<40xi32, #tpu.memory_space<vmem>>
        %dma_wait3A_849 = arith.constant 0 : i32
        %dma_wait3A_850 = arith.constant 0 : i32
        %dma_wait3A_851 = tpu.memref_slice %arg32[%dma_wait3A_849, %dma_wait3A_850] : memref<10240x128xf32, #tpu.memory_space<vmem_shared>> -> memref<10240x128xf32, #tpu.memory_space<vmem_shared>>
        tpu.wait_indirect_dma semaphore(%arg31 : memref<!tpu.dma_semaphore, #tpu.memory_space<semaphore_mem>>) src(%dma_wait3A_845 : memref<40x128xf32, #tpu.memory_space<vmem>>) dst(%dma_wait3A_851 : memref<10240x128xf32, #tpu.memory_space<vmem_shared>>)
      } else {
      }
      %add3A_670 = arith.constant 5 : i32
      %add3A_671 = arith.addi %add3A_656, %add3A_670 : i32
      %lt3A_672 = arith.constant 500 : i32
      %lt3A_673 = arith.cmpi slt, %add3A_671, %lt3A_672 : i32
      %convert_element_type3A_674 = arith.extui %lt3A_673 : i1 to i32
      %cond3A_675 = arith.constant 0 : i32
      %cond3A_676 = arith.cmpi ne, %convert_element_type3A_674, %cond3A_675 : i32
      scf.if %cond3A_676 {
        %add3A_840 = arith.constant 5 : i32
        %add3A_841 = arith.addi %add3A_656, %add3A_840 : i32
        %mul3A_842 = arith.constant 40 : i32
        %mul3A_843 = arith.muli %add3A_841, %mul3A_842 : i32
        %add3A_844 = arith.addi %mul3A_2, %mul3A_843 : i32
        %dma_wait3A_845 = arith.constant 11 : i32
        %dma_wait3A_846 = arith.constant 0 : i32
        %dma_wait3A_847 = tpu.memref_slice %arg5[%dma_wait3A_845, %dma_wait3A_846] : memref<12x40xi32, #tpu.memory_space<vmem>> -> memref<1x40xi32, #tpu.memory_space<vmem>>
        %dma_wait3A_848 = tpu.memref_squeeze %dma_wait3A_847 : memref<1x40xi32, #tpu.memory_space<vmem>> -> memref<40xi32, #tpu.memory_space<vmem>>
        %dma_wait3A_849 = tpu.memref_slice %arg2[%add3A_844] : memref<640000xi32, #tpu.memory_space<hbm>> -> memref<40xi32, #tpu.memory_space<hbm>>
        %dma_wait3A_850 = arith.constant 0 : i32
        %dma_wait3A_851 = tpu.memref_slice %arg5[%dma_wait3A_845, %dma_wait3A_850] : memref<12x40xi32, #tpu.memory_space<vmem>> -> memref<1x40xi32, #tpu.memory_space<vmem>>
        %dma_wait3A_852 = tpu.memref_squeeze %dma_wait3A_851 : memref<1x40xi32, #tpu.memory_space<vmem>> -> memref<40xi32, #tpu.memory_space<vmem>>
        %dma_wait3A_853 = tpu.memref_slice %arg2[%add3A_844] : memref<640000xi32, #tpu.memory_space<hbm>> -> memref<40xi32, #tpu.memory_space<hbm>>
        tpu.wait_dma2 semaphore(%arg19 : memref<!tpu.dma_semaphore, #tpu.memory_space<semaphore_mem>>) src(%dma_wait3A_853 : memref<40xi32, #tpu.memory_space<hbm>>) dst(%dma_wait3A_852 : memref<40xi32, #tpu.memory_space<vmem>>)
        %add3A_854 = arith.constant 320000 : i32
        %add3A_855 = arith.addi %add3A_854, %mul3A_2 : i32
        %mul3A_856 = arith.constant 40 : i32
        %mul3A_857 = arith.muli %add3A_841, %mul3A_856 : i32
        %add3A_858 = arith.addi %add3A_855, %mul3A_857 : i32
        %dma_wait3A_859 = arith.constant 11 : i32
        %dma_wait3A_860 = arith.constant 0 : i32
        %dma_wait3A_861 = tpu.memref_slice %arg6[%dma_wait3A_859, %dma_wait3A_860] : memref<12x40xi32, #tpu.memory_space<vmem>> -> memref<1x40xi32, #tpu.memory_space<vmem>>
        %dma_wait3A_862 = tpu.memref_squeeze %dma_wait3A_861 : memref<1x40xi32, #tpu.memory_space<vmem>> -> memref<40xi32, #tpu.memory_space<vmem>>
        %dma_wait3A_863 = tpu.memref_slice %arg2[%add3A_858] : memref<640000xi32, #tpu.memory_space<hbm>> -> memref<40xi32, #tpu.memory_space<hbm>>
        %dma_wait3A_864 = arith.constant 0 : i32
        %dma_wait3A_865 = tpu.memref_slice %arg6[%dma_wait3A_859, %dma_wait3A_864] : memref<12x40xi32, #tpu.memory_space<vmem>> -> memref<1x40xi32, #tpu.memory_space<vmem>>
        %dma_wait3A_866 = tpu.memref_squeeze %dma_wait3A_865 : memref<1x40xi32, #tpu.memory_space<vmem>> -> memref<40xi32, #tpu.memory_space<vmem>>
        %dma_wait3A_867 = tpu.memref_slice %arg2[%add3A_858] : memref<640000xi32, #tpu.memory_space<hbm>> -> memref<40xi32, #tpu.memory_space<hbm>>
        tpu.wait_dma2 semaphore(%arg19 : memref<!tpu.dma_semaphore, #tpu.memory_space<semaphore_mem>>) src(%dma_wait3A_867 : memref<40xi32, #tpu.memory_space<hbm>>) dst(%dma_wait3A_866 : memref<40xi32, #tpu.memory_space<vmem>>)
        %dma_start3A_868 = arith.constant 11 : i32
        %dma_start3A_869 = arith.constant 5 : i32
        %dma_start3A_870 = arith.constant 0 : i32
        %dma_start3A_871 = arith.constant 0 : i32
        %dma_start3A_872 = tpu.memref_slice %arg7[%dma_start3A_869, %dma_start3A_870, %dma_start3A_871] : memref<6x40x128xf32, #tpu.memory_space<vmem>> -> memref<1x40x128xf32, #tpu.memory_space<vmem>>
        %dma_start3A_873 = tpu.memref_squeeze %dma_start3A_872 : memref<1x40x128xf32, #tpu.memory_space<vmem>> -> memref<40x128xf32, #tpu.memory_space<vmem>>
        %dma_start3A_874 = arith.constant 0 : i32
        %dma_start3A_875 = tpu.memref_slice %arg5[%dma_start3A_868, %dma_start3A_874] : memref<12x40xi32, #tpu.memory_space<vmem>> -> memref<1x40xi32, #tpu.memory_space<vmem>>
        %dma_start3A_876 = tpu.memref_squeeze %dma_start3A_875 : memref<1x40xi32, #tpu.memory_space<vmem>> -> memref<40xi32, #tpu.memory_space<vmem>>
        %dma_start3A_877 = arith.constant 0 : i32
        %dma_start3A_878 = arith.constant 0 : i32
        %dma_start3A_879 = tpu.memref_slice %arg3[%dma_start3A_877, %dma_start3A_878] : memref<10000x128xf32, #tpu.memory_space<hbm>> -> memref<10000x128xf32, #tpu.memory_space<hbm>>
        tpu.enqueue_indirect_dma source(%dma_start3A_879 : memref<10000x128xf32, #tpu.memory_space<hbm>>) target(%dma_start3A_873 : memref<40x128xf32, #tpu.memory_space<vmem>>) offsets(%dma_start3A_876 : memref<40xi32, #tpu.memory_space<vmem>>) semaphore(%arg25 : memref<!tpu.dma_semaphore, #tpu.memory_space<semaphore_mem>>)
      } else {
      }
      %add3A_677 = arith.constant 8 : i32
      %add3A_678 = arith.addi %add3A_656, %add3A_677 : i32
      %lt3A_679 = arith.constant 500 : i32
      %lt3A_680 = arith.cmpi slt, %add3A_678, %lt3A_679 : i32
      %convert_element_type3A_681 = arith.extui %lt3A_680 : i1 to i32
      %cond3A_682 = arith.constant 0 : i32
      %cond3A_683 = arith.cmpi ne, %convert_element_type3A_681, %cond3A_682 : i32
      scf.if %cond3A_683 {
        %add3A_840 = arith.constant 8 : i32
        %add3A_841 = arith.addi %add3A_656, %add3A_840 : i32
        %mul3A_842 = arith.constant 40 : i32
        %mul3A_843 = arith.muli %add3A_841, %mul3A_842 : i32
        %add3A_844 = arith.addi %mul3A_2, %mul3A_843 : i32
        %dma_start3A_845 = arith.constant 2 : i32
        %dma_start3A_846 = arith.constant 0 : i32
        %dma_start3A_847 = tpu.memref_slice %arg5[%dma_start3A_845, %dma_start3A_846] : memref<12x40xi32, #tpu.memory_space<vmem>> -> memref<1x40xi32, #tpu.memory_space<vmem>>
        %dma_start3A_848 = tpu.memref_squeeze %dma_start3A_847 : memref<1x40xi32, #tpu.memory_space<vmem>> -> memref<40xi32, #tpu.memory_space<vmem>>
        %dma_start3A_849 = tpu.memref_slice %arg2[%add3A_844] : memref<640000xi32, #tpu.memory_space<hbm>> -> memref<40xi32, #tpu.memory_space<hbm>>
        %dma_start3A_850 = arith.constant 0 : i32
        %dma_start3A_851 = tpu.memref_slice %arg5[%dma_start3A_845, %dma_start3A_850] : memref<12x40xi32, #tpu.memory_space<vmem>> -> memref<1x40xi32, #tpu.memory_space<vmem>>
        %dma_start3A_852 = tpu.memref_squeeze %dma_start3A_851 : memref<1x40xi32, #tpu.memory_space<vmem>> -> memref<40xi32, #tpu.memory_space<vmem>>
        %dma_start3A_853 = tpu.memref_slice %arg2[%add3A_844] : memref<640000xi32, #tpu.memory_space<hbm>> -> memref<40xi32, #tpu.memory_space<hbm>>
        tpu.enqueue_dma source(%dma_start3A_853 : memref<40xi32, #tpu.memory_space<hbm>>) target(%dma_start3A_852 : memref<40xi32, #tpu.memory_space<vmem>>) target_semaphore(%arg10 : memref<!tpu.dma_semaphore, #tpu.memory_space<semaphore_mem>>)
        %add3A_854 = arith.constant 320000 : i32
        %add3A_855 = arith.addi %add3A_854, %mul3A_2 : i32
        %mul3A_856 = arith.constant 40 : i32
        %mul3A_857 = arith.muli %add3A_841, %mul3A_856 : i32
        %add3A_858 = arith.addi %add3A_855, %mul3A_857 : i32
        %dma_start3A_859 = arith.constant 2 : i32
        %dma_start3A_860 = arith.constant 0 : i32
        %dma_start3A_861 = tpu.memref_slice %arg6[%dma_start3A_859, %dma_start3A_860] : memref<12x40xi32, #tpu.memory_space<vmem>> -> memref<1x40xi32, #tpu.memory_space<vmem>>
        %dma_start3A_862 = tpu.memref_squeeze %dma_start3A_861 : memref<1x40xi32, #tpu.memory_space<vmem>> -> memref<40xi32, #tpu.memory_space<vmem>>
        %dma_start3A_863 = tpu.memref_slice %arg2[%add3A_858] : memref<640000xi32, #tpu.memory_space<hbm>> -> memref<40xi32, #tpu.memory_space<hbm>>
        %dma_start3A_864 = arith.constant 0 : i32
        %dma_start3A_865 = tpu.memref_slice %arg6[%dma_start3A_859, %dma_start3A_864] : memref<12x40xi32, #tpu.memory_space<vmem>> -> memref<1x40xi32, #tpu.memory_space<vmem>>
        %dma_start3A_866 = tpu.memref_squeeze %dma_start3A_865 : memref<1x40xi32, #tpu.memory_space<vmem>> -> memref<40xi32, #tpu.memory_space<vmem>>
        %dma_start3A_867 = tpu.memref_slice %arg2[%add3A_858] : memref<640000xi32, #tpu.memory_space<hbm>> -> memref<40xi32, #tpu.memory_space<hbm>>
        tpu.enqueue_dma source(%dma_start3A_867 : memref<40xi32, #tpu.memory_space<hbm>>) target(%dma_start3A_866 : memref<40xi32, #tpu.memory_space<vmem>>) target_semaphore(%arg10 : memref<!tpu.dma_semaphore, #tpu.memory_space<semaphore_mem>>)
      } else {
      }
      %mul3A_684 = arith.constant 12 : i32
      %mul3A_685 = arith.muli %scan3A_470, %mul3A_684 : i32
      %add3A_686 = arith.constant 7 : i32
      %add3A_687 = arith.addi %mul3A_685, %add3A_686 : i32
      %lt3A_688 = arith.constant 500 : i32
      %lt3A_689 = arith.cmpi slt, %add3A_687, %lt3A_688 : i32
      %convert_element_type3A_690 = arith.extui %lt3A_689 : i1 to i32
      %cond3A_691 = arith.constant 0 : i32
      %cond3A_692 = arith.cmpi ne, %convert_element_type3A_690, %cond3A_691 : i32
      scf.if %cond3A_692 {
        %dma_wait3A_840 = arith.constant 7 : i32
        %dma_wait3A_841 = arith.constant 1 : i32
        %dma_wait3A_842 = arith.constant 0 : i32
        %dma_wait3A_843 = arith.constant 0 : i32
        %dma_wait3A_844 = tpu.memref_slice %arg7[%dma_wait3A_841, %dma_wait3A_842, %dma_wait3A_843] : memref<6x40x128xf32, #tpu.memory_space<vmem>> -> memref<1x40x128xf32, #tpu.memory_space<vmem>>
        %dma_wait3A_845 = tpu.memref_squeeze %dma_wait3A_844 : memref<1x40x128xf32, #tpu.memory_space<vmem>> -> memref<40x128xf32, #tpu.memory_space<vmem>>
        %dma_wait3A_846 = arith.constant 0 : i32
        %dma_wait3A_847 = tpu.memref_slice %arg5[%dma_wait3A_840, %dma_wait3A_846] : memref<12x40xi32, #tpu.memory_space<vmem>> -> memref<1x40xi32, #tpu.memory_space<vmem>>
        %dma_wait3A_848 = tpu.memref_squeeze %dma_wait3A_847 : memref<1x40xi32, #tpu.memory_space<vmem>> -> memref<40xi32, #tpu.memory_space<vmem>>
        %dma_wait3A_849 = arith.constant 0 : i32
        %dma_wait3A_850 = arith.constant 0 : i32
        %dma_wait3A_851 = tpu.memref_slice %arg3[%dma_wait3A_849, %dma_wait3A_850] : memref<10000x128xf32, #tpu.memory_space<hbm>> -> memref<10000x128xf32, #tpu.memory_space<hbm>>
        tpu.wait_indirect_dma semaphore(%arg21 : memref<!tpu.dma_semaphore, #tpu.memory_space<semaphore_mem>>) src(%dma_wait3A_851 : memref<10000x128xf32, #tpu.memory_space<hbm>>) dst(%dma_wait3A_845 : memref<40x128xf32, #tpu.memory_space<vmem>>)
        %dma_start3A_852 = arith.constant 1 : i32
        %dma_start3A_853 = arith.constant 7 : i32
        %dma_start3A_854 = arith.constant 0 : i32
        %dma_start3A_855 = arith.constant 0 : i32
        %dma_start3A_856 = tpu.memref_slice %arg7[%dma_start3A_852, %dma_start3A_854, %dma_start3A_855] : memref<6x40x128xf32, #tpu.memory_space<vmem>> -> memref<1x40x128xf32, #tpu.memory_space<vmem>>
        %dma_start3A_857 = tpu.memref_squeeze %dma_start3A_856 : memref<1x40x128xf32, #tpu.memory_space<vmem>> -> memref<40x128xf32, #tpu.memory_space<vmem>>
        %dma_start3A_858 = arith.constant 0 : i32
        %dma_start3A_859 = tpu.memref_slice %arg6[%dma_start3A_853, %dma_start3A_858] : memref<12x40xi32, #tpu.memory_space<vmem>> -> memref<1x40xi32, #tpu.memory_space<vmem>>
        %dma_start3A_860 = tpu.memref_squeeze %dma_start3A_859 : memref<1x40xi32, #tpu.memory_space<vmem>> -> memref<40xi32, #tpu.memory_space<vmem>>
        %dma_start3A_861 = arith.constant 0 : i32
        %dma_start3A_862 = arith.constant 0 : i32
        %dma_start3A_863 = tpu.memref_slice %arg32[%dma_start3A_861, %dma_start3A_862] : memref<10240x128xf32, #tpu.memory_space<vmem_shared>> -> memref<10240x128xf32, #tpu.memory_space<vmem_shared>>
        tpu.enqueue_indirect_dma source(%dma_start3A_857 : memref<40x128xf32, #tpu.memory_space<vmem>>) target(%dma_start3A_863 : memref<10240x128xf32, #tpu.memory_space<vmem_shared>>) offsets(%dma_start3A_860 : memref<40xi32, #tpu.memory_space<vmem>>) semaphore(%arg27 : memref<!tpu.dma_semaphore, #tpu.memory_space<semaphore_mem>>) {add = true}
      } else {
      }
      %ge3A_693 = arith.constant 1 : i32
      %ge3A_694 = arith.cmpi sge, %add3A_687, %ge3A_693 : i32
      %lt3A_695 = arith.constant 501 : i32
      %lt3A_696 = arith.cmpi slt, %add3A_687, %lt3A_695 : i32
      %and3A_697 = arith.andi %ge3A_694, %lt3A_696 : i1
      %convert_element_type3A_698 = arith.extui %and3A_697 : i1 to i32
      %cond3A_699 = arith.constant 0 : i32
      %cond3A_700 = arith.cmpi ne, %convert_element_type3A_698, %cond3A_699 : i32
      scf.if %cond3A_700 {
        %dma_wait3A_840 = arith.constant 0 : i32
        %dma_wait3A_841 = arith.constant 6 : i32
        %dma_wait3A_842 = arith.constant 0 : i32
        %dma_wait3A_843 = arith.constant 0 : i32
        %dma_wait3A_844 = tpu.memref_slice %arg7[%dma_wait3A_840, %dma_wait3A_842, %dma_wait3A_843] : memref<6x40x128xf32, #tpu.memory_space<vmem>> -> memref<1x40x128xf32, #tpu.memory_space<vmem>>
        %dma_wait3A_845 = tpu.memref_squeeze %dma_wait3A_844 : memref<1x40x128xf32, #tpu.memory_space<vmem>> -> memref<40x128xf32, #tpu.memory_space<vmem>>
        %dma_wait3A_846 = arith.constant 0 : i32
        %dma_wait3A_847 = tpu.memref_slice %arg6[%dma_wait3A_841, %dma_wait3A_846] : memref<12x40xi32, #tpu.memory_space<vmem>> -> memref<1x40xi32, #tpu.memory_space<vmem>>
        %dma_wait3A_848 = tpu.memref_squeeze %dma_wait3A_847 : memref<1x40xi32, #tpu.memory_space<vmem>> -> memref<40xi32, #tpu.memory_space<vmem>>
        %dma_wait3A_849 = arith.constant 0 : i32
        %dma_wait3A_850 = arith.constant 0 : i32
        %dma_wait3A_851 = tpu.memref_slice %arg32[%dma_wait3A_849, %dma_wait3A_850] : memref<10240x128xf32, #tpu.memory_space<vmem_shared>> -> memref<10240x128xf32, #tpu.memory_space<vmem_shared>>
        tpu.wait_indirect_dma semaphore(%arg26 : memref<!tpu.dma_semaphore, #tpu.memory_space<semaphore_mem>>) src(%dma_wait3A_845 : memref<40x128xf32, #tpu.memory_space<vmem>>) dst(%dma_wait3A_851 : memref<10240x128xf32, #tpu.memory_space<vmem_shared>>)
      } else {
      }
      %add3A_701 = arith.constant 5 : i32
      %add3A_702 = arith.addi %add3A_687, %add3A_701 : i32
      %lt3A_703 = arith.constant 500 : i32
      %lt3A_704 = arith.cmpi slt, %add3A_702, %lt3A_703 : i32
      %convert_element_type3A_705 = arith.extui %lt3A_704 : i1 to i32
      %cond3A_706 = arith.constant 0 : i32
      %cond3A_707 = arith.cmpi ne, %convert_element_type3A_705, %cond3A_706 : i32
      scf.if %cond3A_707 {
        %add3A_840 = arith.constant 5 : i32
        %add3A_841 = arith.addi %add3A_687, %add3A_840 : i32
        %mul3A_842 = arith.constant 40 : i32
        %mul3A_843 = arith.muli %add3A_841, %mul3A_842 : i32
        %add3A_844 = arith.addi %mul3A_2, %mul3A_843 : i32
        %dma_wait3A_845 = arith.constant 0 : i32
        %dma_wait3A_846 = arith.constant 0 : i32
        %dma_wait3A_847 = tpu.memref_slice %arg5[%dma_wait3A_845, %dma_wait3A_846] : memref<12x40xi32, #tpu.memory_space<vmem>> -> memref<1x40xi32, #tpu.memory_space<vmem>>
        %dma_wait3A_848 = tpu.memref_squeeze %dma_wait3A_847 : memref<1x40xi32, #tpu.memory_space<vmem>> -> memref<40xi32, #tpu.memory_space<vmem>>
        %dma_wait3A_849 = tpu.memref_slice %arg2[%add3A_844] : memref<640000xi32, #tpu.memory_space<hbm>> -> memref<40xi32, #tpu.memory_space<hbm>>
        %dma_wait3A_850 = arith.constant 0 : i32
        %dma_wait3A_851 = tpu.memref_slice %arg5[%dma_wait3A_845, %dma_wait3A_850] : memref<12x40xi32, #tpu.memory_space<vmem>> -> memref<1x40xi32, #tpu.memory_space<vmem>>
        %dma_wait3A_852 = tpu.memref_squeeze %dma_wait3A_851 : memref<1x40xi32, #tpu.memory_space<vmem>> -> memref<40xi32, #tpu.memory_space<vmem>>
        %dma_wait3A_853 = tpu.memref_slice %arg2[%add3A_844] : memref<640000xi32, #tpu.memory_space<hbm>> -> memref<40xi32, #tpu.memory_space<hbm>>
        tpu.wait_dma2 semaphore(%arg8 : memref<!tpu.dma_semaphore, #tpu.memory_space<semaphore_mem>>) src(%dma_wait3A_853 : memref<40xi32, #tpu.memory_space<hbm>>) dst(%dma_wait3A_852 : memref<40xi32, #tpu.memory_space<vmem>>)
        %add3A_854 = arith.constant 320000 : i32
        %add3A_855 = arith.addi %add3A_854, %mul3A_2 : i32
        %mul3A_856 = arith.constant 40 : i32
        %mul3A_857 = arith.muli %add3A_841, %mul3A_856 : i32
        %add3A_858 = arith.addi %add3A_855, %mul3A_857 : i32
        %dma_wait3A_859 = arith.constant 0 : i32
        %dma_wait3A_860 = arith.constant 0 : i32
        %dma_wait3A_861 = tpu.memref_slice %arg6[%dma_wait3A_859, %dma_wait3A_860] : memref<12x40xi32, #tpu.memory_space<vmem>> -> memref<1x40xi32, #tpu.memory_space<vmem>>
        %dma_wait3A_862 = tpu.memref_squeeze %dma_wait3A_861 : memref<1x40xi32, #tpu.memory_space<vmem>> -> memref<40xi32, #tpu.memory_space<vmem>>
        %dma_wait3A_863 = tpu.memref_slice %arg2[%add3A_858] : memref<640000xi32, #tpu.memory_space<hbm>> -> memref<40xi32, #tpu.memory_space<hbm>>
        %dma_wait3A_864 = arith.constant 0 : i32
        %dma_wait3A_865 = tpu.memref_slice %arg6[%dma_wait3A_859, %dma_wait3A_864] : memref<12x40xi32, #tpu.memory_space<vmem>> -> memref<1x40xi32, #tpu.memory_space<vmem>>
        %dma_wait3A_866 = tpu.memref_squeeze %dma_wait3A_865 : memref<1x40xi32, #tpu.memory_space<vmem>> -> memref<40xi32, #tpu.memory_space<vmem>>
        %dma_wait3A_867 = tpu.memref_slice %arg2[%add3A_858] : memref<640000xi32, #tpu.memory_space<hbm>> -> memref<40xi32, #tpu.memory_space<hbm>>
        tpu.wait_dma2 semaphore(%arg8 : memref<!tpu.dma_semaphore, #tpu.memory_space<semaphore_mem>>) src(%dma_wait3A_867 : memref<40xi32, #tpu.memory_space<hbm>>) dst(%dma_wait3A_866 : memref<40xi32, #tpu.memory_space<vmem>>)
        %dma_start3A_868 = arith.constant 0 : i32
        %dma_start3A_869 = arith.constant 0 : i32
        %dma_start3A_870 = arith.constant 0 : i32
        %dma_start3A_871 = arith.constant 0 : i32
        %dma_start3A_872 = tpu.memref_slice %arg7[%dma_start3A_869, %dma_start3A_870, %dma_start3A_871] : memref<6x40x128xf32, #tpu.memory_space<vmem>> -> memref<1x40x128xf32, #tpu.memory_space<vmem>>
        %dma_start3A_873 = tpu.memref_squeeze %dma_start3A_872 : memref<1x40x128xf32, #tpu.memory_space<vmem>> -> memref<40x128xf32, #tpu.memory_space<vmem>>
        %dma_start3A_874 = arith.constant 0 : i32
        %dma_start3A_875 = tpu.memref_slice %arg5[%dma_start3A_868, %dma_start3A_874] : memref<12x40xi32, #tpu.memory_space<vmem>> -> memref<1x40xi32, #tpu.memory_space<vmem>>
        %dma_start3A_876 = tpu.memref_squeeze %dma_start3A_875 : memref<1x40xi32, #tpu.memory_space<vmem>> -> memref<40xi32, #tpu.memory_space<vmem>>
        %dma_start3A_877 = arith.constant 0 : i32
        %dma_start3A_878 = arith.constant 0 : i32
        %dma_start3A_879 = tpu.memref_slice %arg3[%dma_start3A_877, %dma_start3A_878] : memref<10000x128xf32, #tpu.memory_space<hbm>> -> memref<10000x128xf32, #tpu.memory_space<hbm>>
        tpu.enqueue_indirect_dma source(%dma_start3A_879 : memref<10000x128xf32, #tpu.memory_space<hbm>>) target(%dma_start3A_873 : memref<40x128xf32, #tpu.memory_space<vmem>>) offsets(%dma_start3A_876 : memref<40xi32, #tpu.memory_space<vmem>>) semaphore(%arg20 : memref<!tpu.dma_semaphore, #tpu.memory_space<semaphore_mem>>)
      } else {
      }
      %add3A_708 = arith.constant 8 : i32
      %add3A_709 = arith.addi %add3A_687, %add3A_708 : i32
      %lt3A_710 = arith.constant 500 : i32
      %lt3A_711 = arith.cmpi slt, %add3A_709, %lt3A_710 : i32
      %convert_element_type3A_712 = arith.extui %lt3A_711 : i1 to i32
      %cond3A_713 = arith.constant 0 : i32
      %cond3A_714 = arith.cmpi ne, %convert_element_type3A_712, %cond3A_713 : i32
      scf.if %cond3A_714 {
        %add3A_840 = arith.constant 8 : i32
        %add3A_841 = arith.addi %add3A_687, %add3A_840 : i32
        %mul3A_842 = arith.constant 40 : i32
        %mul3A_843 = arith.muli %add3A_841, %mul3A_842 : i32
        %add3A_844 = arith.addi %mul3A_2, %mul3A_843 : i32
        %dma_start3A_845 = arith.constant 3 : i32
        %dma_start3A_846 = arith.constant 0 : i32
        %dma_start3A_847 = tpu.memref_slice %arg5[%dma_start3A_845, %dma_start3A_846] : memref<12x40xi32, #tpu.memory_space<vmem>> -> memref<1x40xi32, #tpu.memory_space<vmem>>
        %dma_start3A_848 = tpu.memref_squeeze %dma_start3A_847 : memref<1x40xi32, #tpu.memory_space<vmem>> -> memref<40xi32, #tpu.memory_space<vmem>>
        %dma_start3A_849 = tpu.memref_slice %arg2[%add3A_844] : memref<640000xi32, #tpu.memory_space<hbm>> -> memref<40xi32, #tpu.memory_space<hbm>>
        %dma_start3A_850 = arith.constant 0 : i32
        %dma_start3A_851 = tpu.memref_slice %arg5[%dma_start3A_845, %dma_start3A_850] : memref<12x40xi32, #tpu.memory_space<vmem>> -> memref<1x40xi32, #tpu.memory_space<vmem>>
        %dma_start3A_852 = tpu.memref_squeeze %dma_start3A_851 : memref<1x40xi32, #tpu.memory_space<vmem>> -> memref<40xi32, #tpu.memory_space<vmem>>
        %dma_start3A_853 = tpu.memref_slice %arg2[%add3A_844] : memref<640000xi32, #tpu.memory_space<hbm>> -> memref<40xi32, #tpu.memory_space<hbm>>
        tpu.enqueue_dma source(%dma_start3A_853 : memref<40xi32, #tpu.memory_space<hbm>>) target(%dma_start3A_852 : memref<40xi32, #tpu.memory_space<vmem>>) target_semaphore(%arg11 : memref<!tpu.dma_semaphore, #tpu.memory_space<semaphore_mem>>)
        %add3A_854 = arith.constant 320000 : i32
        %add3A_855 = arith.addi %add3A_854, %mul3A_2 : i32
        %mul3A_856 = arith.constant 40 : i32
        %mul3A_857 = arith.muli %add3A_841, %mul3A_856 : i32
        %add3A_858 = arith.addi %add3A_855, %mul3A_857 : i32
        %dma_start3A_859 = arith.constant 3 : i32
        %dma_start3A_860 = arith.constant 0 : i32
        %dma_start3A_861 = tpu.memref_slice %arg6[%dma_start3A_859, %dma_start3A_860] : memref<12x40xi32, #tpu.memory_space<vmem>> -> memref<1x40xi32, #tpu.memory_space<vmem>>
        %dma_start3A_862 = tpu.memref_squeeze %dma_start3A_861 : memref<1x40xi32, #tpu.memory_space<vmem>> -> memref<40xi32, #tpu.memory_space<vmem>>
        %dma_start3A_863 = tpu.memref_slice %arg2[%add3A_858] : memref<640000xi32, #tpu.memory_space<hbm>> -> memref<40xi32, #tpu.memory_space<hbm>>
        %dma_start3A_864 = arith.constant 0 : i32
        %dma_start3A_865 = tpu.memref_slice %arg6[%dma_start3A_859, %dma_start3A_864] : memref<12x40xi32, #tpu.memory_space<vmem>> -> memref<1x40xi32, #tpu.memory_space<vmem>>
        %dma_start3A_866 = tpu.memref_squeeze %dma_start3A_865 : memref<1x40xi32, #tpu.memory_space<vmem>> -> memref<40xi32, #tpu.memory_space<vmem>>
        %dma_start3A_867 = tpu.memref_slice %arg2[%add3A_858] : memref<640000xi32, #tpu.memory_space<hbm>> -> memref<40xi32, #tpu.memory_space<hbm>>
        tpu.enqueue_dma source(%dma_start3A_867 : memref<40xi32, #tpu.memory_space<hbm>>) target(%dma_start3A_866 : memref<40xi32, #tpu.memory_space<vmem>>) target_semaphore(%arg11 : memref<!tpu.dma_semaphore, #tpu.memory_space<semaphore_mem>>)
      } else {
      }
      %mul3A_715 = arith.constant 12 : i32
      %mul3A_716 = arith.muli %scan3A_470, %mul3A_715 : i32
      %add3A_717 = arith.constant 8 : i32
      %add3A_718 = arith.addi %mul3A_716, %add3A_717 : i32
      %lt3A_719 = arith.constant 500 : i32
      %lt3A_720 = arith.cmpi slt, %add3A_718, %lt3A_719 : i32
      %convert_element_type3A_721 = arith.extui %lt3A_720 : i1 to i32
      %cond3A_722 = arith.constant 0 : i32
      %cond3A_723 = arith.cmpi ne, %convert_element_type3A_721, %cond3A_722 : i32
      scf.if %cond3A_723 {
        %dma_wait3A_840 = arith.constant 8 : i32
        %dma_wait3A_841 = arith.constant 2 : i32
        %dma_wait3A_842 = arith.constant 0 : i32
        %dma_wait3A_843 = arith.constant 0 : i32
        %dma_wait3A_844 = tpu.memref_slice %arg7[%dma_wait3A_841, %dma_wait3A_842, %dma_wait3A_843] : memref<6x40x128xf32, #tpu.memory_space<vmem>> -> memref<1x40x128xf32, #tpu.memory_space<vmem>>
        %dma_wait3A_845 = tpu.memref_squeeze %dma_wait3A_844 : memref<1x40x128xf32, #tpu.memory_space<vmem>> -> memref<40x128xf32, #tpu.memory_space<vmem>>
        %dma_wait3A_846 = arith.constant 0 : i32
        %dma_wait3A_847 = tpu.memref_slice %arg5[%dma_wait3A_840, %dma_wait3A_846] : memref<12x40xi32, #tpu.memory_space<vmem>> -> memref<1x40xi32, #tpu.memory_space<vmem>>
        %dma_wait3A_848 = tpu.memref_squeeze %dma_wait3A_847 : memref<1x40xi32, #tpu.memory_space<vmem>> -> memref<40xi32, #tpu.memory_space<vmem>>
        %dma_wait3A_849 = arith.constant 0 : i32
        %dma_wait3A_850 = arith.constant 0 : i32
        %dma_wait3A_851 = tpu.memref_slice %arg3[%dma_wait3A_849, %dma_wait3A_850] : memref<10000x128xf32, #tpu.memory_space<hbm>> -> memref<10000x128xf32, #tpu.memory_space<hbm>>
        tpu.wait_indirect_dma semaphore(%arg22 : memref<!tpu.dma_semaphore, #tpu.memory_space<semaphore_mem>>) src(%dma_wait3A_851 : memref<10000x128xf32, #tpu.memory_space<hbm>>) dst(%dma_wait3A_845 : memref<40x128xf32, #tpu.memory_space<vmem>>)
        %dma_start3A_852 = arith.constant 2 : i32
        %dma_start3A_853 = arith.constant 8 : i32
        %dma_start3A_854 = arith.constant 0 : i32
        %dma_start3A_855 = arith.constant 0 : i32
        %dma_start3A_856 = tpu.memref_slice %arg7[%dma_start3A_852, %dma_start3A_854, %dma_start3A_855] : memref<6x40x128xf32, #tpu.memory_space<vmem>> -> memref<1x40x128xf32, #tpu.memory_space<vmem>>
        %dma_start3A_857 = tpu.memref_squeeze %dma_start3A_856 : memref<1x40x128xf32, #tpu.memory_space<vmem>> -> memref<40x128xf32, #tpu.memory_space<vmem>>
        %dma_start3A_858 = arith.constant 0 : i32
        %dma_start3A_859 = tpu.memref_slice %arg6[%dma_start3A_853, %dma_start3A_858] : memref<12x40xi32, #tpu.memory_space<vmem>> -> memref<1x40xi32, #tpu.memory_space<vmem>>
        %dma_start3A_860 = tpu.memref_squeeze %dma_start3A_859 : memref<1x40xi32, #tpu.memory_space<vmem>> -> memref<40xi32, #tpu.memory_space<vmem>>
        %dma_start3A_861 = arith.constant 0 : i32
        %dma_start3A_862 = arith.constant 0 : i32
        %dma_start3A_863 = tpu.memref_slice %arg32[%dma_start3A_861, %dma_start3A_862] : memref<10240x128xf32, #tpu.memory_space<vmem_shared>> -> memref<10240x128xf32, #tpu.memory_space<vmem_shared>>
        tpu.enqueue_indirect_dma source(%dma_start3A_857 : memref<40x128xf32, #tpu.memory_space<vmem>>) target(%dma_start3A_863 : memref<10240x128xf32, #tpu.memory_space<vmem_shared>>) offsets(%dma_start3A_860 : memref<40xi32, #tpu.memory_space<vmem>>) semaphore(%arg28 : memref<!tpu.dma_semaphore, #tpu.memory_space<semaphore_mem>>) {add = true}
      } else {
      }
      %ge3A_724 = arith.constant 1 : i32
      %ge3A_725 = arith.cmpi sge, %add3A_718, %ge3A_724 : i32
      %lt3A_726 = arith.constant 501 : i32
      %lt3A_727 = arith.cmpi slt, %add3A_718, %lt3A_726 : i32
      %and3A_728 = arith.andi %ge3A_725, %lt3A_727 : i1
      %convert_element_type3A_729 = arith.extui %and3A_728 : i1 to i32
      %cond3A_730 = arith.constant 0 : i32
      %cond3A_731 = arith.cmpi ne, %convert_element_type3A_729, %cond3A_730 : i32
      scf.if %cond3A_731 {
        %dma_wait3A_840 = arith.constant 1 : i32
        %dma_wait3A_841 = arith.constant 7 : i32
        %dma_wait3A_842 = arith.constant 0 : i32
        %dma_wait3A_843 = arith.constant 0 : i32
        %dma_wait3A_844 = tpu.memref_slice %arg7[%dma_wait3A_840, %dma_wait3A_842, %dma_wait3A_843] : memref<6x40x128xf32, #tpu.memory_space<vmem>> -> memref<1x40x128xf32, #tpu.memory_space<vmem>>
        %dma_wait3A_845 = tpu.memref_squeeze %dma_wait3A_844 : memref<1x40x128xf32, #tpu.memory_space<vmem>> -> memref<40x128xf32, #tpu.memory_space<vmem>>
        %dma_wait3A_846 = arith.constant 0 : i32
        %dma_wait3A_847 = tpu.memref_slice %arg6[%dma_wait3A_841, %dma_wait3A_846] : memref<12x40xi32, #tpu.memory_space<vmem>> -> memref<1x40xi32, #tpu.memory_space<vmem>>
        %dma_wait3A_848 = tpu.memref_squeeze %dma_wait3A_847 : memref<1x40xi32, #tpu.memory_space<vmem>> -> memref<40xi32, #tpu.memory_space<vmem>>
        %dma_wait3A_849 = arith.constant 0 : i32
        %dma_wait3A_850 = arith.constant 0 : i32
        %dma_wait3A_851 = tpu.memref_slice %arg32[%dma_wait3A_849, %dma_wait3A_850] : memref<10240x128xf32, #tpu.memory_space<vmem_shared>> -> memref<10240x128xf32, #tpu.memory_space<vmem_shared>>
        tpu.wait_indirect_dma semaphore(%arg27 : memref<!tpu.dma_semaphore, #tpu.memory_space<semaphore_mem>>) src(%dma_wait3A_845 : memref<40x128xf32, #tpu.memory_space<vmem>>) dst(%dma_wait3A_851 : memref<10240x128xf32, #tpu.memory_space<vmem_shared>>)
      } else {
      }
      %add3A_732 = arith.constant 5 : i32
      %add3A_733 = arith.addi %add3A_718, %add3A_732 : i32
      %lt3A_734 = arith.constant 500 : i32
      %lt3A_735 = arith.cmpi slt, %add3A_733, %lt3A_734 : i32
      %convert_element_type3A_736 = arith.extui %lt3A_735 : i1 to i32
      %cond3A_737 = arith.constant 0 : i32
      %cond3A_738 = arith.cmpi ne, %convert_element_type3A_736, %cond3A_737 : i32
      scf.if %cond3A_738 {
        %add3A_840 = arith.constant 5 : i32
        %add3A_841 = arith.addi %add3A_718, %add3A_840 : i32
        %mul3A_842 = arith.constant 40 : i32
        %mul3A_843 = arith.muli %add3A_841, %mul3A_842 : i32
        %add3A_844 = arith.addi %mul3A_2, %mul3A_843 : i32
        %dma_wait3A_845 = arith.constant 1 : i32
        %dma_wait3A_846 = arith.constant 0 : i32
        %dma_wait3A_847 = tpu.memref_slice %arg5[%dma_wait3A_845, %dma_wait3A_846] : memref<12x40xi32, #tpu.memory_space<vmem>> -> memref<1x40xi32, #tpu.memory_space<vmem>>
        %dma_wait3A_848 = tpu.memref_squeeze %dma_wait3A_847 : memref<1x40xi32, #tpu.memory_space<vmem>> -> memref<40xi32, #tpu.memory_space<vmem>>
        %dma_wait3A_849 = tpu.memref_slice %arg2[%add3A_844] : memref<640000xi32, #tpu.memory_space<hbm>> -> memref<40xi32, #tpu.memory_space<hbm>>
        %dma_wait3A_850 = arith.constant 0 : i32
        %dma_wait3A_851 = tpu.memref_slice %arg5[%dma_wait3A_845, %dma_wait3A_850] : memref<12x40xi32, #tpu.memory_space<vmem>> -> memref<1x40xi32, #tpu.memory_space<vmem>>
        %dma_wait3A_852 = tpu.memref_squeeze %dma_wait3A_851 : memref<1x40xi32, #tpu.memory_space<vmem>> -> memref<40xi32, #tpu.memory_space<vmem>>
        %dma_wait3A_853 = tpu.memref_slice %arg2[%add3A_844] : memref<640000xi32, #tpu.memory_space<hbm>> -> memref<40xi32, #tpu.memory_space<hbm>>
        tpu.wait_dma2 semaphore(%arg9 : memref<!tpu.dma_semaphore, #tpu.memory_space<semaphore_mem>>) src(%dma_wait3A_853 : memref<40xi32, #tpu.memory_space<hbm>>) dst(%dma_wait3A_852 : memref<40xi32, #tpu.memory_space<vmem>>)
        %add3A_854 = arith.constant 320000 : i32
        %add3A_855 = arith.addi %add3A_854, %mul3A_2 : i32
        %mul3A_856 = arith.constant 40 : i32
        %mul3A_857 = arith.muli %add3A_841, %mul3A_856 : i32
        %add3A_858 = arith.addi %add3A_855, %mul3A_857 : i32
        %dma_wait3A_859 = arith.constant 1 : i32
        %dma_wait3A_860 = arith.constant 0 : i32
        %dma_wait3A_861 = tpu.memref_slice %arg6[%dma_wait3A_859, %dma_wait3A_860] : memref<12x40xi32, #tpu.memory_space<vmem>> -> memref<1x40xi32, #tpu.memory_space<vmem>>
        %dma_wait3A_862 = tpu.memref_squeeze %dma_wait3A_861 : memref<1x40xi32, #tpu.memory_space<vmem>> -> memref<40xi32, #tpu.memory_space<vmem>>
        %dma_wait3A_863 = tpu.memref_slice %arg2[%add3A_858] : memref<640000xi32, #tpu.memory_space<hbm>> -> memref<40xi32, #tpu.memory_space<hbm>>
        %dma_wait3A_864 = arith.constant 0 : i32
        %dma_wait3A_865 = tpu.memref_slice %arg6[%dma_wait3A_859, %dma_wait3A_864] : memref<12x40xi32, #tpu.memory_space<vmem>> -> memref<1x40xi32, #tpu.memory_space<vmem>>
        %dma_wait3A_866 = tpu.memref_squeeze %dma_wait3A_865 : memref<1x40xi32, #tpu.memory_space<vmem>> -> memref<40xi32, #tpu.memory_space<vmem>>
        %dma_wait3A_867 = tpu.memref_slice %arg2[%add3A_858] : memref<640000xi32, #tpu.memory_space<hbm>> -> memref<40xi32, #tpu.memory_space<hbm>>
        tpu.wait_dma2 semaphore(%arg9 : memref<!tpu.dma_semaphore, #tpu.memory_space<semaphore_mem>>) src(%dma_wait3A_867 : memref<40xi32, #tpu.memory_space<hbm>>) dst(%dma_wait3A_866 : memref<40xi32, #tpu.memory_space<vmem>>)
        %dma_start3A_868 = arith.constant 1 : i32
        %dma_start3A_869 = arith.constant 1 : i32
        %dma_start3A_870 = arith.constant 0 : i32
        %dma_start3A_871 = arith.constant 0 : i32
        %dma_start3A_872 = tpu.memref_slice %arg7[%dma_start3A_869, %dma_start3A_870, %dma_start3A_871] : memref<6x40x128xf32, #tpu.memory_space<vmem>> -> memref<1x40x128xf32, #tpu.memory_space<vmem>>
        %dma_start3A_873 = tpu.memref_squeeze %dma_start3A_872 : memref<1x40x128xf32, #tpu.memory_space<vmem>> -> memref<40x128xf32, #tpu.memory_space<vmem>>
        %dma_start3A_874 = arith.constant 0 : i32
        %dma_start3A_875 = tpu.memref_slice %arg5[%dma_start3A_868, %dma_start3A_874] : memref<12x40xi32, #tpu.memory_space<vmem>> -> memref<1x40xi32, #tpu.memory_space<vmem>>
        %dma_start3A_876 = tpu.memref_squeeze %dma_start3A_875 : memref<1x40xi32, #tpu.memory_space<vmem>> -> memref<40xi32, #tpu.memory_space<vmem>>
        %dma_start3A_877 = arith.constant 0 : i32
        %dma_start3A_878 = arith.constant 0 : i32
        %dma_start3A_879 = tpu.memref_slice %arg3[%dma_start3A_877, %dma_start3A_878] : memref<10000x128xf32, #tpu.memory_space<hbm>> -> memref<10000x128xf32, #tpu.memory_space<hbm>>
        tpu.enqueue_indirect_dma source(%dma_start3A_879 : memref<10000x128xf32, #tpu.memory_space<hbm>>) target(%dma_start3A_873 : memref<40x128xf32, #tpu.memory_space<vmem>>) offsets(%dma_start3A_876 : memref<40xi32, #tpu.memory_space<vmem>>) semaphore(%arg21 : memref<!tpu.dma_semaphore, #tpu.memory_space<semaphore_mem>>)
      } else {
      }
      %add3A_739 = arith.constant 8 : i32
      %add3A_740 = arith.addi %add3A_718, %add3A_739 : i32
      %lt3A_741 = arith.constant 500 : i32
      %lt3A_742 = arith.cmpi slt, %add3A_740, %lt3A_741 : i32
      %convert_element_type3A_743 = arith.extui %lt3A_742 : i1 to i32
      %cond3A_744 = arith.constant 0 : i32
      %cond3A_745 = arith.cmpi ne, %convert_element_type3A_743, %cond3A_744 : i32
      scf.if %cond3A_745 {
        %add3A_840 = arith.constant 8 : i32
        %add3A_841 = arith.addi %add3A_718, %add3A_840 : i32
        %mul3A_842 = arith.constant 40 : i32
        %mul3A_843 = arith.muli %add3A_841, %mul3A_842 : i32
        %add3A_844 = arith.addi %mul3A_2, %mul3A_843 : i32
        %dma_start3A_845 = arith.constant 4 : i32
        %dma_start3A_846 = arith.constant 0 : i32
        %dma_start3A_847 = tpu.memref_slice %arg5[%dma_start3A_845, %dma_start3A_846] : memref<12x40xi32, #tpu.memory_space<vmem>> -> memref<1x40xi32, #tpu.memory_space<vmem>>
        %dma_start3A_848 = tpu.memref_squeeze %dma_start3A_847 : memref<1x40xi32, #tpu.memory_space<vmem>> -> memref<40xi32, #tpu.memory_space<vmem>>
        %dma_start3A_849 = tpu.memref_slice %arg2[%add3A_844] : memref<640000xi32, #tpu.memory_space<hbm>> -> memref<40xi32, #tpu.memory_space<hbm>>
        %dma_start3A_850 = arith.constant 0 : i32
        %dma_start3A_851 = tpu.memref_slice %arg5[%dma_start3A_845, %dma_start3A_850] : memref<12x40xi32, #tpu.memory_space<vmem>> -> memref<1x40xi32, #tpu.memory_space<vmem>>
        %dma_start3A_852 = tpu.memref_squeeze %dma_start3A_851 : memref<1x40xi32, #tpu.memory_space<vmem>> -> memref<40xi32, #tpu.memory_space<vmem>>
        %dma_start3A_853 = tpu.memref_slice %arg2[%add3A_844] : memref<640000xi32, #tpu.memory_space<hbm>> -> memref<40xi32, #tpu.memory_space<hbm>>
        tpu.enqueue_dma source(%dma_start3A_853 : memref<40xi32, #tpu.memory_space<hbm>>) target(%dma_start3A_852 : memref<40xi32, #tpu.memory_space<vmem>>) target_semaphore(%arg12 : memref<!tpu.dma_semaphore, #tpu.memory_space<semaphore_mem>>)
        %add3A_854 = arith.constant 320000 : i32
        %add3A_855 = arith.addi %add3A_854, %mul3A_2 : i32
        %mul3A_856 = arith.constant 40 : i32
        %mul3A_857 = arith.muli %add3A_841, %mul3A_856 : i32
        %add3A_858 = arith.addi %add3A_855, %mul3A_857 : i32
        %dma_start3A_859 = arith.constant 4 : i32
        %dma_start3A_860 = arith.constant 0 : i32
        %dma_start3A_861 = tpu.memref_slice %arg6[%dma_start3A_859, %dma_start3A_860] : memref<12x40xi32, #tpu.memory_space<vmem>> -> memref<1x40xi32, #tpu.memory_space<vmem>>
        %dma_start3A_862 = tpu.memref_squeeze %dma_start3A_861 : memref<1x40xi32, #tpu.memory_space<vmem>> -> memref<40xi32, #tpu.memory_space<vmem>>
        %dma_start3A_863 = tpu.memref_slice %arg2[%add3A_858] : memref<640000xi32, #tpu.memory_space<hbm>> -> memref<40xi32, #tpu.memory_space<hbm>>
        %dma_start3A_864 = arith.constant 0 : i32
        %dma_start3A_865 = tpu.memref_slice %arg6[%dma_start3A_859, %dma_start3A_864] : memref<12x40xi32, #tpu.memory_space<vmem>> -> memref<1x40xi32, #tpu.memory_space<vmem>>
        %dma_start3A_866 = tpu.memref_squeeze %dma_start3A_865 : memref<1x40xi32, #tpu.memory_space<vmem>> -> memref<40xi32, #tpu.memory_space<vmem>>
        %dma_start3A_867 = tpu.memref_slice %arg2[%add3A_858] : memref<640000xi32, #tpu.memory_space<hbm>> -> memref<40xi32, #tpu.memory_space<hbm>>
        tpu.enqueue_dma source(%dma_start3A_867 : memref<40xi32, #tpu.memory_space<hbm>>) target(%dma_start3A_866 : memref<40xi32, #tpu.memory_space<vmem>>) target_semaphore(%arg12 : memref<!tpu.dma_semaphore, #tpu.memory_space<semaphore_mem>>)
      } else {
      }
      %mul3A_746 = arith.constant 12 : i32
      %mul3A_747 = arith.muli %scan3A_470, %mul3A_746 : i32
      %add3A_748 = arith.constant 9 : i32
      %add3A_749 = arith.addi %mul3A_747, %add3A_748 : i32
      %lt3A_750 = arith.constant 500 : i32
      %lt3A_751 = arith.cmpi slt, %add3A_749, %lt3A_750 : i32
      %convert_element_type3A_752 = arith.extui %lt3A_751 : i1 to i32
      %cond3A_753 = arith.constant 0 : i32
      %cond3A_754 = arith.cmpi ne, %convert_element_type3A_752, %cond3A_753 : i32
      scf.if %cond3A_754 {
        %dma_wait3A_840 = arith.constant 9 : i32
        %dma_wait3A_841 = arith.constant 3 : i32
        %dma_wait3A_842 = arith.constant 0 : i32
        %dma_wait3A_843 = arith.constant 0 : i32
        %dma_wait3A_844 = tpu.memref_slice %arg7[%dma_wait3A_841, %dma_wait3A_842, %dma_wait3A_843] : memref<6x40x128xf32, #tpu.memory_space<vmem>> -> memref<1x40x128xf32, #tpu.memory_space<vmem>>
        %dma_wait3A_845 = tpu.memref_squeeze %dma_wait3A_844 : memref<1x40x128xf32, #tpu.memory_space<vmem>> -> memref<40x128xf32, #tpu.memory_space<vmem>>
        %dma_wait3A_846 = arith.constant 0 : i32
        %dma_wait3A_847 = tpu.memref_slice %arg5[%dma_wait3A_840, %dma_wait3A_846] : memref<12x40xi32, #tpu.memory_space<vmem>> -> memref<1x40xi32, #tpu.memory_space<vmem>>
        %dma_wait3A_848 = tpu.memref_squeeze %dma_wait3A_847 : memref<1x40xi32, #tpu.memory_space<vmem>> -> memref<40xi32, #tpu.memory_space<vmem>>
        %dma_wait3A_849 = arith.constant 0 : i32
        %dma_wait3A_850 = arith.constant 0 : i32
        %dma_wait3A_851 = tpu.memref_slice %arg3[%dma_wait3A_849, %dma_wait3A_850] : memref<10000x128xf32, #tpu.memory_space<hbm>> -> memref<10000x128xf32, #tpu.memory_space<hbm>>
        tpu.wait_indirect_dma semaphore(%arg23 : memref<!tpu.dma_semaphore, #tpu.memory_space<semaphore_mem>>) src(%dma_wait3A_851 : memref<10000x128xf32, #tpu.memory_space<hbm>>) dst(%dma_wait3A_845 : memref<40x128xf32, #tpu.memory_space<vmem>>)
        %dma_start3A_852 = arith.constant 3 : i32
        %dma_start3A_853 = arith.constant 9 : i32
        %dma_start3A_854 = arith.constant 0 : i32
        %dma_start3A_855 = arith.constant 0 : i32
        %dma_start3A_856 = tpu.memref_slice %arg7[%dma_start3A_852, %dma_start3A_854, %dma_start3A_855] : memref<6x40x128xf32, #tpu.memory_space<vmem>> -> memref<1x40x128xf32, #tpu.memory_space<vmem>>
        %dma_start3A_857 = tpu.memref_squeeze %dma_start3A_856 : memref<1x40x128xf32, #tpu.memory_space<vmem>> -> memref<40x128xf32, #tpu.memory_space<vmem>>
        %dma_start3A_858 = arith.constant 0 : i32
        %dma_start3A_859 = tpu.memref_slice %arg6[%dma_start3A_853, %dma_start3A_858] : memref<12x40xi32, #tpu.memory_space<vmem>> -> memref<1x40xi32, #tpu.memory_space<vmem>>
        %dma_start3A_860 = tpu.memref_squeeze %dma_start3A_859 : memref<1x40xi32, #tpu.memory_space<vmem>> -> memref<40xi32, #tpu.memory_space<vmem>>
        %dma_start3A_861 = arith.constant 0 : i32
        %dma_start3A_862 = arith.constant 0 : i32
        %dma_start3A_863 = tpu.memref_slice %arg32[%dma_start3A_861, %dma_start3A_862] : memref<10240x128xf32, #tpu.memory_space<vmem_shared>> -> memref<10240x128xf32, #tpu.memory_space<vmem_shared>>
        tpu.enqueue_indirect_dma source(%dma_start3A_857 : memref<40x128xf32, #tpu.memory_space<vmem>>) target(%dma_start3A_863 : memref<10240x128xf32, #tpu.memory_space<vmem_shared>>) offsets(%dma_start3A_860 : memref<40xi32, #tpu.memory_space<vmem>>) semaphore(%arg29 : memref<!tpu.dma_semaphore, #tpu.memory_space<semaphore_mem>>) {add = true}
      } else {
      }
      %ge3A_755 = arith.constant 1 : i32
      %ge3A_756 = arith.cmpi sge, %add3A_749, %ge3A_755 : i32
      %lt3A_757 = arith.constant 501 : i32
      %lt3A_758 = arith.cmpi slt, %add3A_749, %lt3A_757 : i32
      %and3A_759 = arith.andi %ge3A_756, %lt3A_758 : i1
      %convert_element_type3A_760 = arith.extui %and3A_759 : i1 to i32
      %cond3A_761 = arith.constant 0 : i32
      %cond3A_762 = arith.cmpi ne, %convert_element_type3A_760, %cond3A_761 : i32
      scf.if %cond3A_762 {
        %dma_wait3A_840 = arith.constant 2 : i32
        %dma_wait3A_841 = arith.constant 8 : i32
        %dma_wait3A_842 = arith.constant 0 : i32
        %dma_wait3A_843 = arith.constant 0 : i32
        %dma_wait3A_844 = tpu.memref_slice %arg7[%dma_wait3A_840, %dma_wait3A_842, %dma_wait3A_843] : memref<6x40x128xf32, #tpu.memory_space<vmem>> -> memref<1x40x128xf32, #tpu.memory_space<vmem>>
        %dma_wait3A_845 = tpu.memref_squeeze %dma_wait3A_844 : memref<1x40x128xf32, #tpu.memory_space<vmem>> -> memref<40x128xf32, #tpu.memory_space<vmem>>
        %dma_wait3A_846 = arith.constant 0 : i32
        %dma_wait3A_847 = tpu.memref_slice %arg6[%dma_wait3A_841, %dma_wait3A_846] : memref<12x40xi32, #tpu.memory_space<vmem>> -> memref<1x40xi32, #tpu.memory_space<vmem>>
        %dma_wait3A_848 = tpu.memref_squeeze %dma_wait3A_847 : memref<1x40xi32, #tpu.memory_space<vmem>> -> memref<40xi32, #tpu.memory_space<vmem>>
        %dma_wait3A_849 = arith.constant 0 : i32
        %dma_wait3A_850 = arith.constant 0 : i32
        %dma_wait3A_851 = tpu.memref_slice %arg32[%dma_wait3A_849, %dma_wait3A_850] : memref<10240x128xf32, #tpu.memory_space<vmem_shared>> -> memref<10240x128xf32, #tpu.memory_space<vmem_shared>>
        tpu.wait_indirect_dma semaphore(%arg28 : memref<!tpu.dma_semaphore, #tpu.memory_space<semaphore_mem>>) src(%dma_wait3A_845 : memref<40x128xf32, #tpu.memory_space<vmem>>) dst(%dma_wait3A_851 : memref<10240x128xf32, #tpu.memory_space<vmem_shared>>)
      } else {
      }
      %add3A_763 = arith.constant 5 : i32
      %add3A_764 = arith.addi %add3A_749, %add3A_763 : i32
      %lt3A_765 = arith.constant 500 : i32
      %lt3A_766 = arith.cmpi slt, %add3A_764, %lt3A_765 : i32
      %convert_element_type3A_767 = arith.extui %lt3A_766 : i1 to i32
      %cond3A_768 = arith.constant 0 : i32
      %cond3A_769 = arith.cmpi ne, %convert_element_type3A_767, %cond3A_768 : i32
      scf.if %cond3A_769 {
        %add3A_840 = arith.constant 5 : i32
        %add3A_841 = arith.addi %add3A_749, %add3A_840 : i32
        %mul3A_842 = arith.constant 40 : i32
        %mul3A_843 = arith.muli %add3A_841, %mul3A_842 : i32
        %add3A_844 = arith.addi %mul3A_2, %mul3A_843 : i32
        %dma_wait3A_845 = arith.constant 2 : i32
        %dma_wait3A_846 = arith.constant 0 : i32
        %dma_wait3A_847 = tpu.memref_slice %arg5[%dma_wait3A_845, %dma_wait3A_846] : memref<12x40xi32, #tpu.memory_space<vmem>> -> memref<1x40xi32, #tpu.memory_space<vmem>>
        %dma_wait3A_848 = tpu.memref_squeeze %dma_wait3A_847 : memref<1x40xi32, #tpu.memory_space<vmem>> -> memref<40xi32, #tpu.memory_space<vmem>>
        %dma_wait3A_849 = tpu.memref_slice %arg2[%add3A_844] : memref<640000xi32, #tpu.memory_space<hbm>> -> memref<40xi32, #tpu.memory_space<hbm>>
        %dma_wait3A_850 = arith.constant 0 : i32
        %dma_wait3A_851 = tpu.memref_slice %arg5[%dma_wait3A_845, %dma_wait3A_850] : memref<12x40xi32, #tpu.memory_space<vmem>> -> memref<1x40xi32, #tpu.memory_space<vmem>>
        %dma_wait3A_852 = tpu.memref_squeeze %dma_wait3A_851 : memref<1x40xi32, #tpu.memory_space<vmem>> -> memref<40xi32, #tpu.memory_space<vmem>>
        %dma_wait3A_853 = tpu.memref_slice %arg2[%add3A_844] : memref<640000xi32, #tpu.memory_space<hbm>> -> memref<40xi32, #tpu.memory_space<hbm>>
        tpu.wait_dma2 semaphore(%arg10 : memref<!tpu.dma_semaphore, #tpu.memory_space<semaphore_mem>>) src(%dma_wait3A_853 : memref<40xi32, #tpu.memory_space<hbm>>) dst(%dma_wait3A_852 : memref<40xi32, #tpu.memory_space<vmem>>)
        %add3A_854 = arith.constant 320000 : i32
        %add3A_855 = arith.addi %add3A_854, %mul3A_2 : i32
        %mul3A_856 = arith.constant 40 : i32
        %mul3A_857 = arith.muli %add3A_841, %mul3A_856 : i32
        %add3A_858 = arith.addi %add3A_855, %mul3A_857 : i32
        %dma_wait3A_859 = arith.constant 2 : i32
        %dma_wait3A_860 = arith.constant 0 : i32
        %dma_wait3A_861 = tpu.memref_slice %arg6[%dma_wait3A_859, %dma_wait3A_860] : memref<12x40xi32, #tpu.memory_space<vmem>> -> memref<1x40xi32, #tpu.memory_space<vmem>>
        %dma_wait3A_862 = tpu.memref_squeeze %dma_wait3A_861 : memref<1x40xi32, #tpu.memory_space<vmem>> -> memref<40xi32, #tpu.memory_space<vmem>>
        %dma_wait3A_863 = tpu.memref_slice %arg2[%add3A_858] : memref<640000xi32, #tpu.memory_space<hbm>> -> memref<40xi32, #tpu.memory_space<hbm>>
        %dma_wait3A_864 = arith.constant 0 : i32
        %dma_wait3A_865 = tpu.memref_slice %arg6[%dma_wait3A_859, %dma_wait3A_864] : memref<12x40xi32, #tpu.memory_space<vmem>> -> memref<1x40xi32, #tpu.memory_space<vmem>>
        %dma_wait3A_866 = tpu.memref_squeeze %dma_wait3A_865 : memref<1x40xi32, #tpu.memory_space<vmem>> -> memref<40xi32, #tpu.memory_space<vmem>>
        %dma_wait3A_867 = tpu.memref_slice %arg2[%add3A_858] : memref<640000xi32, #tpu.memory_space<hbm>> -> memref<40xi32, #tpu.memory_space<hbm>>
        tpu.wait_dma2 semaphore(%arg10 : memref<!tpu.dma_semaphore, #tpu.memory_space<semaphore_mem>>) src(%dma_wait3A_867 : memref<40xi32, #tpu.memory_space<hbm>>) dst(%dma_wait3A_866 : memref<40xi32, #tpu.memory_space<vmem>>)
        %dma_start3A_868 = arith.constant 2 : i32
        %dma_start3A_869 = arith.constant 2 : i32
        %dma_start3A_870 = arith.constant 0 : i32
        %dma_start3A_871 = arith.constant 0 : i32
        %dma_start3A_872 = tpu.memref_slice %arg7[%dma_start3A_869, %dma_start3A_870, %dma_start3A_871] : memref<6x40x128xf32, #tpu.memory_space<vmem>> -> memref<1x40x128xf32, #tpu.memory_space<vmem>>
        %dma_start3A_873 = tpu.memref_squeeze %dma_start3A_872 : memref<1x40x128xf32, #tpu.memory_space<vmem>> -> memref<40x128xf32, #tpu.memory_space<vmem>>
        %dma_start3A_874 = arith.constant 0 : i32
        %dma_start3A_875 = tpu.memref_slice %arg5[%dma_start3A_868, %dma_start3A_874] : memref<12x40xi32, #tpu.memory_space<vmem>> -> memref<1x40xi32, #tpu.memory_space<vmem>>
        %dma_start3A_876 = tpu.memref_squeeze %dma_start3A_875 : memref<1x40xi32, #tpu.memory_space<vmem>> -> memref<40xi32, #tpu.memory_space<vmem>>
        %dma_start3A_877 = arith.constant 0 : i32
        %dma_start3A_878 = arith.constant 0 : i32
        %dma_start3A_879 = tpu.memref_slice %arg3[%dma_start3A_877, %dma_start3A_878] : memref<10000x128xf32, #tpu.memory_space<hbm>> -> memref<10000x128xf32, #tpu.memory_space<hbm>>
        tpu.enqueue_indirect_dma source(%dma_start3A_879 : memref<10000x128xf32, #tpu.memory_space<hbm>>) target(%dma_start3A_873 : memref<40x128xf32, #tpu.memory_space<vmem>>) offsets(%dma_start3A_876 : memref<40xi32, #tpu.memory_space<vmem>>) semaphore(%arg22 : memref<!tpu.dma_semaphore, #tpu.memory_space<semaphore_mem>>)
      } else {
      }
      %add3A_770 = arith.constant 8 : i32
      %add3A_771 = arith.addi %add3A_749, %add3A_770 : i32
      %lt3A_772 = arith.constant 500 : i32
      %lt3A_773 = arith.cmpi slt, %add3A_771, %lt3A_772 : i32
      %convert_element_type3A_774 = arith.extui %lt3A_773 : i1 to i32
      %cond3A_775 = arith.constant 0 : i32
      %cond3A_776 = arith.cmpi ne, %convert_element_type3A_774, %cond3A_775 : i32
      scf.if %cond3A_776 {
        %add3A_840 = arith.constant 8 : i32
        %add3A_841 = arith.addi %add3A_749, %add3A_840 : i32
        %mul3A_842 = arith.constant 40 : i32
        %mul3A_843 = arith.muli %add3A_841, %mul3A_842 : i32
        %add3A_844 = arith.addi %mul3A_2, %mul3A_843 : i32
        %dma_start3A_845 = arith.constant 5 : i32
        %dma_start3A_846 = arith.constant 0 : i32
        %dma_start3A_847 = tpu.memref_slice %arg5[%dma_start3A_845, %dma_start3A_846] : memref<12x40xi32, #tpu.memory_space<vmem>> -> memref<1x40xi32, #tpu.memory_space<vmem>>
        %dma_start3A_848 = tpu.memref_squeeze %dma_start3A_847 : memref<1x40xi32, #tpu.memory_space<vmem>> -> memref<40xi32, #tpu.memory_space<vmem>>
        %dma_start3A_849 = tpu.memref_slice %arg2[%add3A_844] : memref<640000xi32, #tpu.memory_space<hbm>> -> memref<40xi32, #tpu.memory_space<hbm>>
        %dma_start3A_850 = arith.constant 0 : i32
        %dma_start3A_851 = tpu.memref_slice %arg5[%dma_start3A_845, %dma_start3A_850] : memref<12x40xi32, #tpu.memory_space<vmem>> -> memref<1x40xi32, #tpu.memory_space<vmem>>
        %dma_start3A_852 = tpu.memref_squeeze %dma_start3A_851 : memref<1x40xi32, #tpu.memory_space<vmem>> -> memref<40xi32, #tpu.memory_space<vmem>>
        %dma_start3A_853 = tpu.memref_slice %arg2[%add3A_844] : memref<640000xi32, #tpu.memory_space<hbm>> -> memref<40xi32, #tpu.memory_space<hbm>>
        tpu.enqueue_dma source(%dma_start3A_853 : memref<40xi32, #tpu.memory_space<hbm>>) target(%dma_start3A_852 : memref<40xi32, #tpu.memory_space<vmem>>) target_semaphore(%arg13 : memref<!tpu.dma_semaphore, #tpu.memory_space<semaphore_mem>>)
        %add3A_854 = arith.constant 320000 : i32
        %add3A_855 = arith.addi %add3A_854, %mul3A_2 : i32
        %mul3A_856 = arith.constant 40 : i32
        %mul3A_857 = arith.muli %add3A_841, %mul3A_856 : i32
        %add3A_858 = arith.addi %add3A_855, %mul3A_857 : i32
        %dma_start3A_859 = arith.constant 5 : i32
        %dma_start3A_860 = arith.constant 0 : i32
        %dma_start3A_861 = tpu.memref_slice %arg6[%dma_start3A_859, %dma_start3A_860] : memref<12x40xi32, #tpu.memory_space<vmem>> -> memref<1x40xi32, #tpu.memory_space<vmem>>
        %dma_start3A_862 = tpu.memref_squeeze %dma_start3A_861 : memref<1x40xi32, #tpu.memory_space<vmem>> -> memref<40xi32, #tpu.memory_space<vmem>>
        %dma_start3A_863 = tpu.memref_slice %arg2[%add3A_858] : memref<640000xi32, #tpu.memory_space<hbm>> -> memref<40xi32, #tpu.memory_space<hbm>>
        %dma_start3A_864 = arith.constant 0 : i32
        %dma_start3A_865 = tpu.memref_slice %arg6[%dma_start3A_859, %dma_start3A_864] : memref<12x40xi32, #tpu.memory_space<vmem>> -> memref<1x40xi32, #tpu.memory_space<vmem>>
        %dma_start3A_866 = tpu.memref_squeeze %dma_start3A_865 : memref<1x40xi32, #tpu.memory_space<vmem>> -> memref<40xi32, #tpu.memory_space<vmem>>
        %dma_start3A_867 = tpu.memref_slice %arg2[%add3A_858] : memref<640000xi32, #tpu.memory_space<hbm>> -> memref<40xi32, #tpu.memory_space<hbm>>
        tpu.enqueue_dma source(%dma_start3A_867 : memref<40xi32, #tpu.memory_space<hbm>>) target(%dma_start3A_866 : memref<40xi32, #tpu.memory_space<vmem>>) target_semaphore(%arg13 : memref<!tpu.dma_semaphore, #tpu.memory_space<semaphore_mem>>)
      } else {
      }
      %mul3A_777 = arith.constant 12 : i32
      %mul3A_778 = arith.muli %scan3A_470, %mul3A_777 : i32
      %add3A_779 = arith.constant 10 : i32
      %add3A_780 = arith.addi %mul3A_778, %add3A_779 : i32
      %lt3A_781 = arith.constant 500 : i32
      %lt3A_782 = arith.cmpi slt, %add3A_780, %lt3A_781 : i32
      %convert_element_type3A_783 = arith.extui %lt3A_782 : i1 to i32
      %cond3A_784 = arith.constant 0 : i32
      %cond3A_785 = arith.cmpi ne, %convert_element_type3A_783, %cond3A_784 : i32
      scf.if %cond3A_785 {
        %dma_wait3A_840 = arith.constant 10 : i32
        %dma_wait3A_841 = arith.constant 4 : i32
        %dma_wait3A_842 = arith.constant 0 : i32
        %dma_wait3A_843 = arith.constant 0 : i32
        %dma_wait3A_844 = tpu.memref_slice %arg7[%dma_wait3A_841, %dma_wait3A_842, %dma_wait3A_843] : memref<6x40x128xf32, #tpu.memory_space<vmem>> -> memref<1x40x128xf32, #tpu.memory_space<vmem>>
        %dma_wait3A_845 = tpu.memref_squeeze %dma_wait3A_844 : memref<1x40x128xf32, #tpu.memory_space<vmem>> -> memref<40x128xf32, #tpu.memory_space<vmem>>
        %dma_wait3A_846 = arith.constant 0 : i32
        %dma_wait3A_847 = tpu.memref_slice %arg5[%dma_wait3A_840, %dma_wait3A_846] : memref<12x40xi32, #tpu.memory_space<vmem>> -> memref<1x40xi32, #tpu.memory_space<vmem>>
        %dma_wait3A_848 = tpu.memref_squeeze %dma_wait3A_847 : memref<1x40xi32, #tpu.memory_space<vmem>> -> memref<40xi32, #tpu.memory_space<vmem>>
        %dma_wait3A_849 = arith.constant 0 : i32
        %dma_wait3A_850 = arith.constant 0 : i32
        %dma_wait3A_851 = tpu.memref_slice %arg3[%dma_wait3A_849, %dma_wait3A_850] : memref<10000x128xf32, #tpu.memory_space<hbm>> -> memref<10000x128xf32, #tpu.memory_space<hbm>>
        tpu.wait_indirect_dma semaphore(%arg24 : memref<!tpu.dma_semaphore, #tpu.memory_space<semaphore_mem>>) src(%dma_wait3A_851 : memref<10000x128xf32, #tpu.memory_space<hbm>>) dst(%dma_wait3A_845 : memref<40x128xf32, #tpu.memory_space<vmem>>)
        %dma_start3A_852 = arith.constant 4 : i32
        %dma_start3A_853 = arith.constant 10 : i32
        %dma_start3A_854 = arith.constant 0 : i32
        %dma_start3A_855 = arith.constant 0 : i32
        %dma_start3A_856 = tpu.memref_slice %arg7[%dma_start3A_852, %dma_start3A_854, %dma_start3A_855] : memref<6x40x128xf32, #tpu.memory_space<vmem>> -> memref<1x40x128xf32, #tpu.memory_space<vmem>>
        %dma_start3A_857 = tpu.memref_squeeze %dma_start3A_856 : memref<1x40x128xf32, #tpu.memory_space<vmem>> -> memref<40x128xf32, #tpu.memory_space<vmem>>
        %dma_start3A_858 = arith.constant 0 : i32
        %dma_start3A_859 = tpu.memref_slice %arg6[%dma_start3A_853, %dma_start3A_858] : memref<12x40xi32, #tpu.memory_space<vmem>> -> memref<1x40xi32, #tpu.memory_space<vmem>>
        %dma_start3A_860 = tpu.memref_squeeze %dma_start3A_859 : memref<1x40xi32, #tpu.memory_space<vmem>> -> memref<40xi32, #tpu.memory_space<vmem>>
        %dma_start3A_861 = arith.constant 0 : i32
        %dma_start3A_862 = arith.constant 0 : i32
        %dma_start3A_863 = tpu.memref_slice %arg32[%dma_start3A_861, %dma_start3A_862] : memref<10240x128xf32, #tpu.memory_space<vmem_shared>> -> memref<10240x128xf32, #tpu.memory_space<vmem_shared>>
        tpu.enqueue_indirect_dma source(%dma_start3A_857 : memref<40x128xf32, #tpu.memory_space<vmem>>) target(%dma_start3A_863 : memref<10240x128xf32, #tpu.memory_space<vmem_shared>>) offsets(%dma_start3A_860 : memref<40xi32, #tpu.memory_space<vmem>>) semaphore(%arg30 : memref<!tpu.dma_semaphore, #tpu.memory_space<semaphore_mem>>) {add = true}
      } else {
      }
      %ge3A_786 = arith.constant 1 : i32
      %ge3A_787 = arith.cmpi sge, %add3A_780, %ge3A_786 : i32
      %lt3A_788 = arith.constant 501 : i32
      %lt3A_789 = arith.cmpi slt, %add3A_780, %lt3A_788 : i32
      %and3A_790 = arith.andi %ge3A_787, %lt3A_789 : i1
      %convert_element_type3A_791 = arith.extui %and3A_790 : i1 to i32
      %cond3A_792 = arith.constant 0 : i32
      %cond3A_793 = arith.cmpi ne, %convert_element_type3A_791, %cond3A_792 : i32
      scf.if %cond3A_793 {
        %dma_wait3A_840 = arith.constant 3 : i32
        %dma_wait3A_841 = arith.constant 9 : i32
        %dma_wait3A_842 = arith.constant 0 : i32
        %dma_wait3A_843 = arith.constant 0 : i32
        %dma_wait3A_844 = tpu.memref_slice %arg7[%dma_wait3A_840, %dma_wait3A_842, %dma_wait3A_843] : memref<6x40x128xf32, #tpu.memory_space<vmem>> -> memref<1x40x128xf32, #tpu.memory_space<vmem>>
        %dma_wait3A_845 = tpu.memref_squeeze %dma_wait3A_844 : memref<1x40x128xf32, #tpu.memory_space<vmem>> -> memref<40x128xf32, #tpu.memory_space<vmem>>
        %dma_wait3A_846 = arith.constant 0 : i32
        %dma_wait3A_847 = tpu.memref_slice %arg6[%dma_wait3A_841, %dma_wait3A_846] : memref<12x40xi32, #tpu.memory_space<vmem>> -> memref<1x40xi32, #tpu.memory_space<vmem>>
        %dma_wait3A_848 = tpu.memref_squeeze %dma_wait3A_847 : memref<1x40xi32, #tpu.memory_space<vmem>> -> memref<40xi32, #tpu.memory_space<vmem>>
        %dma_wait3A_849 = arith.constant 0 : i32
        %dma_wait3A_850 = arith.constant 0 : i32
        %dma_wait3A_851 = tpu.memref_slice %arg32[%dma_wait3A_849, %dma_wait3A_850] : memref<10240x128xf32, #tpu.memory_space<vmem_shared>> -> memref<10240x128xf32, #tpu.memory_space<vmem_shared>>
        tpu.wait_indirect_dma semaphore(%arg29 : memref<!tpu.dma_semaphore, #tpu.memory_space<semaphore_mem>>) src(%dma_wait3A_845 : memref<40x128xf32, #tpu.memory_space<vmem>>) dst(%dma_wait3A_851 : memref<10240x128xf32, #tpu.memory_space<vmem_shared>>)
      } else {
      }
      %add3A_794 = arith.constant 5 : i32
      %add3A_795 = arith.addi %add3A_780, %add3A_794 : i32
      %lt3A_796 = arith.constant 500 : i32
      %lt3A_797 = arith.cmpi slt, %add3A_795, %lt3A_796 : i32
      %convert_element_type3A_798 = arith.extui %lt3A_797 : i1 to i32
      %cond3A_799 = arith.constant 0 : i32
      %cond3A_800 = arith.cmpi ne, %convert_element_type3A_798, %cond3A_799 : i32
      scf.if %cond3A_800 {
        %add3A_840 = arith.constant 5 : i32
        %add3A_841 = arith.addi %add3A_780, %add3A_840 : i32
        %mul3A_842 = arith.constant 40 : i32
        %mul3A_843 = arith.muli %add3A_841, %mul3A_842 : i32
        %add3A_844 = arith.addi %mul3A_2, %mul3A_843 : i32
        %dma_wait3A_845 = arith.constant 3 : i32
        %dma_wait3A_846 = arith.constant 0 : i32
        %dma_wait3A_847 = tpu.memref_slice %arg5[%dma_wait3A_845, %dma_wait3A_846] : memref<12x40xi32, #tpu.memory_space<vmem>> -> memref<1x40xi32, #tpu.memory_space<vmem>>
        %dma_wait3A_848 = tpu.memref_squeeze %dma_wait3A_847 : memref<1x40xi32, #tpu.memory_space<vmem>> -> memref<40xi32, #tpu.memory_space<vmem>>
        %dma_wait3A_849 = tpu.memref_slice %arg2[%add3A_844] : memref<640000xi32, #tpu.memory_space<hbm>> -> memref<40xi32, #tpu.memory_space<hbm>>
        %dma_wait3A_850 = arith.constant 0 : i32
        %dma_wait3A_851 = tpu.memref_slice %arg5[%dma_wait3A_845, %dma_wait3A_850] : memref<12x40xi32, #tpu.memory_space<vmem>> -> memref<1x40xi32, #tpu.memory_space<vmem>>
        %dma_wait3A_852 = tpu.memref_squeeze %dma_wait3A_851 : memref<1x40xi32, #tpu.memory_space<vmem>> -> memref<40xi32, #tpu.memory_space<vmem>>
        %dma_wait3A_853 = tpu.memref_slice %arg2[%add3A_844] : memref<640000xi32, #tpu.memory_space<hbm>> -> memref<40xi32, #tpu.memory_space<hbm>>
        tpu.wait_dma2 semaphore(%arg11 : memref<!tpu.dma_semaphore, #tpu.memory_space<semaphore_mem>>) src(%dma_wait3A_853 : memref<40xi32, #tpu.memory_space<hbm>>) dst(%dma_wait3A_852 : memref<40xi32, #tpu.memory_space<vmem>>)
        %add3A_854 = arith.constant 320000 : i32
        %add3A_855 = arith.addi %add3A_854, %mul3A_2 : i32
        %mul3A_856 = arith.constant 40 : i32
        %mul3A_857 = arith.muli %add3A_841, %mul3A_856 : i32
        %add3A_858 = arith.addi %add3A_855, %mul3A_857 : i32
        %dma_wait3A_859 = arith.constant 3 : i32
        %dma_wait3A_860 = arith.constant 0 : i32
        %dma_wait3A_861 = tpu.memref_slice %arg6[%dma_wait3A_859, %dma_wait3A_860] : memref<12x40xi32, #tpu.memory_space<vmem>> -> memref<1x40xi32, #tpu.memory_space<vmem>>
        %dma_wait3A_862 = tpu.memref_squeeze %dma_wait3A_861 : memref<1x40xi32, #tpu.memory_space<vmem>> -> memref<40xi32, #tpu.memory_space<vmem>>
        %dma_wait3A_863 = tpu.memref_slice %arg2[%add3A_858] : memref<640000xi32, #tpu.memory_space<hbm>> -> memref<40xi32, #tpu.memory_space<hbm>>
        %dma_wait3A_864 = arith.constant 0 : i32
        %dma_wait3A_865 = tpu.memref_slice %arg6[%dma_wait3A_859, %dma_wait3A_864] : memref<12x40xi32, #tpu.memory_space<vmem>> -> memref<1x40xi32, #tpu.memory_space<vmem>>
        %dma_wait3A_866 = tpu.memref_squeeze %dma_wait3A_865 : memref<1x40xi32, #tpu.memory_space<vmem>> -> memref<40xi32, #tpu.memory_space<vmem>>
        %dma_wait3A_867 = tpu.memref_slice %arg2[%add3A_858] : memref<640000xi32, #tpu.memory_space<hbm>> -> memref<40xi32, #tpu.memory_space<hbm>>
        tpu.wait_dma2 semaphore(%arg11 : memref<!tpu.dma_semaphore, #tpu.memory_space<semaphore_mem>>) src(%dma_wait3A_867 : memref<40xi32, #tpu.memory_space<hbm>>) dst(%dma_wait3A_866 : memref<40xi32, #tpu.memory_space<vmem>>)
        %dma_start3A_868 = arith.constant 3 : i32
        %dma_start3A_869 = arith.constant 3 : i32
        %dma_start3A_870 = arith.constant 0 : i32
        %dma_start3A_871 = arith.constant 0 : i32
        %dma_start3A_872 = tpu.memref_slice %arg7[%dma_start3A_869, %dma_start3A_870, %dma_start3A_871] : memref<6x40x128xf32, #tpu.memory_space<vmem>> -> memref<1x40x128xf32, #tpu.memory_space<vmem>>
        %dma_start3A_873 = tpu.memref_squeeze %dma_start3A_872 : memref<1x40x128xf32, #tpu.memory_space<vmem>> -> memref<40x128xf32, #tpu.memory_space<vmem>>
        %dma_start3A_874 = arith.constant 0 : i32
        %dma_start3A_875 = tpu.memref_slice %arg5[%dma_start3A_868, %dma_start3A_874] : memref<12x40xi32, #tpu.memory_space<vmem>> -> memref<1x40xi32, #tpu.memory_space<vmem>>
        %dma_start3A_876 = tpu.memref_squeeze %dma_start3A_875 : memref<1x40xi32, #tpu.memory_space<vmem>> -> memref<40xi32, #tpu.memory_space<vmem>>
        %dma_start3A_877 = arith.constant 0 : i32
        %dma_start3A_878 = arith.constant 0 : i32
        %dma_start3A_879 = tpu.memref_slice %arg3[%dma_start3A_877, %dma_start3A_878] : memref<10000x128xf32, #tpu.memory_space<hbm>> -> memref<10000x128xf32, #tpu.memory_space<hbm>>
        tpu.enqueue_indirect_dma source(%dma_start3A_879 : memref<10000x128xf32, #tpu.memory_space<hbm>>) target(%dma_start3A_873 : memref<40x128xf32, #tpu.memory_space<vmem>>) offsets(%dma_start3A_876 : memref<40xi32, #tpu.memory_space<vmem>>) semaphore(%arg23 : memref<!tpu.dma_semaphore, #tpu.memory_space<semaphore_mem>>)
      } else {
      }
      %add3A_801 = arith.constant 8 : i32
      %add3A_802 = arith.addi %add3A_780, %add3A_801 : i32
      %lt3A_803 = arith.constant 500 : i32
      %lt3A_804 = arith.cmpi slt, %add3A_802, %lt3A_803 : i32
      %convert_element_type3A_805 = arith.extui %lt3A_804 : i1 to i32
      %cond3A_806 = arith.constant 0 : i32
      %cond3A_807 = arith.cmpi ne, %convert_element_type3A_805, %cond3A_806 : i32
      scf.if %cond3A_807 {
        %add3A_840 = arith.constant 8 : i32
        %add3A_841 = arith.addi %add3A_780, %add3A_840 : i32
        %mul3A_842 = arith.constant 40 : i32
        %mul3A_843 = arith.muli %add3A_841, %mul3A_842 : i32
        %add3A_844 = arith.addi %mul3A_2, %mul3A_843 : i32
        %dma_start3A_845 = arith.constant 6 : i32
        %dma_start3A_846 = arith.constant 0 : i32
        %dma_start3A_847 = tpu.memref_slice %arg5[%dma_start3A_845, %dma_start3A_846] : memref<12x40xi32, #tpu.memory_space<vmem>> -> memref<1x40xi32, #tpu.memory_space<vmem>>
        %dma_start3A_848 = tpu.memref_squeeze %dma_start3A_847 : memref<1x40xi32, #tpu.memory_space<vmem>> -> memref<40xi32, #tpu.memory_space<vmem>>
        %dma_start3A_849 = tpu.memref_slice %arg2[%add3A_844] : memref<640000xi32, #tpu.memory_space<hbm>> -> memref<40xi32, #tpu.memory_space<hbm>>
        %dma_start3A_850 = arith.constant 0 : i32
        %dma_start3A_851 = tpu.memref_slice %arg5[%dma_start3A_845, %dma_start3A_850] : memref<12x40xi32, #tpu.memory_space<vmem>> -> memref<1x40xi32, #tpu.memory_space<vmem>>
        %dma_start3A_852 = tpu.memref_squeeze %dma_start3A_851 : memref<1x40xi32, #tpu.memory_space<vmem>> -> memref<40xi32, #tpu.memory_space<vmem>>
        %dma_start3A_853 = tpu.memref_slice %arg2[%add3A_844] : memref<640000xi32, #tpu.memory_space<hbm>> -> memref<40xi32, #tpu.memory_space<hbm>>
        tpu.enqueue_dma source(%dma_start3A_853 : memref<40xi32, #tpu.memory_space<hbm>>) target(%dma_start3A_852 : memref<40xi32, #tpu.memory_space<vmem>>) target_semaphore(%arg14 : memref<!tpu.dma_semaphore, #tpu.memory_space<semaphore_mem>>)
        %add3A_854 = arith.constant 320000 : i32
        %add3A_855 = arith.addi %add3A_854, %mul3A_2 : i32
        %mul3A_856 = arith.constant 40 : i32
        %mul3A_857 = arith.muli %add3A_841, %mul3A_856 : i32
        %add3A_858 = arith.addi %add3A_855, %mul3A_857 : i32
        %dma_start3A_859 = arith.constant 6 : i32
        %dma_start3A_860 = arith.constant 0 : i32
        %dma_start3A_861 = tpu.memref_slice %arg6[%dma_start3A_859, %dma_start3A_860] : memref<12x40xi32, #tpu.memory_space<vmem>> -> memref<1x40xi32, #tpu.memory_space<vmem>>
        %dma_start3A_862 = tpu.memref_squeeze %dma_start3A_861 : memref<1x40xi32, #tpu.memory_space<vmem>> -> memref<40xi32, #tpu.memory_space<vmem>>
        %dma_start3A_863 = tpu.memref_slice %arg2[%add3A_858] : memref<640000xi32, #tpu.memory_space<hbm>> -> memref<40xi32, #tpu.memory_space<hbm>>
        %dma_start3A_864 = arith.constant 0 : i32
        %dma_start3A_865 = tpu.memref_slice %arg6[%dma_start3A_859, %dma_start3A_864] : memref<12x40xi32, #tpu.memory_space<vmem>> -> memref<1x40xi32, #tpu.memory_space<vmem>>
        %dma_start3A_866 = tpu.memref_squeeze %dma_start3A_865 : memref<1x40xi32, #tpu.memory_space<vmem>> -> memref<40xi32, #tpu.memory_space<vmem>>
        %dma_start3A_867 = tpu.memref_slice %arg2[%add3A_858] : memref<640000xi32, #tpu.memory_space<hbm>> -> memref<40xi32, #tpu.memory_space<hbm>>
        tpu.enqueue_dma source(%dma_start3A_867 : memref<40xi32, #tpu.memory_space<hbm>>) target(%dma_start3A_866 : memref<40xi32, #tpu.memory_space<vmem>>) target_semaphore(%arg14 : memref<!tpu.dma_semaphore, #tpu.memory_space<semaphore_mem>>)
      } else {
      }
      %mul3A_808 = arith.constant 12 : i32
      %mul3A_809 = arith.muli %scan3A_470, %mul3A_808 : i32
      %add3A_810 = arith.constant 11 : i32
      %add3A_811 = arith.addi %mul3A_809, %add3A_810 : i32
      %lt3A_812 = arith.constant 500 : i32
      %lt3A_813 = arith.cmpi slt, %add3A_811, %lt3A_812 : i32
      %convert_element_type3A_814 = arith.extui %lt3A_813 : i1 to i32
      %cond3A_815 = arith.constant 0 : i32
      %cond3A_816 = arith.cmpi ne, %convert_element_type3A_814, %cond3A_815 : i32
      scf.if %cond3A_816 {
        %dma_wait3A_840 = arith.constant 11 : i32
        %dma_wait3A_841 = arith.constant 5 : i32
        %dma_wait3A_842 = arith.constant 0 : i32
        %dma_wait3A_843 = arith.constant 0 : i32
        %dma_wait3A_844 = tpu.memref_slice %arg7[%dma_wait3A_841, %dma_wait3A_842, %dma_wait3A_843] : memref<6x40x128xf32, #tpu.memory_space<vmem>> -> memref<1x40x128xf32, #tpu.memory_space<vmem>>
        %dma_wait3A_845 = tpu.memref_squeeze %dma_wait3A_844 : memref<1x40x128xf32, #tpu.memory_space<vmem>> -> memref<40x128xf32, #tpu.memory_space<vmem>>
        %dma_wait3A_846 = arith.constant 0 : i32
        %dma_wait3A_847 = tpu.memref_slice %arg5[%dma_wait3A_840, %dma_wait3A_846] : memref<12x40xi32, #tpu.memory_space<vmem>> -> memref<1x40xi32, #tpu.memory_space<vmem>>
        %dma_wait3A_848 = tpu.memref_squeeze %dma_wait3A_847 : memref<1x40xi32, #tpu.memory_space<vmem>> -> memref<40xi32, #tpu.memory_space<vmem>>
        %dma_wait3A_849 = arith.constant 0 : i32
        %dma_wait3A_850 = arith.constant 0 : i32
        %dma_wait3A_851 = tpu.memref_slice %arg3[%dma_wait3A_849, %dma_wait3A_850] : memref<10000x128xf32, #tpu.memory_space<hbm>> -> memref<10000x128xf32, #tpu.memory_space<hbm>>
        tpu.wait_indirect_dma semaphore(%arg25 : memref<!tpu.dma_semaphore, #tpu.memory_space<semaphore_mem>>) src(%dma_wait3A_851 : memref<10000x128xf32, #tpu.memory_space<hbm>>) dst(%dma_wait3A_845 : memref<40x128xf32, #tpu.memory_space<vmem>>)
        %dma_start3A_852 = arith.constant 5 : i32
        %dma_start3A_853 = arith.constant 11 : i32
        %dma_start3A_854 = arith.constant 0 : i32
        %dma_start3A_855 = arith.constant 0 : i32
        %dma_start3A_856 = tpu.memref_slice %arg7[%dma_start3A_852, %dma_start3A_854, %dma_start3A_855] : memref<6x40x128xf32, #tpu.memory_space<vmem>> -> memref<1x40x128xf32, #tpu.memory_space<vmem>>
        %dma_start3A_857 = tpu.memref_squeeze %dma_start3A_856 : memref<1x40x128xf32, #tpu.memory_space<vmem>> -> memref<40x128xf32, #tpu.memory_space<vmem>>
        %dma_start3A_858 = arith.constant 0 : i32
        %dma_start3A_859 = tpu.memref_slice %arg6[%dma_start3A_853, %dma_start3A_858] : memref<12x40xi32, #tpu.memory_space<vmem>> -> memref<1x40xi32, #tpu.memory_space<vmem>>
        %dma_start3A_860 = tpu.memref_squeeze %dma_start3A_859 : memref<1x40xi32, #tpu.memory_space<vmem>> -> memref<40xi32, #tpu.memory_space<vmem>>
        %dma_start3A_861 = arith.constant 0 : i32
        %dma_start3A_862 = arith.constant 0 : i32
        %dma_start3A_863 = tpu.memref_slice %arg32[%dma_start3A_861, %dma_start3A_862] : memref<10240x128xf32, #tpu.memory_space<vmem_shared>> -> memref<10240x128xf32, #tpu.memory_space<vmem_shared>>
        tpu.enqueue_indirect_dma source(%dma_start3A_857 : memref<40x128xf32, #tpu.memory_space<vmem>>) target(%dma_start3A_863 : memref<10240x128xf32, #tpu.memory_space<vmem_shared>>) offsets(%dma_start3A_860 : memref<40xi32, #tpu.memory_space<vmem>>) semaphore(%arg31 : memref<!tpu.dma_semaphore, #tpu.memory_space<semaphore_mem>>) {add = true}
      } else {
      }
      %ge3A_817 = arith.constant 1 : i32
      %ge3A_818 = arith.cmpi sge, %add3A_811, %ge3A_817 : i32
      %lt3A_819 = arith.constant 501 : i32
      %lt3A_820 = arith.cmpi slt, %add3A_811, %lt3A_819 : i32
      %and3A_821 = arith.andi %ge3A_818, %lt3A_820 : i1
      %convert_element_type3A_822 = arith.extui %and3A_821 : i1 to i32
      %cond3A_823 = arith.constant 0 : i32
      %cond3A_824 = arith.cmpi ne, %convert_element_type3A_822, %cond3A_823 : i32
      scf.if %cond3A_824 {
        %dma_wait3A_840 = arith.constant 4 : i32
        %dma_wait3A_841 = arith.constant 10 : i32
        %dma_wait3A_842 = arith.constant 0 : i32
        %dma_wait3A_843 = arith.constant 0 : i32
        %dma_wait3A_844 = tpu.memref_slice %arg7[%dma_wait3A_840, %dma_wait3A_842, %dma_wait3A_843] : memref<6x40x128xf32, #tpu.memory_space<vmem>> -> memref<1x40x128xf32, #tpu.memory_space<vmem>>
        %dma_wait3A_845 = tpu.memref_squeeze %dma_wait3A_844 : memref<1x40x128xf32, #tpu.memory_space<vmem>> -> memref<40x128xf32, #tpu.memory_space<vmem>>
        %dma_wait3A_846 = arith.constant 0 : i32
        %dma_wait3A_847 = tpu.memref_slice %arg6[%dma_wait3A_841, %dma_wait3A_846] : memref<12x40xi32, #tpu.memory_space<vmem>> -> memref<1x40xi32, #tpu.memory_space<vmem>>
        %dma_wait3A_848 = tpu.memref_squeeze %dma_wait3A_847 : memref<1x40xi32, #tpu.memory_space<vmem>> -> memref<40xi32, #tpu.memory_space<vmem>>
        %dma_wait3A_849 = arith.constant 0 : i32
        %dma_wait3A_850 = arith.constant 0 : i32
        %dma_wait3A_851 = tpu.memref_slice %arg32[%dma_wait3A_849, %dma_wait3A_850] : memref<10240x128xf32, #tpu.memory_space<vmem_shared>> -> memref<10240x128xf32, #tpu.memory_space<vmem_shared>>
        tpu.wait_indirect_dma semaphore(%arg30 : memref<!tpu.dma_semaphore, #tpu.memory_space<semaphore_mem>>) src(%dma_wait3A_845 : memref<40x128xf32, #tpu.memory_space<vmem>>) dst(%dma_wait3A_851 : memref<10240x128xf32, #tpu.memory_space<vmem_shared>>)
      } else {
      }
      %add3A_825 = arith.constant 5 : i32
      %add3A_826 = arith.addi %add3A_811, %add3A_825 : i32
      %lt3A_827 = arith.constant 500 : i32
      %lt3A_828 = arith.cmpi slt, %add3A_826, %lt3A_827 : i32
      %convert_element_type3A_829 = arith.extui %lt3A_828 : i1 to i32
      %cond3A_830 = arith.constant 0 : i32
      %cond3A_831 = arith.cmpi ne, %convert_element_type3A_829, %cond3A_830 : i32
      scf.if %cond3A_831 {
        %add3A_840 = arith.constant 5 : i32
        %add3A_841 = arith.addi %add3A_811, %add3A_840 : i32
        %mul3A_842 = arith.constant 40 : i32
        %mul3A_843 = arith.muli %add3A_841, %mul3A_842 : i32
        %add3A_844 = arith.addi %mul3A_2, %mul3A_843 : i32
        %dma_wait3A_845 = arith.constant 4 : i32
        %dma_wait3A_846 = arith.constant 0 : i32
        %dma_wait3A_847 = tpu.memref_slice %arg5[%dma_wait3A_845, %dma_wait3A_846] : memref<12x40xi32, #tpu.memory_space<vmem>> -> memref<1x40xi32, #tpu.memory_space<vmem>>
        %dma_wait3A_848 = tpu.memref_squeeze %dma_wait3A_847 : memref<1x40xi32, #tpu.memory_space<vmem>> -> memref<40xi32, #tpu.memory_space<vmem>>
        %dma_wait3A_849 = tpu.memref_slice %arg2[%add3A_844] : memref<640000xi32, #tpu.memory_space<hbm>> -> memref<40xi32, #tpu.memory_space<hbm>>
        %dma_wait3A_850 = arith.constant 0 : i32
        %dma_wait3A_851 = tpu.memref_slice %arg5[%dma_wait3A_845, %dma_wait3A_850] : memref<12x40xi32, #tpu.memory_space<vmem>> -> memref<1x40xi32, #tpu.memory_space<vmem>>
        %dma_wait3A_852 = tpu.memref_squeeze %dma_wait3A_851 : memref<1x40xi32, #tpu.memory_space<vmem>> -> memref<40xi32, #tpu.memory_space<vmem>>
        %dma_wait3A_853 = tpu.memref_slice %arg2[%add3A_844] : memref<640000xi32, #tpu.memory_space<hbm>> -> memref<40xi32, #tpu.memory_space<hbm>>
        tpu.wait_dma2 semaphore(%arg12 : memref<!tpu.dma_semaphore, #tpu.memory_space<semaphore_mem>>) src(%dma_wait3A_853 : memref<40xi32, #tpu.memory_space<hbm>>) dst(%dma_wait3A_852 : memref<40xi32, #tpu.memory_space<vmem>>)
        %add3A_854 = arith.constant 320000 : i32
        %add3A_855 = arith.addi %add3A_854, %mul3A_2 : i32
        %mul3A_856 = arith.constant 40 : i32
        %mul3A_857 = arith.muli %add3A_841, %mul3A_856 : i32
        %add3A_858 = arith.addi %add3A_855, %mul3A_857 : i32
        %dma_wait3A_859 = arith.constant 4 : i32
        %dma_wait3A_860 = arith.constant 0 : i32
        %dma_wait3A_861 = tpu.memref_slice %arg6[%dma_wait3A_859, %dma_wait3A_860] : memref<12x40xi32, #tpu.memory_space<vmem>> -> memref<1x40xi32, #tpu.memory_space<vmem>>
        %dma_wait3A_862 = tpu.memref_squeeze %dma_wait3A_861 : memref<1x40xi32, #tpu.memory_space<vmem>> -> memref<40xi32, #tpu.memory_space<vmem>>
        %dma_wait3A_863 = tpu.memref_slice %arg2[%add3A_858] : memref<640000xi32, #tpu.memory_space<hbm>> -> memref<40xi32, #tpu.memory_space<hbm>>
        %dma_wait3A_864 = arith.constant 0 : i32
        %dma_wait3A_865 = tpu.memref_slice %arg6[%dma_wait3A_859, %dma_wait3A_864] : memref<12x40xi32, #tpu.memory_space<vmem>> -> memref<1x40xi32, #tpu.memory_space<vmem>>
        %dma_wait3A_866 = tpu.memref_squeeze %dma_wait3A_865 : memref<1x40xi32, #tpu.memory_space<vmem>> -> memref<40xi32, #tpu.memory_space<vmem>>
        %dma_wait3A_867 = tpu.memref_slice %arg2[%add3A_858] : memref<640000xi32, #tpu.memory_space<hbm>> -> memref<40xi32, #tpu.memory_space<hbm>>
        tpu.wait_dma2 semaphore(%arg12 : memref<!tpu.dma_semaphore, #tpu.memory_space<semaphore_mem>>) src(%dma_wait3A_867 : memref<40xi32, #tpu.memory_space<hbm>>) dst(%dma_wait3A_866 : memref<40xi32, #tpu.memory_space<vmem>>)
        %dma_start3A_868 = arith.constant 4 : i32
        %dma_start3A_869 = arith.constant 4 : i32
        %dma_start3A_870 = arith.constant 0 : i32
        %dma_start3A_871 = arith.constant 0 : i32
        %dma_start3A_872 = tpu.memref_slice %arg7[%dma_start3A_869, %dma_start3A_870, %dma_start3A_871] : memref<6x40x128xf32, #tpu.memory_space<vmem>> -> memref<1x40x128xf32, #tpu.memory_space<vmem>>
        %dma_start3A_873 = tpu.memref_squeeze %dma_start3A_872 : memref<1x40x128xf32, #tpu.memory_space<vmem>> -> memref<40x128xf32, #tpu.memory_space<vmem>>
        %dma_start3A_874 = arith.constant 0 : i32
        %dma_start3A_875 = tpu.memref_slice %arg5[%dma_start3A_868, %dma_start3A_874] : memref<12x40xi32, #tpu.memory_space<vmem>> -> memref<1x40xi32, #tpu.memory_space<vmem>>
        %dma_start3A_876 = tpu.memref_squeeze %dma_start3A_875 : memref<1x40xi32, #tpu.memory_space<vmem>> -> memref<40xi32, #tpu.memory_space<vmem>>
        %dma_start3A_877 = arith.constant 0 : i32
        %dma_start3A_878 = arith.constant 0 : i32
        %dma_start3A_879 = tpu.memref_slice %arg3[%dma_start3A_877, %dma_start3A_878] : memref<10000x128xf32, #tpu.memory_space<hbm>> -> memref<10000x128xf32, #tpu.memory_space<hbm>>
        tpu.enqueue_indirect_dma source(%dma_start3A_879 : memref<10000x128xf32, #tpu.memory_space<hbm>>) target(%dma_start3A_873 : memref<40x128xf32, #tpu.memory_space<vmem>>) offsets(%dma_start3A_876 : memref<40xi32, #tpu.memory_space<vmem>>) semaphore(%arg24 : memref<!tpu.dma_semaphore, #tpu.memory_space<semaphore_mem>>)
      } else {
      }
      %add3A_832 = arith.constant 8 : i32
      %add3A_833 = arith.addi %add3A_811, %add3A_832 : i32
      %lt3A_834 = arith.constant 500 : i32
      %lt3A_835 = arith.cmpi slt, %add3A_833, %lt3A_834 : i32
      %convert_element_type3A_836 = arith.extui %lt3A_835 : i1 to i32
      %cond3A_837 = arith.constant 0 : i32
      %cond3A_838 = arith.cmpi ne, %convert_element_type3A_836, %cond3A_837 : i32
      scf.if %cond3A_838 {
        %add3A_840 = arith.constant 8 : i32
        %add3A_841 = arith.addi %add3A_811, %add3A_840 : i32
        %mul3A_842 = arith.constant 40 : i32
        %mul3A_843 = arith.muli %add3A_841, %mul3A_842 : i32
        %add3A_844 = arith.addi %mul3A_2, %mul3A_843 : i32
        %dma_start3A_845 = arith.constant 7 : i32
        %dma_start3A_846 = arith.constant 0 : i32
        %dma_start3A_847 = tpu.memref_slice %arg5[%dma_start3A_845, %dma_start3A_846] : memref<12x40xi32, #tpu.memory_space<vmem>> -> memref<1x40xi32, #tpu.memory_space<vmem>>
        %dma_start3A_848 = tpu.memref_squeeze %dma_start3A_847 : memref<1x40xi32, #tpu.memory_space<vmem>> -> memref<40xi32, #tpu.memory_space<vmem>>
        %dma_start3A_849 = tpu.memref_slice %arg2[%add3A_844] : memref<640000xi32, #tpu.memory_space<hbm>> -> memref<40xi32, #tpu.memory_space<hbm>>
        %dma_start3A_850 = arith.constant 0 : i32
        %dma_start3A_851 = tpu.memref_slice %arg5[%dma_start3A_845, %dma_start3A_850] : memref<12x40xi32, #tpu.memory_space<vmem>> -> memref<1x40xi32, #tpu.memory_space<vmem>>
        %dma_start3A_852 = tpu.memref_squeeze %dma_start3A_851 : memref<1x40xi32, #tpu.memory_space<vmem>> -> memref<40xi32, #tpu.memory_space<vmem>>
        %dma_start3A_853 = tpu.memref_slice %arg2[%add3A_844] : memref<640000xi32, #tpu.memory_space<hbm>> -> memref<40xi32, #tpu.memory_space<hbm>>
        tpu.enqueue_dma source(%dma_start3A_853 : memref<40xi32, #tpu.memory_space<hbm>>) target(%dma_start3A_852 : memref<40xi32, #tpu.memory_space<vmem>>) target_semaphore(%arg15 : memref<!tpu.dma_semaphore, #tpu.memory_space<semaphore_mem>>)
        %add3A_854 = arith.constant 320000 : i32
        %add3A_855 = arith.addi %add3A_854, %mul3A_2 : i32
        %mul3A_856 = arith.constant 40 : i32
        %mul3A_857 = arith.muli %add3A_841, %mul3A_856 : i32
        %add3A_858 = arith.addi %add3A_855, %mul3A_857 : i32
        %dma_start3A_859 = arith.constant 7 : i32
        %dma_start3A_860 = arith.constant 0 : i32
        %dma_start3A_861 = tpu.memref_slice %arg6[%dma_start3A_859, %dma_start3A_860] : memref<12x40xi32, #tpu.memory_space<vmem>> -> memref<1x40xi32, #tpu.memory_space<vmem>>
        %dma_start3A_862 = tpu.memref_squeeze %dma_start3A_861 : memref<1x40xi32, #tpu.memory_space<vmem>> -> memref<40xi32, #tpu.memory_space<vmem>>
        %dma_start3A_863 = tpu.memref_slice %arg2[%add3A_858] : memref<640000xi32, #tpu.memory_space<hbm>> -> memref<40xi32, #tpu.memory_space<hbm>>
        %dma_start3A_864 = arith.constant 0 : i32
        %dma_start3A_865 = tpu.memref_slice %arg6[%dma_start3A_859, %dma_start3A_864] : memref<12x40xi32, #tpu.memory_space<vmem>> -> memref<1x40xi32, #tpu.memory_space<vmem>>
        %dma_start3A_866 = tpu.memref_squeeze %dma_start3A_865 : memref<1x40xi32, #tpu.memory_space<vmem>> -> memref<40xi32, #tpu.memory_space<vmem>>
        %dma_start3A_867 = tpu.memref_slice %arg2[%add3A_858] : memref<640000xi32, #tpu.memory_space<hbm>> -> memref<40xi32, #tpu.memory_space<hbm>>
        tpu.enqueue_dma source(%dma_start3A_867 : memref<40xi32, #tpu.memory_space<hbm>>) target(%dma_start3A_866 : memref<40xi32, #tpu.memory_space<vmem>>) target_semaphore(%arg15 : memref<!tpu.dma_semaphore, #tpu.memory_space<semaphore_mem>>)
      } else {
      }
      %scan3A_839 = arith.constant 0 : i32
      scf.yield %scan3A_839 : i32
    }
    %scan3A_464 = arith.constant 43 : i32
    %barrier3A_465 = arith.constant 0 : index
    tpu.barrier barrier_id(%barrier3A_465)
    %mul3A_466 = arith.constant 640 : i32
    %mul3A_467 = arith.muli %arg1, %mul3A_466 : i32
    %mul3A_468 = arith.constant 640 : i32
    %mul3A_469 = arith.muli %arg1, %mul3A_468 : i32
    "tpu.region"() ({
      %run_scoped3A_470 = tpu.sem_alloc : memref<!tpu.dma_semaphore, #tpu.memory_space<semaphore_mem>>
      %dma_start3A_471 = arith.constant 0 : i32
      %dma_start3A_472 = tpu.memref_slice %arg4[%arg0, %mul3A_469, %dma_start3A_471] : memref<1x10240x128xf32, #tpu.memory_space<hbm>> -> memref<1x640x128xf32, #tpu.memory_space<hbm>>
      %dma_start3A_473 = tpu.memref_squeeze %dma_start3A_472 : memref<1x640x128xf32, #tpu.memory_space<hbm>> -> memref<640x128xf32, #tpu.memory_space<hbm>>
      %dma_start3A_474 = arith.constant 0 : i32
      %dma_start3A_475 = tpu.memref_slice %arg32[%mul3A_467, %dma_start3A_474] : memref<10240x128xf32, #tpu.memory_space<vmem_shared>> -> memref<640x128xf32, #tpu.memory_space<vmem_shared>>
      tpu.enqueue_dma source(%dma_start3A_475 : memref<640x128xf32, #tpu.memory_space<vmem_shared>>) target(%dma_start3A_473 : memref<640x128xf32, #tpu.memory_space<hbm>>) target_semaphore(%run_scoped3A_470 : memref<!tpu.dma_semaphore, #tpu.memory_space<semaphore_mem>>)
      %dma_wait3A_476 = arith.constant 0 : i32
      %dma_wait3A_477 = tpu.memref_slice %arg4[%arg0, %mul3A_469, %dma_wait3A_476] : memref<1x10240x128xf32, #tpu.memory_space<hbm>> -> memref<1x640x128xf32, #tpu.memory_space<hbm>>
      %dma_wait3A_478 = tpu.memref_squeeze %dma_wait3A_477 : memref<1x640x128xf32, #tpu.memory_space<hbm>> -> memref<640x128xf32, #tpu.memory_space<hbm>>
      %dma_wait3A_479 = arith.constant 0 : i32
      %dma_wait3A_480 = tpu.memref_slice %arg32[%mul3A_467, %dma_wait3A_479] : memref<10240x128xf32, #tpu.memory_space<vmem_shared>> -> memref<640x128xf32, #tpu.memory_space<vmem_shared>>
      tpu.wait_dma2 semaphore(%run_scoped3A_470 : memref<!tpu.dma_semaphore, #tpu.memory_space<semaphore_mem>>) src(%dma_wait3A_480 : memref<640x128xf32, #tpu.memory_space<vmem_shared>>) dst(%dma_wait3A_478 : memref<640x128xf32, #tpu.memory_space<hbm>>)
      tpu.yield
    }) : () -> ()
    return
  }
}

#map = affine_map<(d0, d1) -> (0)>
#map1 = affine_map<(d0, d1) -> (0, 0)>
module attributes {stable_mosaic.version = 14 : i64} {
  func.func @_deg_body(%arg0: i32, %arg1: i32, %arg2: memref<640000xi32, #tpu.memory_space<hbm>>, %arg3: memref<1x10240xf32, #tpu.memory_space<hbm>>, %arg4: memref<20000xi32, #tpu.memory_space<vmem>>, %arg5: memref<80xf32, #tpu.memory_space<vmem>>, %arg6: memref<8x80xi32, #tpu.memory_space<vmem>>, %arg7: memref<640xf32, #tpu.memory_space<vmem>>, %arg8: memref<10240xf32, #tpu.memory_space<vmem_shared>>, %arg9: memref<!tpu.dma_semaphore, #tpu.memory_space<semaphore_mem>>, %arg10: memref<!tpu.dma_semaphore, #tpu.memory_space<semaphore_mem>>, %arg11: memref<!tpu.dma_semaphore, #tpu.memory_space<semaphore_mem>>, %arg12: memref<!tpu.dma_semaphore, #tpu.memory_space<semaphore_mem>>, %arg13: memref<!tpu.dma_semaphore, #tpu.memory_space<semaphore_mem>>, %arg14: memref<!tpu.dma_semaphore, #tpu.memory_space<semaphore_mem>>, %arg15: memref<!tpu.dma_semaphore, #tpu.memory_space<semaphore_mem>>, %arg16: memref<!tpu.dma_semaphore, #tpu.memory_space<semaphore_mem>>, %arg17: memref<!tpu.dma_semaphore, #tpu.memory_space<semaphore_mem>>) attributes {dimension_semantics = [#tpu.dimension_semantics<core_parallel>, #tpu.dimension_semantics<subcore_parallel>], iteration_bounds = array<i64: 1, 16>, scalar_prefetch = 0 : i64, scratch_operands = 14 : i64, tpu.core_type = #tpu.core_type<sc_vector_subcore>, window_params = [{transform_indices = #map}, {transform_indices = #map1}]} {
    %mul3A = arith.constant 16 : i32
    %mul3A_0 = arith.muli %arg0, %mul3A : i32
    %add3A = arith.addi %mul3A_0, %arg1 : i32
    %mul3A_1 = arith.constant 20000 : i32
    %mul3A_2 = arith.muli %add3A, %mul3A_1 : i32
    %scan3A = arith.constant 0 : i32
    %scan3A_3 = arith.constant 0 : i32
    %scan3A_4 = arith.constant 40 : i32
    %scan3A_5 = arith.addi %scan3A_3, %scan3A_4 : i32
    %scan3A_6 = arith.constant 1 : i32
    %scan3A_7 = scf.for %scan3A_62 = %scan3A_3 to %scan3A_5 step %scan3A_6 iter_args(%scan3A_63 = %scan3A) -> (i32)  : i32 {
      %broadcast_in_dim3A_64 = arith.constant 0.000000e+00 : f32
      %broadcast_in_dim3A_65 = vector.broadcast %broadcast_in_dim3A_64 : f32 to vector<16xf32>
      %mul3A_66 = arith.constant 16 : i32
      %mul3A_67 = arith.muli %scan3A_62, %mul3A_66 : i32
      %swap3A_68 = arith.index_cast %mul3A_67 : i32 to index
      %swap3A_69 = tpu.vector_load %arg7[%swap3A_68] {strides = array<i32>} : memref<640xf32, #tpu.memory_space<vmem>>, vector<16xf32>,
      %swap3A_70 = vector.shape_cast %swap3A_69 : vector<16xf32> to vector<16xf32>
      %swap3A_71 = vector.shape_cast %broadcast_in_dim3A_65 : vector<16xf32> to vector<16xf32>
      tpu.vector_store %arg7[%swap3A_68], %swap3A_71 {strides = array<i32>} : memref<640xf32, #tpu.memory_space<vmem>>, vector<16xf32>,
      %scan3A_72 = arith.constant 0 : i32
      scf.yield %scan3A_72 : i32
    }
    %scan3A_8 = arith.constant 40 : i32
    %broadcast_in_dim3A = arith.constant 1.000000e+00 : f32
    %broadcast_in_dim3A_9 = vector.broadcast %broadcast_in_dim3A : f32 to vector<16xf32>
    %swap3A = arith.constant 0 : index
    %swap3A_10 = tpu.vector_load %arg5[%swap3A] {strides = array<i32>} : memref<80xf32, #tpu.memory_space<vmem>>, vector<16xf32>,
    %swap3A_11 = vector.shape_cast %swap3A_10 : vector<16xf32> to vector<16xf32>
    %swap3A_12 = vector.shape_cast %broadcast_in_dim3A_9 : vector<16xf32> to vector<16xf32>
    tpu.vector_store %arg5[%swap3A], %swap3A_12 {strides = array<i32>} : memref<80xf32, #tpu.memory_space<vmem>>, vector<16xf32>,
    %broadcast_in_dim3A_13 = arith.constant 1.000000e+00 : f32
    %broadcast_in_dim3A_14 = vector.broadcast %broadcast_in_dim3A_13 : f32 to vector<16xf32>
    %swap3A_15 = arith.constant 16 : index
    %swap3A_16 = tpu.vector_load %arg5[%swap3A_15] {strides = array<i32>} : memref<80xf32, #tpu.memory_space<vmem>>, vector<16xf32>,
    %swap3A_17 = vector.shape_cast %swap3A_16 : vector<16xf32> to vector<16xf32>
    %swap3A_18 = vector.shape_cast %broadcast_in_dim3A_14 : vector<16xf32> to vector<16xf32>
    tpu.vector_store %arg5[%swap3A_15], %swap3A_18 {strides = array<i32>} : memref<80xf32, #tpu.memory_space<vmem>>, vector<16xf32>,
    %broadcast_in_dim3A_19 = arith.constant 1.000000e+00 : f32
    %broadcast_in_dim3A_20 = vector.broadcast %broadcast_in_dim3A_19 : f32 to vector<16xf32>
    %swap3A_21 = arith.constant 32 : index
    %swap3A_22 = tpu.vector_load %arg5[%swap3A_21] {strides = array<i32>} : memref<80xf32, #tpu.memory_space<vmem>>, vector<16xf32>,
    %swap3A_23 = vector.shape_cast %swap3A_22 : vector<16xf32> to vector<16xf32>
    %swap3A_24 = vector.shape_cast %broadcast_in_dim3A_20 : vector<16xf32> to vector<16xf32>
    tpu.vector_store %arg5[%swap3A_21], %swap3A_24 {strides = array<i32>} : memref<80xf32, #tpu.memory_space<vmem>>, vector<16xf32>,
    %broadcast_in_dim3A_25 = arith.constant 1.000000e+00 : f32
    %broadcast_in_dim3A_26 = vector.broadcast %broadcast_in_dim3A_25 : f32 to vector<16xf32>
    %swap3A_27 = arith.constant 48 : index
    %swap3A_28 = tpu.vector_load %arg5[%swap3A_27] {strides = array<i32>} : memref<80xf32, #tpu.memory_space<vmem>>, vector<16xf32>,
    %swap3A_29 = vector.shape_cast %swap3A_28 : vector<16xf32> to vector<16xf32>
    %swap3A_30 = vector.shape_cast %broadcast_in_dim3A_26 : vector<16xf32> to vector<16xf32>
    tpu.vector_store %arg5[%swap3A_27], %swap3A_30 {strides = array<i32>} : memref<80xf32, #tpu.memory_space<vmem>>, vector<16xf32>,
    %broadcast_in_dim3A_31 = arith.constant 1.000000e+00 : f32
    %broadcast_in_dim3A_32 = vector.broadcast %broadcast_in_dim3A_31 : f32 to vector<16xf32>
    %swap3A_33 = arith.constant 64 : index
    %swap3A_34 = tpu.vector_load %arg5[%swap3A_33] {strides = array<i32>} : memref<80xf32, #tpu.memory_space<vmem>>, vector<16xf32>,
    %swap3A_35 = vector.shape_cast %swap3A_34 : vector<16xf32> to vector<16xf32>
    %swap3A_36 = vector.shape_cast %broadcast_in_dim3A_32 : vector<16xf32> to vector<16xf32>
    tpu.vector_store %arg5[%swap3A_33], %swap3A_36 {strides = array<i32>} : memref<80xf32, #tpu.memory_space<vmem>>, vector<16xf32>,
    %mul3A_37 = arith.constant 640 : i32
    %mul3A_38 = arith.muli %arg1, %mul3A_37 : i32
    "tpu.region"() ({
      %run_scoped3A = tpu.sem_alloc : memref<!tpu.dma_semaphore, #tpu.memory_space<semaphore_mem>>
      %dma_start3A_62 = tpu.memref_slice %arg8[%mul3A_38] : memref<10240xf32, #tpu.memory_space<vmem_shared>> -> memref<640xf32, #tpu.memory_space<vmem_shared>>
      %dma_start3A_63 = tpu.memref_slice %arg8[%mul3A_38] : memref<10240xf32, #tpu.memory_space<vmem_shared>> -> memref<640xf32, #tpu.memory_space<vmem_shared>>
      tpu.enqueue_dma source(%arg7 : memref<640xf32, #tpu.memory_space<vmem>>) target(%dma_start3A_63 : memref<640xf32, #tpu.memory_space<vmem_shared>>) target_semaphore(%run_scoped3A : memref<!tpu.dma_semaphore, #tpu.memory_space<semaphore_mem>>)
      %dma_wait3A_64 = tpu.memref_slice %arg8[%mul3A_38] : memref<10240xf32, #tpu.memory_space<vmem_shared>> -> memref<640xf32, #tpu.memory_space<vmem_shared>>
      %dma_wait3A_65 = tpu.memref_slice %arg8[%mul3A_38] : memref<10240xf32, #tpu.memory_space<vmem_shared>> -> memref<640xf32, #tpu.memory_space<vmem_shared>>
      tpu.wait_dma2 semaphore(%run_scoped3A : memref<!tpu.dma_semaphore, #tpu.memory_space<semaphore_mem>>) src(%arg7 : memref<640xf32, #tpu.memory_space<vmem>>) dst(%dma_wait3A_65 : memref<640xf32, #tpu.memory_space<vmem_shared>>)
      tpu.yield
    }) : () -> ()
    %barrier3A = arith.constant 0 : index
    tpu.barrier barrier_id(%barrier3A)
    %add3A_39 = arith.constant 320000 : i32
    %add3A_40 = arith.addi %add3A_39, %mul3A_2 : i32
    %dma_start3A = tpu.memref_slice %arg2[%add3A_40] : memref<640000xi32, #tpu.memory_space<hbm>> -> memref<20000xi32, #tpu.memory_space<hbm>>
    %dma_start3A_41 = tpu.memref_slice %arg2[%add3A_40] : memref<640000xi32, #tpu.memory_space<hbm>> -> memref<20000xi32, #tpu.memory_space<hbm>>
    tpu.enqueue_dma source(%dma_start3A_41 : memref<20000xi32, #tpu.memory_space<hbm>>) target(%arg4 : memref<20000xi32, #tpu.memory_space<vmem>>) target_semaphore(%arg9 : memref<!tpu.dma_semaphore, #tpu.memory_space<semaphore_mem>>)
    %dma_wait3A = tpu.memref_slice %arg2[%add3A_40] : memref<640000xi32, #tpu.memory_space<hbm>> -> memref<20000xi32, #tpu.memory_space<hbm>>
    %dma_wait3A_42 = tpu.memref_slice %arg2[%add3A_40] : memref<640000xi32, #tpu.memory_space<hbm>> -> memref<20000xi32, #tpu.memory_space<hbm>>
    tpu.wait_dma2 semaphore(%arg9 : memref<!tpu.dma_semaphore, #tpu.memory_space<semaphore_mem>>) src(%dma_wait3A_42 : memref<20000xi32, #tpu.memory_space<hbm>>) dst(%arg4 : memref<20000xi32, #tpu.memory_space<vmem>>)
    %scan3A_43 = arith.constant 0 : i32
    %scan3A_44 = arith.constant 0 : i32
    %scan3A_45 = arith.constant 31 : i32
    %scan3A_46 = arith.addi %scan3A_44, %scan3A_45 : i32
    %scan3A_47 = arith.constant 1 : i32
    %scan3A_48 = scf.for %scan3A_62 = %scan3A_44 to %scan3A_46 step %scan3A_47 iter_args(%scan3A_63 = %scan3A_43) -> (i32)  : i32 {
      %mul3A_64 = arith.constant 8 : i32
      %mul3A_65 = arith.muli %scan3A_62, %mul3A_64 : i32
      %add3A_66 = arith.constant 0 : i32
      %add3A_67 = arith.addi %mul3A_65, %add3A_66 : i32
      %mul3A_68 = arith.constant 80 : i32
      %mul3A_69 = arith.muli %add3A_67, %mul3A_68 : i32
      %add3A_70 = arith.constant 0 : i32
      %add3A_71 = arith.addi %mul3A_69, %add3A_70 : i32
      %get3A = arith.index_cast %add3A_71 : i32 to index
      %get3A_72 = tpu.vector_load %arg4[%get3A] {strides = array<i32>} : memref<20000xi32, #tpu.memory_space<vmem>>, vector<16xi32>,
      %get3A_73 = vector.shape_cast %get3A_72 : vector<16xi32> to vector<16xi32>
      %swap3A_74 = arith.constant 0 : i32
      %swap3A_75 = arith.index_cast %swap3A_74 : i32 to index
      %swap3A_76 = arith.constant 0 : index
      %swap3A_77 = tpu.vector_load %arg6[%swap3A_75, %swap3A_76] {strides = array<i32>} : memref<8x80xi32, #tpu.memory_space<vmem>>, vector<1x16xi32>,
      %swap3A_78 = vector.shape_cast %swap3A_77 : vector<1x16xi32> to vector<16xi32>
      %swap3A_79 = vector.shape_cast %get3A_73 : vector<16xi32> to vector<1x16xi32>
      tpu.vector_store %arg6[%swap3A_75, %swap3A_76], %swap3A_79 {strides = array<i32>} : memref<8x80xi32, #tpu.memory_space<vmem>>, vector<1x16xi32>,
      %mul3A_80 = arith.constant 80 : i32
      %mul3A_81 = arith.muli %add3A_67, %mul3A_80 : i32
      %add3A_82 = arith.constant 16 : i32
      %add3A_83 = arith.addi %mul3A_81, %add3A_82 : i32
      %get3A_84 = arith.index_cast %add3A_83 : i32 to index
      %get3A_85 = tpu.vector_load %arg4[%get3A_84] {strides = array<i32>} : memref<20000xi32, #tpu.memory_space<vmem>>, vector<16xi32>,
      %get3A_86 = vector.shape_cast %get3A_85 : vector<16xi32> to vector<16xi32>
      %swap3A_87 = arith.constant 0 : i32
      %swap3A_88 = arith.index_cast %swap3A_87 : i32 to index
      %swap3A_89 = arith.constant 16 : index
      %swap3A_90 = tpu.vector_load %arg6[%swap3A_88, %swap3A_89] {strides = array<i32>} : memref<8x80xi32, #tpu.memory_space<vmem>>, vector<1x16xi32>,
      %swap3A_91 = vector.shape_cast %swap3A_90 : vector<1x16xi32> to vector<16xi32>
      %swap3A_92 = vector.shape_cast %get3A_86 : vector<16xi32> to vector<1x16xi32>
      tpu.vector_store %arg6[%swap3A_88, %swap3A_89], %swap3A_92 {strides = array<i32>} : memref<8x80xi32, #tpu.memory_space<vmem>>, vector<1x16xi32>,
      %mul3A_93 = arith.constant 80 : i32
      %mul3A_94 = arith.muli %add3A_67, %mul3A_93 : i32
      %add3A_95 = arith.constant 32 : i32
      %add3A_96 = arith.addi %mul3A_94, %add3A_95 : i32
      %get3A_97 = arith.index_cast %add3A_96 : i32 to index
      %get3A_98 = tpu.vector_load %arg4[%get3A_97] {strides = array<i32>} : memref<20000xi32, #tpu.memory_space<vmem>>, vector<16xi32>,
      %get3A_99 = vector.shape_cast %get3A_98 : vector<16xi32> to vector<16xi32>
      %swap3A_100 = arith.constant 0 : i32
      %swap3A_101 = arith.index_cast %swap3A_100 : i32 to index
      %swap3A_102 = arith.constant 32 : index
      %swap3A_103 = tpu.vector_load %arg6[%swap3A_101, %swap3A_102] {strides = array<i32>} : memref<8x80xi32, #tpu.memory_space<vmem>>, vector<1x16xi32>,
      %swap3A_104 = vector.shape_cast %swap3A_103 : vector<1x16xi32> to vector<16xi32>
      %swap3A_105 = vector.shape_cast %get3A_99 : vector<16xi32> to vector<1x16xi32>
      tpu.vector_store %arg6[%swap3A_101, %swap3A_102], %swap3A_105 {strides = array<i32>} : memref<8x80xi32, #tpu.memory_space<vmem>>, vector<1x16xi32>,
      %mul3A_106 = arith.constant 80 : i32
      %mul3A_107 = arith.muli %add3A_67, %mul3A_106 : i32
      %add3A_108 = arith.constant 48 : i32
      %add3A_109 = arith.addi %mul3A_107, %add3A_108 : i32
      %get3A_110 = arith.index_cast %add3A_109 : i32 to index
      %get3A_111 = tpu.vector_load %arg4[%get3A_110] {strides = array<i32>} : memref<20000xi32, #tpu.memory_space<vmem>>, vector<16xi32>,
      %get3A_112 = vector.shape_cast %get3A_111 : vector<16xi32> to vector<16xi32>
      %swap3A_113 = arith.constant 0 : i32
      %swap3A_114 = arith.index_cast %swap3A_113 : i32 to index
      %swap3A_115 = arith.constant 48 : index
      %swap3A_116 = tpu.vector_load %arg6[%swap3A_114, %swap3A_115] {strides = array<i32>} : memref<8x80xi32, #tpu.memory_space<vmem>>, vector<1x16xi32>,
      %swap3A_117 = vector.shape_cast %swap3A_116 : vector<1x16xi32> to vector<16xi32>
      %swap3A_118 = vector.shape_cast %get3A_112 : vector<16xi32> to vector<1x16xi32>
      tpu.vector_store %arg6[%swap3A_114, %swap3A_115], %swap3A_118 {strides = array<i32>} : memref<8x80xi32, #tpu.memory_space<vmem>>, vector<1x16xi32>,
      %mul3A_119 = arith.constant 80 : i32
      %mul3A_120 = arith.muli %add3A_67, %mul3A_119 : i32
      %add3A_121 = arith.constant 64 : i32
      %add3A_122 = arith.addi %mul3A_120, %add3A_121 : i32
      %get3A_123 = arith.index_cast %add3A_122 : i32 to index
      %get3A_124 = tpu.vector_load %arg4[%get3A_123] {strides = array<i32>} : memref<20000xi32, #tpu.memory_space<vmem>>, vector<16xi32>,
      %get3A_125 = vector.shape_cast %get3A_124 : vector<16xi32> to vector<16xi32>
      %swap3A_126 = arith.constant 0 : i32
      %swap3A_127 = arith.index_cast %swap3A_126 : i32 to index
      %swap3A_128 = arith.constant 64 : index
      %swap3A_129 = tpu.vector_load %arg6[%swap3A_127, %swap3A_128] {strides = array<i32>} : memref<8x80xi32, #tpu.memory_space<vmem>>, vector<1x16xi32>,
      %swap3A_130 = vector.shape_cast %swap3A_129 : vector<1x16xi32> to vector<16xi32>
      %swap3A_131 = vector.shape_cast %get3A_125 : vector<16xi32> to vector<1x16xi32>
      tpu.vector_store %arg6[%swap3A_127, %swap3A_128], %swap3A_131 {strides = array<i32>} : memref<8x80xi32, #tpu.memory_space<vmem>>, vector<1x16xi32>,
      %dma_start3A_132 = arith.constant 0 : i32
      %dma_start3A_133 = arith.constant 0 : i32
      %dma_start3A_134 = tpu.memref_slice %arg6[%dma_start3A_132, %dma_start3A_133] : memref<8x80xi32, #tpu.memory_space<vmem>> -> memref<1x80xi32, #tpu.memory_space<vmem>>
      %dma_start3A_135 = tpu.memref_squeeze %dma_start3A_134 : memref<1x80xi32, #tpu.memory_space<vmem>> -> memref<80xi32, #tpu.memory_space<vmem>>
      %dma_start3A_136 = arith.constant 0 : i32
      %dma_start3A_137 = tpu.memref_slice %arg8[%dma_start3A_136] : memref<10240xf32, #tpu.memory_space<vmem_shared>> -> memref<10240xf32, #tpu.memory_space<vmem_shared>>
      tpu.enqueue_indirect_dma source(%arg5 : memref<80xf32, #tpu.memory_space<vmem>>) target(%dma_start3A_137 : memref<10240xf32, #tpu.memory_space<vmem_shared>>) offsets(%dma_start3A_135 : memref<80xi32, #tpu.memory_space<vmem>>) semaphore(%arg10 : memref<!tpu.dma_semaphore, #tpu.memory_space<semaphore_mem>>) {add = true}
      %mul3A_138 = arith.constant 8 : i32
      %mul3A_139 = arith.muli %scan3A_62, %mul3A_138 : i32
      %add3A_140 = arith.constant 1 : i32
      %add3A_141 = arith.addi %mul3A_139, %add3A_140 : i32
      %mul3A_142 = arith.constant 80 : i32
      %mul3A_143 = arith.muli %add3A_141, %mul3A_142 : i32
      %add3A_144 = arith.constant 0 : i32
      %add3A_145 = arith.addi %mul3A_143, %add3A_144 : i32
      %get3A_146 = arith.index_cast %add3A_145 : i32 to index
      %get3A_147 = tpu.vector_load %arg4[%get3A_146] {strides = array<i32>} : memref<20000xi32, #tpu.memory_space<vmem>>, vector<16xi32>,
      %get3A_148 = vector.shape_cast %get3A_147 : vector<16xi32> to vector<16xi32>
      %swap3A_149 = arith.constant 1 : i32
      %swap3A_150 = arith.index_cast %swap3A_149 : i32 to index
      %swap3A_151 = arith.constant 0 : index
      %swap3A_152 = tpu.vector_load %arg6[%swap3A_150, %swap3A_151] {strides = array<i32>} : memref<8x80xi32, #tpu.memory_space<vmem>>, vector<1x16xi32>,
      %swap3A_153 = vector.shape_cast %swap3A_152 : vector<1x16xi32> to vector<16xi32>
      %swap3A_154 = vector.shape_cast %get3A_148 : vector<16xi32> to vector<1x16xi32>
      tpu.vector_store %arg6[%swap3A_150, %swap3A_151], %swap3A_154 {strides = array<i32>} : memref<8x80xi32, #tpu.memory_space<vmem>>, vector<1x16xi32>,
      %mul3A_155 = arith.constant 80 : i32
      %mul3A_156 = arith.muli %add3A_141, %mul3A_155 : i32
      %add3A_157 = arith.constant 16 : i32
      %add3A_158 = arith.addi %mul3A_156, %add3A_157 : i32
      %get3A_159 = arith.index_cast %add3A_158 : i32 to index
      %get3A_160 = tpu.vector_load %arg4[%get3A_159] {strides = array<i32>} : memref<20000xi32, #tpu.memory_space<vmem>>, vector<16xi32>,
      %get3A_161 = vector.shape_cast %get3A_160 : vector<16xi32> to vector<16xi32>
      %swap3A_162 = arith.constant 1 : i32
      %swap3A_163 = arith.index_cast %swap3A_162 : i32 to index
      %swap3A_164 = arith.constant 16 : index
      %swap3A_165 = tpu.vector_load %arg6[%swap3A_163, %swap3A_164] {strides = array<i32>} : memref<8x80xi32, #tpu.memory_space<vmem>>, vector<1x16xi32>,
      %swap3A_166 = vector.shape_cast %swap3A_165 : vector<1x16xi32> to vector<16xi32>
      %swap3A_167 = vector.shape_cast %get3A_161 : vector<16xi32> to vector<1x16xi32>
      tpu.vector_store %arg6[%swap3A_163, %swap3A_164], %swap3A_167 {strides = array<i32>} : memref<8x80xi32, #tpu.memory_space<vmem>>, vector<1x16xi32>,
      %mul3A_168 = arith.constant 80 : i32
      %mul3A_169 = arith.muli %add3A_141, %mul3A_168 : i32
      %add3A_170 = arith.constant 32 : i32
      %add3A_171 = arith.addi %mul3A_169, %add3A_170 : i32
      %get3A_172 = arith.index_cast %add3A_171 : i32 to index
      %get3A_173 = tpu.vector_load %arg4[%get3A_172] {strides = array<i32>} : memref<20000xi32, #tpu.memory_space<vmem>>, vector<16xi32>,
      %get3A_174 = vector.shape_cast %get3A_173 : vector<16xi32> to vector<16xi32>
      %swap3A_175 = arith.constant 1 : i32
      %swap3A_176 = arith.index_cast %swap3A_175 : i32 to index
      %swap3A_177 = arith.constant 32 : index
      %swap3A_178 = tpu.vector_load %arg6[%swap3A_176, %swap3A_177] {strides = array<i32>} : memref<8x80xi32, #tpu.memory_space<vmem>>, vector<1x16xi32>,
      %swap3A_179 = vector.shape_cast %swap3A_178 : vector<1x16xi32> to vector<16xi32>
      %swap3A_180 = vector.shape_cast %get3A_174 : vector<16xi32> to vector<1x16xi32>
      tpu.vector_store %arg6[%swap3A_176, %swap3A_177], %swap3A_180 {strides = array<i32>} : memref<8x80xi32, #tpu.memory_space<vmem>>, vector<1x16xi32>,
      %mul3A_181 = arith.constant 80 : i32
      %mul3A_182 = arith.muli %add3A_141, %mul3A_181 : i32
      %add3A_183 = arith.constant 48 : i32
      %add3A_184 = arith.addi %mul3A_182, %add3A_183 : i32
      %get3A_185 = arith.index_cast %add3A_184 : i32 to index
      %get3A_186 = tpu.vector_load %arg4[%get3A_185] {strides = array<i32>} : memref<20000xi32, #tpu.memory_space<vmem>>, vector<16xi32>,
      %get3A_187 = vector.shape_cast %get3A_186 : vector<16xi32> to vector<16xi32>
      %swap3A_188 = arith.constant 1 : i32
      %swap3A_189 = arith.index_cast %swap3A_188 : i32 to index
      %swap3A_190 = arith.constant 48 : index
      %swap3A_191 = tpu.vector_load %arg6[%swap3A_189, %swap3A_190] {strides = array<i32>} : memref<8x80xi32, #tpu.memory_space<vmem>>, vector<1x16xi32>,
      %swap3A_192 = vector.shape_cast %swap3A_191 : vector<1x16xi32> to vector<16xi32>
      %swap3A_193 = vector.shape_cast %get3A_187 : vector<16xi32> to vector<1x16xi32>
      tpu.vector_store %arg6[%swap3A_189, %swap3A_190], %swap3A_193 {strides = array<i32>} : memref<8x80xi32, #tpu.memory_space<vmem>>, vector<1x16xi32>,
      %mul3A_194 = arith.constant 80 : i32
      %mul3A_195 = arith.muli %add3A_141, %mul3A_194 : i32
      %add3A_196 = arith.constant 64 : i32
      %add3A_197 = arith.addi %mul3A_195, %add3A_196 : i32
      %get3A_198 = arith.index_cast %add3A_197 : i32 to index
      %get3A_199 = tpu.vector_load %arg4[%get3A_198] {strides = array<i32>} : memref<20000xi32, #tpu.memory_space<vmem>>, vector<16xi32>,
      %get3A_200 = vector.shape_cast %get3A_199 : vector<16xi32> to vector<16xi32>
      %swap3A_201 = arith.constant 1 : i32
      %swap3A_202 = arith.index_cast %swap3A_201 : i32 to index
      %swap3A_203 = arith.constant 64 : index
      %swap3A_204 = tpu.vector_load %arg6[%swap3A_202, %swap3A_203] {strides = array<i32>} : memref<8x80xi32, #tpu.memory_space<vmem>>, vector<1x16xi32>,
      %swap3A_205 = vector.shape_cast %swap3A_204 : vector<1x16xi32> to vector<16xi32>
      %swap3A_206 = vector.shape_cast %get3A_200 : vector<16xi32> to vector<1x16xi32>
      tpu.vector_store %arg6[%swap3A_202, %swap3A_203], %swap3A_206 {strides = array<i32>} : memref<8x80xi32, #tpu.memory_space<vmem>>, vector<1x16xi32>,
      %dma_start3A_207 = arith.constant 1 : i32
      %dma_start3A_208 = arith.constant 0 : i32
      %dma_start3A_209 = tpu.memref_slice %arg6[%dma_start3A_207, %dma_start3A_208] : memref<8x80xi32, #tpu.memory_space<vmem>> -> memref<1x80xi32, #tpu.memory_space<vmem>>
      %dma_start3A_210 = tpu.memref_squeeze %dma_start3A_209 : memref<1x80xi32, #tpu.memory_space<vmem>> -> memref<80xi32, #tpu.memory_space<vmem>>
      %dma_start3A_211 = arith.constant 0 : i32
      %dma_start3A_212 = tpu.memref_slice %arg8[%dma_start3A_211] : memref<10240xf32, #tpu.memory_space<vmem_shared>> -> memref<10240xf32, #tpu.memory_space<vmem_shared>>
      tpu.enqueue_indirect_dma source(%arg5 : memref<80xf32, #tpu.memory_space<vmem>>) target(%dma_start3A_212 : memref<10240xf32, #tpu.memory_space<vmem_shared>>) offsets(%dma_start3A_210 : memref<80xi32, #tpu.memory_space<vmem>>) semaphore(%arg11 : memref<!tpu.dma_semaphore, #tpu.memory_space<semaphore_mem>>) {add = true}
      %mul3A_213 = arith.constant 8 : i32
      %mul3A_214 = arith.muli %scan3A_62, %mul3A_213 : i32
      %add3A_215 = arith.constant 2 : i32
      %add3A_216 = arith.addi %mul3A_214, %add3A_215 : i32
      %mul3A_217 = arith.constant 80 : i32
      %mul3A_218 = arith.muli %add3A_216, %mul3A_217 : i32
      %add3A_219 = arith.constant 0 : i32
      %add3A_220 = arith.addi %mul3A_218, %add3A_219 : i32
      %get3A_221 = arith.index_cast %add3A_220 : i32 to index
      %get3A_222 = tpu.vector_load %arg4[%get3A_221] {strides = array<i32>} : memref<20000xi32, #tpu.memory_space<vmem>>, vector<16xi32>,
      %get3A_223 = vector.shape_cast %get3A_222 : vector<16xi32> to vector<16xi32>
      %swap3A_224 = arith.constant 2 : i32
      %swap3A_225 = arith.index_cast %swap3A_224 : i32 to index
      %swap3A_226 = arith.constant 0 : index
      %swap3A_227 = tpu.vector_load %arg6[%swap3A_225, %swap3A_226] {strides = array<i32>} : memref<8x80xi32, #tpu.memory_space<vmem>>, vector<1x16xi32>,
      %swap3A_228 = vector.shape_cast %swap3A_227 : vector<1x16xi32> to vector<16xi32>
      %swap3A_229 = vector.shape_cast %get3A_223 : vector<16xi32> to vector<1x16xi32>
      tpu.vector_store %arg6[%swap3A_225, %swap3A_226], %swap3A_229 {strides = array<i32>} : memref<8x80xi32, #tpu.memory_space<vmem>>, vector<1x16xi32>,
      %mul3A_230 = arith.constant 80 : i32
      %mul3A_231 = arith.muli %add3A_216, %mul3A_230 : i32
      %add3A_232 = arith.constant 16 : i32
      %add3A_233 = arith.addi %mul3A_231, %add3A_232 : i32
      %get3A_234 = arith.index_cast %add3A_233 : i32 to index
      %get3A_235 = tpu.vector_load %arg4[%get3A_234] {strides = array<i32>} : memref<20000xi32, #tpu.memory_space<vmem>>, vector<16xi32>,
      %get3A_236 = vector.shape_cast %get3A_235 : vector<16xi32> to vector<16xi32>
      %swap3A_237 = arith.constant 2 : i32
      %swap3A_238 = arith.index_cast %swap3A_237 : i32 to index
      %swap3A_239 = arith.constant 16 : index
      %swap3A_240 = tpu.vector_load %arg6[%swap3A_238, %swap3A_239] {strides = array<i32>} : memref<8x80xi32, #tpu.memory_space<vmem>>, vector<1x16xi32>,
      %swap3A_241 = vector.shape_cast %swap3A_240 : vector<1x16xi32> to vector<16xi32>
      %swap3A_242 = vector.shape_cast %get3A_236 : vector<16xi32> to vector<1x16xi32>
      tpu.vector_store %arg6[%swap3A_238, %swap3A_239], %swap3A_242 {strides = array<i32>} : memref<8x80xi32, #tpu.memory_space<vmem>>, vector<1x16xi32>,
      %mul3A_243 = arith.constant 80 : i32
      %mul3A_244 = arith.muli %add3A_216, %mul3A_243 : i32
      %add3A_245 = arith.constant 32 : i32
      %add3A_246 = arith.addi %mul3A_244, %add3A_245 : i32
      %get3A_247 = arith.index_cast %add3A_246 : i32 to index
      %get3A_248 = tpu.vector_load %arg4[%get3A_247] {strides = array<i32>} : memref<20000xi32, #tpu.memory_space<vmem>>, vector<16xi32>,
      %get3A_249 = vector.shape_cast %get3A_248 : vector<16xi32> to vector<16xi32>
      %swap3A_250 = arith.constant 2 : i32
      %swap3A_251 = arith.index_cast %swap3A_250 : i32 to index
      %swap3A_252 = arith.constant 32 : index
      %swap3A_253 = tpu.vector_load %arg6[%swap3A_251, %swap3A_252] {strides = array<i32>} : memref<8x80xi32, #tpu.memory_space<vmem>>, vector<1x16xi32>,
      %swap3A_254 = vector.shape_cast %swap3A_253 : vector<1x16xi32> to vector<16xi32>
      %swap3A_255 = vector.shape_cast %get3A_249 : vector<16xi32> to vector<1x16xi32>
      tpu.vector_store %arg6[%swap3A_251, %swap3A_252], %swap3A_255 {strides = array<i32>} : memref<8x80xi32, #tpu.memory_space<vmem>>, vector<1x16xi32>,
      %mul3A_256 = arith.constant 80 : i32
      %mul3A_257 = arith.muli %add3A_216, %mul3A_256 : i32
      %add3A_258 = arith.constant 48 : i32
      %add3A_259 = arith.addi %mul3A_257, %add3A_258 : i32
      %get3A_260 = arith.index_cast %add3A_259 : i32 to index
      %get3A_261 = tpu.vector_load %arg4[%get3A_260] {strides = array<i32>} : memref<20000xi32, #tpu.memory_space<vmem>>, vector<16xi32>,
      %get3A_262 = vector.shape_cast %get3A_261 : vector<16xi32> to vector<16xi32>
      %swap3A_263 = arith.constant 2 : i32
      %swap3A_264 = arith.index_cast %swap3A_263 : i32 to index
      %swap3A_265 = arith.constant 48 : index
      %swap3A_266 = tpu.vector_load %arg6[%swap3A_264, %swap3A_265] {strides = array<i32>} : memref<8x80xi32, #tpu.memory_space<vmem>>, vector<1x16xi32>,
      %swap3A_267 = vector.shape_cast %swap3A_266 : vector<1x16xi32> to vector<16xi32>
      %swap3A_268 = vector.shape_cast %get3A_262 : vector<16xi32> to vector<1x16xi32>
      tpu.vector_store %arg6[%swap3A_264, %swap3A_265], %swap3A_268 {strides = array<i32>} : memref<8x80xi32, #tpu.memory_space<vmem>>, vector<1x16xi32>,
      %mul3A_269 = arith.constant 80 : i32
      %mul3A_270 = arith.muli %add3A_216, %mul3A_269 : i32
      %add3A_271 = arith.constant 64 : i32
      %add3A_272 = arith.addi %mul3A_270, %add3A_271 : i32
      %get3A_273 = arith.index_cast %add3A_272 : i32 to index
      %get3A_274 = tpu.vector_load %arg4[%get3A_273] {strides = array<i32>} : memref<20000xi32, #tpu.memory_space<vmem>>, vector<16xi32>,
      %get3A_275 = vector.shape_cast %get3A_274 : vector<16xi32> to vector<16xi32>
      %swap3A_276 = arith.constant 2 : i32
      %swap3A_277 = arith.index_cast %swap3A_276 : i32 to index
      %swap3A_278 = arith.constant 64 : index
      %swap3A_279 = tpu.vector_load %arg6[%swap3A_277, %swap3A_278] {strides = array<i32>} : memref<8x80xi32, #tpu.memory_space<vmem>>, vector<1x16xi32>,
      %swap3A_280 = vector.shape_cast %swap3A_279 : vector<1x16xi32> to vector<16xi32>
      %swap3A_281 = vector.shape_cast %get3A_275 : vector<16xi32> to vector<1x16xi32>
      tpu.vector_store %arg6[%swap3A_277, %swap3A_278], %swap3A_281 {strides = array<i32>} : memref<8x80xi32, #tpu.memory_space<vmem>>, vector<1x16xi32>,
      %dma_start3A_282 = arith.constant 2 : i32
      %dma_start3A_283 = arith.constant 0 : i32
      %dma_start3A_284 = tpu.memref_slice %arg6[%dma_start3A_282, %dma_start3A_283] : memref<8x80xi32, #tpu.memory_space<vmem>> -> memref<1x80xi32, #tpu.memory_space<vmem>>
      %dma_start3A_285 = tpu.memref_squeeze %dma_start3A_284 : memref<1x80xi32, #tpu.memory_space<vmem>> -> memref<80xi32, #tpu.memory_space<vmem>>
      %dma_start3A_286 = arith.constant 0 : i32
      %dma_start3A_287 = tpu.memref_slice %arg8[%dma_start3A_286] : memref<10240xf32, #tpu.memory_space<vmem_shared>> -> memref<10240xf32, #tpu.memory_space<vmem_shared>>
      tpu.enqueue_indirect_dma source(%arg5 : memref<80xf32, #tpu.memory_space<vmem>>) target(%dma_start3A_287 : memref<10240xf32, #tpu.memory_space<vmem_shared>>) offsets(%dma_start3A_285 : memref<80xi32, #tpu.memory_space<vmem>>) semaphore(%arg12 : memref<!tpu.dma_semaphore, #tpu.memory_space<semaphore_mem>>) {add = true}
      %mul3A_288 = arith.constant 8 : i32
      %mul3A_289 = arith.muli %scan3A_62, %mul3A_288 : i32
      %add3A_290 = arith.constant 3 : i32
      %add3A_291 = arith.addi %mul3A_289, %add3A_290 : i32
      %mul3A_292 = arith.constant 80 : i32
      %mul3A_293 = arith.muli %add3A_291, %mul3A_292 : i32
      %add3A_294 = arith.constant 0 : i32
      %add3A_295 = arith.addi %mul3A_293, %add3A_294 : i32
      %get3A_296 = arith.index_cast %add3A_295 : i32 to index
      %get3A_297 = tpu.vector_load %arg4[%get3A_296] {strides = array<i32>} : memref<20000xi32, #tpu.memory_space<vmem>>, vector<16xi32>,
      %get3A_298 = vector.shape_cast %get3A_297 : vector<16xi32> to vector<16xi32>
      %swap3A_299 = arith.constant 3 : i32
      %swap3A_300 = arith.index_cast %swap3A_299 : i32 to index
      %swap3A_301 = arith.constant 0 : index
      %swap3A_302 = tpu.vector_load %arg6[%swap3A_300, %swap3A_301] {strides = array<i32>} : memref<8x80xi32, #tpu.memory_space<vmem>>, vector<1x16xi32>,
      %swap3A_303 = vector.shape_cast %swap3A_302 : vector<1x16xi32> to vector<16xi32>
      %swap3A_304 = vector.shape_cast %get3A_298 : vector<16xi32> to vector<1x16xi32>
      tpu.vector_store %arg6[%swap3A_300, %swap3A_301], %swap3A_304 {strides = array<i32>} : memref<8x80xi32, #tpu.memory_space<vmem>>, vector<1x16xi32>,
      %mul3A_305 = arith.constant 80 : i32
      %mul3A_306 = arith.muli %add3A_291, %mul3A_305 : i32
      %add3A_307 = arith.constant 16 : i32
      %add3A_308 = arith.addi %mul3A_306, %add3A_307 : i32
      %get3A_309 = arith.index_cast %add3A_308 : i32 to index
      %get3A_310 = tpu.vector_load %arg4[%get3A_309] {strides = array<i32>} : memref<20000xi32, #tpu.memory_space<vmem>>, vector<16xi32>,
      %get3A_311 = vector.shape_cast %get3A_310 : vector<16xi32> to vector<16xi32>
      %swap3A_312 = arith.constant 3 : i32
      %swap3A_313 = arith.index_cast %swap3A_312 : i32 to index
      %swap3A_314 = arith.constant 16 : index
      %swap3A_315 = tpu.vector_load %arg6[%swap3A_313, %swap3A_314] {strides = array<i32>} : memref<8x80xi32, #tpu.memory_space<vmem>>, vector<1x16xi32>,
      %swap3A_316 = vector.shape_cast %swap3A_315 : vector<1x16xi32> to vector<16xi32>
      %swap3A_317 = vector.shape_cast %get3A_311 : vector<16xi32> to vector<1x16xi32>
      tpu.vector_store %arg6[%swap3A_313, %swap3A_314], %swap3A_317 {strides = array<i32>} : memref<8x80xi32, #tpu.memory_space<vmem>>, vector<1x16xi32>,
      %mul3A_318 = arith.constant 80 : i32
      %mul3A_319 = arith.muli %add3A_291, %mul3A_318 : i32
      %add3A_320 = arith.constant 32 : i32
      %add3A_321 = arith.addi %mul3A_319, %add3A_320 : i32
      %get3A_322 = arith.index_cast %add3A_321 : i32 to index
      %get3A_323 = tpu.vector_load %arg4[%get3A_322] {strides = array<i32>} : memref<20000xi32, #tpu.memory_space<vmem>>, vector<16xi32>,
      %get3A_324 = vector.shape_cast %get3A_323 : vector<16xi32> to vector<16xi32>
      %swap3A_325 = arith.constant 3 : i32
      %swap3A_326 = arith.index_cast %swap3A_325 : i32 to index
      %swap3A_327 = arith.constant 32 : index
      %swap3A_328 = tpu.vector_load %arg6[%swap3A_326, %swap3A_327] {strides = array<i32>} : memref<8x80xi32, #tpu.memory_space<vmem>>, vector<1x16xi32>,
      %swap3A_329 = vector.shape_cast %swap3A_328 : vector<1x16xi32> to vector<16xi32>
      %swap3A_330 = vector.shape_cast %get3A_324 : vector<16xi32> to vector<1x16xi32>
      tpu.vector_store %arg6[%swap3A_326, %swap3A_327], %swap3A_330 {strides = array<i32>} : memref<8x80xi32, #tpu.memory_space<vmem>>, vector<1x16xi32>,
      %mul3A_331 = arith.constant 80 : i32
      %mul3A_332 = arith.muli %add3A_291, %mul3A_331 : i32
      %add3A_333 = arith.constant 48 : i32
      %add3A_334 = arith.addi %mul3A_332, %add3A_333 : i32
      %get3A_335 = arith.index_cast %add3A_334 : i32 to index
      %get3A_336 = tpu.vector_load %arg4[%get3A_335] {strides = array<i32>} : memref<20000xi32, #tpu.memory_space<vmem>>, vector<16xi32>,
      %get3A_337 = vector.shape_cast %get3A_336 : vector<16xi32> to vector<16xi32>
      %swap3A_338 = arith.constant 3 : i32
      %swap3A_339 = arith.index_cast %swap3A_338 : i32 to index
      %swap3A_340 = arith.constant 48 : index
      %swap3A_341 = tpu.vector_load %arg6[%swap3A_339, %swap3A_340] {strides = array<i32>} : memref<8x80xi32, #tpu.memory_space<vmem>>, vector<1x16xi32>,
      %swap3A_342 = vector.shape_cast %swap3A_341 : vector<1x16xi32> to vector<16xi32>
      %swap3A_343 = vector.shape_cast %get3A_337 : vector<16xi32> to vector<1x16xi32>
      tpu.vector_store %arg6[%swap3A_339, %swap3A_340], %swap3A_343 {strides = array<i32>} : memref<8x80xi32, #tpu.memory_space<vmem>>, vector<1x16xi32>,
      %mul3A_344 = arith.constant 80 : i32
      %mul3A_345 = arith.muli %add3A_291, %mul3A_344 : i32
      %add3A_346 = arith.constant 64 : i32
      %add3A_347 = arith.addi %mul3A_345, %add3A_346 : i32
      %get3A_348 = arith.index_cast %add3A_347 : i32 to index
      %get3A_349 = tpu.vector_load %arg4[%get3A_348] {strides = array<i32>} : memref<20000xi32, #tpu.memory_space<vmem>>, vector<16xi32>,
      %get3A_350 = vector.shape_cast %get3A_349 : vector<16xi32> to vector<16xi32>
      %swap3A_351 = arith.constant 3 : i32
      %swap3A_352 = arith.index_cast %swap3A_351 : i32 to index
      %swap3A_353 = arith.constant 64 : index
      %swap3A_354 = tpu.vector_load %arg6[%swap3A_352, %swap3A_353] {strides = array<i32>} : memref<8x80xi32, #tpu.memory_space<vmem>>, vector<1x16xi32>,
      %swap3A_355 = vector.shape_cast %swap3A_354 : vector<1x16xi32> to vector<16xi32>
      %swap3A_356 = vector.shape_cast %get3A_350 : vector<16xi32> to vector<1x16xi32>
      tpu.vector_store %arg6[%swap3A_352, %swap3A_353], %swap3A_356 {strides = array<i32>} : memref<8x80xi32, #tpu.memory_space<vmem>>, vector<1x16xi32>,
      %dma_start3A_357 = arith.constant 3 : i32
      %dma_start3A_358 = arith.constant 0 : i32
      %dma_start3A_359 = tpu.memref_slice %arg6[%dma_start3A_357, %dma_start3A_358] : memref<8x80xi32, #tpu.memory_space<vmem>> -> memref<1x80xi32, #tpu.memory_space<vmem>>
      %dma_start3A_360 = tpu.memref_squeeze %dma_start3A_359 : memref<1x80xi32, #tpu.memory_space<vmem>> -> memref<80xi32, #tpu.memory_space<vmem>>
      %dma_start3A_361 = arith.constant 0 : i32
      %dma_start3A_362 = tpu.memref_slice %arg8[%dma_start3A_361] : memref<10240xf32, #tpu.memory_space<vmem_shared>> -> memref<10240xf32, #tpu.memory_space<vmem_shared>>
      tpu.enqueue_indirect_dma source(%arg5 : memref<80xf32, #tpu.memory_space<vmem>>) target(%dma_start3A_362 : memref<10240xf32, #tpu.memory_space<vmem_shared>>) offsets(%dma_start3A_360 : memref<80xi32, #tpu.memory_space<vmem>>) semaphore(%arg13 : memref<!tpu.dma_semaphore, #tpu.memory_space<semaphore_mem>>) {add = true}
      %mul3A_363 = arith.constant 8 : i32
      %mul3A_364 = arith.muli %scan3A_62, %mul3A_363 : i32
      %add3A_365 = arith.constant 4 : i32
      %add3A_366 = arith.addi %mul3A_364, %add3A_365 : i32
      %mul3A_367 = arith.constant 80 : i32
      %mul3A_368 = arith.muli %add3A_366, %mul3A_367 : i32
      %add3A_369 = arith.constant 0 : i32
      %add3A_370 = arith.addi %mul3A_368, %add3A_369 : i32
      %get3A_371 = arith.index_cast %add3A_370 : i32 to index
      %get3A_372 = tpu.vector_load %arg4[%get3A_371] {strides = array<i32>} : memref<20000xi32, #tpu.memory_space<vmem>>, vector<16xi32>,
      %get3A_373 = vector.shape_cast %get3A_372 : vector<16xi32> to vector<16xi32>
      %swap3A_374 = arith.constant 4 : i32
      %swap3A_375 = arith.index_cast %swap3A_374 : i32 to index
      %swap3A_376 = arith.constant 0 : index
      %swap3A_377 = tpu.vector_load %arg6[%swap3A_375, %swap3A_376] {strides = array<i32>} : memref<8x80xi32, #tpu.memory_space<vmem>>, vector<1x16xi32>,
      %swap3A_378 = vector.shape_cast %swap3A_377 : vector<1x16xi32> to vector<16xi32>
      %swap3A_379 = vector.shape_cast %get3A_373 : vector<16xi32> to vector<1x16xi32>
      tpu.vector_store %arg6[%swap3A_375, %swap3A_376], %swap3A_379 {strides = array<i32>} : memref<8x80xi32, #tpu.memory_space<vmem>>, vector<1x16xi32>,
      %mul3A_380 = arith.constant 80 : i32
      %mul3A_381 = arith.muli %add3A_366, %mul3A_380 : i32
      %add3A_382 = arith.constant 16 : i32
      %add3A_383 = arith.addi %mul3A_381, %add3A_382 : i32
      %get3A_384 = arith.index_cast %add3A_383 : i32 to index
      %get3A_385 = tpu.vector_load %arg4[%get3A_384] {strides = array<i32>} : memref<20000xi32, #tpu.memory_space<vmem>>, vector<16xi32>,
      %get3A_386 = vector.shape_cast %get3A_385 : vector<16xi32> to vector<16xi32>
      %swap3A_387 = arith.constant 4 : i32
      %swap3A_388 = arith.index_cast %swap3A_387 : i32 to index
      %swap3A_389 = arith.constant 16 : index
      %swap3A_390 = tpu.vector_load %arg6[%swap3A_388, %swap3A_389] {strides = array<i32>} : memref<8x80xi32, #tpu.memory_space<vmem>>, vector<1x16xi32>,
      %swap3A_391 = vector.shape_cast %swap3A_390 : vector<1x16xi32> to vector<16xi32>
      %swap3A_392 = vector.shape_cast %get3A_386 : vector<16xi32> to vector<1x16xi32>
      tpu.vector_store %arg6[%swap3A_388, %swap3A_389], %swap3A_392 {strides = array<i32>} : memref<8x80xi32, #tpu.memory_space<vmem>>, vector<1x16xi32>,
      %mul3A_393 = arith.constant 80 : i32
      %mul3A_394 = arith.muli %add3A_366, %mul3A_393 : i32
      %add3A_395 = arith.constant 32 : i32
      %add3A_396 = arith.addi %mul3A_394, %add3A_395 : i32
      %get3A_397 = arith.index_cast %add3A_396 : i32 to index
      %get3A_398 = tpu.vector_load %arg4[%get3A_397] {strides = array<i32>} : memref<20000xi32, #tpu.memory_space<vmem>>, vector<16xi32>,
      %get3A_399 = vector.shape_cast %get3A_398 : vector<16xi32> to vector<16xi32>
      %swap3A_400 = arith.constant 4 : i32
      %swap3A_401 = arith.index_cast %swap3A_400 : i32 to index
      %swap3A_402 = arith.constant 32 : index
      %swap3A_403 = tpu.vector_load %arg6[%swap3A_401, %swap3A_402] {strides = array<i32>} : memref<8x80xi32, #tpu.memory_space<vmem>>, vector<1x16xi32>,
      %swap3A_404 = vector.shape_cast %swap3A_403 : vector<1x16xi32> to vector<16xi32>
      %swap3A_405 = vector.shape_cast %get3A_399 : vector<16xi32> to vector<1x16xi32>
      tpu.vector_store %arg6[%swap3A_401, %swap3A_402], %swap3A_405 {strides = array<i32>} : memref<8x80xi32, #tpu.memory_space<vmem>>, vector<1x16xi32>,
      %mul3A_406 = arith.constant 80 : i32
      %mul3A_407 = arith.muli %add3A_366, %mul3A_406 : i32
      %add3A_408 = arith.constant 48 : i32
      %add3A_409 = arith.addi %mul3A_407, %add3A_408 : i32
      %get3A_410 = arith.index_cast %add3A_409 : i32 to index
      %get3A_411 = tpu.vector_load %arg4[%get3A_410] {strides = array<i32>} : memref<20000xi32, #tpu.memory_space<vmem>>, vector<16xi32>,
      %get3A_412 = vector.shape_cast %get3A_411 : vector<16xi32> to vector<16xi32>
      %swap3A_413 = arith.constant 4 : i32
      %swap3A_414 = arith.index_cast %swap3A_413 : i32 to index
      %swap3A_415 = arith.constant 48 : index
      %swap3A_416 = tpu.vector_load %arg6[%swap3A_414, %swap3A_415] {strides = array<i32>} : memref<8x80xi32, #tpu.memory_space<vmem>>, vector<1x16xi32>,
      %swap3A_417 = vector.shape_cast %swap3A_416 : vector<1x16xi32> to vector<16xi32>
      %swap3A_418 = vector.shape_cast %get3A_412 : vector<16xi32> to vector<1x16xi32>
      tpu.vector_store %arg6[%swap3A_414, %swap3A_415], %swap3A_418 {strides = array<i32>} : memref<8x80xi32, #tpu.memory_space<vmem>>, vector<1x16xi32>,
      %mul3A_419 = arith.constant 80 : i32
      %mul3A_420 = arith.muli %add3A_366, %mul3A_419 : i32
      %add3A_421 = arith.constant 64 : i32
      %add3A_422 = arith.addi %mul3A_420, %add3A_421 : i32
      %get3A_423 = arith.index_cast %add3A_422 : i32 to index
      %get3A_424 = tpu.vector_load %arg4[%get3A_423] {strides = array<i32>} : memref<20000xi32, #tpu.memory_space<vmem>>, vector<16xi32>,
      %get3A_425 = vector.shape_cast %get3A_424 : vector<16xi32> to vector<16xi32>
      %swap3A_426 = arith.constant 4 : i32
      %swap3A_427 = arith.index_cast %swap3A_426 : i32 to index
      %swap3A_428 = arith.constant 64 : index
      %swap3A_429 = tpu.vector_load %arg6[%swap3A_427, %swap3A_428] {strides = array<i32>} : memref<8x80xi32, #tpu.memory_space<vmem>>, vector<1x16xi32>,
      %swap3A_430 = vector.shape_cast %swap3A_429 : vector<1x16xi32> to vector<16xi32>
      %swap3A_431 = vector.shape_cast %get3A_425 : vector<16xi32> to vector<1x16xi32>
      tpu.vector_store %arg6[%swap3A_427, %swap3A_428], %swap3A_431 {strides = array<i32>} : memref<8x80xi32, #tpu.memory_space<vmem>>, vector<1x16xi32>,
      %dma_start3A_432 = arith.constant 4 : i32
      %dma_start3A_433 = arith.constant 0 : i32
      %dma_start3A_434 = tpu.memref_slice %arg6[%dma_start3A_432, %dma_start3A_433] : memref<8x80xi32, #tpu.memory_space<vmem>> -> memref<1x80xi32, #tpu.memory_space<vmem>>
      %dma_start3A_435 = tpu.memref_squeeze %dma_start3A_434 : memref<1x80xi32, #tpu.memory_space<vmem>> -> memref<80xi32, #tpu.memory_space<vmem>>
      %dma_start3A_436 = arith.constant 0 : i32
      %dma_start3A_437 = tpu.memref_slice %arg8[%dma_start3A_436] : memref<10240xf32, #tpu.memory_space<vmem_shared>> -> memref<10240xf32, #tpu.memory_space<vmem_shared>>
      tpu.enqueue_indirect_dma source(%arg5 : memref<80xf32, #tpu.memory_space<vmem>>) target(%dma_start3A_437 : memref<10240xf32, #tpu.memory_space<vmem_shared>>) offsets(%dma_start3A_435 : memref<80xi32, #tpu.memory_space<vmem>>) semaphore(%arg14 : memref<!tpu.dma_semaphore, #tpu.memory_space<semaphore_mem>>) {add = true}
      %mul3A_438 = arith.constant 8 : i32
      %mul3A_439 = arith.muli %scan3A_62, %mul3A_438 : i32
      %add3A_440 = arith.constant 5 : i32
      %add3A_441 = arith.addi %mul3A_439, %add3A_440 : i32
      %mul3A_442 = arith.constant 80 : i32
      %mul3A_443 = arith.muli %add3A_441, %mul3A_442 : i32
      %add3A_444 = arith.constant 0 : i32
      %add3A_445 = arith.addi %mul3A_443, %add3A_444 : i32
      %get3A_446 = arith.index_cast %add3A_445 : i32 to index
      %get3A_447 = tpu.vector_load %arg4[%get3A_446] {strides = array<i32>} : memref<20000xi32, #tpu.memory_space<vmem>>, vector<16xi32>,
      %get3A_448 = vector.shape_cast %get3A_447 : vector<16xi32> to vector<16xi32>
      %swap3A_449 = arith.constant 5 : i32
      %swap3A_450 = arith.index_cast %swap3A_449 : i32 to index
      %swap3A_451 = arith.constant 0 : index
      %swap3A_452 = tpu.vector_load %arg6[%swap3A_450, %swap3A_451] {strides = array<i32>} : memref<8x80xi32, #tpu.memory_space<vmem>>, vector<1x16xi32>,
      %swap3A_453 = vector.shape_cast %swap3A_452 : vector<1x16xi32> to vector<16xi32>
      %swap3A_454 = vector.shape_cast %get3A_448 : vector<16xi32> to vector<1x16xi32>
      tpu.vector_store %arg6[%swap3A_450, %swap3A_451], %swap3A_454 {strides = array<i32>} : memref<8x80xi32, #tpu.memory_space<vmem>>, vector<1x16xi32>,
      %mul3A_455 = arith.constant 80 : i32
      %mul3A_456 = arith.muli %add3A_441, %mul3A_455 : i32
      %add3A_457 = arith.constant 16 : i32
      %add3A_458 = arith.addi %mul3A_456, %add3A_457 : i32
      %get3A_459 = arith.index_cast %add3A_458 : i32 to index
      %get3A_460 = tpu.vector_load %arg4[%get3A_459] {strides = array<i32>} : memref<20000xi32, #tpu.memory_space<vmem>>, vector<16xi32>,
      %get3A_461 = vector.shape_cast %get3A_460 : vector<16xi32> to vector<16xi32>
      %swap3A_462 = arith.constant 5 : i32
      %swap3A_463 = arith.index_cast %swap3A_462 : i32 to index
      %swap3A_464 = arith.constant 16 : index
      %swap3A_465 = tpu.vector_load %arg6[%swap3A_463, %swap3A_464] {strides = array<i32>} : memref<8x80xi32, #tpu.memory_space<vmem>>, vector<1x16xi32>,
      %swap3A_466 = vector.shape_cast %swap3A_465 : vector<1x16xi32> to vector<16xi32>
      %swap3A_467 = vector.shape_cast %get3A_461 : vector<16xi32> to vector<1x16xi32>
      tpu.vector_store %arg6[%swap3A_463, %swap3A_464], %swap3A_467 {strides = array<i32>} : memref<8x80xi32, #tpu.memory_space<vmem>>, vector<1x16xi32>,
      %mul3A_468 = arith.constant 80 : i32
      %mul3A_469 = arith.muli %add3A_441, %mul3A_468 : i32
      %add3A_470 = arith.constant 32 : i32
      %add3A_471 = arith.addi %mul3A_469, %add3A_470 : i32
      %get3A_472 = arith.index_cast %add3A_471 : i32 to index
      %get3A_473 = tpu.vector_load %arg4[%get3A_472] {strides = array<i32>} : memref<20000xi32, #tpu.memory_space<vmem>>, vector<16xi32>,
      %get3A_474 = vector.shape_cast %get3A_473 : vector<16xi32> to vector<16xi32>
      %swap3A_475 = arith.constant 5 : i32
      %swap3A_476 = arith.index_cast %swap3A_475 : i32 to index
      %swap3A_477 = arith.constant 32 : index
      %swap3A_478 = tpu.vector_load %arg6[%swap3A_476, %swap3A_477] {strides = array<i32>} : memref<8x80xi32, #tpu.memory_space<vmem>>, vector<1x16xi32>,
      %swap3A_479 = vector.shape_cast %swap3A_478 : vector<1x16xi32> to vector<16xi32>
      %swap3A_480 = vector.shape_cast %get3A_474 : vector<16xi32> to vector<1x16xi32>
      tpu.vector_store %arg6[%swap3A_476, %swap3A_477], %swap3A_480 {strides = array<i32>} : memref<8x80xi32, #tpu.memory_space<vmem>>, vector<1x16xi32>,
      %mul3A_481 = arith.constant 80 : i32
      %mul3A_482 = arith.muli %add3A_441, %mul3A_481 : i32
      %add3A_483 = arith.constant 48 : i32
      %add3A_484 = arith.addi %mul3A_482, %add3A_483 : i32
      %get3A_485 = arith.index_cast %add3A_484 : i32 to index
      %get3A_486 = tpu.vector_load %arg4[%get3A_485] {strides = array<i32>} : memref<20000xi32, #tpu.memory_space<vmem>>, vector<16xi32>,
      %get3A_487 = vector.shape_cast %get3A_486 : vector<16xi32> to vector<16xi32>
      %swap3A_488 = arith.constant 5 : i32
      %swap3A_489 = arith.index_cast %swap3A_488 : i32 to index
      %swap3A_490 = arith.constant 48 : index
      %swap3A_491 = tpu.vector_load %arg6[%swap3A_489, %swap3A_490] {strides = array<i32>} : memref<8x80xi32, #tpu.memory_space<vmem>>, vector<1x16xi32>,
      %swap3A_492 = vector.shape_cast %swap3A_491 : vector<1x16xi32> to vector<16xi32>
      %swap3A_493 = vector.shape_cast %get3A_487 : vector<16xi32> to vector<1x16xi32>
      tpu.vector_store %arg6[%swap3A_489, %swap3A_490], %swap3A_493 {strides = array<i32>} : memref<8x80xi32, #tpu.memory_space<vmem>>, vector<1x16xi32>,
      %mul3A_494 = arith.constant 80 : i32
      %mul3A_495 = arith.muli %add3A_441, %mul3A_494 : i32
      %add3A_496 = arith.constant 64 : i32
      %add3A_497 = arith.addi %mul3A_495, %add3A_496 : i32
      %get3A_498 = arith.index_cast %add3A_497 : i32 to index
      %get3A_499 = tpu.vector_load %arg4[%get3A_498] {strides = array<i32>} : memref<20000xi32, #tpu.memory_space<vmem>>, vector<16xi32>,
      %get3A_500 = vector.shape_cast %get3A_499 : vector<16xi32> to vector<16xi32>
      %swap3A_501 = arith.constant 5 : i32
      %swap3A_502 = arith.index_cast %swap3A_501 : i32 to index
      %swap3A_503 = arith.constant 64 : index
      %swap3A_504 = tpu.vector_load %arg6[%swap3A_502, %swap3A_503] {strides = array<i32>} : memref<8x80xi32, #tpu.memory_space<vmem>>, vector<1x16xi32>,
      %swap3A_505 = vector.shape_cast %swap3A_504 : vector<1x16xi32> to vector<16xi32>
      %swap3A_506 = vector.shape_cast %get3A_500 : vector<16xi32> to vector<1x16xi32>
      tpu.vector_store %arg6[%swap3A_502, %swap3A_503], %swap3A_506 {strides = array<i32>} : memref<8x80xi32, #tpu.memory_space<vmem>>, vector<1x16xi32>,
      %dma_start3A_507 = arith.constant 5 : i32
      %dma_start3A_508 = arith.constant 0 : i32
      %dma_start3A_509 = tpu.memref_slice %arg6[%dma_start3A_507, %dma_start3A_508] : memref<8x80xi32, #tpu.memory_space<vmem>> -> memref<1x80xi32, #tpu.memory_space<vmem>>
      %dma_start3A_510 = tpu.memref_squeeze %dma_start3A_509 : memref<1x80xi32, #tpu.memory_space<vmem>> -> memref<80xi32, #tpu.memory_space<vmem>>
      %dma_start3A_511 = arith.constant 0 : i32
      %dma_start3A_512 = tpu.memref_slice %arg8[%dma_start3A_511] : memref<10240xf32, #tpu.memory_space<vmem_shared>> -> memref<10240xf32, #tpu.memory_space<vmem_shared>>
      tpu.enqueue_indirect_dma source(%arg5 : memref<80xf32, #tpu.memory_space<vmem>>) target(%dma_start3A_512 : memref<10240xf32, #tpu.memory_space<vmem_shared>>) offsets(%dma_start3A_510 : memref<80xi32, #tpu.memory_space<vmem>>) semaphore(%arg15 : memref<!tpu.dma_semaphore, #tpu.memory_space<semaphore_mem>>) {add = true}
      %mul3A_513 = arith.constant 8 : i32
      %mul3A_514 = arith.muli %scan3A_62, %mul3A_513 : i32
      %add3A_515 = arith.constant 6 : i32
      %add3A_516 = arith.addi %mul3A_514, %add3A_515 : i32
      %mul3A_517 = arith.constant 80 : i32
      %mul3A_518 = arith.muli %add3A_516, %mul3A_517 : i32
      %add3A_519 = arith.constant 0 : i32
      %add3A_520 = arith.addi %mul3A_518, %add3A_519 : i32
      %get3A_521 = arith.index_cast %add3A_520 : i32 to index
      %get3A_522 = tpu.vector_load %arg4[%get3A_521] {strides = array<i32>} : memref<20000xi32, #tpu.memory_space<vmem>>, vector<16xi32>,
      %get3A_523 = vector.shape_cast %get3A_522 : vector<16xi32> to vector<16xi32>
      %swap3A_524 = arith.constant 6 : i32
      %swap3A_525 = arith.index_cast %swap3A_524 : i32 to index
      %swap3A_526 = arith.constant 0 : index
      %swap3A_527 = tpu.vector_load %arg6[%swap3A_525, %swap3A_526] {strides = array<i32>} : memref<8x80xi32, #tpu.memory_space<vmem>>, vector<1x16xi32>,
      %swap3A_528 = vector.shape_cast %swap3A_527 : vector<1x16xi32> to vector<16xi32>
      %swap3A_529 = vector.shape_cast %get3A_523 : vector<16xi32> to vector<1x16xi32>
      tpu.vector_store %arg6[%swap3A_525, %swap3A_526], %swap3A_529 {strides = array<i32>} : memref<8x80xi32, #tpu.memory_space<vmem>>, vector<1x16xi32>,
      %mul3A_530 = arith.constant 80 : i32
      %mul3A_531 = arith.muli %add3A_516, %mul3A_530 : i32
      %add3A_532 = arith.constant 16 : i32
      %add3A_533 = arith.addi %mul3A_531, %add3A_532 : i32
      %get3A_534 = arith.index_cast %add3A_533 : i32 to index
      %get3A_535 = tpu.vector_load %arg4[%get3A_534] {strides = array<i32>} : memref<20000xi32, #tpu.memory_space<vmem>>, vector<16xi32>,
      %get3A_536 = vector.shape_cast %get3A_535 : vector<16xi32> to vector<16xi32>
      %swap3A_537 = arith.constant 6 : i32
      %swap3A_538 = arith.index_cast %swap3A_537 : i32 to index
      %swap3A_539 = arith.constant 16 : index
      %swap3A_540 = tpu.vector_load %arg6[%swap3A_538, %swap3A_539] {strides = array<i32>} : memref<8x80xi32, #tpu.memory_space<vmem>>, vector<1x16xi32>,
      %swap3A_541 = vector.shape_cast %swap3A_540 : vector<1x16xi32> to vector<16xi32>
      %swap3A_542 = vector.shape_cast %get3A_536 : vector<16xi32> to vector<1x16xi32>
      tpu.vector_store %arg6[%swap3A_538, %swap3A_539], %swap3A_542 {strides = array<i32>} : memref<8x80xi32, #tpu.memory_space<vmem>>, vector<1x16xi32>,
      %mul3A_543 = arith.constant 80 : i32
      %mul3A_544 = arith.muli %add3A_516, %mul3A_543 : i32
      %add3A_545 = arith.constant 32 : i32
      %add3A_546 = arith.addi %mul3A_544, %add3A_545 : i32
      %get3A_547 = arith.index_cast %add3A_546 : i32 to index
      %get3A_548 = tpu.vector_load %arg4[%get3A_547] {strides = array<i32>} : memref<20000xi32, #tpu.memory_space<vmem>>, vector<16xi32>,
      %get3A_549 = vector.shape_cast %get3A_548 : vector<16xi32> to vector<16xi32>
      %swap3A_550 = arith.constant 6 : i32
      %swap3A_551 = arith.index_cast %swap3A_550 : i32 to index
      %swap3A_552 = arith.constant 32 : index
      %swap3A_553 = tpu.vector_load %arg6[%swap3A_551, %swap3A_552] {strides = array<i32>} : memref<8x80xi32, #tpu.memory_space<vmem>>, vector<1x16xi32>,
      %swap3A_554 = vector.shape_cast %swap3A_553 : vector<1x16xi32> to vector<16xi32>
      %swap3A_555 = vector.shape_cast %get3A_549 : vector<16xi32> to vector<1x16xi32>
      tpu.vector_store %arg6[%swap3A_551, %swap3A_552], %swap3A_555 {strides = array<i32>} : memref<8x80xi32, #tpu.memory_space<vmem>>, vector<1x16xi32>,
      %mul3A_556 = arith.constant 80 : i32
      %mul3A_557 = arith.muli %add3A_516, %mul3A_556 : i32
      %add3A_558 = arith.constant 48 : i32
      %add3A_559 = arith.addi %mul3A_557, %add3A_558 : i32
      %get3A_560 = arith.index_cast %add3A_559 : i32 to index
      %get3A_561 = tpu.vector_load %arg4[%get3A_560] {strides = array<i32>} : memref<20000xi32, #tpu.memory_space<vmem>>, vector<16xi32>,
      %get3A_562 = vector.shape_cast %get3A_561 : vector<16xi32> to vector<16xi32>
      %swap3A_563 = arith.constant 6 : i32
      %swap3A_564 = arith.index_cast %swap3A_563 : i32 to index
      %swap3A_565 = arith.constant 48 : index
      %swap3A_566 = tpu.vector_load %arg6[%swap3A_564, %swap3A_565] {strides = array<i32>} : memref<8x80xi32, #tpu.memory_space<vmem>>, vector<1x16xi32>,
      %swap3A_567 = vector.shape_cast %swap3A_566 : vector<1x16xi32> to vector<16xi32>
      %swap3A_568 = vector.shape_cast %get3A_562 : vector<16xi32> to vector<1x16xi32>
      tpu.vector_store %arg6[%swap3A_564, %swap3A_565], %swap3A_568 {strides = array<i32>} : memref<8x80xi32, #tpu.memory_space<vmem>>, vector<1x16xi32>,
      %mul3A_569 = arith.constant 80 : i32
      %mul3A_570 = arith.muli %add3A_516, %mul3A_569 : i32
      %add3A_571 = arith.constant 64 : i32
      %add3A_572 = arith.addi %mul3A_570, %add3A_571 : i32
      %get3A_573 = arith.index_cast %add3A_572 : i32 to index
      %get3A_574 = tpu.vector_load %arg4[%get3A_573] {strides = array<i32>} : memref<20000xi32, #tpu.memory_space<vmem>>, vector<16xi32>,
      %get3A_575 = vector.shape_cast %get3A_574 : vector<16xi32> to vector<16xi32>
      %swap3A_576 = arith.constant 6 : i32
      %swap3A_577 = arith.index_cast %swap3A_576 : i32 to index
      %swap3A_578 = arith.constant 64 : index
      %swap3A_579 = tpu.vector_load %arg6[%swap3A_577, %swap3A_578] {strides = array<i32>} : memref<8x80xi32, #tpu.memory_space<vmem>>, vector<1x16xi32>,
      %swap3A_580 = vector.shape_cast %swap3A_579 : vector<1x16xi32> to vector<16xi32>
      %swap3A_581 = vector.shape_cast %get3A_575 : vector<16xi32> to vector<1x16xi32>
      tpu.vector_store %arg6[%swap3A_577, %swap3A_578], %swap3A_581 {strides = array<i32>} : memref<8x80xi32, #tpu.memory_space<vmem>>, vector<1x16xi32>,
      %dma_start3A_582 = arith.constant 6 : i32
      %dma_start3A_583 = arith.constant 0 : i32
      %dma_start3A_584 = tpu.memref_slice %arg6[%dma_start3A_582, %dma_start3A_583] : memref<8x80xi32, #tpu.memory_space<vmem>> -> memref<1x80xi32, #tpu.memory_space<vmem>>
      %dma_start3A_585 = tpu.memref_squeeze %dma_start3A_584 : memref<1x80xi32, #tpu.memory_space<vmem>> -> memref<80xi32, #tpu.memory_space<vmem>>
      %dma_start3A_586 = arith.constant 0 : i32
      %dma_start3A_587 = tpu.memref_slice %arg8[%dma_start3A_586] : memref<10240xf32, #tpu.memory_space<vmem_shared>> -> memref<10240xf32, #tpu.memory_space<vmem_shared>>
      tpu.enqueue_indirect_dma source(%arg5 : memref<80xf32, #tpu.memory_space<vmem>>) target(%dma_start3A_587 : memref<10240xf32, #tpu.memory_space<vmem_shared>>) offsets(%dma_start3A_585 : memref<80xi32, #tpu.memory_space<vmem>>) semaphore(%arg16 : memref<!tpu.dma_semaphore, #tpu.memory_space<semaphore_mem>>) {add = true}
      %mul3A_588 = arith.constant 8 : i32
      %mul3A_589 = arith.muli %scan3A_62, %mul3A_588 : i32
      %add3A_590 = arith.constant 7 : i32
      %add3A_591 = arith.addi %mul3A_589, %add3A_590 : i32
      %mul3A_592 = arith.constant 80 : i32
      %mul3A_593 = arith.muli %add3A_591, %mul3A_592 : i32
      %add3A_594 = arith.constant 0 : i32
      %add3A_595 = arith.addi %mul3A_593, %add3A_594 : i32
      %get3A_596 = arith.index_cast %add3A_595 : i32 to index
      %get3A_597 = tpu.vector_load %arg4[%get3A_596] {strides = array<i32>} : memref<20000xi32, #tpu.memory_space<vmem>>, vector<16xi32>,
      %get3A_598 = vector.shape_cast %get3A_597 : vector<16xi32> to vector<16xi32>
      %swap3A_599 = arith.constant 7 : i32
      %swap3A_600 = arith.index_cast %swap3A_599 : i32 to index
      %swap3A_601 = arith.constant 0 : index
      %swap3A_602 = tpu.vector_load %arg6[%swap3A_600, %swap3A_601] {strides = array<i32>} : memref<8x80xi32, #tpu.memory_space<vmem>>, vector<1x16xi32>,
      %swap3A_603 = vector.shape_cast %swap3A_602 : vector<1x16xi32> to vector<16xi32>
      %swap3A_604 = vector.shape_cast %get3A_598 : vector<16xi32> to vector<1x16xi32>
      tpu.vector_store %arg6[%swap3A_600, %swap3A_601], %swap3A_604 {strides = array<i32>} : memref<8x80xi32, #tpu.memory_space<vmem>>, vector<1x16xi32>,
      %mul3A_605 = arith.constant 80 : i32
      %mul3A_606 = arith.muli %add3A_591, %mul3A_605 : i32
      %add3A_607 = arith.constant 16 : i32
      %add3A_608 = arith.addi %mul3A_606, %add3A_607 : i32
      %get3A_609 = arith.index_cast %add3A_608 : i32 to index
      %get3A_610 = tpu.vector_load %arg4[%get3A_609] {strides = array<i32>} : memref<20000xi32, #tpu.memory_space<vmem>>, vector<16xi32>,
      %get3A_611 = vector.shape_cast %get3A_610 : vector<16xi32> to vector<16xi32>
      %swap3A_612 = arith.constant 7 : i32
      %swap3A_613 = arith.index_cast %swap3A_612 : i32 to index
      %swap3A_614 = arith.constant 16 : index
      %swap3A_615 = tpu.vector_load %arg6[%swap3A_613, %swap3A_614] {strides = array<i32>} : memref<8x80xi32, #tpu.memory_space<vmem>>, vector<1x16xi32>,
      %swap3A_616 = vector.shape_cast %swap3A_615 : vector<1x16xi32> to vector<16xi32>
      %swap3A_617 = vector.shape_cast %get3A_611 : vector<16xi32> to vector<1x16xi32>
      tpu.vector_store %arg6[%swap3A_613, %swap3A_614], %swap3A_617 {strides = array<i32>} : memref<8x80xi32, #tpu.memory_space<vmem>>, vector<1x16xi32>,
      %mul3A_618 = arith.constant 80 : i32
      %mul3A_619 = arith.muli %add3A_591, %mul3A_618 : i32
      %add3A_620 = arith.constant 32 : i32
      %add3A_621 = arith.addi %mul3A_619, %add3A_620 : i32
      %get3A_622 = arith.index_cast %add3A_621 : i32 to index
      %get3A_623 = tpu.vector_load %arg4[%get3A_622] {strides = array<i32>} : memref<20000xi32, #tpu.memory_space<vmem>>, vector<16xi32>,
      %get3A_624 = vector.shape_cast %get3A_623 : vector<16xi32> to vector<16xi32>
      %swap3A_625 = arith.constant 7 : i32
      %swap3A_626 = arith.index_cast %swap3A_625 : i32 to index
      %swap3A_627 = arith.constant 32 : index
      %swap3A_628 = tpu.vector_load %arg6[%swap3A_626, %swap3A_627] {strides = array<i32>} : memref<8x80xi32, #tpu.memory_space<vmem>>, vector<1x16xi32>,
      %swap3A_629 = vector.shape_cast %swap3A_628 : vector<1x16xi32> to vector<16xi32>
      %swap3A_630 = vector.shape_cast %get3A_624 : vector<16xi32> to vector<1x16xi32>
      tpu.vector_store %arg6[%swap3A_626, %swap3A_627], %swap3A_630 {strides = array<i32>} : memref<8x80xi32, #tpu.memory_space<vmem>>, vector<1x16xi32>,
      %mul3A_631 = arith.constant 80 : i32
      %mul3A_632 = arith.muli %add3A_591, %mul3A_631 : i32
      %add3A_633 = arith.constant 48 : i32
      %add3A_634 = arith.addi %mul3A_632, %add3A_633 : i32
      %get3A_635 = arith.index_cast %add3A_634 : i32 to index
      %get3A_636 = tpu.vector_load %arg4[%get3A_635] {strides = array<i32>} : memref<20000xi32, #tpu.memory_space<vmem>>, vector<16xi32>,
      %get3A_637 = vector.shape_cast %get3A_636 : vector<16xi32> to vector<16xi32>
      %swap3A_638 = arith.constant 7 : i32
      %swap3A_639 = arith.index_cast %swap3A_638 : i32 to index
      %swap3A_640 = arith.constant 48 : index
      %swap3A_641 = tpu.vector_load %arg6[%swap3A_639, %swap3A_640] {strides = array<i32>} : memref<8x80xi32, #tpu.memory_space<vmem>>, vector<1x16xi32>,
      %swap3A_642 = vector.shape_cast %swap3A_641 : vector<1x16xi32> to vector<16xi32>
      %swap3A_643 = vector.shape_cast %get3A_637 : vector<16xi32> to vector<1x16xi32>
      tpu.vector_store %arg6[%swap3A_639, %swap3A_640], %swap3A_643 {strides = array<i32>} : memref<8x80xi32, #tpu.memory_space<vmem>>, vector<1x16xi32>,
      %mul3A_644 = arith.constant 80 : i32
      %mul3A_645 = arith.muli %add3A_591, %mul3A_644 : i32
      %add3A_646 = arith.constant 64 : i32
      %add3A_647 = arith.addi %mul3A_645, %add3A_646 : i32
      %get3A_648 = arith.index_cast %add3A_647 : i32 to index
      %get3A_649 = tpu.vector_load %arg4[%get3A_648] {strides = array<i32>} : memref<20000xi32, #tpu.memory_space<vmem>>, vector<16xi32>,
      %get3A_650 = vector.shape_cast %get3A_649 : vector<16xi32> to vector<16xi32>
      %swap3A_651 = arith.constant 7 : i32
      %swap3A_652 = arith.index_cast %swap3A_651 : i32 to index
      %swap3A_653 = arith.constant 64 : index
      %swap3A_654 = tpu.vector_load %arg6[%swap3A_652, %swap3A_653] {strides = array<i32>} : memref<8x80xi32, #tpu.memory_space<vmem>>, vector<1x16xi32>,
      %swap3A_655 = vector.shape_cast %swap3A_654 : vector<1x16xi32> to vector<16xi32>
      %swap3A_656 = vector.shape_cast %get3A_650 : vector<16xi32> to vector<1x16xi32>
      tpu.vector_store %arg6[%swap3A_652, %swap3A_653], %swap3A_656 {strides = array<i32>} : memref<8x80xi32, #tpu.memory_space<vmem>>, vector<1x16xi32>,
      %dma_start3A_657 = arith.constant 7 : i32
      %dma_start3A_658 = arith.constant 0 : i32
      %dma_start3A_659 = tpu.memref_slice %arg6[%dma_start3A_657, %dma_start3A_658] : memref<8x80xi32, #tpu.memory_space<vmem>> -> memref<1x80xi32, #tpu.memory_space<vmem>>
      %dma_start3A_660 = tpu.memref_squeeze %dma_start3A_659 : memref<1x80xi32, #tpu.memory_space<vmem>> -> memref<80xi32, #tpu.memory_space<vmem>>
      %dma_start3A_661 = arith.constant 0 : i32
      %dma_start3A_662 = tpu.memref_slice %arg8[%dma_start3A_661] : memref<10240xf32, #tpu.memory_space<vmem_shared>> -> memref<10240xf32, #tpu.memory_space<vmem_shared>>
      tpu.enqueue_indirect_dma source(%arg5 : memref<80xf32, #tpu.memory_space<vmem>>) target(%dma_start3A_662 : memref<10240xf32, #tpu.memory_space<vmem_shared>>) offsets(%dma_start3A_660 : memref<80xi32, #tpu.memory_space<vmem>>) semaphore(%arg17 : memref<!tpu.dma_semaphore, #tpu.memory_space<semaphore_mem>>) {add = true}
      %dma_wait3A_663 = arith.constant 0 : i32
      %dma_wait3A_664 = arith.constant 0 : i32
      %dma_wait3A_665 = tpu.memref_slice %arg6[%dma_wait3A_663, %dma_wait3A_664] : memref<8x80xi32, #tpu.memory_space<vmem>> -> memref<1x80xi32, #tpu.memory_space<vmem>>
      %dma_wait3A_666 = tpu.memref_squeeze %dma_wait3A_665 : memref<1x80xi32, #tpu.memory_space<vmem>> -> memref<80xi32, #tpu.memory_space<vmem>>
      %dma_wait3A_667 = arith.constant 0 : i32
      %dma_wait3A_668 = tpu.memref_slice %arg8[%dma_wait3A_667] : memref<10240xf32, #tpu.memory_space<vmem_shared>> -> memref<10240xf32, #tpu.memory_space<vmem_shared>>
      tpu.wait_indirect_dma semaphore(%arg10 : memref<!tpu.dma_semaphore, #tpu.memory_space<semaphore_mem>>) src(%arg5 : memref<80xf32, #tpu.memory_space<vmem>>) dst(%dma_wait3A_668 : memref<10240xf32, #tpu.memory_space<vmem_shared>>)
      %dma_wait3A_669 = arith.constant 1 : i32
      %dma_wait3A_670 = arith.constant 0 : i32
      %dma_wait3A_671 = tpu.memref_slice %arg6[%dma_wait3A_669, %dma_wait3A_670] : memref<8x80xi32, #tpu.memory_space<vmem>> -> memref<1x80xi32, #tpu.memory_space<vmem>>
      %dma_wait3A_672 = tpu.memref_squeeze %dma_wait3A_671 : memref<1x80xi32, #tpu.memory_space<vmem>> -> memref<80xi32, #tpu.memory_space<vmem>>
      %dma_wait3A_673 = arith.constant 0 : i32
      %dma_wait3A_674 = tpu.memref_slice %arg8[%dma_wait3A_673] : memref<10240xf32, #tpu.memory_space<vmem_shared>> -> memref<10240xf32, #tpu.memory_space<vmem_shared>>
      tpu.wait_indirect_dma semaphore(%arg11 : memref<!tpu.dma_semaphore, #tpu.memory_space<semaphore_mem>>) src(%arg5 : memref<80xf32, #tpu.memory_space<vmem>>) dst(%dma_wait3A_674 : memref<10240xf32, #tpu.memory_space<vmem_shared>>)
      %dma_wait3A_675 = arith.constant 2 : i32
      %dma_wait3A_676 = arith.constant 0 : i32
      %dma_wait3A_677 = tpu.memref_slice %arg6[%dma_wait3A_675, %dma_wait3A_676] : memref<8x80xi32, #tpu.memory_space<vmem>> -> memref<1x80xi32, #tpu.memory_space<vmem>>
      %dma_wait3A_678 = tpu.memref_squeeze %dma_wait3A_677 : memref<1x80xi32, #tpu.memory_space<vmem>> -> memref<80xi32, #tpu.memory_space<vmem>>
      %dma_wait3A_679 = arith.constant 0 : i32
      %dma_wait3A_680 = tpu.memref_slice %arg8[%dma_wait3A_679] : memref<10240xf32, #tpu.memory_space<vmem_shared>> -> memref<10240xf32, #tpu.memory_space<vmem_shared>>
      tpu.wait_indirect_dma semaphore(%arg12 : memref<!tpu.dma_semaphore, #tpu.memory_space<semaphore_mem>>) src(%arg5 : memref<80xf32, #tpu.memory_space<vmem>>) dst(%dma_wait3A_680 : memref<10240xf32, #tpu.memory_space<vmem_shared>>)
      %dma_wait3A_681 = arith.constant 3 : i32
      %dma_wait3A_682 = arith.constant 0 : i32
      %dma_wait3A_683 = tpu.memref_slice %arg6[%dma_wait3A_681, %dma_wait3A_682] : memref<8x80xi32, #tpu.memory_space<vmem>> -> memref<1x80xi32, #tpu.memory_space<vmem>>
      %dma_wait3A_684 = tpu.memref_squeeze %dma_wait3A_683 : memref<1x80xi32, #tpu.memory_space<vmem>> -> memref<80xi32, #tpu.memory_space<vmem>>
      %dma_wait3A_685 = arith.constant 0 : i32
      %dma_wait3A_686 = tpu.memref_slice %arg8[%dma_wait3A_685] : memref<10240xf32, #tpu.memory_space<vmem_shared>> -> memref<10240xf32, #tpu.memory_space<vmem_shared>>
      tpu.wait_indirect_dma semaphore(%arg13 : memref<!tpu.dma_semaphore, #tpu.memory_space<semaphore_mem>>) src(%arg5 : memref<80xf32, #tpu.memory_space<vmem>>) dst(%dma_wait3A_686 : memref<10240xf32, #tpu.memory_space<vmem_shared>>)
      %dma_wait3A_687 = arith.constant 4 : i32
      %dma_wait3A_688 = arith.constant 0 : i32
      %dma_wait3A_689 = tpu.memref_slice %arg6[%dma_wait3A_687, %dma_wait3A_688] : memref<8x80xi32, #tpu.memory_space<vmem>> -> memref<1x80xi32, #tpu.memory_space<vmem>>
      %dma_wait3A_690 = tpu.memref_squeeze %dma_wait3A_689 : memref<1x80xi32, #tpu.memory_space<vmem>> -> memref<80xi32, #tpu.memory_space<vmem>>
      %dma_wait3A_691 = arith.constant 0 : i32
      %dma_wait3A_692 = tpu.memref_slice %arg8[%dma_wait3A_691] : memref<10240xf32, #tpu.memory_space<vmem_shared>> -> memref<10240xf32, #tpu.memory_space<vmem_shared>>
      tpu.wait_indirect_dma semaphore(%arg14 : memref<!tpu.dma_semaphore, #tpu.memory_space<semaphore_mem>>) src(%arg5 : memref<80xf32, #tpu.memory_space<vmem>>) dst(%dma_wait3A_692 : memref<10240xf32, #tpu.memory_space<vmem_shared>>)
      %dma_wait3A_693 = arith.constant 5 : i32
      %dma_wait3A_694 = arith.constant 0 : i32
      %dma_wait3A_695 = tpu.memref_slice %arg6[%dma_wait3A_693, %dma_wait3A_694] : memref<8x80xi32, #tpu.memory_space<vmem>> -> memref<1x80xi32, #tpu.memory_space<vmem>>
      %dma_wait3A_696 = tpu.memref_squeeze %dma_wait3A_695 : memref<1x80xi32, #tpu.memory_space<vmem>> -> memref<80xi32, #tpu.memory_space<vmem>>
      %dma_wait3A_697 = arith.constant 0 : i32
      %dma_wait3A_698 = tpu.memref_slice %arg8[%dma_wait3A_697] : memref<10240xf32, #tpu.memory_space<vmem_shared>> -> memref<10240xf32, #tpu.memory_space<vmem_shared>>
      tpu.wait_indirect_dma semaphore(%arg15 : memref<!tpu.dma_semaphore, #tpu.memory_space<semaphore_mem>>) src(%arg5 : memref<80xf32, #tpu.memory_space<vmem>>) dst(%dma_wait3A_698 : memref<10240xf32, #tpu.memory_space<vmem_shared>>)
      %dma_wait3A_699 = arith.constant 6 : i32
      %dma_wait3A_700 = arith.constant 0 : i32
      %dma_wait3A_701 = tpu.memref_slice %arg6[%dma_wait3A_699, %dma_wait3A_700] : memref<8x80xi32, #tpu.memory_space<vmem>> -> memref<1x80xi32, #tpu.memory_space<vmem>>
      %dma_wait3A_702 = tpu.memref_squeeze %dma_wait3A_701 : memref<1x80xi32, #tpu.memory_space<vmem>> -> memref<80xi32, #tpu.memory_space<vmem>>
      %dma_wait3A_703 = arith.constant 0 : i32
      %dma_wait3A_704 = tpu.memref_slice %arg8[%dma_wait3A_703] : memref<10240xf32, #tpu.memory_space<vmem_shared>> -> memref<10240xf32, #tpu.memory_space<vmem_shared>>
      tpu.wait_indirect_dma semaphore(%arg16 : memref<!tpu.dma_semaphore, #tpu.memory_space<semaphore_mem>>) src(%arg5 : memref<80xf32, #tpu.memory_space<vmem>>) dst(%dma_wait3A_704 : memref<10240xf32, #tpu.memory_space<vmem_shared>>)
      %dma_wait3A_705 = arith.constant 7 : i32
      %dma_wait3A_706 = arith.constant 0 : i32
      %dma_wait3A_707 = tpu.memref_slice %arg6[%dma_wait3A_705, %dma_wait3A_706] : memref<8x80xi32, #tpu.memory_space<vmem>> -> memref<1x80xi32, #tpu.memory_space<vmem>>
      %dma_wait3A_708 = tpu.memref_squeeze %dma_wait3A_707 : memref<1x80xi32, #tpu.memory_space<vmem>> -> memref<80xi32, #tpu.memory_space<vmem>>
      %dma_wait3A_709 = arith.constant 0 : i32
      %dma_wait3A_710 = tpu.memref_slice %arg8[%dma_wait3A_709] : memref<10240xf32, #tpu.memory_space<vmem_shared>> -> memref<10240xf32, #tpu.memory_space<vmem_shared>>
      tpu.wait_indirect_dma semaphore(%arg17 : memref<!tpu.dma_semaphore, #tpu.memory_space<semaphore_mem>>) src(%arg5 : memref<80xf32, #tpu.memory_space<vmem>>) dst(%dma_wait3A_710 : memref<10240xf32, #tpu.memory_space<vmem_shared>>)
      %scan3A_711 = arith.constant 0 : i32
      scf.yield %scan3A_711 : i32
    }
    %scan3A_49 = arith.constant 31 : i32
    %scan3A_50 = arith.constant 0 : i32
    %scan3A_51 = arith.constant 248 : i32
    %scan3A_52 = arith.constant 2 : i32
    %scan3A_53 = arith.addi %scan3A_51, %scan3A_52 : i32
    %scan3A_54 = arith.constant 1 : i32
    %scan3A_55 = scf.for %scan3A_62 = %scan3A_51 to %scan3A_53 step %scan3A_54 iter_args(%scan3A_63 = %scan3A_50) -> (i32)  : i32 {
      %mul3A_64 = arith.constant 80 : i32
      %mul3A_65 = arith.muli %scan3A_62, %mul3A_64 : i32
      %add3A_66 = arith.constant 0 : i32
      %add3A_67 = arith.addi %mul3A_65, %add3A_66 : i32
      %get3A = arith.index_cast %add3A_67 : i32 to index
      %get3A_68 = tpu.vector_load %arg4[%get3A] {strides = array<i32>} : memref<20000xi32, #tpu.memory_space<vmem>>, vector<16xi32>,
      %get3A_69 = vector.shape_cast %get3A_68 : vector<16xi32> to vector<16xi32>
      %swap3A_70 = arith.constant 0 : i32
      %swap3A_71 = arith.index_cast %swap3A_70 : i32 to index
      %swap3A_72 = arith.constant 0 : index
      %swap3A_73 = tpu.vector_load %arg6[%swap3A_71, %swap3A_72] {strides = array<i32>} : memref<8x80xi32, #tpu.memory_space<vmem>>, vector<1x16xi32>,
      %swap3A_74 = vector.shape_cast %swap3A_73 : vector<1x16xi32> to vector<16xi32>
      %swap3A_75 = vector.shape_cast %get3A_69 : vector<16xi32> to vector<1x16xi32>
      tpu.vector_store %arg6[%swap3A_71, %swap3A_72], %swap3A_75 {strides = array<i32>} : memref<8x80xi32, #tpu.memory_space<vmem>>, vector<1x16xi32>,
      %mul3A_76 = arith.constant 80 : i32
      %mul3A_77 = arith.muli %scan3A_62, %mul3A_76 : i32
      %add3A_78 = arith.constant 16 : i32
      %add3A_79 = arith.addi %mul3A_77, %add3A_78 : i32
      %get3A_80 = arith.index_cast %add3A_79 : i32 to index
      %get3A_81 = tpu.vector_load %arg4[%get3A_80] {strides = array<i32>} : memref<20000xi32, #tpu.memory_space<vmem>>, vector<16xi32>,
      %get3A_82 = vector.shape_cast %get3A_81 : vector<16xi32> to vector<16xi32>
      %swap3A_83 = arith.constant 0 : i32
      %swap3A_84 = arith.index_cast %swap3A_83 : i32 to index
      %swap3A_85 = arith.constant 16 : index
      %swap3A_86 = tpu.vector_load %arg6[%swap3A_84, %swap3A_85] {strides = array<i32>} : memref<8x80xi32, #tpu.memory_space<vmem>>, vector<1x16xi32>,
      %swap3A_87 = vector.shape_cast %swap3A_86 : vector<1x16xi32> to vector<16xi32>
      %swap3A_88 = vector.shape_cast %get3A_82 : vector<16xi32> to vector<1x16xi32>
      tpu.vector_store %arg6[%swap3A_84, %swap3A_85], %swap3A_88 {strides = array<i32>} : memref<8x80xi32, #tpu.memory_space<vmem>>, vector<1x16xi32>,
      %mul3A_89 = arith.constant 80 : i32
      %mul3A_90 = arith.muli %scan3A_62, %mul3A_89 : i32
      %add3A_91 = arith.constant 32 : i32
      %add3A_92 = arith.addi %mul3A_90, %add3A_91 : i32
      %get3A_93 = arith.index_cast %add3A_92 : i32 to index
      %get3A_94 = tpu.vector_load %arg4[%get3A_93] {strides = array<i32>} : memref<20000xi32, #tpu.memory_space<vmem>>, vector<16xi32>,
      %get3A_95 = vector.shape_cast %get3A_94 : vector<16xi32> to vector<16xi32>
      %swap3A_96 = arith.constant 0 : i32
      %swap3A_97 = arith.index_cast %swap3A_96 : i32 to index
      %swap3A_98 = arith.constant 32 : index
      %swap3A_99 = tpu.vector_load %arg6[%swap3A_97, %swap3A_98] {strides = array<i32>} : memref<8x80xi32, #tpu.memory_space<vmem>>, vector<1x16xi32>,
      %swap3A_100 = vector.shape_cast %swap3A_99 : vector<1x16xi32> to vector<16xi32>
      %swap3A_101 = vector.shape_cast %get3A_95 : vector<16xi32> to vector<1x16xi32>
      tpu.vector_store %arg6[%swap3A_97, %swap3A_98], %swap3A_101 {strides = array<i32>} : memref<8x80xi32, #tpu.memory_space<vmem>>, vector<1x16xi32>,
      %mul3A_102 = arith.constant 80 : i32
      %mul3A_103 = arith.muli %scan3A_62, %mul3A_102 : i32
      %add3A_104 = arith.constant 48 : i32
      %add3A_105 = arith.addi %mul3A_103, %add3A_104 : i32
      %get3A_106 = arith.index_cast %add3A_105 : i32 to index
      %get3A_107 = tpu.vector_load %arg4[%get3A_106] {strides = array<i32>} : memref<20000xi32, #tpu.memory_space<vmem>>, vector<16xi32>,
      %get3A_108 = vector.shape_cast %get3A_107 : vector<16xi32> to vector<16xi32>
      %swap3A_109 = arith.constant 0 : i32
      %swap3A_110 = arith.index_cast %swap3A_109 : i32 to index
      %swap3A_111 = arith.constant 48 : index
      %swap3A_112 = tpu.vector_load %arg6[%swap3A_110, %swap3A_111] {strides = array<i32>} : memref<8x80xi32, #tpu.memory_space<vmem>>, vector<1x16xi32>,
      %swap3A_113 = vector.shape_cast %swap3A_112 : vector<1x16xi32> to vector<16xi32>
      %swap3A_114 = vector.shape_cast %get3A_108 : vector<16xi32> to vector<1x16xi32>
      tpu.vector_store %arg6[%swap3A_110, %swap3A_111], %swap3A_114 {strides = array<i32>} : memref<8x80xi32, #tpu.memory_space<vmem>>, vector<1x16xi32>,
      %mul3A_115 = arith.constant 80 : i32
      %mul3A_116 = arith.muli %scan3A_62, %mul3A_115 : i32
      %add3A_117 = arith.constant 64 : i32
      %add3A_118 = arith.addi %mul3A_116, %add3A_117 : i32
      %get3A_119 = arith.index_cast %add3A_118 : i32 to index
      %get3A_120 = tpu.vector_load %arg4[%get3A_119] {strides = array<i32>} : memref<20000xi32, #tpu.memory_space<vmem>>, vector<16xi32>,
      %get3A_121 = vector.shape_cast %get3A_120 : vector<16xi32> to vector<16xi32>
      %swap3A_122 = arith.constant 0 : i32
      %swap3A_123 = arith.index_cast %swap3A_122 : i32 to index
      %swap3A_124 = arith.constant 64 : index
      %swap3A_125 = tpu.vector_load %arg6[%swap3A_123, %swap3A_124] {strides = array<i32>} : memref<8x80xi32, #tpu.memory_space<vmem>>, vector<1x16xi32>,
      %swap3A_126 = vector.shape_cast %swap3A_125 : vector<1x16xi32> to vector<16xi32>
      %swap3A_127 = vector.shape_cast %get3A_121 : vector<16xi32> to vector<1x16xi32>
      tpu.vector_store %arg6[%swap3A_123, %swap3A_124], %swap3A_127 {strides = array<i32>} : memref<8x80xi32, #tpu.memory_space<vmem>>, vector<1x16xi32>,
      %run_scoped3A = arith.constant 0 : i32
      "tpu.region"() ({
        %run_scoped3A_129 = tpu.sem_alloc : memref<!tpu.dma_semaphore, #tpu.memory_space<semaphore_mem>>
        %dma_start3A_130 = arith.constant 0 : i32
        %dma_start3A_131 = tpu.memref_slice %arg6[%run_scoped3A, %dma_start3A_130] : memref<8x80xi32, #tpu.memory_space<vmem>> -> memref<1x80xi32, #tpu.memory_space<vmem>>
        %dma_start3A_132 = tpu.memref_squeeze %dma_start3A_131 : memref<1x80xi32, #tpu.memory_space<vmem>> -> memref<80xi32, #tpu.memory_space<vmem>>
        %dma_start3A_133 = arith.constant 0 : i32
        %dma_start3A_134 = tpu.memref_slice %arg8[%dma_start3A_133] : memref<10240xf32, #tpu.memory_space<vmem_shared>> -> memref<10240xf32, #tpu.memory_space<vmem_shared>>
        tpu.enqueue_indirect_dma source(%arg5 : memref<80xf32, #tpu.memory_space<vmem>>) target(%dma_start3A_134 : memref<10240xf32, #tpu.memory_space<vmem_shared>>) offsets(%dma_start3A_132 : memref<80xi32, #tpu.memory_space<vmem>>) semaphore(%run_scoped3A_129 : memref<!tpu.dma_semaphore, #tpu.memory_space<semaphore_mem>>) {add = true}
        %dma_wait3A_135 = arith.constant 0 : i32
        %dma_wait3A_136 = tpu.memref_slice %arg6[%run_scoped3A, %dma_wait3A_135] : memref<8x80xi32, #tpu.memory_space<vmem>> -> memref<1x80xi32, #tpu.memory_space<vmem>>
        %dma_wait3A_137 = tpu.memref_squeeze %dma_wait3A_136 : memref<1x80xi32, #tpu.memory_space<vmem>> -> memref<80xi32, #tpu.memory_space<vmem>>
        %dma_wait3A_138 = arith.constant 0 : i32
        %dma_wait3A_139 = tpu.memref_slice %arg8[%dma_wait3A_138] : memref<10240xf32, #tpu.memory_space<vmem_shared>> -> memref<10240xf32, #tpu.memory_space<vmem_shared>>
        tpu.wait_indirect_dma semaphore(%run_scoped3A_129 : memref<!tpu.dma_semaphore, #tpu.memory_space<semaphore_mem>>) src(%arg5 : memref<80xf32, #tpu.memory_space<vmem>>) dst(%dma_wait3A_139 : memref<10240xf32, #tpu.memory_space<vmem_shared>>)
        tpu.yield
      }) : () -> ()
      %scan3A_128 = arith.constant 0 : i32
      scf.yield %scan3A_128 : i32
    }
    %scan3A_56 = arith.constant 2 : i32
    %barrier3A_57 = arith.constant 0 : index
    tpu.barrier barrier_id(%barrier3A_57)
    %mul3A_58 = arith.constant 640 : i32
    %mul3A_59 = arith.muli %arg1, %mul3A_58 : i32
    %mul3A_60 = arith.constant 640 : i32
    %mul3A_61 = arith.muli %arg1, %mul3A_60 : i32
    "tpu.region"() ({
      %run_scoped3A = tpu.sem_alloc : memref<!tpu.dma_semaphore, #tpu.memory_space<semaphore_mem>>
      %dma_start3A_62 = tpu.memref_slice %arg3[%arg0, %mul3A_61] : memref<1x10240xf32, #tpu.memory_space<hbm>> -> memref<1x640xf32, #tpu.memory_space<hbm>>
      %dma_start3A_63 = tpu.memref_squeeze %dma_start3A_62 : memref<1x640xf32, #tpu.memory_space<hbm>> -> memref<640xf32, #tpu.memory_space<hbm>>
      %dma_start3A_64 = tpu.memref_slice %arg8[%mul3A_59] : memref<10240xf32, #tpu.memory_space<vmem_shared>> -> memref<640xf32, #tpu.memory_space<vmem_shared>>
      tpu.enqueue_dma source(%dma_start3A_64 : memref<640xf32, #tpu.memory_space<vmem_shared>>) target(%dma_start3A_63 : memref<640xf32, #tpu.memory_space<hbm>>) target_semaphore(%run_scoped3A : memref<!tpu.dma_semaphore, #tpu.memory_space<semaphore_mem>>)
      %dma_wait3A_65 = tpu.memref_slice %arg3[%arg0, %mul3A_61] : memref<1x10240xf32, #tpu.memory_space<hbm>> -> memref<1x640xf32, #tpu.memory_space<hbm>>
      %dma_wait3A_66 = tpu.memref_squeeze %dma_wait3A_65 : memref<1x640xf32, #tpu.memory_space<hbm>> -> memref<640xf32, #tpu.memory_space<hbm>>
      %dma_wait3A_67 = tpu.memref_slice %arg8[%mul3A_59] : memref<10240xf32, #tpu.memory_space<vmem_shared>> -> memref<640xf32, #tpu.memory_space<vmem_shared>>
      tpu.wait_dma2 semaphore(%run_scoped3A : memref<!tpu.dma_semaphore, #tpu.memory_space<semaphore_mem>>) src(%dma_wait3A_67 : memref<640xf32, #tpu.memory_space<vmem_shared>>) dst(%dma_wait3A_66 : memref<640xf32, #tpu.memory_space<hbm>>)
      tpu.yield
    }) : () -> ()
    return
  }
}

module attributes {stable_mosaic.version = 14 : i64} {
  func.func @_wgen_body(%arg0: memref<1x256xf32, #tpu.memory_space<vmem>>, %arg1: memref<768x256xf32, #tpu.memory_space<vmem>>, %arg2: memref<1x768xf32, #tpu.memory_space<vmem>>, %arg3: memref<1x768xf32, #tpu.memory_space<vmem>>, %arg4: memref<16384x256xf32, #tpu.memory_space<vmem>>, %arg5: memref<1x16384xf32, #tpu.memory_space<vmem>>, %arg6: memref<1x16384xf32, #tpu.memory_space<vmem>>) attributes {dimension_semantics = [], scalar_prefetch = 0 : i64, scratch_operands = 0 : i64, tpu.core_type = #tpu.core_type<tc>} {
    %get3A = arith.constant 0 : index
    %get3A_0 = arith.constant 0 : index
    %get3A_1 = vector.load %arg0[%get3A, %get3A_0] : memref<1x256xf32, #tpu.memory_space<vmem>>, vector<1x256xf32>
    %get3A_2 = arith.constant 0 : index
    %get3A_3 = arith.constant 0 : index
    %get3A_4 = vector.load %arg1[%get3A_2, %get3A_3] : memref<768x256xf32, #tpu.memory_space<vmem>>, vector<768x256xf32>
    %dot_general3A = arith.constant dense<0.000000e+00> : vector<1x768xf32>
    %dot_general3A_5 = tpu.matmul %get3A_1, %get3A_4, %dot_general3A {dimension_numbers = #tpu.dot_dimension_numbers<[1], [1], [0], [0], [0, 0, 1, 0], [], []>, precision = #tpu.contract_precision<fp32>, transpose_lhs_hint = false} : vector<1x256xf32>, vector<768x256xf32>, vector<1x768xf32> -> vector<1x768xf32>
    %get3A_6 = arith.constant 0 : index
    %get3A_7 = arith.constant 0 : index
    %get3A_8 = vector.load %arg2[%get3A_6, %get3A_7] : memref<1x768xf32, #tpu.memory_space<vmem>>, vector<1x768xf32>
    %add3A = arith.addf %dot_general3A_5, %get3A_8 : vector<1x768xf32>
    %get3A_9 = arith.constant 0 : index
    %get3A_10 = arith.constant 0 : index
    %get3A_11 = vector.load %arg3[%get3A_9, %get3A_10] : memref<1x768xf32, #tpu.memory_space<vmem>>, vector<1x768xf32>
    %slice3A = vector.extract_strided_slice %add3A {offsets = [0, 0], sizes = [1, 256], strides = [1, 1]} : vector<1x768xf32> to vector<1x256xf32>
    %slice3A_12 = vector.extract_strided_slice %get3A_11 {offsets = [0, 0], sizes = [1, 256], strides = [1, 1]} : vector<1x768xf32> to vector<1x256xf32>
    %add3A_13 = arith.addf %slice3A, %slice3A_12 : vector<1x256xf32>
    %logistic3A = arith.negf %add3A_13 : vector<1x256xf32>
    %logistic3A_14 = math.exp %logistic3A : vector<1x256xf32>
    %logistic3A_15 = arith.constant 1.000000e+00 : f32
    %logistic3A_16 = vector.broadcast %logistic3A_15 : f32 to vector<1x256xf32>
    %logistic3A_17 = arith.addf %logistic3A_16, %logistic3A_14 : vector<1x256xf32>
    %logistic3A_18 = arith.divf %logistic3A_16, %logistic3A_17 : vector<1x256xf32>
    %slice3A_19 = vector.extract_strided_slice %add3A {offsets = [0, 256], sizes = [1, 256], strides = [1, 1]} : vector<1x768xf32> to vector<1x256xf32>
    %slice3A_20 = vector.extract_strided_slice %get3A_11 {offsets = [0, 256], sizes = [1, 256], strides = [1, 1]} : vector<1x768xf32> to vector<1x256xf32>
    %add3A_21 = arith.addf %slice3A_19, %slice3A_20 : vector<1x256xf32>
    %logistic3A_22 = arith.negf %add3A_21 : vector<1x256xf32>
    %logistic3A_23 = math.exp %logistic3A_22 : vector<1x256xf32>
    %logistic3A_24 = arith.constant 1.000000e+00 : f32
    %logistic3A_25 = vector.broadcast %logistic3A_24 : f32 to vector<1x256xf32>
    %logistic3A_26 = arith.addf %logistic3A_25, %logistic3A_23 : vector<1x256xf32>
    %logistic3A_27 = arith.divf %logistic3A_25, %logistic3A_26 : vector<1x256xf32>
    %slice3A_28 = vector.extract_strided_slice %add3A {offsets = [0, 512], sizes = [1, 256], strides = [1, 1]} : vector<1x768xf32> to vector<1x256xf32>
    %slice3A_29 = vector.extract_strided_slice %get3A_11 {offsets = [0, 512], sizes = [1, 256], strides = [1, 1]} : vector<1x768xf32> to vector<1x256xf32>
    %mul3A = arith.mulf %logistic3A_18, %slice3A_29 : vector<1x256xf32>
    %add3A_30 = arith.addf %slice3A_28, %mul3A : vector<1x256xf32>
    %tanh3A = math.tanh %add3A_30 : vector<1x256xf32>
    %sub3A = arith.constant 1.000000e+00 : f32
    %sub3A_31 = vector.broadcast %sub3A : f32 to vector<1x256xf32>
    %sub3A_32 = arith.subf %sub3A_31, %logistic3A_27 : vector<1x256xf32>
    %mul3A_33 = arith.mulf %sub3A_32, %tanh3A : vector<1x256xf32>
    %get3A_34 = arith.constant 0 : index
    %get3A_35 = arith.constant 0 : index
    %get3A_36 = vector.load %arg4[%get3A_34, %get3A_35] : memref<16384x256xf32, #tpu.memory_space<vmem>>, vector<16384x256xf32>
    %dot_general3A_37 = arith.constant dense<0.000000e+00> : vector<1x16384xf32>
    %dot_general3A_38 = tpu.matmul %mul3A_33, %get3A_36, %dot_general3A_37 {dimension_numbers = #tpu.dot_dimension_numbers<[1], [1], [0], [0], [0, 0, 1, 0], [], []>, precision = #tpu.contract_precision<fp32>, transpose_lhs_hint = false} : vector<1x256xf32>, vector<16384x256xf32>, vector<1x16384xf32> -> vector<1x16384xf32>
    %get3A_39 = arith.constant 0 : index
    %get3A_40 = arith.constant 0 : index
    %get3A_41 = vector.load %arg5[%get3A_39, %get3A_40] : memref<1x16384xf32, #tpu.memory_space<vmem>>, vector<1x16384xf32>
    %add3A_42 = arith.addf %dot_general3A_38, %get3A_41 : vector<1x16384xf32>
    %swap3A = arith.constant 0 : index
    %swap3A_43 = arith.constant 0 : index
    %swap3A_44 = vector.load %arg6[%swap3A, %swap3A_43] : memref<1x16384xf32, #tpu.memory_space<vmem>>, vector<1x16384xf32>
    tpu.vector_store %arg6[%swap3A, %swap3A_43], %add3A_42 {strides = array<i32>} : memref<1x16384xf32, #tpu.memory_space<vmem>>, vector<1x16384xf32>,
    return
  }
}

module attributes {stable_mosaic.version = 14 : i64} {
  func.func @_yw_body(%arg0: i32, %arg1: memref<1000x128xf32, #tpu.memory_space<vmem>>, %arg2: memref<128x128xf32, #tpu.memory_space<vmem>>, %arg3: memref<1x1000x1xf32, #tpu.memory_space<vmem>>, %arg4: memref<1000x128xf32, #tpu.memory_space<vmem>>) attributes {dimension_semantics = [#tpu.dimension_semantics<arbitrary>], iteration_bounds = array<i64: 10>, scalar_prefetch = 0 : i64, scratch_operands = 0 : i64, tpu.core_type = #tpu.core_type<tc>, window_params = [{transform_indices = @transform_0, window_bounds = array<i64: 1000, 128>}, {pipeline_mode = #tpu.pipeline_mode<synchronous>, transform_indices = @transform_1, window_bounds = array<i64: 128, 128>}, {transform_indices = @transform_2, window_bounds = array<i64: 1, 1000, 1>}, {transform_indices = @transform_3, window_bounds = array<i64: 1000, 128>}]} {
    %get3A = arith.constant 0 : index
    %get3A_0 = arith.constant 0 : index
    %get3A_1 = arith.constant 0 : index
    %get3A_2 = vector.load %arg3[%get3A, %get3A_0, %get3A_1] : memref<1x1000x1xf32, #tpu.memory_space<vmem>>, vector<1x1000x1xf32>
    %get3A_3 = vector.shape_cast %get3A_2 : vector<1x1000x1xf32> to vector<1000x1xf32>
    %add3A = arith.constant 1.000000e+00 : f32
    %add3A_4 = vector.broadcast %add3A : f32 to vector<1000x1xf32>
    %add3A_5 = arith.addf %get3A_3, %add3A_4 : vector<1000x1xf32>
    %rsqrt3A = math.rsqrt %add3A_5 : vector<1000x1xf32>
    %get3A_6 = arith.constant 0 : index
    %get3A_7 = arith.constant 0 : index
    %get3A_8 = vector.load %arg1[%get3A_6, %get3A_7] : memref<1000x128xf32, #tpu.memory_space<vmem>>, vector<1000x128xf32>
    %get3A_9 = arith.constant 0 : index
    %get3A_10 = arith.constant 0 : index
    %get3A_11 = vector.load %arg2[%get3A_9, %get3A_10] : memref<128x128xf32, #tpu.memory_space<vmem>>, vector<128x128xf32>
    %dot_general3A = arith.constant dense<0.000000e+00> : vector<1000x128xf32>
    %dot_general3A_12 = tpu.matmul %get3A_8, %get3A_11, %dot_general3A {dimension_numbers = #tpu.dot_dimension_numbers<[1], [1], [0], [0], [0, 0, 1, 0], [], []>, precision = #tpu.contract_precision<fp32>, transpose_lhs_hint = false} : vector<1000x128xf32>, vector<128x128xf32>, vector<1000x128xf32> -> vector<1000x128xf32>
    %mul3A = vector.broadcast %rsqrt3A : vector<1000x1xf32> to vector<1000x128xf32>
    %mul3A_13 = arith.mulf %dot_general3A_12, %mul3A : vector<1000x128xf32>
    %swap3A = arith.constant 0 : index
    %swap3A_14 = arith.constant 0 : index
    %swap3A_15 = vector.load %arg4[%swap3A, %swap3A_14] : memref<1000x128xf32, #tpu.memory_space<vmem>>, vector<1000x128xf32>
    tpu.vector_store %arg4[%swap3A, %swap3A_14], %mul3A_13 {strides = array<i32>} : memref<1000x128xf32, #tpu.memory_space<vmem>>, vector<1000x128xf32>,
    return
  }
  func.func @transform_0(%arg0: i32) -> (i32, i32) {
    %c0_i32 = arith.constant 0 : i32
    %c0_i32_0 = arith.constant 0 : i32
    return %arg0, %c0_i32 : i32, i32
  }
  func.func @transform_1(%arg0: i32) -> (i32, i32) {
    %c0_i32 = arith.constant 0 : i32
    %c0_i32_0 = arith.constant 0 : i32
    %c0_i32_1 = arith.constant 0 : i32
    return %c0_i32, %c0_i32_0 : i32, i32
  }
  func.func @transform_2(%arg0: i32) -> (i32, i32, i32) {
    %c0_i32 = arith.constant 0 : i32
    %c0_i32_0 = arith.constant 0 : i32
    %c0_i32_1 = arith.constant 0 : i32
    return %c0_i32, %arg0, %c0_i32_0 : i32, i32, i32
  }
  func.func @transform_3(%arg0: i32) -> (i32, i32) {
    %c0_i32 = arith.constant 0 : i32
    %c0_i32_0 = arith.constant 0 : i32
    return %arg0, %c0_i32 : i32, i32
  }
}

module attributes {stable_mosaic.version = 14 : i64} {
  func.func @_comb_body(%arg0: i32, %arg1: memref<1x1000x128xf32, #tpu.memory_space<vmem>>, %arg2: memref<1000x128xf32, #tpu.memory_space<vmem>>, %arg3: memref<1x1000x1xf32, #tpu.memory_space<vmem>>, %arg4: memref<1x128xf32, #tpu.memory_space<vmem>>, %arg5: memref<1000x128xf32, #tpu.memory_space<vmem>>) attributes {dimension_semantics = [#tpu.dimension_semantics<arbitrary>], iteration_bounds = array<i64: 10>, scalar_prefetch = 0 : i64, scratch_operands = 0 : i64, tpu.core_type = #tpu.core_type<tc>, window_params = [{transform_indices = @transform_0, window_bounds = array<i64: 1, 1000, 128>}, {transform_indices = @transform_1, window_bounds = array<i64: 1000, 128>}, {transform_indices = @transform_2, window_bounds = array<i64: 1, 1000, 1>}, {pipeline_mode = #tpu.pipeline_mode<synchronous>, transform_indices = @transform_3, window_bounds = array<i64: 1, 128>}, {transform_indices = @transform_4, window_bounds = array<i64: 1000, 128>}]} {
    %get3A = arith.constant 0 : index
    %get3A_0 = arith.constant 0 : index
    %get3A_1 = arith.constant 0 : index
    %get3A_2 = vector.load %arg3[%get3A, %get3A_0, %get3A_1] : memref<1x1000x1xf32, #tpu.memory_space<vmem>>, vector<1x1000x1xf32>
    %get3A_3 = vector.shape_cast %get3A_2 : vector<1x1000x1xf32> to vector<1000x1xf32>
    %add3A = arith.constant 1.000000e+00 : f32
    %add3A_4 = vector.broadcast %add3A : f32 to vector<1000x1xf32>
    %add3A_5 = arith.addf %get3A_3, %add3A_4 : vector<1000x1xf32>
    %rsqrt3A = math.rsqrt %add3A_5 : vector<1000x1xf32>
    %get3A_6 = arith.constant 0 : index
    %get3A_7 = arith.constant 0 : index
    %get3A_8 = arith.constant 0 : index
    %get3A_9 = vector.load %arg1[%get3A_6, %get3A_7, %get3A_8] : memref<1x1000x128xf32, #tpu.memory_space<vmem>>, vector<1x1000x128xf32>
    %get3A_10 = vector.shape_cast %get3A_9 : vector<1x1000x128xf32> to vector<1000x128xf32>
    %get3A_11 = arith.constant 0 : index
    %get3A_12 = arith.constant 0 : index
    %get3A_13 = vector.load %arg2[%get3A_11, %get3A_12] : memref<1000x128xf32, #tpu.memory_space<vmem>>, vector<1000x128xf32>
    %add3A_14 = arith.addf %get3A_10, %get3A_13 : vector<1000x128xf32>
    %mul3A = vector.broadcast %rsqrt3A : vector<1000x1xf32> to vector<1000x128xf32>
    %mul3A_15 = arith.mulf %mul3A, %add3A_14 : vector<1000x128xf32>
    %get3A_16 = arith.constant 0 : index
    %get3A_17 = arith.constant 0 : index
    %get3A_18 = vector.load %arg4[%get3A_16, %get3A_17] : memref<1x128xf32, #tpu.memory_space<vmem>>, vector<1x128xf32>
    %add3A_19 = vector.broadcast %get3A_18 : vector<1x128xf32> to vector<1000x128xf32>
    %add3A_20 = arith.addf %mul3A_15, %add3A_19 : vector<1000x128xf32>
    %swap3A = arith.constant 0 : index
    %swap3A_21 = arith.constant 0 : index
    %swap3A_22 = vector.load %arg5[%swap3A, %swap3A_21] : memref<1000x128xf32, #tpu.memory_space<vmem>>, vector<1000x128xf32>
    tpu.vector_store %arg5[%swap3A, %swap3A_21], %add3A_20 {strides = array<i32>} : memref<1000x128xf32, #tpu.memory_space<vmem>>, vector<1000x128xf32>,
    return
  }
  func.func @transform_0(%arg0: i32) -> (i32, i32, i32) {
    %c0_i32 = arith.constant 0 : i32
    %c0_i32_0 = arith.constant 0 : i32
    %c0_i32_1 = arith.constant 0 : i32
    return %c0_i32, %arg0, %c0_i32_0 : i32, i32, i32
  }
  func.func @transform_1(%arg0: i32) -> (i32, i32) {
    %c0_i32 = arith.constant 0 : i32
    %c0_i32_0 = arith.constant 0 : i32
    return %arg0, %c0_i32 : i32, i32
  }
  func.func @transform_2(%arg0: i32) -> (i32, i32, i32) {
    %c0_i32 = arith.constant 0 : i32
    %c0_i32_0 = arith.constant 0 : i32
    %c0_i32_1 = arith.constant 0 : i32
    return %c0_i32, %arg0, %c0_i32_0 : i32, i32, i32
  }
  func.func @transform_3(%arg0: i32) -> (i32, i32) {
    %c0_i32 = arith.constant 0 : i32
    %c0_i32_0 = arith.constant 0 : i32
    %c0_i32_1 = arith.constant 0 : i32
    return %c0_i32, %c0_i32_0 : i32, i32
  }
  func.func @transform_4(%arg0: i32) -> (i32, i32) {
    %c0_i32 = arith.constant 0 : i32
    %c0_i32_0 = arith.constant 0 : i32
    return %arg0, %c0_i32 : i32, i32
  }
}

</mosaic_0001>

<sc_bundles>
// kernel: kernel.10.cloned.1.call-start
scs
__scs_entry_jumppad:
0x0: {  	(pc) =	sbr.rel $0x88, $3  }
0x1: {  	(tag) =	ssettag $0x0;
	lr =	simm.s32 $0x1  }
0x2: {  	[smem:$0x3F98] =	sst lr;
	_ =	strace $0xD0000000  }
0x3: {  	_ = 	snop  }
0x4: {  	_ = 	snop  }
0x5: {  	_ = 	snop  }
0x6: {  	_ = 	snop  }
0x7: {  	_ = 	snop  }
__scs_overlays_trampoline_lowered:
0x8: {  	[smem:$0x3FA7] =	sst s0  }
0x9: {  	[smem:$0x3FA8] =	sst s1  }
0xa: {  	[smem:$0x3FA9] =	sst s2  }
0xb: {  	[smem:$0x3FAA] =	sst s3  }
0xc: {  	[smem:$0x3FAB] =	sst s4  }
0xd: {  	[smem:$0x3FAC] =	sst s5  }
0xe: {  	[smem:$0x3FAD] =	sst s6  }
0xf: {  	[smem:$0x3FAE] =	sst s7  }
0x10: {  	[smem:$0x3FAF] =	sst s8  }
0x11: {  	[smem:$0x3FB0] =	sst s9;
	s0 =	simm.s32 @!p0 $0x0  }
0x12: {  	s1 =	sld [smem:$0x3F96];
	s0 =	simm.s32 @p0 $0x1  }
0x13: {  	[smem:$0x3FB1] =	sst s0;
	s0 =	simm.s32 @!p1 $0x0  }
0x14: {  	s2 =	sld [smem:$0x3F95];
	s0 =	simm.s32 @p1 $0x1  }
0x15: {  	[smem:$0x3FB2] =	sst s0;
	s0 =	simm.s32 @!p2 $0x0  }
0x16: {  	s3 =	sld [smem:$0x3FDB];
	s0 =	simm.s32 @p2 $0x1  }
0x17: {  	s4 =	simm.s32 $0x1BF5;
	[smem:$0x3FB4] =	sst s0  }
0x18: {  	s0 =	sld [smem:$0x3F97];
	_ =	swait.ge [sflag:s4], $0x0  }
0x19: {  	s7 =	sld [smem:$0x3F98]  }
0x1a: {  	s8 =	sadd.s32 $0xFFFFE003, lr  }
0x1b: {  	s9 =	sadd.s32 $0xFFFFFEF7, lr;
	s5 =	simm.s32 $0xFFFFFFFF;
	p2 =	slt.u32 s8, $0xFFFFF086  }
0x1c: {  	p1 =	slt.u32 s9, $0xF7A;
	s5 =	simm.s32 @!p2 $0x0  }
0x1d: {  	s5 =	simm.s32 @p1 $0x1;
	p0 =	seq.s32 s7, s2  }
0x1e: {  	s7 =	smul.u32 @!p0 $0xF7A, s2;
	p2 =	seq.s32 @!p0 s5, $0x0  }
0x1f: {  	s9 =	smul.u32 $0xF7A, s1;
	s8 =	simm.s32 @!p0 $0x1BF5;
	p2 =	por !p2, p0  }
0x20: {  	[sflag:s8] =	ssyncset.s32 @!p0 $0xFFFFF086;
	s6 =	sadd.s32 @!p0 s3, s7;
	s7 =	simm.s32 @!p0 $0x108  }
0x21: {  	s3 =	sadd.s32 s3, s9;
	s6 =	sadd.s32 @!p0 $0x88, s6;
	s7 =	simm.s32 @p2 $0x1082  }
0x22: {  	[simem:s7], [sflag:s8] =	dma.local @!p0 [hbm:s6], $0xF7A  }
0x23: {  	s9 =	sor.u32 $0xD0000000, s2;
	s6 =	simm.s32 $0x108;
	_ =	swait.ge @!p0 [sflag:s8], $0x0  }
0x24: {  	s3 =	sadd.s32 $0x88, s3;
	s6 =	simm.s32 @!p1 $0x1082;
	[sflag:s4] =	ssyncset.s32 $0xFFFFF086  }
0x25: {  	[simem:s6], [sflag:s4] =	dma.local [hbm:s3], $0xF7A  }
0x26: {  	[smem:$0x3F98] =	sst s1;
	(tag) =	ssettag s2;
	_ =	strace s9  }
0x27: {  	s1 =	sld [smem:$0x3FA8]  }
0x28: {  	s2 =	sld [smem:$0x3FA9]  }
0x29: {  	s4 =	sld [smem:$0x3FAB]  }
0x2a: {  	p0 =	seq.s32 s5, $0x0;
	s5 =	sld [smem:$0x3FAC]  }
0x2b: {  	s6 =	sld [smem:$0x3FAD]  }
0x2c: {  	s7 =	sld [smem:$0x3FAE]  }
0x2d: {  	s3 =	simm.s32 $0x108;
	s8 =	sld [smem:$0x3FAF]  }
0x2e: {  	s3 =	simm.s32 @!p0 $0x1082;
	s9 =	sld [smem:$0x3FB0]  }
0x2f: {  	lr =	sadd.s32 s0, s3;
	s0 =	sld [smem:$0x3FA7]  }
0x30: {  	s3 =	sld [smem:$0x3FAA]  }
0x31: {  	[smem:$0x3FB3] =	sst s10  }
0x32: {  	s10 =	sld [smem:$0x3FB1];
	_ =	sdelay $0x3  }
0x33: {  	p0 =	seq.s32 s10, $0x1;
	s10 =	sld [smem:$0x3FB3];
	_ =	sdelay $0x3  }
0x34: {  	[smem:$0x3FB3] =	sst s10  }
0x35: {  	s10 =	sld [smem:$0x3FB2];
	_ =	sdelay $0x3  }
0x36: {  	p1 =	seq.s32 s10, $0x1;
	s10 =	sld [smem:$0x3FB3];
	_ =	sdelay $0x3  }
0x37: {  	[smem:$0x3FB3] =	sst s10  }
0x38: {  	s10 =	sld [smem:$0x3FB4]  }
0x39: {  	_ = 	snop;
	(pc) =	sbr.ind lr, $3  }
0x3a: {  	_ = 	snop  }
0x3b: {  	_ = 	snop  }
0x3c: {  	p2 =	seq.s32 s10, $0x1;
	s10 =	sld [smem:$0x3FB3]  }
0x3d: {  	_ =	shalt  }
0x3e: {  	_ =	shalt  }
0x3f: {  	_ =	shalt  }
0x40: {  	_ =	shalt  }
0x41: {  	_ =	shalt  }
0x42: {  	_ =	shalt  }
0x43: {  	_ =	shalt  }
0x44: {  	_ =	shalt  }
0x45: {  	_ =	shalt  }
0x46: {  	_ =	shalt  }
0x47: {  	_ =	shalt  }
0x48: {  	_ =	shalt  }
0x49: {  	_ =	shalt  }
0x4a: {  	_ =	shalt  }
0x4b: {  	_ =	shalt  }
0x4c: {  	_ =	shalt  }
0x4d: {  	_ =	shalt  }
0x4e: {  	_ =	shalt  }
0x4f: {  	_ =	shalt  }
0x50: {  	_ =	shalt  }
0x51: {  	_ =	shalt  }
0x52: {  	_ =	shalt  }
0x53: {  	_ =	shalt  }
0x54: {  	_ =	shalt  }
0x55: {  	_ =	shalt  }
0x56: {  	_ =	shalt  }
0x57: {  	_ =	shalt  }
0x58: {  	_ =	shalt  }
0x59: {  	_ =	shalt  }
0x5a: {  	_ =	shalt  }
0x5b: {  	_ =	shalt  }
0x5c: {  	_ =	shalt  }
0x5d: {  	_ =	shalt  }
0x5e: {  	_ =	shalt  }
0x5f: {  	_ =	shalt  }
0x60: {  	_ =	shalt  }
0x61: {  	_ =	shalt  }
0x62: {  	_ =	shalt  }
0x63: {  	_ =	shalt  }
0x64: {  	_ =	shalt  }
0x65: {  	_ =	shalt  }
0x66: {  	_ =	shalt  }
0x67: {  	_ =	shalt  }
0x68: {  	_ =	shalt  }
0x69: {  	_ =	shalt  }
0x6a: {  	_ =	shalt  }
0x6b: {  	_ =	shalt  }
0x6c: {  	_ =	shalt  }
0x6d: {  	_ =	shalt  }
0x6e: {  	_ =	shalt  }
0x6f: {  	_ =	shalt  }
0x70: {  	_ =	shalt  }
0x71: {  	_ =	shalt  }
0x72: {  	_ =	shalt  }
0x73: {  	_ =	shalt  }
0x74: {  	_ =	shalt  }
0x75: {  	_ =	shalt  }
0x76: {  	_ =	shalt  }
0x77: {  	_ =	shalt  }
0x78: {  	_ =	shalt  }
0x79: {  	_ =	shalt  }
0x7a: {  	_ =	shalt  }
0x7b: {  	_ =	shalt  }
0x7c: {  	_ =	shalt  }
0x7d: {  	_ =	shalt  }
0x7e: {  	_ =	shalt  }
0x7f: {  	_ =	shalt  }
0x80: {  	_ =	shalt  }
0x81: {  	_ =	shalt  }
0x82: {  	_ =	shalt  }
0x83: {  	_ =	shalt  }
0x84: {  	_ =	shalt  }
0x85: {  	_ =	shalt  }
0x86: {  	_ =	shalt  }
0x87: {  	_ =	shalt  }
.Lfunc_end0:
.L_simem_size_0:
called_computation.1_lowered:
.L_overlay_start_0:
0x88: {  	s0 =	sld [smem:$0x3FD9]  }
0x89: {  	s1 =	sld [smem:$0x3FFE];
	_ =	sdelay $0x3  }
0x8a: {  	s0 =	sadd.s32 s1, s0  }
0x8b: {  	[smem:$0x3FBF] =	sst s0  }
0x8c: {  	_ = 	snop  }
0x8d: {  	s0 =	sld [smem:$0x3FD0];
	(tm) =	ssettm $0x1  }
0x8e: {  	s16 =	sld [smem:$0x3FFB];
	_ =	sdelay $0x3  }
0x8f: {  	_ =	strace s16  }
0x90: {  	s1 =	sld [smem:$0x3FFC];
	_ =	sdelay $0x3  }
0x91: {  	_ =	strace s1  }
0x92: {  	s1 =	sld [smem:$0x3FFD];
	_ =	sdelay $0x3  }
0x93: {  	_ =	strace s1  }
0x94: {  	_ =	strace $0x8FFFFFFF  }
0x95: {  	s17 =	sld [smem:$0x3FDB];
	_ =	sdelay $0x1  }
0x96: {  	s2 =	simm.s32 $_scs_section_size  }
0x97: {  	s3 =	simm.s32 $_size__tile_overlayer_lowered;
	s4 =	simm.s32 $_tile_overlayer_lowered  }
0x98: {  	s20 =	simm.s32 $0x1BFF;
	s19 =	sshll.u32 s4, $0x1;
	s1 =	sadd.s32 s2, s17  }
0x99: {  	s5 =	simm.s32 $0x0;
	s18 =	sshll.u32 s3, $0x1;
	s3 =	sadd.s32 s19, s1  }
0x9a: {  	[timem:s5], [sflag:s20] =	dma.local [hbm:s3], s18  }
0x9b: {  	_ =	swait.ge [sflag:s20], s18  }
0x9c: {  	s2 =	ssub.s32 $0x0, s18;
	[sflag:s20] =	ssyncset.done $0x0  }
0x9d: {  	[sflag:s20] =	ssyncadd.s32 s2;
	_ =	sdelay $0x1  }
0x9e: {  	s21 =	simm.s32 $0x1B8B  }
0x9f: {  	_ =	swait.ge [sflag:s21], $0x1  }
0xa0: {  	[sflag:s21] =	ssyncset.done $0x0  }
0xa1: {  	s23 =	simm.s32 $0x1B8E;
	s22 =	sld [smem:$0x3FFE];
	[sflag:s21] =	ssyncadd.s32 $0xFFFFFFFF  }
0xa2: {  	s24 =	simm.s32 $execute0_lowered;
	[smem:$0x3FD2] =	sst s23  }
0xa3: {  	s3 =	sshll.u32 s24, $0x1;
	_ =	strace $0x80000049;
	[dreg:$0x1] =	wrdreg $0xFFFFFFFF  }
0xa4: {  	s25 =	simm.s32 $_size_execute0_lowered;
	s1 =	sadd.s32 s1, s3;
	[dreg:$0x0] =	wrdreg $0x0  }
0xa5: {  	s3 =	sshll.u32 s25, $0x1;
	[dreg:$0x2] =	wrdreg s1  }
0xa6: {  	[dreg:$0x3] =	wrdreg s3  }
0xa7: {  	[dreg:$0x4] =	wrdreg $0xC0  }
0xa8: {  	_ =	task [dreg:s5], $0x5FFFF  }
0xa9: {  	[dreg:$0x1] =	wrdreg $0xFFFFFFFF  }
0xaa: {  	[dreg:$0x0] =	wrdreg $0x60  }
0xab: {  	[dreg:$0x2] =	wrdreg s22  }
0xac: {  	[dreg:$0x3] =	wrdreg s0  }
0xad: {  	[dreg:$0x4] =	wrdreg $0x88000  }
0xae: {  	[dreg:$0x5] =	wrdreg $0x9  }
0xaf: {  	_ =	task.clear_ibuf [dreg:s5], $0x6FFFF;
	_ =	strace $0x90000049  }
0xb0: {  	s26 =	simm.s32 $0x9;
	_ =	strace $0x8000004B  }
0xb1: {  	_ =	swait.ge [sflag:s26], $0x1  }
0xb2: {  	[sflag:s26] =	ssyncadd.s32 $0xFFFFFFFF  }
0xb3: {  	_ =	strace $0x9000004B  }
0xb4: {  	_ =	sfence  }
0xb5: {  	s28 =	sld [smem:$0x0];
	_ =	sdelay $0x1  }
0xb6: {  	s29 =	srdreg.scid  }
0xb7: {  	s30 =	sshll.u32 s29, $0xD;
	s31 =	sshrl.u32 s29, $0x2  }
0xb8: {  	s2 =	sand.u32 $0x4000, s30;
	s1 =	sand.u32 $0x1, s29;
	s0 =	sadd.s32 s31, s28  }
0xb9: {  	s1 =	sor.u32 s2, s1;
	s0 =	sshll.u32 s0, $0x11  }
0xba: {  	s0 =	sor.u32 s0, s1  }
0xbb: {  	s0 =	sadd.s32 $0x8F2B, s0  }
0xbc: {  	[sflag:s0] =	ssyncadd.remote.s32 $0x1  }
0xbd: {  	_ =	sfence.sel $0xFFFF  }
0xbe: {  	[dreg:$0x0] =	wrdreg $0xFFFFFFFF;
	(pc) =	sbr.abs _section_cstart, $3  }
0xbf: {  	[dreg:$0x1] =	wrdreg $0xFFFFFFFF  }
0xc0: {  	_ =	task.clear_ibuf [dreg:s5], $0x2FFFF;
	_ =	strace $0x9FFFFFFF  }
0xc1: {  	(tm) =	ssettm $0x7FFFFFFF  }
tec
execute0_lowered:
.L_overlay_start_1:
0x0: {  	(tag) =	ssettag $0x1  }
0x1: {  	s4 =	rddreg [dreg:$0x0]  }
0x2: {  	s2 =	rddreg [dreg:$0x1]  }
0x3: {  	s3 =	rddreg [dreg:$0x2];
	s0 =	simm.s32 $0x0  }
0x4: {  	s9 =	stileid.u32;
	[smem:$0x7FF] =	sst s0  }
0x5: {  	s1 =	sadd.s32 $0x2400, s4;
	s5 =	sand.u32 $0x7E00, s0;
	s4 =	sadd.s32 $0x15E00, s4  }
0x6: {  	s6 =	sand.u32 $0x70, s0;
	_ =	strace $0x8000004A;
	s5 =	sshrl.u32 s5, $0x2  }
0x7: {  	v0 =	vimm.f32 $0.0e+00;
	[dreg:$0x4] =	wrdreg s4;
	s4 =	simm.s32 $0x40;
	s5 =	sor.u32 s6, s5  }
.LBB2_1:
0x8: {  	p0 =	sne.s32 s4, $0x4FC0  }
0x9: {  	[tilespmem:s5+$0x1000] =	vst v0;
	s0 =	sadd.s32 $0x10, s0;
	s5 =	smov.u32 s4;
	s4 =	sadd.s32 $0x40, s4  }
.Ltmp0:
0xa: {  	(pc) =	sbr.rel @p0 .LBB2_1-.Ltmp0, $4  }
0xb: {  	_ = 	snop  }
0xc: {  	s5 =	sand.u32 $0x7E00, s5  }
0xd: {  	s6 =	sand.u32 $0x70, s0;
	s5 =	sshrl.u32 s5, $0x2  }
0xe: {  	s5 =	sor.u32 s6, s5  }
0xf: {  	s0 =	smul.u32 $0x50000, s9;
	_ =	sdelay $0x1  }
0x10: {  	s0 =	sshrl.u32 s0, $0x2  }
0x11: {  	[tilespmem:s5+$0x1000] =	vst v0;
	s17 =	simm.s32 $0x1000;
	s23 =	simm.s32 $0x19;
	s22 =	sadd.s32 s0, s3  }
0x12: {  	[spmem:s22] =	stream.linear.scatter [tilespmem:s17], [sflag:$0x19], $0x1400, $0x38;
	[tilespmem:$0x1C800] =	vst v63  }
0x13: {  	_ =	swait.ge [sflag:s23], $0x1400  }
0x14: {  	[sflag:s23] =	ssyncset.done $0x0  }
0x15: {  	s4 =	sadd.s32 $0x1400, s22;
	[sflag:s23] =	ssyncadd.s32 $0xFFFFEC00  }
0x16: {  	[spmem:s4] =	stream.linear.scatter [tilespmem:s17], [sflag:$0x19], $0x1400, $0x38;
	[tilespmem:$0x1C800] =	vst v63  }
0x17: {  	_ =	swait.ge [sflag:s23], $0x1400  }
0x18: {  	[sflag:s23] =	ssyncset.done $0x0  }
0x19: {  	s24 =	sadd.s32 $0x2800, s22;
	[sflag:s23] =	ssyncadd.s32 $0xFFFFEC00  }
0x1a: {  	[spmem:s24] =	stream.linear.scatter [tilespmem:s17], [sflag:$0x19], $0x1400, $0x38;
	[tilespmem:$0x1C800] =	vst v63  }
0x1b: {  	_ =	swait.ge [sflag:s23], $0x1400  }
0x1c: {  	[sflag:s23] =	ssyncset.done $0x0  }
0x1d: {  	s25 =	sadd.s32 $0x3C00, s22;
	[sflag:s23] =	ssyncadd.s32 $0xFFFFEC00  }
0x1e: {  	[spmem:s25] =	stream.linear.scatter [tilespmem:s17], [sflag:$0x19], $0x1400, $0x38;
	[tilespmem:$0x1C800] =	vst v63  }
0x1f: {  	_ =	swait.ge [sflag:s23], $0x1400  }
0x20: {  	[sflag:s23] =	ssyncset.done $0x0  }
0x21: {  	s26 =	sadd.s32 $0x5000, s22;
	[sflag:s23] =	ssyncadd.s32 $0xFFFFEC00  }
0x22: {  	[spmem:s26] =	stream.linear.scatter [tilespmem:s17], [sflag:$0x19], $0x1400, $0x38;
	[tilespmem:$0x1C800] =	vst v63  }
0x23: {  	_ =	swait.ge [sflag:s23], $0x1400  }
0x24: {  	[sflag:s23] =	ssyncset.done $0x0  }
0x25: {  	s28 =	sadd.s32 $0x6400, s22;
	[sflag:s23] =	ssyncadd.s32 $0xFFFFEC00  }
0x26: {  	[spmem:s28] =	stream.linear.scatter [tilespmem:s17], [sflag:$0x19], $0x1400, $0x38;
	[tilespmem:$0x1C800] =	vst v63  }
0x27: {  	_ =	swait.ge [sflag:s23], $0x1400  }
0x28: {  	[sflag:s23] =	ssyncset.done $0x0  }
0x29: {  	s29 =	sadd.s32 $0x7800, s22;
	[sflag:s23] =	ssyncadd.s32 $0xFFFFEC00  }
0x2a: {  	[spmem:s29] =	stream.linear.scatter [tilespmem:s17], [sflag:$0x19], $0x1400, $0x38;
	[tilespmem:$0x1C800] =	vst v63  }
0x2b: {  	_ =	swait.ge [sflag:s23], $0x1400  }
0x2c: {  	[sflag:s23] =	ssyncset.done $0x0  }
0x2d: {  	s30 =	sadd.s32 $0x8C00, s22;
	[sflag:s23] =	ssyncadd.s32 $0xFFFFEC00  }
0x2e: {  	[spmem:s30] =	stream.linear.scatter [tilespmem:s17], [sflag:$0x19], $0x1400, $0x38;
	[tilespmem:$0x1C800] =	vst v63  }
0x2f: {  	_ =	swait.ge [sflag:s23], $0x1400  }
0x30: {  	[sflag:s23] =	ssyncset.done $0x0  }
0x31: {  	s6 =	sadd.s32 $0xA000, s22;
	[sflag:s23] =	ssyncadd.s32 $0xFFFFEC00  }
0x32: {  	[spmem:s6] =	stream.linear.scatter [tilespmem:s17], [sflag:$0x19], $0x1400, $0x38;
	[tilespmem:$0x1C800] =	vst v63  }
0x33: {  	_ =	swait.ge [sflag:s23], $0x1400  }
0x34: {  	[sflag:s23] =	ssyncset.done $0x0  }
0x35: {  	s7 =	sadd.s32 $0xB400, s22;
	[sflag:s23] =	ssyncadd.s32 $0xFFFFEC00  }
0x36: {  	[spmem:s7] =	stream.linear.scatter [tilespmem:s17], [sflag:$0x19], $0x1400, $0x38;
	[tilespmem:$0x1C800] =	vst v63  }
0x37: {  	_ =	swait.ge [sflag:s23], $0x1400  }
0x38: {  	[sflag:s23] =	ssyncset.done $0x0  }
0x39: {  	s8 =	sadd.s32 $0xC800, s22;
	[sflag:s23] =	ssyncadd.s32 $0xFFFFEC00  }
0x3a: {  	[spmem:s8] =	stream.linear.scatter [tilespmem:s17], [sflag:$0x19], $0x1400, $0x38;
	[tilespmem:$0x1C800] =	vst v63  }
0x3b: {  	_ =	swait.ge [sflag:s23], $0x1400  }
0x3c: {  	[sflag:s23] =	ssyncset.done $0x0  }
0x3d: {  	s10 =	sadd.s32 $0xDC00, s22;
	[sflag:s23] =	ssyncadd.s32 $0xFFFFEC00  }
0x3e: {  	[spmem:s10] =	stream.linear.scatter [tilespmem:s17], [sflag:$0x19], $0x1400, $0x38;
	[tilespmem:$0x1C800] =	vst v63  }
0x3f: {  	_ =	swait.ge [sflag:s23], $0x1400  }
0x40: {  	[sflag:s23] =	ssyncset.done $0x0  }
0x41: {  	s11 =	sadd.s32 $0xF000, s22;
	[sflag:s23] =	ssyncadd.s32 $0xFFFFEC00  }
0x42: {  	[spmem:s11] =	stream.linear.scatter [tilespmem:s17], [sflag:$0x19], $0x1400, $0x38;
	[tilespmem:$0x1C800] =	vst v63  }
0x43: {  	_ =	swait.ge [sflag:s23], $0x1400  }
0x44: {  	[sflag:s23] =	ssyncset.done $0x0  }
0x45: {  	s12 =	sadd.s32 $0x10400, s22;
	[sflag:s23] =	ssyncadd.s32 $0xFFFFEC00  }
0x46: {  	[spmem:s12] =	stream.linear.scatter [tilespmem:s17], [sflag:$0x19], $0x1400, $0x38;
	[tilespmem:$0x1C800] =	vst v63  }
0x47: {  	_ =	swait.ge [sflag:s23], $0x1400  }
0x48: {  	[sflag:s23] =	ssyncset.done $0x0  }
0x49: {  	s13 =	sadd.s32 $0x11800, s22;
	[sflag:s23] =	ssyncadd.s32 $0xFFFFEC00  }
0x4a: {  	[spmem:s13] =	stream.linear.scatter [tilespmem:s17], [sflag:$0x19], $0x1400, $0x38;
	[tilespmem:$0x1C800] =	vst v63  }
0x4b: {  	_ =	swait.ge [sflag:s23], $0x1400  }
0x4c: {  	[sflag:s23] =	ssyncset.done $0x0  }
0x4d: {  	s5 =	sadd.s32 $0x12C00, s22;
	[dreg:$0x5] =	wrdreg s22;
	[sflag:s23] =	ssyncadd.s32 $0xFFFFEC00  }
0x4e: {  	[spmem:s5] =	stream.linear.scatter [tilespmem:s17], [sflag:$0x19], $0x1400, $0x38;
	[tilespmem:$0x1C800] =	vst v63  }
0x4f: {  	s4 =	smul.u32 $0x4E20, s9;
	_ =	swait.ge [sflag:s23], $0x1400  }
0x50: {  	s20 =	simm.s32 $0x800;
	[sflag:s23] =	ssyncset.done $0x0  }
0x51: {  	s14 =	sshrl.u32 s4, $0x3;
	s15 =	sadd.s32 $0x28, s4;
	[sflag:s23] =	ssyncadd.s32 $0xFFFFEC00  }
0x52: {  	s7 =	simm.s32 $0x0;
	s5 =	sadd.s32 s1, s14;
	[bflag:$0x0] =	sbarrier.arrive $0xFFFF  }
0x53: {  	[tilespmem:s7], [sflag:$0x1] =	stream.linear.gather [hbm4b:s5+s7], $0x28, $0x38;
	[tilespmem:$0x1C800] =	vst v63  }
0x54: {  	s0 =	sshrl.u32 s15, $0x3;
	s8 =	sadd.s32 $0x4E228, s4;
	s6 =	sadd.s32 $0x9C40, s5  }
0x55: {  	[tilespmem:s20], [sflag:$0x1] =	stream.linear.gather [hbm4b:s6+s7], $0x28, $0x38;
	[tilespmem:$0x1C800] =	vst v63  }
0x56: {  	s0 =	sadd.s32 s1, s0;
	s16 =	sshrl.u32 s8, $0x3;
	s10 =	simm.s32 $0x80  }
0x57: {  	[tilespmem:s10], [sflag:$0x2] =	stream.linear.gather [hbm4b:s0+s7], $0x28, $0x38;
	[tilespmem:$0x1C800] =	vst v63  }
0x58: {  	s21 =	simm.s32 $0x880;
	s25 =	sadd.s32 $0x4E278, s4;
	s18 =	sadd.s32 s1, s16  }
0x59: {  	[tilespmem:s21], [sflag:$0x2] =	stream.linear.gather [hbm4b:s18+s7], $0x28, $0x38;
	[tilespmem:$0x1C800] =	vst v63  }
0x5a: {  	s11 =	simm.s32 $0x100;
	s19 =	sadd.s32 $0xA, s5;
	s23 =	sadd.s32 $0x78, s4  }
0x5b: {  	[tilespmem:s11], [sflag:$0x3] =	stream.linear.gather [hbm4b:s19+s7], $0x28, $0x38;
	[tilespmem:$0x1C800] =	vst v63  }
0x5c: {  	s12 =	simm.s32 $0x900;
	s22 =	sadd.s32 $0x9C4A, s5;
	s24 =	sshrl.u32 s23, $0x3  }
0x5d: {  	[tilespmem:s12], [sflag:$0x3] =	stream.linear.gather [hbm4b:s22+s7], $0x28, $0x38;
	[tilespmem:$0x1C800] =	vst v63  }
0x5e: {  	s28 =	sshrl.u32 s25, $0x3;
	s26 =	sadd.s32 s1, s24;
	s12 =	simm.s32 $0x180  }
0x5f: {  	[tilespmem:s12], [sflag:$0x4] =	stream.linear.gather [hbm4b:s26+s7], $0x28, $0x38;
	[tilespmem:$0x1C800] =	vst v63  }
0x60: {  	s29 =	sadd.s32 s1, s28;
	s16 =	sadd.s32 $0xC8, s4;
	s14 =	simm.s32 $0x980  }
0x61: {  	[tilespmem:s14], [sflag:$0x4] =	stream.linear.gather [hbm4b:s29+s7], $0x28, $0x38;
	[tilespmem:$0x1C800] =	vst v63  }
0x62: {  	s13 =	simm.s32 $0x200;
	s30 =	sadd.s32 $0x14, s5;
	s15 =	sadd.s32 $0x9C54, s5  }
0x63: {  	[tilespmem:s13], [sflag:$0x5] =	stream.linear.gather [hbm4b:s30+s7], $0x28, $0x38;
	[tilespmem:$0x1C800] =	vst v63  }
0x64: {  	s18 =	sshrl.u32 s16, $0x3;
	s19 =	sadd.s32 $0x4E2C8, s4;
	s14 =	simm.s32 $0xA00  }
0x65: {  	[tilespmem:s14], [sflag:$0x5] =	stream.linear.gather [hbm4b:s15+s7], $0x28, $0x38;
	[tilespmem:$0x1C800] =	vst v63  }
0x66: {  	s23 =	simm.s32 $0x280;
	s21 =	sadd.s32 s1, s18;
	s22 =	sshrl.u32 s19, $0x3  }
0x67: {  	[tilespmem:s23], [sflag:$0x6] =	stream.linear.gather [hbm4b:s21+s7], $0x28, $0x38;
	[tilespmem:$0x1C800] =	vst v63  }
0x68: {  	s8 =	simm.s32 $0xB00;
	s24 =	sadd.s32 s1, s22;
	s26 =	simm.s32 $0xA80  }
0x69: {  	[tilespmem:s26], [sflag:$0x6] =	stream.linear.gather [hbm4b:s24+s7], $0x28, $0x38;
	[tilespmem:$0x1C800] =	vst v63  }
0x6a: {  	s25 =	sadd.s32 $0x1E, s5;
	s29 =	sadd.s32 $0x118, s4;
	s30 =	simm.s32 $0x300  }
0x6b: {  	[tilespmem:s30], [sflag:$0x7] =	stream.linear.gather [hbm4b:s25+s7], $0x28, $0x38;
	[tilespmem:$0x1C800] =	vst v63  }
0x6c: {  	s28 =	sadd.s32 $0x9C5E, s5;
	s4 =	sadd.s32 $0x4E318, s4;
	s5 =	sshrl.u32 s29, $0x3  }
0x6d: {  	[tilespmem:s8], [sflag:$0x7] =	stream.linear.gather [hbm4b:s28+s7], $0x28, $0x38;
	[tilespmem:$0x1C800] =	vst v63  }
0x6e: {  	s4 =	sshrl.u32 s4, $0x3;
	s14 =	sadd.s32 s1, s5;
	s15 =	simm.s32 $0x380  }
0x6f: {  	[tilespmem:s15], [sflag:$0x8] =	stream.linear.gather [hbm4b:s14+s7], $0x28, $0x38;
	[tilespmem:$0x1C800] =	vst v63  }
0x70: {  	s18 =	simm.s32 $0xB80;
	s19 =	simm.s32 $0x1;
	s16 =	sadd.s32 s1, s4  }
0x71: {  	[tilespmem:s18], [sflag:$0x8] =	stream.linear.gather [hbm4b:s16+s7], $0x28, $0x38;
	[tilespmem:$0x1C800] =	vst v63  }
0x72: {  	_ =	swait.ge [sflag:s19], $0x28  }
0x73: {  	[sflag:s19] =	ssyncset.done $0x0  }
0x74: {  	[sflag:s19] =	ssyncadd.s32 $0xFFFFFFD8  }
0x75: {  	_ =	swait.ge [sflag:s19], $0x28  }
0x76: {  	[sflag:s19] =	ssyncset.done $0x0  }
0x77: {  	s21 =	simm.s32 $0x2;
	s24 =	simm.s32 $0x28;
	[sflag:s19] =	ssyncadd.s32 $0xFFFFFFD8  }
0x78: {  	[tilespmem:s17], [sflag:$0xD] =	stream.indirect.gather [hbm4b:s2+s24], $0x80, s7, s24, $0xb8;
	[tilespmem:$0x1C800] =	vst v63  }
0x79: {  	_ =	swait.ge [sflag:s21], $0x28  }
0x7a: {  	[sflag:s21] =	ssyncset.done $0x0  }
0x7b: {  	[sflag:s21] =	ssyncadd.s32 $0xFFFFFFD8  }
0x7c: {  	_ =	swait.ge [sflag:s21], $0x28  }
0x7d: {  	[sflag:s21] =	ssyncset.done $0x0  }
0x7e: {  	s22 =	simm.s32 $0x3;
	s26 =	simm.s32 $0x2400;
	[sflag:s21] =	ssyncadd.s32 $0xFFFFFFD8  }
0x7f: {  	[tilespmem:s26], [sflag:$0xE] =	stream.indirect.gather [hbm4b:s2+s24], $0x80, s10, s24, $0xb8;
	[tilespmem:$0x1C800] =	vst v63  }
0x80: {  	_ =	swait.ge [sflag:s22], $0x28  }
0x81: {  	[sflag:s22] =	ssyncset.done $0x0  }
0x82: {  	[sflag:s22] =	ssyncadd.s32 $0xFFFFFFD8  }
0x83: {  	_ =	swait.ge [sflag:s22], $0x28  }
0x84: {  	[sflag:s22] =	ssyncset.done $0x0  }
0x85: {  	s6 =	simm.s32 $0x3800;
	s23 =	simm.s32 $0x4;
	[sflag:s22] =	ssyncadd.s32 $0xFFFFFFD8  }
0x86: {  	[tilespmem:s6], [sflag:$0xF] =	stream.indirect.gather [hbm4b:s2+s24], $0x80, s11, s24, $0xb8;
	[tilespmem:$0x1C800] =	vst v63  }
0x87: {  	_ =	swait.ge [sflag:s23], $0x28  }
0x88: {  	[sflag:s23] =	ssyncset.done $0x0  }
0x89: {  	s31 =	simm.s32 $0x11;
	[sflag:s23] =	ssyncadd.s32 $0xFFFFFFD8  }
0x8a: {  	s0 =	simm.s32 $0x7400;
	s29 =	simm.s32 $0x6000;
	_ =	swait.ge [sflag:s23], $0x28  }
0x8b: {  	s4 =	simm.s32 $0x300;
	s25 =	simm.s32 $0x4C00;
	[sflag:s23] =	ssyncset.done $0x0  }
0x8c: {  	s30 =	smul.u32 $0x9C4, s9;
	s28 =	simm.s32 $0x5;
	[sflag:s23] =	ssyncadd.s32 $0xFFFFFFD8  }
0x8d: {  	[tilespmem:s25], [sflag:$0x10] =	stream.indirect.gather [hbm4b:s2+s24], $0x80, s12, s24, $0xb8;
	[tilespmem:$0x1C800] =	vst v63  }
0x8e: {  	s9 =	simm.s32 $0xFFFFFFFC;
	s8 =	simm.s32 $0xE;
	_ =	swait.ge [sflag:s28], $0x28  }
0x8f: {  	s14 =	simm.s32 $0x8;
	s15 =	simm.s32 $0x0;
	[sflag:s28] =	ssyncset.done $0x0  }
0x90: {  	s19 =	simm.s32 $0x16;
	s21 =	simm.s32 $0x12;
	[sflag:s28] =	ssyncadd.s32 $0xFFFFFFD8  }
.Ltmp1:
0x91: {  	s10 =	simm.s32 $0x7;
	_ =	swait.ge [sflag:s28], $0x28;
	(pc) =	sbr.rel .LBB2_3-.Ltmp1, $4  }
0x92: {  	s22 =	simm.s32 $0x17;
	s11 =	simm.s32 $0xD;
	[sflag:s28] =	ssyncset.done $0x0  }
0x93: {  	s23 =	simm.s32 $0x0;
	s12 =	sadd.s32 s30, s1;
	[sflag:s28] =	ssyncadd.s32 $0xFFFFFFD8  }
0x94: {  	[tilespmem:s29], [sflag:$0x11] =	stream.indirect.gather [hbm4b:s2+s24], $0x80, s13, s24, $0xb8;
	[tilespmem:$0x1C800] =	vst v63  }
0x95: {  	[dreg:$0x6] =	wrdreg s12;
	s13 =	simm.s32 $0x6;
	s2 =	simm.s32 $0xF  }
.LBB2_6:
0x96: {  	_ =	swait.ge [sflag:s31], $0x1400  }
0x97: {  	[sflag:s31] =	ssyncset.done $0x0  }
0x98: {  	s1 =	simm.s32 $0xA00;
	s5 =	simm.s32 $0x6000;
	[sflag:s31] =	ssyncadd.s32 $0xFFFFEC00  }
0x99: {  	[spmem:s3] =	stream.indirect.scatter.add.f32 [tilespmem:s5], [sflag:$0x17], $0x80, s1, s24, $0xb8;
	[tilespmem:$0x1C800] =	vst v63  }
0x9a: {  	_ =	swait.ge [sflag:s19], $0x1400  }
0x9b: {  	[sflag:s19] =	ssyncset.done $0x0  }
0x9c: {  	[sflag:s19] =	ssyncadd.s32 $0xFFFFEC00  }
0x9d: {  	_ =	swait.ge [sflag:s21], $0x1400  }
0x9e: {  	[sflag:s21] =	ssyncset.done $0x0  }
0x9f: {  	s17 =	simm.s32 $0xA80;
	[sflag:s21] =	ssyncadd.s32 $0xFFFFEC00  }
0xa0: {  	[spmem:s3] =	stream.indirect.scatter.add.f32 [tilespmem:s18], [sflag:$0x18], $0x80, s17, s24, $0xb8;
	[tilespmem:$0x1C800] =	vst v63  }
0xa1: {  	_ =	swait.ge [sflag:s22], $0x1400  }
0xa2: {  	[sflag:s22] =	ssyncset.done $0x0  }
0xa3: {  	[sflag:s22] =	ssyncadd.s32 $0xFFFFEC00  }
0xa4: {  	_ =	swait.ge [sflag:s11], $0x1400  }
0xa5: {  	[sflag:s11] =	ssyncset.done $0x0  }
0xa6: {  	s25 =	simm.s32 $0xB00;
	s26 =	simm.s32 $0x18;
	[sflag:s11] =	ssyncadd.s32 $0xFFFFEC00  }
0xa7: {  	[spmem:s3] =	stream.indirect.scatter.add.f32 [tilespmem:s20], [sflag:$0x13], $0x80, s25, s24, $0xb8;
	[tilespmem:$0x1C800] =	vst v63  }
0xa8: {  	_ =	swait.ge [sflag:s26], $0x1400  }
0xa9: {  	[sflag:s26] =	ssyncset.done $0x0  }
0xaa: {  	[sflag:s26] =	ssyncadd.s32 $0xFFFFEC00  }
0xab: {  	_ =	swait.ge [sflag:s8], $0x1400  }
0xac: {  	[sflag:s8] =	ssyncset.done $0x0  }
0xad: {  	s28 =	simm.s32 $0xB80;
	s29 =	simm.s32 $0x13;
	[sflag:s8] =	ssyncadd.s32 $0xFFFFEC00  }
0xae: {  	[spmem:s3] =	stream.indirect.scatter.add.f32 [tilespmem:s0], [sflag:$0x14], $0x80, s28, s24, $0xb8;
	[tilespmem:$0x1C800] =	vst v63  }
0xaf: {  	_ =	swait.ge [sflag:s29], $0x1400  }
0xb0: {  	[sflag:s29] =	ssyncset.done $0x0  }
0xb1: {  	s30 =	simm.s32 $0x14;
	[sflag:s29] =	ssyncadd.s32 $0xFFFFEC00  }
0xb2: {  	_ =	swait.ge [sflag:s30], $0x1400  }
0xb3: {  	s17 =	simm.s32 $0x1000;
	s20 =	simm.s32 $0x800;
	[sflag:s30] =	ssyncset.done $0x0  }
0xb4: {  	s26 =	simm.s32 $0x2400;
	s0 =	simm.s32 $0x7400;
	[sflag:s30] =	ssyncadd.s32 $0xFFFFEC00  }
.LBB2_7:
0xb5: {  	s23 =	sadd.s32 $0x3C, s23  }
0xb6: {  	p0 =	sne.s32 s23, $0xA14  }
.Ltmp2:
0xb7: {  	_ = 	snop;
	(pc) =	sbr.rel @!p0 .LBB2_8-.Ltmp2, $3  }
0xb8: {  	_ =	sdelay $0x1  }
0xb9: {  	s15 =	sadd.s32 $0x1, s15  }
0xba: {  	s9 =	sadd.s32 $0xC, s9;
	s6 =	simm.s32 $0x3800;
	s2 =	simm.s32 $0xF  }
.LBB2_3:
0xbb: {  	p0 =	seq.s32 s23, $0x9D8  }
.Ltmp3:
0xbc: {  	_ = 	snop;
	(pc) =	sbr.rel @p0 .LBB2_8-.Ltmp3, $1  }
0xbd: {  	_ =	sdelay $0x3  }
0xbe: {  	_ =	swait.ge [sflag:s11], $0x1400  }
0xbf: {  	p0 =	sgt.u32 s9, $0x1F3;
	[sflag:s11] =	ssyncset.done $0x0  }
0xc0: {  	s25 =	simm.s32 @!p0 $0x18;
	[sflag:s11] =	ssyncadd.s32 $0xFFFFEC00  }
0xc1: {  	[spmem:s3] =	stream.indirect.scatter.add.f32 [tilespmem:s17], [sflag:$0x13], $0x80, s20, s24, $0xb8;
	[tilespmem:$0x1C800] =	vst v63  }
0xc2: {  	_ =	swait.ge @!p0 [sflag:s25], $0x1400  }
0xc3: {  	[sflag:s25] =	ssyncset.done @!p0 $0x0  }
0xc4: {  	[sflag:s25] =	ssyncadd.s32 @!p0 $0xFFFFEC00  }
0xc5: {  	_ =	swait.ge [sflag:s13], $0x28  }
0xc6: {  	[sflag:s13] =	ssyncset.done $0x0  }
0xc7: {  	[sflag:s13] =	ssyncadd.s32 $0xFFFFFFD8  }
0xc8: {  	_ =	swait.ge [sflag:s13], $0x28  }
0xc9: {  	[sflag:s13] =	ssyncset.done $0x0  }
0xca: {  	p0 =	sgt.u32 s15, $0x28;
	[sflag:s13] =	ssyncadd.s32 $0xFFFFFFD8  }
0xcb: {  	s1 =	simm.s32 $0x280;
	s25 =	sadd.s32 @!p0 s23, s12;
	s16 =	rddreg [dreg:$0x1]  }
0xcc: {  	[tilespmem:s0], [sflag:$0x12] =	stream.indirect.gather [hbm4b:s16+s24], $0x80, s1, s24, $0xb8;
	[tilespmem:$0x1C800] =	vst v63  }
0xcd: {  	s17 =	simm.s32 @!p0 $0x0;
	s28 =	simm.s32 @!p0 $0x400;
	s1 =	sadd.s32 @!p0 $0x28, s25  }
0xce: {  	[tilespmem:s28], [sflag:$0x9] =	stream.linear.gather @!p0 [hbm4b:s1+s17], $0x28, $0x38;
	[tilespmem:$0x1C800] =	vst v63  }
0xcf: {  	s1 =	sadd.s32 @!p0 $0x9C68, s25;
	s28 =	simm.s32 @!p0 $0xC00  }
0xd0: {  	[tilespmem:s28], [sflag:$0x9] =	stream.linear.gather @!p0 [hbm4b:s1+s17], $0x28, $0x38;
	[tilespmem:$0x1C800] =	vst v63  }
0xd1: {  	_ =	swait.ge [sflag:s8], $0x1400  }
0xd2: {  	p1 =	sgt.u32 s15, $0x29;
	[sflag:s8] =	ssyncset.done $0x0  }
0xd3: {  	s30 =	simm.s32 $0x880;
	s1 =	simm.s32 @!p1 $0x13;
	[sflag:s8] =	ssyncadd.s32 $0xFFFFEC00  }
0xd4: {  	[spmem:s3] =	stream.indirect.scatter.add.f32 [tilespmem:s26], [sflag:$0x14], $0x80, s30, s24, $0xb8;
	[tilespmem:$0x1C800] =	vst v63  }
0xd5: {  	_ =	swait.ge @!p1 [sflag:s1], $0x1400  }
0xd6: {  	[sflag:s1] =	ssyncset.done @!p1 $0x0  }
0xd7: {  	[sflag:s1] =	ssyncadd.s32 @!p1 $0xFFFFEC00  }
0xd8: {  	_ =	swait.ge [sflag:s10], $0x28  }
0xd9: {  	[sflag:s10] =	ssyncset.done $0x0  }
0xda: {  	[sflag:s10] =	ssyncadd.s32 $0xFFFFFFD8  }
0xdb: {  	_ =	swait.ge [sflag:s10], $0x28  }
0xdc: {  	[sflag:s10] =	ssyncset.done $0x0  }
0xdd: {  	s20 =	simm.s32 $0x1000;
	[sflag:s10] =	ssyncadd.s32 $0xFFFFFFD8  }
0xde: {  	[tilespmem:s20], [sflag:$0xD] =	stream.indirect.gather [hbm4b:s16+s24], $0x80, s4, s24, $0xb8;
	[tilespmem:$0x1C800] =	vst v63  }
0xdf: {  	s28 =	simm.s32 @!p0 $0x480;
	s1 =	sadd.s32 @!p0 $0x2D, s25  }
0xe0: {  	[tilespmem:s28], [sflag:$0xA] =	stream.linear.gather @!p0 [hbm4b:s1+s17], $0x28, $0x38;
	[tilespmem:$0x1C800] =	vst v63  }
0xe1: {  	s1 =	sadd.s32 @!p0 $0x9C6D, s25;
	s28 =	simm.s32 @!p0 $0xC80  }
0xe2: {  	[tilespmem:s28], [sflag:$0xA] =	stream.linear.gather @!p0 [hbm4b:s1+s17], $0x28, $0x38;
	[tilespmem:$0x1C800] =	vst v63  }
0xe3: {  	_ =	swait.ge [sflag:s2], $0x1400  }
0xe4: {  	[sflag:s2] =	ssyncset.done $0x0  }
0xe5: {  	s29 =	simm.s32 $0x900;
	s1 =	simm.s32 @!p1 $0x14;
	[sflag:s2] =	ssyncadd.s32 $0xFFFFEC00  }
0xe6: {  	[spmem:s3] =	stream.indirect.scatter.add.f32 [tilespmem:s6], [sflag:$0x15], $0x80, s29, s24, $0xb8;
	[tilespmem:$0x1C800] =	vst v63  }
0xe7: {  	_ =	swait.ge @!p1 [sflag:s1], $0x1400  }
0xe8: {  	[sflag:s1] =	ssyncset.done @!p1 $0x0  }
0xe9: {  	[sflag:s1] =	ssyncadd.s32 @!p1 $0xFFFFEC00  }
0xea: {  	_ =	swait.ge [sflag:s14], $0x28  }
0xeb: {  	[sflag:s14] =	ssyncset.done $0x0  }
0xec: {  	[sflag:s14] =	ssyncadd.s32 $0xFFFFFFD8  }
0xed: {  	_ =	swait.ge [sflag:s14], $0x28  }
0xee: {  	[sflag:s14] =	ssyncset.done $0x0  }
0xef: {  	s0 =	simm.s32 $0x2400;
	s6 =	simm.s32 $0x380;
	[sflag:s14] =	ssyncadd.s32 $0xFFFFFFD8  }
0xf0: {  	[tilespmem:s0], [sflag:$0xE] =	stream.indirect.gather [hbm4b:s16+s24], $0x80, s6, s24, $0xb8;
	[tilespmem:$0x1C800] =	vst v63  }
0xf1: {  	s28 =	simm.s32 @!p0 $0x500;
	s1 =	sadd.s32 @!p0 $0x32, s25  }
0xf2: {  	[tilespmem:s28], [sflag:$0xB] =	stream.linear.gather @!p0 [hbm4b:s1+s17], $0x28, $0x38;
	[tilespmem:$0x1C800] =	vst v63  }
0xf3: {  	s1 =	sadd.s32 @!p0 $0x9C72, s25;
	s25 =	simm.s32 @!p0 $0xD00  }
0xf4: {  	[tilespmem:s25], [sflag:$0xB] =	stream.linear.gather @!p0 [hbm4b:s1+s17], $0x28, $0x38;
	[tilespmem:$0x1C800] =	vst v63  }
0xf5: {  	s25 =	simm.s32 $0x10  }
0xf6: {  	s6 =	simm.s32 $0x4C00;
	p0 =	sgt.u32 @!p1 s15, $0x28;
	_ =	swait.ge [sflag:s25], $0x1400  }
0xf7: {  	s28 =	simm.s32 $0x980;
	p0 =	por p1, p0;
	[sflag:s25] =	ssyncset.done $0x0  }
.Ltmp4:
0xf8: {  	s1 =	simm.s32 @!p1 $0x15;
	[sflag:s25] =	ssyncadd.s32 $0xFFFFEC00;
	(pc) =	sbr.rel @p0 .LBB2_6-.Ltmp4, $4  }
0xf9: {  	[spmem:s3] =	stream.indirect.scatter.add.f32 [tilespmem:s6], [sflag:$0x16], $0x80, s28, s24, $0xb8;
	[tilespmem:$0x1C800] =	vst v63  }
0xfa: {  	_ =	swait.ge @!p1 [sflag:s1], $0x1400  }
0xfb: {  	s5 =	simm.s32 $0x800;
	s18 =	simm.s32 $0x7400;
	[sflag:s1] =	ssyncset.done @!p1 $0x0  }
0xfc: {  	s26 =	simm.s32 $0x3800;
	s2 =	simm.s32 $0xF;
	[sflag:s1] =	ssyncadd.s32 @!p1 $0xFFFFEC00  }
0xfd: {  	s1 =	simm.s32 $0x9  }
0xfe: {  	_ =	swait.ge [sflag:s1], $0x28  }
0xff: {  	[sflag:s1] =	ssyncset.done $0x0  }
0x100: {  	[sflag:s1] =	ssyncadd.s32 $0xFFFFFFD8  }
0x101: {  	_ =	swait.ge [sflag:s1], $0x28  }
0x102: {  	[sflag:s1] =	ssyncset.done $0x0  }
0x103: {  	s17 =	simm.s32 $0x400;
	s25 =	sadd.s32 s23, s12;
	[sflag:s1] =	ssyncadd.s32 $0xFFFFFFD8  }
0x104: {  	[tilespmem:s26], [sflag:$0xF] =	stream.indirect.gather [hbm4b:s16+s24], $0x80, s17, s24, $0xb8;
	[tilespmem:$0x1C800] =	vst v63  }
0x105: {  	s18 =	sadd.s32 $0x37, s25;
	s17 =	simm.s32 $0x580  }
0x106: {  	[tilespmem:s17], [sflag:$0xC] =	stream.linear.gather [hbm4b:s18+s7], $0x28, $0x38;
	[tilespmem:$0x1C800] =	vst v63  }
0x107: {  	s12 =	sadd.s32 $0x9C77, s25;
	s18 =	simm.s32 $0xD80  }
0x108: {  	[tilespmem:s18], [sflag:$0xC] =	stream.linear.gather [hbm4b:s12+s7], $0x28, $0x38;
	[tilespmem:$0x1C800] =	vst v63  }
0x109: {  	_ =	swait.ge [sflag:s31], $0x1400  }
0x10a: {  	[sflag:s31] =	ssyncset.done $0x0  }
0x10b: {  	s18 =	simm.s32 $0xA00;
	s12 =	simm.s32 $0x6000;
	[sflag:s31] =	ssyncadd.s32 $0xFFFFEC00  }
0x10c: {  	[spmem:s3] =	stream.indirect.scatter.add.f32 [tilespmem:s12], [sflag:$0x17], $0x80, s18, s24, $0xb8;
	[tilespmem:$0x1C800] =	vst v63  }
0x10d: {  	_ =	swait.ge [sflag:s19], $0x1400  }
0x10e: {  	[sflag:s19] =	ssyncset.done $0x0  }
0x10f: {  	s18 =	simm.s32 $0xA;
	[sflag:s19] =	ssyncadd.s32 $0xFFFFEC00  }
0x110: {  	_ =	swait.ge [sflag:s18], $0x28  }
0x111: {  	[sflag:s18] =	ssyncset.done $0x0  }
0x112: {  	[sflag:s18] =	ssyncadd.s32 $0xFFFFFFD8  }
0x113: {  	_ =	swait.ge [sflag:s18], $0x28  }
0x114: {  	[sflag:s18] =	ssyncset.done $0x0  }
0x115: {  	[sflag:s18] =	ssyncadd.s32 $0xFFFFFFD8;
	s18 =	simm.s32 $0x480  }
0x116: {  	[tilespmem:s6], [sflag:$0x10] =	stream.indirect.gather [hbm4b:s16+s24], $0x80, s18, s24, $0xb8;
	[tilespmem:$0x1C800] =	vst v63  }
0x117: {  	s6 =	sadd.s32 $0x3C, s25  }
0x118: {  	[tilespmem:s7], [sflag:$0x1] =	stream.linear.gather [hbm4b:s6+s7], $0x28, $0x38;
	[tilespmem:$0x1C800] =	vst v63  }
0x119: {  	s18 =	sadd.s32 $0x9C7C, s25  }
0x11a: {  	[tilespmem:s5], [sflag:$0x1] =	stream.linear.gather [hbm4b:s18+s7], $0x28, $0x38;
	[tilespmem:$0x1C800] =	vst v63  }
0x11b: {  	_ =	swait.ge [sflag:s21], $0x1400  }
0x11c: {  	[sflag:s21] =	ssyncset.done $0x0  }
0x11d: {  	s5 =	simm.s32 $0xA80;
	s18 =	simm.s32 $0x7400;
	[sflag:s21] =	ssyncadd.s32 $0xFFFFEC00  }
0x11e: {  	[spmem:s3] =	stream.indirect.scatter.add.f32 [tilespmem:s18], [sflag:$0x18], $0x80, s5, s24, $0xb8;
	[tilespmem:$0x1C800] =	vst v63  }
0x11f: {  	_ =	swait.ge [sflag:s22], $0x1400  }
0x120: {  	[sflag:s22] =	ssyncset.done $0x0  }
0x121: {  	s6 =	simm.s32 $0xB;
	[sflag:s22] =	ssyncadd.s32 $0xFFFFEC00  }
0x122: {  	_ =	swait.ge [sflag:s6], $0x28  }
0x123: {  	[sflag:s6] =	ssyncset.done $0x0  }
0x124: {  	[sflag:s6] =	ssyncadd.s32 $0xFFFFFFD8  }
0x125: {  	_ =	swait.ge [sflag:s6], $0x28  }
0x126: {  	[sflag:s6] =	ssyncset.done $0x0  }
0x127: {  	s5 =	simm.s32 $0x500;
	[sflag:s6] =	ssyncadd.s32 $0xFFFFFFD8  }
0x128: {  	[tilespmem:s12], [sflag:$0x11] =	stream.indirect.gather [hbm4b:s16+s24], $0x80, s5, s24, $0xb8;
	[tilespmem:$0x1C800] =	vst v63  }
0x129: {  	s6 =	sadd.s32 $0x41, s25;
	s5 =	simm.s32 $0x80  }
0x12a: {  	[tilespmem:s5], [sflag:$0x2] =	stream.linear.gather [hbm4b:s6+s7], $0x28, $0x38;
	[tilespmem:$0x1C800] =	vst v63  }
0x12b: {  	s6 =	sadd.s32 $0x9C81, s25  }
0x12c: {  	[tilespmem:s30], [sflag:$0x2] =	stream.linear.gather [hbm4b:s6+s7], $0x28, $0x38;
	[tilespmem:$0x1C800] =	vst v63  }
0x12d: {  	_ =	swait.ge [sflag:s11], $0x1400  }
0x12e: {  	[sflag:s11] =	ssyncset.done $0x0  }
0x12f: {  	s30 =	simm.s32 $0xB00;
	s6 =	simm.s32 $0x18;
	[sflag:s11] =	ssyncadd.s32 $0xFFFFEC00  }
0x130: {  	[spmem:s3] =	stream.indirect.scatter.add.f32 [tilespmem:s20], [sflag:$0x13], $0x80, s30, s24, $0xb8;
	[tilespmem:$0x1C800] =	vst v63  }
0x131: {  	_ =	swait.ge [sflag:s6], $0x1400  }
0x132: {  	[sflag:s6] =	ssyncset.done $0x0  }
0x133: {  	[sflag:s6] =	ssyncadd.s32 $0xFFFFEC00;
	s6 =	simm.s32 $0xC  }
0x134: {  	_ =	swait.ge [sflag:s6], $0x28  }
0x135: {  	[sflag:s6] =	ssyncset.done $0x0  }
0x136: {  	[sflag:s6] =	ssyncadd.s32 $0xFFFFFFD8  }
0x137: {  	_ =	swait.ge [sflag:s6], $0x28  }
0x138: {  	[sflag:s6] =	ssyncset.done $0x0  }
0x139: {  	[sflag:s6] =	ssyncadd.s32 $0xFFFFFFD8  }
0x13a: {  	[tilespmem:s18], [sflag:$0x12] =	stream.indirect.gather [hbm4b:s16+s24], $0x80, s17, s24, $0xb8;
	[tilespmem:$0x1C800] =	vst v63  }
0x13b: {  	s1 =	sadd.s32 $0x46, s25;
	s17 =	simm.s32 $0x100  }
0x13c: {  	[tilespmem:s17], [sflag:$0x3] =	stream.linear.gather [hbm4b:s1+s7], $0x28, $0x38;
	[tilespmem:$0x1C800] =	vst v63  }
0x13d: {  	s1 =	sadd.s32 $0x9C86, s25  }
0x13e: {  	[tilespmem:s29], [sflag:$0x3] =	stream.linear.gather [hbm4b:s1+s7], $0x28, $0x38;
	[tilespmem:$0x1C800] =	vst v63  }
0x13f: {  	_ =	swait.ge [sflag:s8], $0x1400  }
0x140: {  	[sflag:s8] =	ssyncset.done $0x0  }
0x141: {  	s29 =	simm.s32 $0xB80;
	s1 =	simm.s32 $0x13;
	[sflag:s8] =	ssyncadd.s32 $0xFFFFEC00  }
0x142: {  	[spmem:s3] =	stream.indirect.scatter.add.f32 [tilespmem:s0], [sflag:$0x14], $0x80, s29, s24, $0xb8;
	[tilespmem:$0x1C800] =	vst v63  }
0x143: {  	_ =	swait.ge [sflag:s1], $0x1400  }
0x144: {  	[sflag:s1] =	ssyncset.done $0x0  }
0x145: {  	[sflag:s1] =	ssyncadd.s32 $0xFFFFEC00;
	s1 =	simm.s32 $0x1  }
0x146: {  	_ =	swait.ge [sflag:s1], $0x28  }
0x147: {  	[sflag:s1] =	ssyncset.done $0x0  }
0x148: {  	[sflag:s1] =	ssyncadd.s32 $0xFFFFFFD8  }
0x149: {  	_ =	swait.ge [sflag:s1], $0x28  }
0x14a: {  	[sflag:s1] =	ssyncset.done $0x0  }
0x14b: {  	[sflag:s1] =	ssyncadd.s32 $0xFFFFFFD8  }
0x14c: {  	[tilespmem:s20], [sflag:$0xD] =	stream.indirect.gather [hbm4b:s16+s24], $0x80, s7, s24, $0xb8;
	[tilespmem:$0x1C800] =	vst v63  }
0x14d: {  	s1 =	sadd.s32 $0x4B, s25;
	s20 =	simm.s32 $0x180  }
0x14e: {  	[tilespmem:s20], [sflag:$0x4] =	stream.linear.gather [hbm4b:s1+s7], $0x28, $0x38;
	[tilespmem:$0x1C800] =	vst v63  }
0x14f: {  	s1 =	sadd.s32 $0x9C8B, s25  }
0x150: {  	[tilespmem:s28], [sflag:$0x4] =	stream.linear.gather [hbm4b:s1+s7], $0x28, $0x38;
	[tilespmem:$0x1C800] =	vst v63  }
0x151: {  	_ =	swait.ge [sflag:s2], $0x1400  }
0x152: {  	[sflag:s2] =	ssyncset.done $0x0  }
0x153: {  	s28 =	simm.s32 $0x14;
	[sflag:s2] =	ssyncadd.s32 $0xFFFFEC00;
	s2 =	simm.s32 $0xC00  }
0x154: {  	[spmem:s3] =	stream.indirect.scatter.add.f32 [tilespmem:s26], [sflag:$0x15], $0x80, s2, s24, $0xb8;
	[tilespmem:$0x1C800] =	vst v63  }
0x155: {  	_ =	swait.ge [sflag:s28], $0x1400  }
0x156: {  	[sflag:s28] =	ssyncset.done $0x0  }
0x157: {  	s2 =	simm.s32 $0x2;
	[sflag:s28] =	ssyncadd.s32 $0xFFFFEC00  }
0x158: {  	_ =	swait.ge [sflag:s2], $0x28  }
0x159: {  	[sflag:s2] =	ssyncset.done $0x0  }
0x15a: {  	[sflag:s2] =	ssyncadd.s32 $0xFFFFFFD8  }
0x15b: {  	_ =	swait.ge [sflag:s2], $0x28  }
0x15c: {  	[sflag:s2] =	ssyncset.done $0x0  }
0x15d: {  	[sflag:s2] =	ssyncadd.s32 $0xFFFFFFD8  }
0x15e: {  	[tilespmem:s0], [sflag:$0xE] =	stream.indirect.gather [hbm4b:s16+s24], $0x80, s5, s24, $0xb8;
	[tilespmem:$0x1C800] =	vst v63  }
0x15f: {  	s28 =	sadd.s32 $0x50, s25;
	s5 =	simm.s32 $0x200  }
0x160: {  	[tilespmem:s5], [sflag:$0x5] =	stream.linear.gather [hbm4b:s28+s7], $0x28, $0x38;
	[tilespmem:$0x1C800] =	vst v63  }
0x161: {  	s4 =	simm.s32 $0x10;
	s2 =	simm.s32 $0xA00;
	s0 =	sadd.s32 $0x9C90, s25  }
0x162: {  	[tilespmem:s2], [sflag:$0x5] =	stream.linear.gather [hbm4b:s0+s7], $0x28, $0x38;
	[tilespmem:$0x1C800] =	vst v63  }
0x163: {  	_ =	swait.ge [sflag:s4], $0x1400  }
0x164: {  	s6 =	simm.s32 $0x4C00;
	[sflag:s4] =	ssyncset.done $0x0  }
0x165: {  	s28 =	simm.s32 $0x15;
	[sflag:s4] =	ssyncadd.s32 $0xFFFFEC00;
	s4 =	simm.s32 $0xC80  }
0x166: {  	[spmem:s3] =	stream.indirect.scatter.add.f32 [tilespmem:s6], [sflag:$0x16], $0x80, s4, s24, $0xb8;
	[tilespmem:$0x1C800] =	vst v63  }
0x167: {  	_ =	swait.ge [sflag:s28], $0x1400  }
0x168: {  	[sflag:s28] =	ssyncset.done $0x0  }
0x169: {  	s0 =	simm.s32 $0x3;
	[sflag:s28] =	ssyncadd.s32 $0xFFFFEC00  }
0x16a: {  	_ =	swait.ge [sflag:s0], $0x28  }
0x16b: {  	[sflag:s0] =	ssyncset.done $0x0  }
0x16c: {  	[sflag:s0] =	ssyncadd.s32 $0xFFFFFFD8  }
0x16d: {  	_ =	swait.ge [sflag:s0], $0x28  }
0x16e: {  	[sflag:s0] =	ssyncset.done $0x0  }
0x16f: {  	[sflag:s0] =	ssyncadd.s32 $0xFFFFFFD8  }
0x170: {  	[tilespmem:s26], [sflag:$0xF] =	stream.indirect.gather [hbm4b:s16+s24], $0x80, s17, s24, $0xb8;
	[tilespmem:$0x1C800] =	vst v63  }
0x171: {  	s2 =	simm.s32 $0x280;
	s4 =	sadd.s32 $0x55, s25  }
0x172: {  	[tilespmem:s2], [sflag:$0x6] =	stream.linear.gather [hbm4b:s4+s7], $0x28, $0x38;
	[tilespmem:$0x1C800] =	vst v63  }
0x173: {  	s17 =	sadd.s32 $0x9C95, s25;
	s26 =	simm.s32 $0xA80  }
0x174: {  	[tilespmem:s26], [sflag:$0x6] =	stream.linear.gather [hbm4b:s17+s7], $0x28, $0x38;
	[tilespmem:$0x1C800] =	vst v63  }
0x175: {  	_ =	swait.ge [sflag:s31], $0x1400  }
0x176: {  	[sflag:s31] =	ssyncset.done $0x0  }
0x177: {  	s28 =	simm.s32 $0xD00;
	[sflag:s31] =	ssyncadd.s32 $0xFFFFEC00  }
0x178: {  	[spmem:s3] =	stream.indirect.scatter.add.f32 [tilespmem:s12], [sflag:$0x17], $0x80, s28, s24, $0xb8;
	[tilespmem:$0x1C800] =	vst v63  }
0x179: {  	_ =	swait.ge [sflag:s19], $0x1400  }
0x17a: {  	[sflag:s19] =	ssyncset.done $0x0  }
0x17b: {  	s1 =	simm.s32 $0x4;
	[sflag:s19] =	ssyncadd.s32 $0xFFFFEC00  }
0x17c: {  	_ =	swait.ge [sflag:s1], $0x28  }
0x17d: {  	[sflag:s1] =	ssyncset.done $0x0  }
0x17e: {  	[sflag:s1] =	ssyncadd.s32 $0xFFFFFFD8  }
0x17f: {  	_ =	swait.ge [sflag:s1], $0x28  }
0x180: {  	[sflag:s1] =	ssyncset.done $0x0  }
0x181: {  	[sflag:s1] =	ssyncadd.s32 $0xFFFFFFD8  }
0x182: {  	[tilespmem:s6], [sflag:$0x10] =	stream.indirect.gather [hbm4b:s16+s24], $0x80, s20, s24, $0xb8;
	[tilespmem:$0x1C800] =	vst v63  }
0x183: {  	s4 =	simm.s32 $0x300;
	s2 =	sadd.s32 $0x5A, s25  }
0x184: {  	[tilespmem:s4], [sflag:$0x7] =	stream.linear.gather [hbm4b:s2+s7], $0x28, $0x38;
	[tilespmem:$0x1C800] =	vst v63  }
0x185: {  	s6 =	sadd.s32 $0x9C9A, s25  }
0x186: {  	[tilespmem:s30], [sflag:$0x7] =	stream.linear.gather [hbm4b:s6+s7], $0x28, $0x38;
	[tilespmem:$0x1C800] =	vst v63  }
0x187: {  	_ =	swait.ge [sflag:s21], $0x1400  }
0x188: {  	[sflag:s21] =	ssyncset.done $0x0  }
0x189: {  	s17 =	simm.s32 $0xD80;
	[sflag:s21] =	ssyncadd.s32 $0xFFFFEC00  }
0x18a: {  	[spmem:s3] =	stream.indirect.scatter.add.f32 [tilespmem:s18], [sflag:$0x18], $0x80, s17, s24, $0xb8;
	[tilespmem:$0x1C800] =	vst v63  }
0x18b: {  	_ =	swait.ge [sflag:s22], $0x1400  }
0x18c: {  	[sflag:s22] =	ssyncset.done $0x0  }
0x18d: {  	s20 =	simm.s32 $0x5;
	[sflag:s22] =	ssyncadd.s32 $0xFFFFEC00  }
0x18e: {  	_ =	swait.ge [sflag:s20], $0x28  }
0x18f: {  	[sflag:s20] =	ssyncset.done $0x0  }
0x190: {  	[sflag:s20] =	ssyncadd.s32 $0xFFFFFFD8  }
0x191: {  	_ =	swait.ge [sflag:s20], $0x28  }
0x192: {  	[sflag:s20] =	ssyncset.done $0x0  }
0x193: {  	[sflag:s20] =	ssyncadd.s32 $0xFFFFFFD8  }
0x194: {  	[tilespmem:s12], [sflag:$0x11] =	stream.indirect.gather [hbm4b:s16+s24], $0x80, s5, s24, $0xb8;
	[tilespmem:$0x1C800] =	vst v63  }
.Ltmp5:
0x195: {  	s0 =	simm.s32 $0x7400;
	s26 =	sadd.s32 $0x5F, s25;
	(pc) =	sbr.rel .LBB2_7-.Ltmp5, $4  }
0x196: {  	s28 =	simm.s32 $0x380;
	s30 =	sadd.s32 $0x9C9F, s25;
	s17 =	simm.s32 $0x1000  }
0x197: {  	[tilespmem:s28], [sflag:$0x8] =	stream.linear.gather [hbm4b:s26+s7], $0x28, $0x38;
	[tilespmem:$0x1C800] =	vst v63  }
0x198: {  	s20 =	simm.s32 $0x800;
	s12 =	rddreg [dreg:$0x6];
	s26 =	simm.s32 $0x2400  }
0x199: {  	[tilespmem:s29], [sflag:$0x8] =	stream.linear.gather [hbm4b:s30+s7], $0x28, $0x38;
	[tilespmem:$0x1C800] =	vst v63  }
.LBB2_8:
0x19a: {  	s3 =	stileid.u32  }
0x19b: {  	s1 =	rddreg [dreg:$0x4];
	[bflag:$0x0] =	sbarrier.arrive $0xFFFF;
	s0 =	smul.u32 $0x2800, s3  }
0x19c: {  	s31 =	simm.s32 $0x19;
	s30 =	sshll.u32 s3, $0x6;
	s2 =	rddreg [dreg:$0x5]  }
0x19d: {  	s2 =	sshrl.u32 s2, $0x3;
	s0 =	sadd.s32 s1, s0;
	s1 =	sor.u32 $0x1C19, s30  }
0x19e: {  	[hbm:s0], [sflag:s1] =	dma.local [spmem:s2], $0x2800  }
0x19f: {  	_ =	swait.ge [sflag:s31], $0x2800  }
0x1a0: {  	[sflag:s31] =	ssyncset.done $0x0  }
0x1a1: {  	[sflag:s31] =	ssyncadd.s32 $0xFFFFD800  }
0x1a2: {  	_ =	sfence.sel $0x180000  }
0x1a3: {  	[bflag:$0x0] =	sbarrier.arrive $0xFFFF  }
0x1a4: {  	_ =	strace $0x9000004A  }
0x1a5: {  	[bflag:$0x2] =	sbarrier.arrive $0xFFFF  }
0x1a6: {  	p0 =	sne.s32 s3, $0x0;
	s0 =	rddreg [dreg:$0x3]  }
0x1a7: {  	s0 =	sadd.s32 @!p0 $0x100000, s0  }
0x1a8: {  	[sflag:s0] =	ssyncadd.tile.s32 @!p0 $0x1;
	_ =	shalt  }
.Lfunc_end2:
_tile_overlayer_lowered:
.L_overlay_start_2:
0x1a9: {  	(tag) =	ssettag $0x2  }
0x1aa: {  	s0 =	rddreg [dreg:$0x0];
	s2 =	stileid.u32  }
0x1ab: {  	s1 =	rddreg [dreg:$0x1];
	p0 =	sne.s32 s2, $0x0  }
0x1ac: {  	s3 =	rddreg [dreg:$0x2];
	[bflag:$0x3] =	sbarrier.arrive $0xFFFF;
	s2 =	simm.s32 @!p0 $0x1C19  }
0x1ad: {  	[timem:s3], [sflag:s2] =	dma.local @!p0 [hbm:s0], s1  }
0x1ae: {  	s0 =	simm.s32 @!p0 $0x19  }
0x1af: {  	_ =	swait.ge @!p0 [sflag:s0], s1  }
0x1b0: {  	s1 =	ssub.s32 @!p0 $0x0, s1;
	[sflag:s0] =	ssyncset.done @!p0 $0x0  }
0x1b1: {  	[sflag:s0] =	ssyncadd.s32 @!p0 s1  }
0x1b2: {  	[bflag:$0x3] =	sbarrier.arrive $0xFFFF  }
0x1b3: {  	_ =	shalt  }

// kernel: kernel.7.cloned.1.call-start
scs
__scs_entry_jumppad:
0x0: {  	(pc) =	sbr.rel $0x88, $3  }
0x1: {  	(tag) =	ssettag $0x0;
	lr =	simm.s32 $0x1  }
0x2: {  	[smem:$0x3F98] =	sst lr;
	_ =	strace $0xD0000000  }
0x3: {  	_ = 	snop  }
0x4: {  	_ = 	snop  }
0x5: {  	_ = 	snop  }
0x6: {  	_ = 	snop  }
0x7: {  	_ = 	snop  }
__scs_overlays_trampoline_lowered:
0x8: {  	[smem:$0x3FA7] =	sst s0  }
0x9: {  	[smem:$0x3FA8] =	sst s1  }
0xa: {  	[smem:$0x3FA9] =	sst s2  }
0xb: {  	[smem:$0x3FAA] =	sst s3  }
0xc: {  	[smem:$0x3FAB] =	sst s4  }
0xd: {  	[smem:$0x3FAC] =	sst s5  }
0xe: {  	[smem:$0x3FAD] =	sst s6  }
0xf: {  	[smem:$0x3FAE] =	sst s7  }
0x10: {  	[smem:$0x3FAF] =	sst s8  }
0x11: {  	[smem:$0x3FB0] =	sst s9;
	s0 =	simm.s32 @!p0 $0x0  }
0x12: {  	s1 =	sld [smem:$0x3F96];
	s0 =	simm.s32 @p0 $0x1  }
0x13: {  	[smem:$0x3FB1] =	sst s0;
	s0 =	simm.s32 @!p1 $0x0  }
0x14: {  	s2 =	sld [smem:$0x3F95];
	s0 =	simm.s32 @p1 $0x1  }
0x15: {  	[smem:$0x3FB2] =	sst s0;
	s0 =	simm.s32 @!p2 $0x0  }
0x16: {  	s3 =	sld [smem:$0x3FDB];
	s0 =	simm.s32 @p2 $0x1  }
0x17: {  	s4 =	simm.s32 $0x1BF5;
	[smem:$0x3FB4] =	sst s0  }
0x18: {  	s0 =	sld [smem:$0x3F97];
	_ =	swait.ge [sflag:s4], $0x0  }
0x19: {  	s7 =	sld [smem:$0x3F98]  }
0x1a: {  	s8 =	sadd.s32 $0xFFFFE003, lr  }
0x1b: {  	s9 =	sadd.s32 $0xFFFFFEF7, lr;
	s5 =	simm.s32 $0xFFFFFFFF;
	p2 =	slt.u32 s8, $0xFFFFF086  }
0x1c: {  	p1 =	slt.u32 s9, $0xF7A;
	s5 =	simm.s32 @!p2 $0x0  }
0x1d: {  	s5 =	simm.s32 @p1 $0x1;
	p0 =	seq.s32 s7, s2  }
0x1e: {  	s7 =	smul.u32 @!p0 $0xF7A, s2;
	p2 =	seq.s32 @!p0 s5, $0x0  }
0x1f: {  	s9 =	smul.u32 $0xF7A, s1;
	s8 =	simm.s32 @!p0 $0x1BF5;
	p2 =	por !p2, p0  }
0x20: {  	[sflag:s8] =	ssyncset.s32 @!p0 $0xFFFFF086;
	s6 =	sadd.s32 @!p0 s3, s7;
	s7 =	simm.s32 @!p0 $0x108  }
0x21: {  	s3 =	sadd.s32 s3, s9;
	s6 =	sadd.s32 @!p0 $0x88, s6;
	s7 =	simm.s32 @p2 $0x1082  }
0x22: {  	[simem:s7], [sflag:s8] =	dma.local @!p0 [hbm:s6], $0xF7A  }
0x23: {  	s9 =	sor.u32 $0xD0000000, s2;
	s6 =	simm.s32 $0x108;
	_ =	swait.ge @!p0 [sflag:s8], $0x0  }
0x24: {  	s3 =	sadd.s32 $0x88, s3;
	s6 =	simm.s32 @!p1 $0x1082;
	[sflag:s4] =	ssyncset.s32 $0xFFFFF086  }
0x25: {  	[simem:s6], [sflag:s4] =	dma.local [hbm:s3], $0xF7A  }
0x26: {  	[smem:$0x3F98] =	sst s1;
	(tag) =	ssettag s2;
	_ =	strace s9  }
0x27: {  	s1 =	sld [smem:$0x3FA8]  }
0x28: {  	s2 =	sld [smem:$0x3FA9]  }
0x29: {  	s4 =	sld [smem:$0x3FAB]  }
0x2a: {  	p0 =	seq.s32 s5, $0x0;
	s5 =	sld [smem:$0x3FAC]  }
0x2b: {  	s6 =	sld [smem:$0x3FAD]  }
0x2c: {  	s7 =	sld [smem:$0x3FAE]  }
0x2d: {  	s3 =	simm.s32 $0x108;
	s8 =	sld [smem:$0x3FAF]  }
0x2e: {  	s3 =	simm.s32 @!p0 $0x1082;
	s9 =	sld [smem:$0x3FB0]  }
0x2f: {  	lr =	sadd.s32 s0, s3;
	s0 =	sld [smem:$0x3FA7]  }
0x30: {  	s3 =	sld [smem:$0x3FAA]  }
0x31: {  	[smem:$0x3FB3] =	sst s10  }
0x32: {  	s10 =	sld [smem:$0x3FB1];
	_ =	sdelay $0x3  }
0x33: {  	p0 =	seq.s32 s10, $0x1;
	s10 =	sld [smem:$0x3FB3];
	_ =	sdelay $0x3  }
0x34: {  	[smem:$0x3FB3] =	sst s10  }
0x35: {  	s10 =	sld [smem:$0x3FB2];
	_ =	sdelay $0x3  }
0x36: {  	p1 =	seq.s32 s10, $0x1;
	s10 =	sld [smem:$0x3FB3];
	_ =	sdelay $0x3  }
0x37: {  	[smem:$0x3FB3] =	sst s10  }
0x38: {  	s10 =	sld [smem:$0x3FB4]  }
0x39: {  	_ = 	snop;
	(pc) =	sbr.ind lr, $3  }
0x3a: {  	_ = 	snop  }
0x3b: {  	_ = 	snop  }
0x3c: {  	p2 =	seq.s32 s10, $0x1;
	s10 =	sld [smem:$0x3FB3]  }
0x3d: {  	_ =	shalt  }
0x3e: {  	_ =	shalt  }
0x3f: {  	_ =	shalt  }
0x40: {  	_ =	shalt  }
0x41: {  	_ =	shalt  }
0x42: {  	_ =	shalt  }
0x43: {  	_ =	shalt  }
0x44: {  	_ =	shalt  }
0x45: {  	_ =	shalt  }
0x46: {  	_ =	shalt  }
0x47: {  	_ =	shalt  }
0x48: {  	_ =	shalt  }
0x49: {  	_ =	shalt  }
0x4a: {  	_ =	shalt  }
0x4b: {  	_ =	shalt  }
0x4c: {  	_ =	shalt  }
0x4d: {  	_ =	shalt  }
0x4e: {  	_ =	shalt  }
0x4f: {  	_ =	shalt  }
0x50: {  	_ =	shalt  }
0x51: {  	_ =	shalt  }
0x52: {  	_ =	shalt  }
0x53: {  	_ =	shalt  }
0x54: {  	_ =	shalt  }
0x55: {  	_ =	shalt  }
0x56: {  	_ =	shalt  }
0x57: {  	_ =	shalt  }
0x58: {  	_ =	shalt  }
0x59: {  	_ =	shalt  }
0x5a: {  	_ =	shalt  }
0x5b: {  	_ =	shalt  }
0x5c: {  	_ =	shalt  }
0x5d: {  	_ =	shalt  }
0x5e: {  	_ =	shalt  }
0x5f: {  	_ =	shalt  }
0x60: {  	_ =	shalt  }
0x61: {  	_ =	shalt  }
0x62: {  	_ =	shalt  }
0x63: {  	_ =	shalt  }
0x64: {  	_ =	shalt  }
0x65: {  	_ =	shalt  }
0x66: {  	_ =	shalt  }
0x67: {  	_ =	shalt  }
0x68: {  	_ =	shalt  }
0x69: {  	_ =	shalt  }
0x6a: {  	_ =	shalt  }
0x6b: {  	_ =	shalt  }
0x6c: {  	_ =	shalt  }
0x6d: {  	_ =	shalt  }
0x6e: {  	_ =	shalt  }
0x6f: {  	_ =	shalt  }
0x70: {  	_ =	shalt  }
0x71: {  	_ =	shalt  }
0x72: {  	_ =	shalt  }
0x73: {  	_ =	shalt  }
0x74: {  	_ =	shalt  }
0x75: {  	_ =	shalt  }
0x76: {  	_ =	shalt  }
0x77: {  	_ =	shalt  }
0x78: {  	_ =	shalt  }
0x79: {  	_ =	shalt  }
0x7a: {  	_ =	shalt  }
0x7b: {  	_ =	shalt  }
0x7c: {  	_ =	shalt  }
0x7d: {  	_ =	shalt  }
0x7e: {  	_ =	shalt  }
0x7f: {  	_ =	shalt  }
0x80: {  	_ =	shalt  }
0x81: {  	_ =	shalt  }
0x82: {  	_ =	shalt  }
0x83: {  	_ =	shalt  }
0x84: {  	_ =	shalt  }
0x85: {  	_ =	shalt  }
0x86: {  	_ =	shalt  }
0x87: {  	_ =	shalt  }
.Lfunc_end0:
.L_simem_size_0:
called_computation_lowered:
.L_overlay_start_0:
0x88: {  	s0 =	sld [smem:$0x3FD9]  }
0x89: {  	s1 =	sld [smem:$0x3FFE];
	_ =	sdelay $0x3  }
0x8a: {  	s0 =	sadd.s32 s1, s0  }
0x8b: {  	[smem:$0x3FBF] =	sst s0  }
0x8c: {  	_ = 	snop  }
0x8d: {  	s0 =	sld [smem:$0x3FD0];
	(tm) =	ssettm $0x1  }
0x8e: {  	s16 =	sld [smem:$0x3FFB];
	_ =	sdelay $0x3  }
0x8f: {  	_ =	strace s16  }
0x90: {  	s1 =	sld [smem:$0x3FFC];
	_ =	sdelay $0x3  }
0x91: {  	_ =	strace s1  }
0x92: {  	s1 =	sld [smem:$0x3FFD];
	_ =	sdelay $0x3  }
0x93: {  	_ =	strace s1  }
0x94: {  	_ =	strace $0x8FFFFFFF  }
0x95: {  	s17 =	sld [smem:$0x3FDB];
	_ =	sdelay $0x1  }
0x96: {  	s2 =	simm.s32 $_scs_section_size  }
0x97: {  	s3 =	simm.s32 $_size__tile_overlayer_lowered;
	s4 =	simm.s32 $_tile_overlayer_lowered  }
0x98: {  	s20 =	simm.s32 $0x1BFF;
	s19 =	sshll.u32 s4, $0x1;
	s1 =	sadd.s32 s2, s17  }
0x99: {  	s5 =	simm.s32 $0x0;
	s18 =	sshll.u32 s3, $0x1;
	s3 =	sadd.s32 s19, s1  }
0x9a: {  	[timem:s5], [sflag:s20] =	dma.local [hbm:s3], s18  }
0x9b: {  	_ =	swait.ge [sflag:s20], s18  }
0x9c: {  	s2 =	ssub.s32 $0x0, s18;
	[sflag:s20] =	ssyncset.done $0x0  }
0x9d: {  	[sflag:s20] =	ssyncadd.s32 s2;
	_ =	sdelay $0x1  }
0x9e: {  	s21 =	simm.s32 $0x1B8B  }
0x9f: {  	_ =	swait.ge [sflag:s21], $0x1  }
0xa0: {  	[sflag:s21] =	ssyncset.done $0x0  }
0xa1: {  	s23 =	simm.s32 $0x1B8E;
	s22 =	sld [smem:$0x3FFE];
	[sflag:s21] =	ssyncadd.s32 $0xFFFFFFFF  }
0xa2: {  	s24 =	simm.s32 $execute0_lowered;
	[smem:$0x3FD2] =	sst s23  }
0xa3: {  	s3 =	sshll.u32 s24, $0x1;
	_ =	strace $0x80000046;
	[dreg:$0x1] =	wrdreg $0xFFFFFFFF  }
0xa4: {  	s25 =	simm.s32 $_size_execute0_lowered;
	s1 =	sadd.s32 s1, s3;
	[dreg:$0x0] =	wrdreg $0x0  }
0xa5: {  	s3 =	sshll.u32 s25, $0x1;
	[dreg:$0x2] =	wrdreg s1  }
0xa6: {  	[dreg:$0x3] =	wrdreg s3  }
0xa7: {  	[dreg:$0x4] =	wrdreg $0xC0  }
0xa8: {  	_ =	task [dreg:s5], $0x5FFFF  }
0xa9: {  	[dreg:$0x1] =	wrdreg $0xFFFFFFFF  }
0xaa: {  	[dreg:$0x0] =	wrdreg $0x60  }
0xab: {  	[dreg:$0x2] =	wrdreg s22  }
0xac: {  	[dreg:$0x3] =	wrdreg s0  }
0xad: {  	[dreg:$0x4] =	wrdreg $0x55800  }
0xae: {  	[dreg:$0x5] =	wrdreg $0x9  }
0xaf: {  	_ =	task.clear_ibuf [dreg:s5], $0x6FFFF;
	_ =	strace $0x90000046  }
0xb0: {  	s26 =	simm.s32 $0x9;
	_ =	strace $0x80000048  }
0xb1: {  	_ =	swait.ge [sflag:s26], $0x1  }
0xb2: {  	[sflag:s26] =	ssyncadd.s32 $0xFFFFFFFF  }
0xb3: {  	_ =	strace $0x90000048  }
0xb4: {  	_ =	sfence  }
0xb5: {  	s28 =	sld [smem:$0x0];
	_ =	sdelay $0x1  }
0xb6: {  	s29 =	srdreg.scid  }
0xb7: {  	s30 =	sshll.u32 s29, $0xD;
	s31 =	sshrl.u32 s29, $0x2  }
0xb8: {  	s2 =	sand.u32 $0x4000, s30;
	s1 =	sand.u32 $0x1, s29;
	s0 =	sadd.s32 s31, s28  }
0xb9: {  	s1 =	sor.u32 s2, s1;
	s0 =	sshll.u32 s0, $0x11  }
0xba: {  	s0 =	sor.u32 s0, s1  }
0xbb: {  	s0 =	sadd.s32 $0x8F2B, s0  }
0xbc: {  	[sflag:s0] =	ssyncadd.remote.s32 $0x1  }
0xbd: {  	_ =	sfence.sel $0xFFFF  }
0xbe: {  	[dreg:$0x0] =	wrdreg $0xFFFFFFFF;
	(pc) =	sbr.abs _section_cstart, $3  }
0xbf: {  	[dreg:$0x1] =	wrdreg $0xFFFFFFFF  }
0xc0: {  	_ =	task.clear_ibuf [dreg:s5], $0x2FFFF;
	_ =	strace $0x9FFFFFFF  }
0xc1: {  	(tm) =	ssettm $0x7FFFFFFF  }
tec
execute0_lowered:
.L_overlay_start_1:
0x0: {  	(tag) =	ssettag $0x1  }
0x1: {  	s7 =	rddreg [dreg:$0x0]  }
0x2: {  	s1 =	rddreg [dreg:$0x1]  }
0x3: {  	s2 =	rddreg [dreg:$0x2];
	s6 =	simm.s32 $0x0  }
0x4: {  	v0 =	vimm.f32 $0.0e+00;
	[smem:$0x7FF] =	sst s6  }
0x5: {  	s0 =	rddreg [dreg:$0x3];
	_ =	strace $0x80000047;
	[tilespmem:$0x5300] =	vst v0  }
0x6: {  	[tilespmem:$0x5310] =	vst v0  }
0x7: {  	[tilespmem:$0x5320] =	vst v0  }
0x8: {  	[tilespmem:$0x5330] =	vst v0  }
0x9: {  	[tilespmem:$0x5340] =	vst v0  }
0xa: {  	[tilespmem:$0x5350] =	vst v0  }
0xb: {  	[tilespmem:$0x5360] =	vst v0  }
0xc: {  	[tilespmem:$0x5370] =	vst v0  }
0xd: {  	[tilespmem:$0x5380] =	vst v0  }
0xe: {  	[tilespmem:$0x5390] =	vst v0  }
0xf: {  	[tilespmem:$0x53A0] =	vst v0  }
0x10: {  	[tilespmem:$0x53B0] =	vst v0  }
0x11: {  	[tilespmem:$0x53C0] =	vst v0  }
0x12: {  	[tilespmem:$0x53D0] =	vst v0  }
0x13: {  	[tilespmem:$0x53E0] =	vst v0  }
0x14: {  	[tilespmem:$0x53F0] =	vst v0  }
0x15: {  	[tilespmem:$0x5400] =	vst v0  }
0x16: {  	[tilespmem:$0x5410] =	vst v0  }
0x17: {  	[tilespmem:$0x5420] =	vst v0  }
0x18: {  	[tilespmem:$0x5430] =	vst v0  }
0x19: {  	[tilespmem:$0x5440] =	vst v0  }
0x1a: {  	[tilespmem:$0x5450] =	vst v0  }
0x1b: {  	[tilespmem:$0x5460] =	vst v0  }
0x1c: {  	[tilespmem:$0x5470] =	vst v0  }
0x1d: {  	[tilespmem:$0x5480] =	vst v0  }
0x1e: {  	[tilespmem:$0x5490] =	vst v0  }
0x1f: {  	[tilespmem:$0x54A0] =	vst v0  }
0x20: {  	[tilespmem:$0x54B0] =	vst v0  }
0x21: {  	[tilespmem:$0x54C0] =	vst v0  }
0x22: {  	[tilespmem:$0x54D0] =	vst v0  }
0x23: {  	[tilespmem:$0x54E0] =	vst v0  }
0x24: {  	[tilespmem:$0x54F0] =	vst v0  }
0x25: {  	[tilespmem:$0x5500] =	vst v0  }
0x26: {  	[tilespmem:$0x5510] =	vst v0  }
0x27: {  	[tilespmem:$0x5520] =	vst v0  }
0x28: {  	[tilespmem:$0x5530] =	vst v0  }
0x29: {  	[tilespmem:$0x5540] =	vst v0  }
0x2a: {  	[tilespmem:$0x5550] =	vst v0  }
0x2b: {  	[tilespmem:$0x5560] =	vst v0  }
0x2c: {  	v62 =	vimm.f32 $1.000000000e+00;
	[tilespmem:$0x5570] =	vst v0  }
0x2d: {  	[tilespmem:$0x4E80] =	vst v62  }
0x2e: {  	s3 =	stileid.u32;
	[tilespmem:$0x4E90] =	vst v62  }
0x2f: {  	s5 =	smul.u32 $0x280, s3;
	[tilespmem:$0x4EA0] =	vst v62  }
0x30: {  	s8 =	simm.s32 $0x5300;
	[tilespmem:$0x4EB0] =	vst v62  }
0x31: {  	s9 =	simm.s32 $0xA;
	s30 =	smul.u32 $0x4E20, s3;
	[tilespmem:$0x4EC0] =	vst v62;
	s4 =	sadd.s32 s5, s2  }
0x32: {  	[spmem:s4] =	stream.linear.scatter [tilespmem:s8], [sflag:$0xA], $0x280, $0x38;
	[tilespmem:$0x5800] =	vst v63  }
0x33: {  	_ =	swait.ge [sflag:s9], $0x280  }
0x34: {  	s8 =	sshrl.u32 s30, $0x3;
	[sflag:s9] =	ssyncset.done $0x0  }
0x35: {  	s7 =	sadd.s32 s7, s8;
	[sflag:s9] =	ssyncadd.s32 $0xFFFFFD80  }
0x36: {  	s31 =	simm.s32 $0x1;
	s7 =	sadd.s32 $0xC040, s7;
	[bflag:$0x0] =	sbarrier.arrive $0xFFFF  }
0x37: {  	[tilespmem:s6], [sflag:$0x1] =	stream.linear.gather [hbm4b:s7+s6], $0x4E20, $0x38;
	[tilespmem:$0x5800] =	vst v63  }
0x38: {  	_ =	swait.ge [sflag:s31], $0x4E20  }
0x39: {  	[sflag:s31] =	ssyncset.done $0x0  }
0x3a: {  	s14 =	simm.s32 $0x0;
	[sflag:s31] =	ssyncadd.s32 $0xFFFFB1E0  }
0x3b: {  	v63 =	vld [tilespmem:s14+$0x0];
	_ =	sdelay $0x4  }
0x3c: {  	[tilespmem:$0x4F00] =	vst v63  }
0x3d: {  	v0 =	vld [tilespmem:s14+$0x10];
	_ =	sdelay $0x4  }
0x3e: {  	[tilespmem:$0x4F10] =	vst v0  }
0x3f: {  	v0 =	vld [tilespmem:s14+$0x20];
	_ =	sdelay $0x4  }
0x40: {  	[tilespmem:$0x4F20] =	vst v0  }
0x41: {  	v0 =	vld [tilespmem:s14+$0x30];
	_ =	sdelay $0x4  }
0x42: {  	[tilespmem:$0x4F30] =	vst v0  }
0x43: {  	v0 =	vld [tilespmem:s14+$0x40];
	_ =	sdelay $0x4  }
0x44: {  	s8 =	simm.s32 $0x4F00;
	s6 =	simm.s32 $0x50;
	s7 =	simm.s32 $0x4E80;
	[tilespmem:$0x4F40] =	vst v0  }
0x45: {  	[spmem:s2] =	stream.indirect.scatter.add.f32 [tilespmem:s7], [sflag:$0x2], $0x1, s8, s6, $0xb8;
	[tilespmem:$0x5800] =	vst v63  }
0x46: {  	v0 =	vld [tilespmem:s14+$0x50];
	_ =	sdelay $0x4  }
0x47: {  	[tilespmem:$0x4F80] =	vst v0  }
0x48: {  	v0 =	vld [tilespmem:s14+$0x60];
	_ =	sdelay $0x4  }
0x49: {  	[tilespmem:$0x4F90] =	vst v0  }
0x4a: {  	v0 =	vld [tilespmem:s14+$0x70];
	_ =	sdelay $0x4  }
0x4b: {  	[tilespmem:$0x4FA0] =	vst v0  }
0x4c: {  	v0 =	vld [tilespmem:s14+$0x80];
	_ =	sdelay $0x4  }
0x4d: {  	[tilespmem:$0x4FB0] =	vst v0  }
0x4e: {  	v0 =	vld [tilespmem:s14+$0x90];
	_ =	sdelay $0x4  }
0x4f: {  	s9 =	simm.s32 $0x4F80;
	[tilespmem:$0x4FC0] =	vst v0  }
0x50: {  	[spmem:s2] =	stream.indirect.scatter.add.f32 [tilespmem:s7], [sflag:$0x3], $0x1, s9, s6, $0xb8;
	[tilespmem:$0x5800] =	vst v63  }
0x51: {  	v0 =	vld [tilespmem:s14+$0xA0];
	_ =	sdelay $0x4  }
0x52: {  	[tilespmem:$0x5000] =	vst v0  }
0x53: {  	v0 =	vld [tilespmem:s14+$0xB0];
	_ =	sdelay $0x4  }
0x54: {  	[tilespmem:$0x5010] =	vst v0  }
0x55: {  	v0 =	vld [tilespmem:s14+$0xC0];
	_ =	sdelay $0x4  }
0x56: {  	[tilespmem:$0x5020] =	vst v0  }
0x57: {  	v0 =	vld [tilespmem:s14+$0xD0];
	_ =	sdelay $0x4  }
0x58: {  	[tilespmem:$0x5030] =	vst v0  }
0x59: {  	v0 =	vld [tilespmem:s14+$0xE0];
	_ =	sdelay $0x4  }
0x5a: {  	s10 =	simm.s32 $0x5000;
	[tilespmem:$0x5040] =	vst v0  }
0x5b: {  	[spmem:s2] =	stream.indirect.scatter.add.f32 [tilespmem:s7], [sflag:$0x4], $0x1, s10, s6, $0xb8;
	[tilespmem:$0x5800] =	vst v63  }
0x5c: {  	v0 =	vld [tilespmem:s14+$0xF0];
	_ =	sdelay $0x4  }
0x5d: {  	[tilespmem:$0x5080] =	vst v0  }
0x5e: {  	v0 =	vld [tilespmem:s14+$0x100];
	_ =	sdelay $0x4  }
0x5f: {  	[tilespmem:$0x5090] =	vst v0  }
0x60: {  	v0 =	vld [tilespmem:s14+$0x110];
	_ =	sdelay $0x4  }
0x61: {  	[tilespmem:$0x50A0] =	vst v0  }
0x62: {  	v0 =	vld [tilespmem:s14+$0x120];
	_ =	sdelay $0x4  }
0x63: {  	[tilespmem:$0x50B0] =	vst v0  }
0x64: {  	v0 =	vld [tilespmem:s14+$0x130];
	_ =	sdelay $0x4  }
0x65: {  	s11 =	simm.s32 $0x5080;
	[tilespmem:$0x50C0] =	vst v0  }
0x66: {  	[spmem:s2] =	stream.indirect.scatter.add.f32 [tilespmem:s7], [sflag:$0x5], $0x1, s11, s6, $0xb8;
	[tilespmem:$0x5800] =	vst v63  }
0x67: {  	v0 =	vld [tilespmem:s14+$0x140];
	_ =	sdelay $0x4  }
0x68: {  	[tilespmem:$0x5100] =	vst v0  }
0x69: {  	v0 =	vld [tilespmem:s14+$0x150];
	_ =	sdelay $0x4  }
0x6a: {  	[tilespmem:$0x5110] =	vst v0  }
0x6b: {  	v0 =	vld [tilespmem:s14+$0x160];
	_ =	sdelay $0x4  }
0x6c: {  	[tilespmem:$0x5120] =	vst v0  }
0x6d: {  	v0 =	vld [tilespmem:s14+$0x170];
	_ =	sdelay $0x4  }
0x6e: {  	[tilespmem:$0x5130] =	vst v0  }
0x6f: {  	v0 =	vld [tilespmem:s14+$0x180];
	_ =	sdelay $0x4  }
0x70: {  	s12 =	simm.s32 $0x5100;
	[tilespmem:$0x5140] =	vst v0  }
0x71: {  	[spmem:s2] =	stream.indirect.scatter.add.f32 [tilespmem:s7], [sflag:$0x6], $0x1, s12, s6, $0xb8;
	[tilespmem:$0x5800] =	vst v63  }
0x72: {  	v0 =	vld [tilespmem:s14+$0x190];
	_ =	sdelay $0x4  }
0x73: {  	[tilespmem:$0x5180] =	vst v0  }
0x74: {  	v0 =	vld [tilespmem:s14+$0x1A0];
	_ =	sdelay $0x4  }
0x75: {  	[tilespmem:$0x5190] =	vst v0  }
0x76: {  	v0 =	vld [tilespmem:s14+$0x1B0];
	_ =	sdelay $0x4  }
0x77: {  	[tilespmem:$0x51A0] =	vst v0  }
0x78: {  	v0 =	vld [tilespmem:s14+$0x1C0];
	_ =	sdelay $0x4  }
0x79: {  	[tilespmem:$0x51B0] =	vst v0  }
0x7a: {  	v0 =	vld [tilespmem:s14+$0x1D0];
	_ =	sdelay $0x4  }
0x7b: {  	s13 =	simm.s32 $0x5180;
	[tilespmem:$0x51C0] =	vst v0  }
0x7c: {  	[spmem:s2] =	stream.indirect.scatter.add.f32 [tilespmem:s7], [sflag:$0x7], $0x1, s13, s6, $0xb8;
	[tilespmem:$0x5800] =	vst v63  }
0x7d: {  	v0 =	vld [tilespmem:s14+$0x1E0];
	_ =	sdelay $0x4  }
0x7e: {  	[tilespmem:$0x5200] =	vst v0  }
0x7f: {  	v0 =	vld [tilespmem:s14+$0x1F0];
	_ =	sdelay $0x4  }
0x80: {  	[tilespmem:$0x5210] =	vst v0  }
0x81: {  	v0 =	vld [tilespmem:s14+$0x200];
	_ =	sdelay $0x4  }
0x82: {  	[tilespmem:$0x5220] =	vst v0  }
0x83: {  	v0 =	vld [tilespmem:s14+$0x210];
	_ =	sdelay $0x4  }
0x84: {  	[tilespmem:$0x5230] =	vst v0  }
0x85: {  	v0 =	vld [tilespmem:s14+$0x220];
	_ =	sdelay $0x4  }
0x86: {  	s15 =	simm.s32 $0x5200;
	[tilespmem:$0x5240] =	vst v0  }
0x87: {  	[spmem:s2] =	stream.indirect.scatter.add.f32 [tilespmem:s7], [sflag:$0x8], $0x1, s15, s6, $0xb8;
	[tilespmem:$0x5800] =	vst v63  }
0x88: {  	v0 =	vld [tilespmem:s14+$0x230];
	_ =	sdelay $0x4  }
0x89: {  	[tilespmem:$0x5280] =	vst v0  }
0x8a: {  	v0 =	vld [tilespmem:s14+$0x240];
	_ =	sdelay $0x4  }
0x8b: {  	[tilespmem:$0x5290] =	vst v0  }
0x8c: {  	v0 =	vld [tilespmem:s14+$0x250];
	_ =	sdelay $0x4  }
0x8d: {  	[tilespmem:$0x52A0] =	vst v0  }
0x8e: {  	v0 =	vld [tilespmem:s14+$0x260];
	_ =	sdelay $0x4  }
0x8f: {  	[tilespmem:$0x52B0] =	vst v0  }
0x90: {  	v0 =	vld [tilespmem:s14+$0x270];
	_ =	sdelay $0x4  }
0x91: {  	s16 =	simm.s32 $0x5280;
	s14 =	simm.s32 $0x2;
	[tilespmem:$0x52C0] =	vst v0  }
0x92: {  	[spmem:s2] =	stream.indirect.scatter.add.f32 [tilespmem:s7], [sflag:$0x9], $0x1, s16, s6, $0xb8;
	[tilespmem:$0x5800] =	vst v63  }
0x93: {  	_ =	swait.ge [sflag:s14], $0x50  }
0x94: {  	[sflag:s14] =	ssyncset.done $0x0  }
0x95: {  	s17 =	simm.s32 $0x3;
	[sflag:s14] =	ssyncadd.s32 $0xFFFFFFB0  }
0x96: {  	_ =	swait.ge [sflag:s17], $0x50  }
0x97: {  	[sflag:s17] =	ssyncset.done $0x0  }
0x98: {  	s18 =	simm.s32 $0x4;
	[sflag:s17] =	ssyncadd.s32 $0xFFFFFFB0  }
0x99: {  	_ =	swait.ge [sflag:s18], $0x50  }
0x9a: {  	[sflag:s18] =	ssyncset.done $0x0  }
0x9b: {  	s19 =	simm.s32 $0x5;
	[sflag:s18] =	ssyncadd.s32 $0xFFFFFFB0  }
0x9c: {  	_ =	swait.ge [sflag:s19], $0x50  }
0x9d: {  	[sflag:s19] =	ssyncset.done $0x0  }
0x9e: {  	s20 =	simm.s32 $0x6;
	[sflag:s19] =	ssyncadd.s32 $0xFFFFFFB0  }
0x9f: {  	_ =	swait.ge [sflag:s20], $0x50  }
0xa0: {  	[sflag:s20] =	ssyncset.done $0x0  }
0xa1: {  	s21 =	simm.s32 $0x7;
	[sflag:s20] =	ssyncadd.s32 $0xFFFFFFB0  }
0xa2: {  	_ =	swait.ge [sflag:s21], $0x50  }
0xa3: {  	[sflag:s21] =	ssyncset.done $0x0  }
0xa4: {  	s22 =	simm.s32 $0x8;
	[sflag:s21] =	ssyncadd.s32 $0xFFFFFFB0  }
0xa5: {  	_ =	swait.ge [sflag:s22], $0x50  }
0xa6: {  	[sflag:s22] =	ssyncset.done $0x0  }
0xa7: {  	s23 =	simm.s32 $0x9;
	[sflag:s22] =	ssyncadd.s32 $0xFFFFFFB0  }
0xa8: {  	_ =	swait.ge [sflag:s23], $0x50  }
0xa9: {  	s24 =	simm.s32 $0xA00;
	s28 =	simm.s32 $0x1400;
	[sflag:s23] =	ssyncset.done $0x0  }
.LBB2_1:
0xaa: {  	s26 =	sshra.s32 s24, $0x2  }
0xab: {  	[sflag:s23] =	ssyncadd.s32 $0xFFFFFFB0;
	s24 =	smov.u32 s28;
	s25 =	sadd.s32 $0xA00, s28  }
0xac: {  	p0 =	sne.s32 s28, $0x12C00;
	v0 =	vld [tilespmem:s26+$0x0];
	_ =	sdelay $0x4  }
0xad: {  	[tilespmem:$0x4F00] =	vst v0  }
0xae: {  	v0 =	vld [tilespmem:s26+$0x10];
	_ =	sdelay $0x4  }
0xaf: {  	[tilespmem:$0x4F10] =	vst v0  }
0xb0: {  	v0 =	vld [tilespmem:s26+$0x20];
	_ =	sdelay $0x4  }
0xb1: {  	[tilespmem:$0x4F20] =	vst v0  }
0xb2: {  	v0 =	vld [tilespmem:s26+$0x30];
	_ =	sdelay $0x4  }
0xb3: {  	[tilespmem:$0x4F30] =	vst v0  }
0xb4: {  	v0 =	vld [tilespmem:s26+$0x40];
	_ =	sdelay $0x4  }
0xb5: {  	[tilespmem:$0x4F40] =	vst v0  }
0xb6: {  	[spmem:s2] =	stream.indirect.scatter.add.f32 [tilespmem:s7], [sflag:$0x2], $0x1, s8, s6, $0xb8;
	[tilespmem:$0x5800] =	vst v63  }
0xb7: {  	v0 =	vld [tilespmem:s26+$0x50];
	_ =	sdelay $0x4  }
0xb8: {  	[tilespmem:$0x4F80] =	vst v0  }
0xb9: {  	v0 =	vld [tilespmem:s26+$0x60];
	_ =	sdelay $0x4  }
0xba: {  	[tilespmem:$0x4F90] =	vst v0  }
0xbb: {  	v0 =	vld [tilespmem:s26+$0x70];
	_ =	sdelay $0x4  }
0xbc: {  	[tilespmem:$0x4FA0] =	vst v0  }
0xbd: {  	v0 =	vld [tilespmem:s26+$0x80];
	_ =	sdelay $0x4  }
0xbe: {  	[tilespmem:$0x4FB0] =	vst v0  }
0xbf: {  	v0 =	vld [tilespmem:s26+$0x90];
	_ =	sdelay $0x4  }
0xc0: {  	[tilespmem:$0x4FC0] =	vst v0  }
0xc1: {  	[spmem:s2] =	stream.indirect.scatter.add.f32 [tilespmem:s7], [sflag:$0x3], $0x1, s9, s6, $0xb8;
	[tilespmem:$0x5800] =	vst v63  }
0xc2: {  	v0 =	vld [tilespmem:s26+$0xA0];
	_ =	sdelay $0x4  }
0xc3: {  	[tilespmem:$0x5000] =	vst v0  }
0xc4: {  	v0 =	vld [tilespmem:s26+$0xB0];
	_ =	sdelay $0x4  }
0xc5: {  	[tilespmem:$0x5010] =	vst v0  }
0xc6: {  	v0 =	vld [tilespmem:s26+$0xC0];
	_ =	sdelay $0x4  }
0xc7: {  	[tilespmem:$0x5020] =	vst v0  }
0xc8: {  	v0 =	vld [tilespmem:s26+$0xD0];
	_ =	sdelay $0x4  }
0xc9: {  	[tilespmem:$0x5030] =	vst v0  }
0xca: {  	v0 =	vld [tilespmem:s26+$0xE0];
	_ =	sdelay $0x4  }
0xcb: {  	[tilespmem:$0x5040] =	vst v0  }
0xcc: {  	[spmem:s2] =	stream.indirect.scatter.add.f32 [tilespmem:s7], [sflag:$0x4], $0x1, s10, s6, $0xb8;
	[tilespmem:$0x5800] =	vst v63  }
0xcd: {  	v0 =	vld [tilespmem:s26+$0xF0];
	_ =	sdelay $0x4  }
0xce: {  	[tilespmem:$0x5080] =	vst v0  }
0xcf: {  	v0 =	vld [tilespmem:s26+$0x100];
	_ =	sdelay $0x4  }
0xd0: {  	[tilespmem:$0x5090] =	vst v0  }
0xd1: {  	v0 =	vld [tilespmem:s26+$0x110];
	_ =	sdelay $0x4  }
0xd2: {  	[tilespmem:$0x50A0] =	vst v0  }
0xd3: {  	v0 =	vld [tilespmem:s26+$0x120];
	_ =	sdelay $0x4  }
0xd4: {  	[tilespmem:$0x50B0] =	vst v0  }
0xd5: {  	v0 =	vld [tilespmem:s26+$0x130];
	_ =	sdelay $0x4  }
0xd6: {  	[tilespmem:$0x50C0] =	vst v0  }
0xd7: {  	[spmem:s2] =	stream.indirect.scatter.add.f32 [tilespmem:s7], [sflag:$0x5], $0x1, s11, s6, $0xb8;
	[tilespmem:$0x5800] =	vst v63  }
0xd8: {  	v0 =	vld [tilespmem:s26+$0x140];
	_ =	sdelay $0x4  }
0xd9: {  	[tilespmem:$0x5100] =	vst v0  }
0xda: {  	v0 =	vld [tilespmem:s26+$0x150];
	_ =	sdelay $0x4  }
0xdb: {  	[tilespmem:$0x5110] =	vst v0  }
0xdc: {  	v0 =	vld [tilespmem:s26+$0x160];
	_ =	sdelay $0x4  }
0xdd: {  	[tilespmem:$0x5120] =	vst v0  }
0xde: {  	v0 =	vld [tilespmem:s26+$0x170];
	_ =	sdelay $0x4  }
0xdf: {  	[tilespmem:$0x5130] =	vst v0  }
0xe0: {  	v0 =	vld [tilespmem:s26+$0x180];
	_ =	sdelay $0x4  }
0xe1: {  	[tilespmem:$0x5140] =	vst v0  }
0xe2: {  	[spmem:s2] =	stream.indirect.scatter.add.f32 [tilespmem:s7], [sflag:$0x6], $0x1, s12, s6, $0xb8;
	[tilespmem:$0x5800] =	vst v63  }
0xe3: {  	v0 =	vld [tilespmem:s26+$0x190];
	_ =	sdelay $0x4  }
0xe4: {  	[tilespmem:$0x5180] =	vst v0  }
0xe5: {  	v0 =	vld [tilespmem:s26+$0x1A0];
	_ =	sdelay $0x4  }
0xe6: {  	[tilespmem:$0x5190] =	vst v0  }
0xe7: {  	v0 =	vld [tilespmem:s26+$0x1B0];
	_ =	sdelay $0x4  }
0xe8: {  	[tilespmem:$0x51A0] =	vst v0  }
0xe9: {  	v0 =	vld [tilespmem:s26+$0x1C0];
	_ =	sdelay $0x4  }
0xea: {  	[tilespmem:$0x51B0] =	vst v0  }
0xeb: {  	v0 =	vld [tilespmem:s26+$0x1D0];
	_ =	sdelay $0x4  }
0xec: {  	[tilespmem:$0x51C0] =	vst v0  }
0xed: {  	[spmem:s2] =	stream.indirect.scatter.add.f32 [tilespmem:s7], [sflag:$0x7], $0x1, s13, s6, $0xb8;
	[tilespmem:$0x5800] =	vst v63  }
0xee: {  	v0 =	vld [tilespmem:s26+$0x1E0];
	_ =	sdelay $0x4  }
0xef: {  	[tilespmem:$0x5200] =	vst v0  }
0xf0: {  	v0 =	vld [tilespmem:s26+$0x1F0];
	_ =	sdelay $0x4  }
0xf1: {  	[tilespmem:$0x5210] =	vst v0  }
0xf2: {  	v0 =	vld [tilespmem:s26+$0x200];
	_ =	sdelay $0x4  }
0xf3: {  	[tilespmem:$0x5220] =	vst v0  }
0xf4: {  	v0 =	vld [tilespmem:s26+$0x210];
	_ =	sdelay $0x4  }
0xf5: {  	[tilespmem:$0x5230] =	vst v0  }
0xf6: {  	v0 =	vld [tilespmem:s26+$0x220];
	_ =	sdelay $0x4  }
0xf7: {  	[tilespmem:$0x5240] =	vst v0  }
0xf8: {  	[spmem:s2] =	stream.indirect.scatter.add.f32 [tilespmem:s7], [sflag:$0x8], $0x1, s15, s6, $0xb8;
	[tilespmem:$0x5800] =	vst v63  }
0xf9: {  	v0 =	vld [tilespmem:s26+$0x230];
	_ =	sdelay $0x4  }
0xfa: {  	[tilespmem:$0x5280] =	vst v0  }
0xfb: {  	v0 =	vld [tilespmem:s26+$0x240];
	_ =	sdelay $0x4  }
0xfc: {  	[tilespmem:$0x5290] =	vst v0  }
0xfd: {  	v0 =	vld [tilespmem:s26+$0x250];
	_ =	sdelay $0x4  }
0xfe: {  	[tilespmem:$0x52A0] =	vst v0  }
0xff: {  	v0 =	vld [tilespmem:s26+$0x260];
	_ =	sdelay $0x4  }
0x100: {  	[tilespmem:$0x52B0] =	vst v0  }
0x101: {  	v0 =	vld [tilespmem:s26+$0x270];
	_ =	sdelay $0x4  }
0x102: {  	[tilespmem:$0x52C0] =	vst v0  }
0x103: {  	[spmem:s2] =	stream.indirect.scatter.add.f32 [tilespmem:s7], [sflag:$0x9], $0x1, s16, s6, $0xb8;
	[tilespmem:$0x5800] =	vst v63  }
0x104: {  	_ =	swait.ge [sflag:s14], $0x50  }
0x105: {  	[sflag:s14] =	ssyncset.done $0x0  }
0x106: {  	[sflag:s14] =	ssyncadd.s32 $0xFFFFFFB0  }
0x107: {  	_ =	swait.ge [sflag:s17], $0x50  }
0x108: {  	[sflag:s17] =	ssyncset.done $0x0  }
0x109: {  	[sflag:s17] =	ssyncadd.s32 $0xFFFFFFB0  }
0x10a: {  	_ =	swait.ge [sflag:s18], $0x50  }
0x10b: {  	[sflag:s18] =	ssyncset.done $0x0  }
0x10c: {  	[sflag:s18] =	ssyncadd.s32 $0xFFFFFFB0  }
0x10d: {  	_ =	swait.ge [sflag:s19], $0x50  }
0x10e: {  	[sflag:s19] =	ssyncset.done $0x0  }
0x10f: {  	[sflag:s19] =	ssyncadd.s32 $0xFFFFFFB0  }
0x110: {  	_ =	swait.ge [sflag:s20], $0x50  }
0x111: {  	[sflag:s20] =	ssyncset.done $0x0  }
0x112: {  	[sflag:s20] =	ssyncadd.s32 $0xFFFFFFB0  }
0x113: {  	_ =	swait.ge [sflag:s21], $0x50  }
0x114: {  	[sflag:s21] =	ssyncset.done $0x0  }
0x115: {  	[sflag:s21] =	ssyncadd.s32 $0xFFFFFFB0  }
.Ltmp0:
0x116: {  	_ =	swait.ge [sflag:s22], $0x50;
	(pc) =	sbr.rel @p0 .LBB2_1-.Ltmp0, $4  }
0x117: {  	[sflag:s22] =	ssyncset.done $0x0  }
0x118: {  	[sflag:s22] =	ssyncadd.s32 $0xFFFFFFB0  }
0x119: {  	_ =	swait.ge [sflag:s23], $0x50  }
0x11a: {  	s28 =	smov.u32 s25;
	[sflag:s23] =	ssyncset.done $0x0  }
0x11b: {  	s24 =	sshra.s32 s24, $0x2;
	[sflag:s23] =	ssyncadd.s32 $0xFFFFFFB0  }
0x11c: {  	v0 =	vld [tilespmem:s24+$0x0];
	_ =	sdelay $0x4  }
0x11d: {  	[tilespmem:$0x4F00] =	vst v0  }
0x11e: {  	v0 =	vld [tilespmem:s24+$0x10];
	_ =	sdelay $0x4  }
0x11f: {  	[tilespmem:$0x4F10] =	vst v0  }
0x120: {  	v0 =	vld [tilespmem:s24+$0x20];
	_ =	sdelay $0x4  }
0x121: {  	[tilespmem:$0x4F20] =	vst v0  }
0x122: {  	v0 =	vld [tilespmem:s24+$0x30];
	_ =	sdelay $0x4  }
0x123: {  	[tilespmem:$0x4F30] =	vst v0  }
0x124: {  	v0 =	vld [tilespmem:s24+$0x40];
	_ =	sdelay $0x4  }
0x125: {  	[tilespmem:$0x4F40] =	vst v0  }
0x126: {  	[spmem:s2] =	stream.indirect.scatter.add.f32 [tilespmem:s7], [sflag:$0x2], $0x1, s8, s6, $0xb8;
	[tilespmem:$0x5800] =	vst v63  }
0x127: {  	v0 =	vld [tilespmem:s24+$0x50];
	_ =	sdelay $0x4  }
0x128: {  	[tilespmem:$0x4F80] =	vst v0  }
0x129: {  	v0 =	vld [tilespmem:s24+$0x60];
	_ =	sdelay $0x4  }
0x12a: {  	[tilespmem:$0x4F90] =	vst v0  }
0x12b: {  	v0 =	vld [tilespmem:s24+$0x70];
	_ =	sdelay $0x4  }
0x12c: {  	[tilespmem:$0x4FA0] =	vst v0  }
0x12d: {  	v0 =	vld [tilespmem:s24+$0x80];
	_ =	sdelay $0x4  }
0x12e: {  	[tilespmem:$0x4FB0] =	vst v0  }
0x12f: {  	v0 =	vld [tilespmem:s24+$0x90];
	_ =	sdelay $0x4  }
0x130: {  	[tilespmem:$0x4FC0] =	vst v0  }
0x131: {  	[spmem:s2] =	stream.indirect.scatter.add.f32 [tilespmem:s7], [sflag:$0x3], $0x1, s9, s6, $0xb8;
	[tilespmem:$0x5800] =	vst v63  }
0x132: {  	v0 =	vld [tilespmem:s24+$0xA0];
	_ =	sdelay $0x4  }
0x133: {  	[tilespmem:$0x5000] =	vst v0  }
0x134: {  	v0 =	vld [tilespmem:s24+$0xB0];
	_ =	sdelay $0x4  }
0x135: {  	[tilespmem:$0x5010] =	vst v0  }
0x136: {  	v0 =	vld [tilespmem:s24+$0xC0];
	_ =	sdelay $0x4  }
0x137: {  	[tilespmem:$0x5020] =	vst v0  }
0x138: {  	v0 =	vld [tilespmem:s24+$0xD0];
	_ =	sdelay $0x4  }
0x139: {  	[tilespmem:$0x5030] =	vst v0  }
0x13a: {  	v0 =	vld [tilespmem:s24+$0xE0];
	_ =	sdelay $0x4  }
0x13b: {  	[tilespmem:$0x5040] =	vst v0  }
0x13c: {  	[spmem:s2] =	stream.indirect.scatter.add.f32 [tilespmem:s7], [sflag:$0x4], $0x1, s10, s6, $0xb8;
	[tilespmem:$0x5800] =	vst v63  }
0x13d: {  	v0 =	vld [tilespmem:s24+$0xF0];
	_ =	sdelay $0x4  }
0x13e: {  	[tilespmem:$0x5080] =	vst v0  }
0x13f: {  	v0 =	vld [tilespmem:s24+$0x100];
	_ =	sdelay $0x4  }
0x140: {  	[tilespmem:$0x5090] =	vst v0  }
0x141: {  	v0 =	vld [tilespmem:s24+$0x110];
	_ =	sdelay $0x4  }
0x142: {  	[tilespmem:$0x50A0] =	vst v0  }
0x143: {  	v0 =	vld [tilespmem:s24+$0x120];
	_ =	sdelay $0x4  }
0x144: {  	[tilespmem:$0x50B0] =	vst v0  }
0x145: {  	v0 =	vld [tilespmem:s24+$0x130];
	_ =	sdelay $0x4  }
0x146: {  	[tilespmem:$0x50C0] =	vst v0  }
0x147: {  	[spmem:s2] =	stream.indirect.scatter.add.f32 [tilespmem:s7], [sflag:$0x5], $0x1, s11, s6, $0xb8;
	[tilespmem:$0x5800] =	vst v63  }
0x148: {  	v0 =	vld [tilespmem:s24+$0x140];
	_ =	sdelay $0x4  }
0x149: {  	[tilespmem:$0x5100] =	vst v0  }
0x14a: {  	v0 =	vld [tilespmem:s24+$0x150];
	_ =	sdelay $0x4  }
0x14b: {  	[tilespmem:$0x5110] =	vst v0  }
0x14c: {  	v0 =	vld [tilespmem:s24+$0x160];
	_ =	sdelay $0x4  }
0x14d: {  	[tilespmem:$0x5120] =	vst v0  }
0x14e: {  	v0 =	vld [tilespmem:s24+$0x170];
	_ =	sdelay $0x4  }
0x14f: {  	[tilespmem:$0x5130] =	vst v0  }
0x150: {  	v0 =	vld [tilespmem:s24+$0x180];
	_ =	sdelay $0x4  }
0x151: {  	[tilespmem:$0x5140] =	vst v0  }
0x152: {  	[spmem:s2] =	stream.indirect.scatter.add.f32 [tilespmem:s7], [sflag:$0x6], $0x1, s12, s6, $0xb8;
	[tilespmem:$0x5800] =	vst v63  }
0x153: {  	v0 =	vld [tilespmem:s24+$0x190];
	_ =	sdelay $0x4  }
0x154: {  	[tilespmem:$0x5180] =	vst v0  }
0x155: {  	v0 =	vld [tilespmem:s24+$0x1A0];
	_ =	sdelay $0x4  }
0x156: {  	[tilespmem:$0x5190] =	vst v0  }
0x157: {  	v0 =	vld [tilespmem:s24+$0x1B0];
	_ =	sdelay $0x4  }
0x158: {  	[tilespmem:$0x51A0] =	vst v0  }
0x159: {  	v0 =	vld [tilespmem:s24+$0x1C0];
	_ =	sdelay $0x4  }
0x15a: {  	[tilespmem:$0x51B0] =	vst v0  }
0x15b: {  	v0 =	vld [tilespmem:s24+$0x1D0];
	_ =	sdelay $0x4  }
0x15c: {  	[tilespmem:$0x51C0] =	vst v0  }
0x15d: {  	[spmem:s2] =	stream.indirect.scatter.add.f32 [tilespmem:s7], [sflag:$0x7], $0x1, s13, s6, $0xb8;
	[tilespmem:$0x5800] =	vst v63  }
0x15e: {  	v0 =	vld [tilespmem:s24+$0x1E0];
	_ =	sdelay $0x4  }
0x15f: {  	[tilespmem:$0x5200] =	vst v0  }
0x160: {  	v0 =	vld [tilespmem:s24+$0x1F0];
	_ =	sdelay $0x4  }
0x161: {  	[tilespmem:$0x5210] =	vst v0  }
0x162: {  	v0 =	vld [tilespmem:s24+$0x200];
	_ =	sdelay $0x4  }
0x163: {  	[tilespmem:$0x5220] =	vst v0  }
0x164: {  	v0 =	vld [tilespmem:s24+$0x210];
	_ =	sdelay $0x4  }
0x165: {  	[tilespmem:$0x5230] =	vst v0  }
0x166: {  	v0 =	vld [tilespmem:s24+$0x220];
	_ =	sdelay $0x4  }
0x167: {  	[tilespmem:$0x5240] =	vst v0  }
0x168: {  	[spmem:s2] =	stream.indirect.scatter.add.f32 [tilespmem:s7], [sflag:$0x8], $0x1, s15, s6, $0xb8;
	[tilespmem:$0x5800] =	vst v63  }
0x169: {  	v0 =	vld [tilespmem:s24+$0x230];
	_ =	sdelay $0x4  }
0x16a: {  	[tilespmem:$0x5280] =	vst v0  }
0x16b: {  	v0 =	vld [tilespmem:s24+$0x240];
	_ =	sdelay $0x4  }
0x16c: {  	[tilespmem:$0x5290] =	vst v0  }
0x16d: {  	v0 =	vld [tilespmem:s24+$0x250];
	_ =	sdelay $0x4  }
0x16e: {  	[tilespmem:$0x52A0] =	vst v0  }
0x16f: {  	v0 =	vld [tilespmem:s24+$0x260];
	_ =	sdelay $0x4  }
0x170: {  	[tilespmem:$0x52B0] =	vst v0  }
0x171: {  	v0 =	vld [tilespmem:s24+$0x270];
	_ =	sdelay $0x4  }
0x172: {  	[tilespmem:$0x52C0] =	vst v0  }
0x173: {  	[spmem:s2] =	stream.indirect.scatter.add.f32 [tilespmem:s7], [sflag:$0x9], $0x1, s16, s6, $0xb8;
	[tilespmem:$0x5800] =	vst v63  }
0x174: {  	_ =	swait.ge [sflag:s14], $0x50  }
0x175: {  	[sflag:s14] =	ssyncset.done $0x0  }
0x176: {  	[sflag:s14] =	ssyncadd.s32 $0xFFFFFFB0  }
0x177: {  	_ =	swait.ge [sflag:s17], $0x50  }
0x178: {  	[sflag:s17] =	ssyncset.done $0x0  }
0x179: {  	[sflag:s17] =	ssyncadd.s32 $0xFFFFFFB0  }
0x17a: {  	_ =	swait.ge [sflag:s18], $0x50  }
0x17b: {  	[sflag:s18] =	ssyncset.done $0x0  }
0x17c: {  	[sflag:s18] =	ssyncadd.s32 $0xFFFFFFB0  }
0x17d: {  	_ =	swait.ge [sflag:s19], $0x50  }
0x17e: {  	[sflag:s19] =	ssyncset.done $0x0  }
0x17f: {  	[sflag:s19] =	ssyncadd.s32 $0xFFFFFFB0  }
0x180: {  	_ =	swait.ge [sflag:s20], $0x50  }
0x181: {  	[sflag:s20] =	ssyncset.done $0x0  }
0x182: {  	[sflag:s20] =	ssyncadd.s32 $0xFFFFFFB0  }
0x183: {  	_ =	swait.ge [sflag:s21], $0x50  }
0x184: {  	[sflag:s21] =	ssyncset.done $0x0  }
0x185: {  	[sflag:s21] =	ssyncadd.s32 $0xFFFFFFB0  }
0x186: {  	_ =	swait.ge [sflag:s22], $0x50  }
0x187: {  	[sflag:s22] =	ssyncset.done $0x0  }
0x188: {  	[sflag:s22] =	ssyncadd.s32 $0xFFFFFFB0  }
0x189: {  	_ =	swait.ge [sflag:s23], $0x50  }
0x18a: {  	[sflag:s23] =	ssyncset.done $0x0  }
0x18b: {  	[sflag:s23] =	ssyncadd.s32 $0xFFFFFFB0  }
0x18c: {  	v58 =	vld [tilespmem:$0x4D80]  }
0x18d: {  	v1 =	vld [tilespmem:$0x4D90]  }
0x18e: {  	v2 =	vld [tilespmem:$0x4DA0]  }
0x18f: {  	v3 =	vld [tilespmem:$0x4DB0]  }
0x190: {  	v4 =	vld [tilespmem:$0x4DC0]  }
0x191: {  	[tilespmem:$0x4F00] =	vst v58  }
0x192: {  	[tilespmem:$0x4F10] =	vst v1  }
0x193: {  	[tilespmem:$0x4F20] =	vst v2  }
0x194: {  	s25 =	simm.s32 $0x50;
	[tilespmem:$0x4F30] =	vst v3  }
0x195: {  	s26 =	simm.s32 $0x4F00;
	s28 =	simm.s32 $0x4E80;
	s29 =	simm.s32 $0xA;
	[tilespmem:$0x4F40] =	vst v4  }
0x196: {  	[spmem:s2] =	stream.indirect.scatter.add.f32 [tilespmem:s28], [sflag:$0xA], $0x1, s26, s25, $0xb8;
	[tilespmem:$0x5800] =	vst v63  }
0x197: {  	_ =	swait.ge [sflag:s29], $0x50  }
0x198: {  	[sflag:s29] =	ssyncset.done $0x0  }
0x199: {  	[sflag:s29] =	ssyncadd.s32 $0xFFFFFFB0  }
0x19a: {  	v59 =	vld [tilespmem:$0x4DD0]  }
0x19b: {  	v60 =	vld [tilespmem:$0x4DE0]  }
0x19c: {  	v61 =	vld [tilespmem:$0x4DF0]  }
0x19d: {  	v62 =	vld [tilespmem:$0x4E00]  }
0x19e: {  	v63 =	vld [tilespmem:$0x4E10]  }
0x19f: {  	[tilespmem:$0x4F00] =	vst v59  }
0x1a0: {  	[tilespmem:$0x4F10] =	vst v60  }
0x1a1: {  	[tilespmem:$0x4F20] =	vst v61  }
0x1a2: {  	[tilespmem:$0x4F30] =	vst v62  }
0x1a3: {  	[tilespmem:$0x4F40] =	vst v63  }
0x1a4: {  	[spmem:s2] =	stream.indirect.scatter.add.f32 [tilespmem:s28], [sflag:$0xA], $0x1, s26, s25, $0xb8;
	[tilespmem:$0x5800] =	vst v63  }
0x1a5: {  	_ =	swait.ge [sflag:s29], $0x50  }
0x1a6: {  	s30 =	sshrl.u32 s5, $0x3;
	[sflag:s29] =	ssyncset.done $0x0  }
0x1a7: {  	s31 =	sshll.u32 s3, $0x6;
	s4 =	sshrl.u32 s4, $0x3;
	[sflag:s29] =	ssyncadd.s32 $0xFFFFFFB0  }
0x1a8: {  	s1 =	sadd.s32 s1, s30;
	s2 =	sor.u32 $0x1C0A, s31;
	[bflag:$0x0] =	sbarrier.arrive $0xFFFF  }
0x1a9: {  	[hbm:s1], [sflag:s2] =	dma.local [spmem:s4], $0x50  }
0x1aa: {  	_ =	swait.ge [sflag:s29], $0x50  }
0x1ab: {  	[sflag:s29] =	ssyncset.done $0x0  }
0x1ac: {  	[sflag:s29] =	ssyncadd.s32 $0xFFFFFFB0  }
0x1ad: {  	_ =	sfence.sel $0x180000  }
0x1ae: {  	[bflag:$0x0] =	sbarrier.arrive $0xFFFF  }
0x1af: {  	p0 =	sne.s32 s3, $0x0;
	_ =	strace $0x90000047  }
0x1b0: {  	s0 =	sadd.s32 @!p0 $0x100000, s0;
	[bflag:$0x2] =	sbarrier.arrive $0xFFFF  }
0x1b1: {  	[sflag:s0] =	ssyncadd.tile.s32 @!p0 $0x1;
	_ =	shalt  }
.Lfunc_end2:
_tile_overlayer_lowered:
.L_overlay_start_2:
0x1b2: {  	(tag) =	ssettag $0x2  }
0x1b3: {  	s0 =	rddreg [dreg:$0x0];
	s2 =	stileid.u32  }
0x1b4: {  	s1 =	rddreg [dreg:$0x1];
	p0 =	sne.s32 s2, $0x0  }
0x1b5: {  	s3 =	rddreg [dreg:$0x2];
	[bflag:$0x3] =	sbarrier.arrive $0xFFFF;
	s2 =	simm.s32 @!p0 $0x1C0A  }
0x1b6: {  	[timem:s3], [sflag:s2] =	dma.local @!p0 [hbm:s0], s1  }
0x1b7: {  	s0 =	simm.s32 @!p0 $0xA  }
0x1b8: {  	_ =	swait.ge @!p0 [sflag:s0], s1  }
0x1b9: {  	s1 =	ssub.s32 @!p0 $0x0, s1;
	[sflag:s0] =	ssyncset.done @!p0 $0x0  }
0x1ba: {  	[sflag:s0] =	ssyncadd.s32 @!p0 s1  }
0x1bb: {  	[bflag:$0x3] =	sbarrier.arrive $0xFFFF  }
0x1bc: {  	_ =	shalt  }

</sc_bundles>
